<compile_context>
chip_gen: v7x
topology: tpu7x:2x2x1
jax: 0.10.2.dev20260603
libtpu: 0.0.44.dev20260713+nightly
codegen_flags: <defaults>
</compile_context>

<pallas_src>
import functools

import jax
import jax.numpy as jnp
from jax import lax
from jax.experimental import pallas as pl
from jax.experimental.pallas import tpu as pltpu
from jax.experimental.pallas import tpu_sc as plsc

B = 16384
F = 64
L = 16
NC = 2
NS = 16
NW = NC * NS
BPW = B // NW
NTC = 7813
TPC = 245
SLABC = 4
SLABW = SLABC * 128
CHROWS = 128
HITCAP = 1040
SENT = B
ROWS_OUT = B + CHROWS
GROUPS = BPW // L

_MESH = plsc.VectorSubcoreMesh(core_axis_name="c", subcore_axis_name="s")
_PARAMS = pltpu.CompilerParams(needs_layout_passes=False,
                               use_tc_tiling_on_sc=True)


@functools.partial(
    pl.kernel,
    mesh=_MESH,
    out_type=jax.ShapeDtypeStruct((ROWS_OUT, 2 * F), jnp.float32),
    compiler_params=_PARAMS,
    scratch_types=[
        pltpu.VMEM((B,), jnp.int32),
        pltpu.VMEM((HITCAP,), jnp.int32),
        pltpu.VMEM((2, F, SLABW), jnp.float32),
        pltpu.VMEM((2 * CHROWS, 2 * F), jnp.float32),
        pltpu.VMEM((2, CHROWS), jnp.int32),
        pltpu.SMEM((8,), jnp.int32),
        pltpu.SemaphoreType.DMA,
        pltpu.SemaphoreType.DMA,
        pltpu.SemaphoreType.DMA,
    ],
)
def _gather_cols(idx_hbm, tabt_hbm, rows_hbm,
                 idx_v, hits_v, slab_v, stage_v, tags_v, st_s,
                 sem_sl0, sem_sl1, sem_scat):
    wid = lax.axis_index("s") * NC + lax.axis_index("c")
    c_lo = wid * TPC
    u_lo = c_lo * 128
    ncols = jnp.minimum(TPC, NTC - c_lo)
    nslab = (ncols + SLABC - 1) // SLABC
    lanes = lax.iota(jnp.int32, L)
    fvecs = [lanes + q * L for q in range(F // L)]

    st_s[0] = 0
    st_s[1] = 0
    st_s[2] = 0

    pltpu.sync_copy(idx_hbm, idx_v)

    def coll(k, cnt):
        v = idx_v[pl.ds(k * L, L)]
        urel = v - u_lo
        m = jnp.logical_and(urel >= 0, urel < ncols * 128)
        pack = jnp.bitwise_or(jnp.left_shift(k * L + lanes, 15),
                              jnp.bitwise_and(urel, 32767))
        plsc.store_compressed(hits_v.at[pl.ds(cnt, L)], pack, mask=m)
        return cnt + plsc.all_reduce_population_count(m)[0]

    cnt = lax.fori_loop(0, B // L, coll, 0)

    npad = (CHROWS - jnp.bitwise_and(cnt, CHROWS - 1)) & (CHROWS - 1)

    def pad(i, carry):
        ph = jnp.bitwise_or(jnp.int32(1 << 30), i * L + lanes)
        cur = jnp.where(i * L + lanes < npad, ph, -1)
        hits_v[pl.ds(cnt + i * L, L)] = cur
        return carry

    lax.fori_loop(0, CHROWS // L, pad, 0)
    total = cnt + npad
    hits_v[pl.ds(total, L)] = jnp.full((L,), -1, jnp.int32)
    nvec = (total + L - 1) // L

    def fire(s_next, pb_static):
        c_eff = jnp.minimum(c_lo + s_next * SLABC, NTC - SLABC)
        pltpu.async_copy(tabt_hbm.at[:, pl.ds(c_eff * 128, SLABW)],
                         slab_v.at[pb_static],
                         sem_sl0 if pb_static == 0 else sem_sl1)

    fire(0, 0)

    def slab_body(s, carry):
        pb = jnp.bitwise_and(s, 1)

        @pl.when(jnp.logical_and(s + 1 < nslab, pb == 0))
        def _p1():
            fire(s + 1, 1)

        @pl.when(jnp.logical_and(s + 1 < nslab, pb == 1))
        def _p0():
            fire(s + 1, 0)

        @pl.when(pb == 0)
        def _w0():
            pltpu.make_async_copy(
                tabt_hbm.at[:, pl.ds(0, SLABW)], slab_v.at[0],
                sem_sl0).wait()

        @pl.when(pb == 1)
        def _w1():
            pltpu.make_async_copy(
                tabt_hbm.at[:, pl.ds(0, SLABW)], slab_v.at[1],
                sem_sl1).wait()

        c_eff = jnp.minimum(c_lo + s * SLABC, NTC - SLABC)
        reloff = (c_eff - c_lo) * 128
        slab_ref = slab_v.at[pb]

        def scan(j, carry2):
            hv = hits_v[pl.ds(j * L, L)]
            urel16 = jnp.bitwise_and(hv, 32767)
            is_ph = hv >= (1 << 30)
            m0 = jnp.logical_and(
                jnp.logical_or(jnp.right_shift(urel16, 9) == s,
                               jnp.logical_and(is_ph, s == 0)),
                hv >= 0)

            pc = plsc.all_reduce_population_count(m0)[0]

            @pl.when(pc > 0)
            def _():
                def hit_loop(h, m):
                    lane = plsc.all_reduce_ffs(m)[0]
                    pack = hv.at[jnp.broadcast_to(lane, (L,))].get(
                        mode="promise_in_bounds")[0]
                    phantom = pack >= (1 << 30)
                    b = jnp.where(phantom,
                                  SENT + jnp.bitwise_and(pack, CHROWS - 1),
                                  jnp.right_shift(pack, 15))
                    ul = jnp.where(phantom, 0,
                                   jnp.bitwise_and(pack, 32767) - reloff)
                    rs = st_s[0]
                    slot = jnp.bitwise_and(rs, 2 * CHROWS - 1)
                    p = jnp.right_shift(jnp.bitwise_and(rs, 2 * CHROWS - 1),
                                        7)
                    @pl.when(jnp.logical_and(
                        jnp.bitwise_and(rs, CHROWS - 1) == 0,
                        rs >= 2 * CHROWS))
                    def _d():
                        pltpu.make_async_copy(
                            rows_hbm.at[pl.ds(0, CHROWS)],
                            stage_v.at[pl.ds(p * CHROWS, CHROWS)],
                            sem_scat).wait()
                        st_s[2] = st_s[2] + 1

                    ulv = jnp.broadcast_to(ul, (L,))
                    for q in range(F // L):
                        colq = plsc.load_gather(slab_ref, [fvecs[q], ulv])
                        stage_v[slot, pl.ds(q * L, L)] = colq
                    wnd = jnp.left_shift(
                        jnp.right_shift(jnp.bitwise_and(rs, CHROWS - 1), 4),
                        4)
                    tw = tags_v[p, pl.ds(wnd, L)]
                    tags_v[p, pl.ds(wnd, L)] = jnp.where(
                        lanes == jnp.bitwise_and(rs, L - 1), b, tw)
                    st_s[0] = rs + 1

                    @pl.when(jnp.bitwise_and(rs, CHROWS - 1) == CHROWS - 1)
                    def _f():
                        pltpu.async_copy(
                            stage_v.at[pl.ds(p * CHROWS, CHROWS)],
                            rows_hbm.at[tags_v.at[p]],
                            sem_scat)
                        st_s[1] = st_s[1] + 1

                    return jnp.logical_and(m, lanes != lane)

                lax.fori_loop(0, pc, hit_loop, m0)

            return carry2

        lax.fori_loop(0, nvec, scan, 0)
        return carry

    lax.fori_loop(0, nslab, slab_body, 0)

    def drain(i, carry):
        pltpu.make_async_copy(
            rows_hbm.at[pl.ds(0, CHROWS)],
            stage_v.at[pl.ds(0, CHROWS)],
            sem_scat).wait()
        return carry

    lax.fori_loop(0, st_s[1] - st_s[2], drain, 0)


@functools.partial(
    pl.kernel,
    mesh=_MESH,
    out_type=jax.ShapeDtypeStruct((B,), jnp.float32),
    compiler_params=_PARAMS,
    scratch_types=[
        pltpu.VMEM((CHROWS, 2 * F), jnp.float32),
        pltpu.VMEM((CHROWS, 2 * F), jnp.float32),
        pltpu.VMEM((BPW,), jnp.float32),
        pltpu.VMEM((L * L,), jnp.float32),
    ],
)
def _dot_rows(urows_hbm, irows_hbm, out_hbm,
              uchunk_v, ichunk_v, out_v, stage_v):
    wid = lax.axis_index("s") * NC + lax.axis_index("c")
    base = wid * BPW
    lane = lax.iota(jnp.int32, L)
    colbase = lane * L

    def chunk_body(j, carry):
        c0 = j * CHROWS
        pltpu.sync_copy(urows_hbm.at[pl.ds(base + c0, CHROWS)], uchunk_v)
        pltpu.sync_copy(irows_hbm.at[pl.ds(base + c0, CHROWS)], ichunk_v)

        def group_body(g, carry2):
            for r in range(L):
                row = g * L + r
                s = jnp.zeros((L,), jnp.float32)
                for q in range(F // L):
                    u = uchunk_v[row, pl.ds(q * L, L)]
                    v = ichunk_v[row, pl.ds(q * L, L)]
                    s = s + u * v
                stage_v[pl.ds(r * L, L)] = s
            acc = jnp.zeros((L,), jnp.float32)
            for k in range(L):
                acc = acc + plsc.load_gather(stage_v, [colbase + k])
            out_v[pl.ds(c0 + g * L, L)] = acc
            return carry2

        lax.fori_loop(0, CHROWS // L, group_body, 0)
        return carry

    lax.fori_loop(0, BPW // CHROWS, chunk_body, 0)

    pltpu.sync_copy(out_v, out_hbm.at[pl.ds(base, BPW)])


def kernel(users, items, user_embeddings, item_embeddings):
    users = users.astype(jnp.int32)
    items = items.astype(jnp.int32)
    urows = _gather_cols(users, user_embeddings.T)
    irows = _gather_cols(items, item_embeddings.T)
    return _dot_rows(urows, irows)

# --- scband reference (transcript-rebuilt; emitter-appended) ---
"""Pipeline reference for scband-usmf-9758165696985 (READ-ONLY COPY).

The authoritative reference and input builder live on the scoring server;
editing this copy changes nothing except your own understanding.
"""

import jax, jax.numpy as jnp
import numpy as np

N_USERS = 1000000
N_ITEMS = 1000000
N_FACTORS = 64
BATCH = 16384


def setup_inputs(seed: int = 0) -> dict:
    key = jax.random.key(seed)
    k_u, k_i, k_ue, k_ie = jax.random.split(key, 4)
    users = jax.random.randint(k_u, (BATCH,), 0, N_USERS, dtype=jnp.int64 if jax.config.jax_enable_x64 else jnp.int32)
    items = jax.random.randint(k_i, (BATCH,), 0, N_ITEMS, dtype=jnp.int64 if jax.config.jax_enable_x64 else jnp.int32)
    user_embeddings = jax.random.normal(k_ue, (N_USERS, N_FACTORS), dtype=jnp.float32) * 0.01
    item_embeddings = jax.random.normal(k_ie, (N_ITEMS, N_FACTORS), dtype=jnp.float32) * 0.01
    return {
        "users": users,
        "items": items,
        "user_embeddings": user_embeddings,
        "item_embeddings": item_embeddings,
    }


def reference(users, items, user_embeddings, item_embeddings):
    # USMF.forward: embedding lookups + elementwise product + row-sum (dot product MF)
    ues = jnp.take(user_embeddings, users, axis=0)   # [B, F]
    uis = jnp.take(item_embeddings, items, axis=0)   # [B, F]
    preds = jnp.sum(ues * uis, axis=1, keepdims=True)  # [B, 1]
    return preds.squeeze(1)  # [B]

if __name__ == "__main__":
    import jax
    _d = setup_inputs()
    print(jax.jit(kernel)(*tuple(_d.values())))

</pallas_src>

<mosaic_0001>
#map = affine_map<(d0, d1) -> (0, 0)>
#map1 = affine_map<(d0, d1) -> (0)>
module attributes {stable_mosaic.version = 14 : i64} {
  func.func @_dot_rows(%arg0: i32, %arg1: i32, %arg2: memref<16512x128xf32, #tpu.memory_space<hbm>>, %arg3: memref<16512x128xf32, #tpu.memory_space<hbm>>, %arg4: memref<16384xf32, #tpu.memory_space<hbm>>, %arg5: memref<128x128xf32, #tpu.memory_space<vmem>>, %arg6: memref<128x128xf32, #tpu.memory_space<vmem>>, %arg7: memref<512xf32, #tpu.memory_space<vmem>>, %arg8: memref<256xf32, #tpu.memory_space<vmem>>) attributes {dimension_semantics = [#tpu.dimension_semantics<core_parallel>, #tpu.dimension_semantics<subcore_parallel>], iteration_bounds = array<i64: 2, 16>, scalar_prefetch = 0 : i64, scratch_operands = 4 : i64, tpu.core_type = #tpu.core_type<sc_vector_subcore>, window_params = [{transform_indices = #map}, {transform_indices = #map}, {transform_indices = #map1}]} {
    %mul3A = arith.constant 2 : i32
    %mul3A_0 = arith.muli %arg1, %mul3A : i32
    %add3A = arith.addi %mul3A_0, %arg0 : i32
    %mul3A_1 = arith.constant 512 : i32
    %mul3A_2 = arith.muli %add3A, %mul3A_1 : i32
    %iota3A = tpu.iota {dimensions = array<i32: 0>} : vector<16xi32>
    %mul3A_3 = arith.constant 16 : i32
    %mul3A_4 = vector.broadcast %mul3A_3 : i32 to vector<16xi32>
    %mul3A_5 = arith.muli %iota3A, %mul3A_4 : vector<16xi32>
    %scan3A = arith.constant 0 : i32
    %scan3A_6 = arith.constant 0 : i32
    %scan3A_7 = arith.constant 4 : i32
    %scan3A_8 = arith.addi %scan3A_6, %scan3A_7 : i32
    %scan3A_9 = arith.constant 1 : i32
    scf.for %scan3A_11 = %scan3A_6 to %scan3A_8 step %scan3A_9  : i32 {
      %mul3A_12 = arith.constant 128 : i32
      %mul3A_13 = arith.muli %scan3A_11, %mul3A_12 : i32
      %add3A_14 = arith.addi %mul3A_2, %mul3A_13 : i32
      "tpu.region"() ({
        %run_scoped3A = tpu.sem_alloc : memref<!tpu.dma_semaphore, #tpu.memory_space<semaphore_mem>>
        %dma_start3A = arith.constant 0 : i32
        %dma_start3A_22 = tpu.memref_slice %arg2[%add3A_14, %dma_start3A] : memref<16512x128xf32, #tpu.memory_space<hbm>> -> memref<128x128xf32, #tpu.memory_space<hbm>>
        %dma_start3A_23 = arith.constant 0 : i32
        %dma_start3A_24 = tpu.memref_slice %arg2[%add3A_14, %dma_start3A_23] : memref<16512x128xf32, #tpu.memory_space<hbm>> -> memref<128x128xf32, #tpu.memory_space<hbm>>
        tpu.enqueue_dma source(%dma_start3A_24 : memref<128x128xf32, #tpu.memory_space<hbm>>) target(%arg5 : memref<128x128xf32, #tpu.memory_space<vmem>>) target_semaphore(%run_scoped3A : memref<!tpu.dma_semaphore, #tpu.memory_space<semaphore_mem>>)
        %dma_wait3A = arith.constant 0 : i32
        %dma_wait3A_25 = tpu.memref_slice %arg2[%add3A_14, %dma_wait3A] : memref<16512x128xf32, #tpu.memory_space<hbm>> -> memref<128x128xf32, #tpu.memory_space<hbm>>
        %dma_wait3A_26 = arith.constant 0 : i32
        %dma_wait3A_27 = tpu.memref_slice %arg2[%add3A_14, %dma_wait3A_26] : memref<16512x128xf32, #tpu.memory_space<hbm>> -> memref<128x128xf32, #tpu.memory_space<hbm>>
        tpu.wait_dma2 semaphore(%run_scoped3A : memref<!tpu.dma_semaphore, #tpu.memory_space<semaphore_mem>>) src(%dma_wait3A_27 : memref<128x128xf32, #tpu.memory_space<hbm>>) dst(%arg5 : memref<128x128xf32, #tpu.memory_space<vmem>>)
        tpu.yield
      }) : () -> ()
      %add3A_15 = arith.addi %mul3A_2, %mul3A_13 : i32
      "tpu.region"() ({
        %run_scoped3A = tpu.sem_alloc : memref<!tpu.dma_semaphore, #tpu.memory_space<semaphore_mem>>
        %dma_start3A = arith.constant 0 : i32
        %dma_start3A_22 = tpu.memref_slice %arg3[%add3A_15, %dma_start3A] : memref<16512x128xf32, #tpu.memory_space<hbm>> -> memref<128x128xf32, #tpu.memory_space<hbm>>
        %dma_start3A_23 = arith.constant 0 : i32
        %dma_start3A_24 = tpu.memref_slice %arg3[%add3A_15, %dma_start3A_23] : memref<16512x128xf32, #tpu.memory_space<hbm>> -> memref<128x128xf32, #tpu.memory_space<hbm>>
        tpu.enqueue_dma source(%dma_start3A_24 : memref<128x128xf32, #tpu.memory_space<hbm>>) target(%arg6 : memref<128x128xf32, #tpu.memory_space<vmem>>) target_semaphore(%run_scoped3A : memref<!tpu.dma_semaphore, #tpu.memory_space<semaphore_mem>>)
        %dma_wait3A = arith.constant 0 : i32
        %dma_wait3A_25 = tpu.memref_slice %arg3[%add3A_15, %dma_wait3A] : memref<16512x128xf32, #tpu.memory_space<hbm>> -> memref<128x128xf32, #tpu.memory_space<hbm>>
        %dma_wait3A_26 = arith.constant 0 : i32
        %dma_wait3A_27 = tpu.memref_slice %arg3[%add3A_15, %dma_wait3A_26] : memref<16512x128xf32, #tpu.memory_space<hbm>> -> memref<128x128xf32, #tpu.memory_space<hbm>>
        tpu.wait_dma2 semaphore(%run_scoped3A : memref<!tpu.dma_semaphore, #tpu.memory_space<semaphore_mem>>) src(%dma_wait3A_27 : memref<128x128xf32, #tpu.memory_space<hbm>>) dst(%arg6 : memref<128x128xf32, #tpu.memory_space<vmem>>)
        tpu.yield
      }) : () -> ()
      %scan3A_16 = arith.constant 0 : i32
      %scan3A_17 = arith.constant 0 : i32
      %scan3A_18 = arith.constant 8 : i32
      %scan3A_19 = arith.addi %scan3A_17, %scan3A_18 : i32
      %scan3A_20 = arith.constant 1 : i32
      scf.for %scan3A_22 = %scan3A_17 to %scan3A_19 step %scan3A_20  : i32 {
        %mul3A_23 = arith.constant 16 : i32
        %mul3A_24 = arith.muli %scan3A_22, %mul3A_23 : i32
        %add3A_25 = arith.constant 0 : i32
        %add3A_26 = arith.addi %mul3A_24, %add3A_25 : i32
        %broadcast_in_dim3A = arith.constant 0.000000e+00 : f32
        %broadcast_in_dim3A_27 = vector.broadcast %broadcast_in_dim3A : f32 to vector<16xf32>
        %get3A = arith.index_cast %add3A_26 : i32 to index
        %get3A_28 = arith.constant 0 : index
        %get3A_29 = tpu.vector_load %arg5[%get3A, %get3A_28] {strides = array<i32>} : memref<128x128xf32, #tpu.memory_space<vmem>>, vector<16xf32>,
        %get3A_30 = arith.index_cast %add3A_26 : i32 to index
        %get3A_31 = arith.constant 0 : index
        %get3A_32 = tpu.vector_load %arg6[%get3A_30, %get3A_31] {strides = array<i32>} : memref<128x128xf32, #tpu.memory_space<vmem>>, vector<16xf32>,
        %mul3A_33 = arith.mulf %get3A_29, %get3A_32 : vector<16xf32>
        %add3A_34 = arith.addf %broadcast_in_dim3A_27, %mul3A_33 : vector<16xf32>
        %get3A_35 = arith.index_cast %add3A_26 : i32 to index
        %get3A_36 = arith.constant 16 : index
        %get3A_37 = tpu.vector_load %arg5[%get3A_35, %get3A_36] {strides = array<i32>} : memref<128x128xf32, #tpu.memory_space<vmem>>, vector<16xf32>,
        %get3A_38 = arith.index_cast %add3A_26 : i32 to index
        %get3A_39 = arith.constant 16 : index
        %get3A_40 = tpu.vector_load %arg6[%get3A_38, %get3A_39] {strides = array<i32>} : memref<128x128xf32, #tpu.memory_space<vmem>>, vector<16xf32>,
        %mul3A_41 = arith.mulf %get3A_37, %get3A_40 : vector<16xf32>
        %add3A_42 = arith.addf %add3A_34, %mul3A_41 : vector<16xf32>
        %get3A_43 = arith.index_cast %add3A_26 : i32 to index
        %get3A_44 = arith.constant 32 : index
        %get3A_45 = tpu.vector_load %arg5[%get3A_43, %get3A_44] {strides = array<i32>} : memref<128x128xf32, #tpu.memory_space<vmem>>, vector<16xf32>,
        %get3A_46 = arith.index_cast %add3A_26 : i32 to index
        %get3A_47 = arith.constant 32 : index
        %get3A_48 = tpu.vector_load %arg6[%get3A_46, %get3A_47] {strides = array<i32>} : memref<128x128xf32, #tpu.memory_space<vmem>>, vector<16xf32>,
        %mul3A_49 = arith.mulf %get3A_45, %get3A_48 : vector<16xf32>
        %add3A_50 = arith.addf %add3A_42, %mul3A_49 : vector<16xf32>
        %get3A_51 = arith.index_cast %add3A_26 : i32 to index
        %get3A_52 = arith.constant 48 : index
        %get3A_53 = tpu.vector_load %arg5[%get3A_51, %get3A_52] {strides = array<i32>} : memref<128x128xf32, #tpu.memory_space<vmem>>, vector<16xf32>,
        %get3A_54 = arith.index_cast %add3A_26 : i32 to index
        %get3A_55 = arith.constant 48 : index
        %get3A_56 = tpu.vector_load %arg6[%get3A_54, %get3A_55] {strides = array<i32>} : memref<128x128xf32, #tpu.memory_space<vmem>>, vector<16xf32>,
        %mul3A_57 = arith.mulf %get3A_53, %get3A_56 : vector<16xf32>
        %add3A_58 = arith.addf %add3A_50, %mul3A_57 : vector<16xf32>
        %swap3A = arith.constant 0 : index
        %swap3A_59 = tpu.vector_load %arg8[%swap3A] {strides = array<i32>} : memref<256xf32, #tpu.memory_space<vmem>>, vector<16xf32>,
        tpu.vector_store %arg8[%swap3A], %add3A_58 {strides = array<i32>} : memref<256xf32, #tpu.memory_space<vmem>>, vector<16xf32>,
        %mul3A_60 = arith.constant 16 : i32
        %mul3A_61 = arith.muli %scan3A_22, %mul3A_60 : i32
        %add3A_62 = arith.constant 1 : i32
        %add3A_63 = arith.addi %mul3A_61, %add3A_62 : i32
        %broadcast_in_dim3A_64 = arith.constant 0.000000e+00 : f32
        %broadcast_in_dim3A_65 = vector.broadcast %broadcast_in_dim3A_64 : f32 to vector<16xf32>
        %get3A_66 = arith.index_cast %add3A_63 : i32 to index
        %get3A_67 = arith.constant 0 : index
        %get3A_68 = tpu.vector_load %arg5[%get3A_66, %get3A_67] {strides = array<i32>} : memref<128x128xf32, #tpu.memory_space<vmem>>, vector<16xf32>,
        %get3A_69 = arith.index_cast %add3A_63 : i32 to index
        %get3A_70 = arith.constant 0 : index
        %get3A_71 = tpu.vector_load %arg6[%get3A_69, %get3A_70] {strides = array<i32>} : memref<128x128xf32, #tpu.memory_space<vmem>>, vector<16xf32>,
        %mul3A_72 = arith.mulf %get3A_68, %get3A_71 : vector<16xf32>
        %add3A_73 = arith.addf %broadcast_in_dim3A_65, %mul3A_72 : vector<16xf32>
        %get3A_74 = arith.index_cast %add3A_63 : i32 to index
        %get3A_75 = arith.constant 16 : index
        %get3A_76 = tpu.vector_load %arg5[%get3A_74, %get3A_75] {strides = array<i32>} : memref<128x128xf32, #tpu.memory_space<vmem>>, vector<16xf32>,
        %get3A_77 = arith.index_cast %add3A_63 : i32 to index
        %get3A_78 = arith.constant 16 : index
        %get3A_79 = tpu.vector_load %arg6[%get3A_77, %get3A_78] {strides = array<i32>} : memref<128x128xf32, #tpu.memory_space<vmem>>, vector<16xf32>,
        %mul3A_80 = arith.mulf %get3A_76, %get3A_79 : vector<16xf32>
        %add3A_81 = arith.addf %add3A_73, %mul3A_80 : vector<16xf32>
        %get3A_82 = arith.index_cast %add3A_63 : i32 to index
        %get3A_83 = arith.constant 32 : index
        %get3A_84 = tpu.vector_load %arg5[%get3A_82, %get3A_83] {strides = array<i32>} : memref<128x128xf32, #tpu.memory_space<vmem>>, vector<16xf32>,
        %get3A_85 = arith.index_cast %add3A_63 : i32 to index
        %get3A_86 = arith.constant 32 : index
        %get3A_87 = tpu.vector_load %arg6[%get3A_85, %get3A_86] {strides = array<i32>} : memref<128x128xf32, #tpu.memory_space<vmem>>, vector<16xf32>,
        %mul3A_88 = arith.mulf %get3A_84, %get3A_87 : vector<16xf32>
        %add3A_89 = arith.addf %add3A_81, %mul3A_88 : vector<16xf32>
        %get3A_90 = arith.index_cast %add3A_63 : i32 to index
        %get3A_91 = arith.constant 48 : index
        %get3A_92 = tpu.vector_load %arg5[%get3A_90, %get3A_91] {strides = array<i32>} : memref<128x128xf32, #tpu.memory_space<vmem>>, vector<16xf32>,
        %get3A_93 = arith.index_cast %add3A_63 : i32 to index
        %get3A_94 = arith.constant 48 : index
        %get3A_95 = tpu.vector_load %arg6[%get3A_93, %get3A_94] {strides = array<i32>} : memref<128x128xf32, #tpu.memory_space<vmem>>, vector<16xf32>,
        %mul3A_96 = arith.mulf %get3A_92, %get3A_95 : vector<16xf32>
        %add3A_97 = arith.addf %add3A_89, %mul3A_96 : vector<16xf32>
        %swap3A_98 = arith.constant 16 : index
        %swap3A_99 = tpu.vector_load %arg8[%swap3A_98] {strides = array<i32>} : memref<256xf32, #tpu.memory_space<vmem>>, vector<16xf32>,
        tpu.vector_store %arg8[%swap3A_98], %add3A_97 {strides = array<i32>} : memref<256xf32, #tpu.memory_space<vmem>>, vector<16xf32>,
        %mul3A_100 = arith.constant 16 : i32
        %mul3A_101 = arith.muli %scan3A_22, %mul3A_100 : i32
        %add3A_102 = arith.constant 2 : i32
        %add3A_103 = arith.addi %mul3A_101, %add3A_102 : i32
        %broadcast_in_dim3A_104 = arith.constant 0.000000e+00 : f32
        %broadcast_in_dim3A_105 = vector.broadcast %broadcast_in_dim3A_104 : f32 to vector<16xf32>
        %get3A_106 = arith.index_cast %add3A_103 : i32 to index
        %get3A_107 = arith.constant 0 : index
        %get3A_108 = tpu.vector_load %arg5[%get3A_106, %get3A_107] {strides = array<i32>} : memref<128x128xf32, #tpu.memory_space<vmem>>, vector<16xf32>,
        %get3A_109 = arith.index_cast %add3A_103 : i32 to index
        %get3A_110 = arith.constant 0 : index
        %get3A_111 = tpu.vector_load %arg6[%get3A_109, %get3A_110] {strides = array<i32>} : memref<128x128xf32, #tpu.memory_space<vmem>>, vector<16xf32>,
        %mul3A_112 = arith.mulf %get3A_108, %get3A_111 : vector<16xf32>
        %add3A_113 = arith.addf %broadcast_in_dim3A_105, %mul3A_112 : vector<16xf32>
        %get3A_114 = arith.index_cast %add3A_103 : i32 to index
        %get3A_115 = arith.constant 16 : index
        %get3A_116 = tpu.vector_load %arg5[%get3A_114, %get3A_115] {strides = array<i32>} : memref<128x128xf32, #tpu.memory_space<vmem>>, vector<16xf32>,
        %get3A_117 = arith.index_cast %add3A_103 : i32 to index
        %get3A_118 = arith.constant 16 : index
        %get3A_119 = tpu.vector_load %arg6[%get3A_117, %get3A_118] {strides = array<i32>} : memref<128x128xf32, #tpu.memory_space<vmem>>, vector<16xf32>,
        %mul3A_120 = arith.mulf %get3A_116, %get3A_119 : vector<16xf32>
        %add3A_121 = arith.addf %add3A_113, %mul3A_120 : vector<16xf32>
        %get3A_122 = arith.index_cast %add3A_103 : i32 to index
        %get3A_123 = arith.constant 32 : index
        %get3A_124 = tpu.vector_load %arg5[%get3A_122, %get3A_123] {strides = array<i32>} : memref<128x128xf32, #tpu.memory_space<vmem>>, vector<16xf32>,
        %get3A_125 = arith.index_cast %add3A_103 : i32 to index
        %get3A_126 = arith.constant 32 : index
        %get3A_127 = tpu.vector_load %arg6[%get3A_125, %get3A_126] {strides = array<i32>} : memref<128x128xf32, #tpu.memory_space<vmem>>, vector<16xf32>,
        %mul3A_128 = arith.mulf %get3A_124, %get3A_127 : vector<16xf32>
        %add3A_129 = arith.addf %add3A_121, %mul3A_128 : vector<16xf32>
        %get3A_130 = arith.index_cast %add3A_103 : i32 to index
        %get3A_131 = arith.constant 48 : index
        %get3A_132 = tpu.vector_load %arg5[%get3A_130, %get3A_131] {strides = array<i32>} : memref<128x128xf32, #tpu.memory_space<vmem>>, vector<16xf32>,
        %get3A_133 = arith.index_cast %add3A_103 : i32 to index
        %get3A_134 = arith.constant 48 : index
        %get3A_135 = tpu.vector_load %arg6[%get3A_133, %get3A_134] {strides = array<i32>} : memref<128x128xf32, #tpu.memory_space<vmem>>, vector<16xf32>,
        %mul3A_136 = arith.mulf %get3A_132, %get3A_135 : vector<16xf32>
        %add3A_137 = arith.addf %add3A_129, %mul3A_136 : vector<16xf32>
        %swap3A_138 = arith.constant 32 : index
        %swap3A_139 = tpu.vector_load %arg8[%swap3A_138] {strides = array<i32>} : memref<256xf32, #tpu.memory_space<vmem>>, vector<16xf32>,
        tpu.vector_store %arg8[%swap3A_138], %add3A_137 {strides = array<i32>} : memref<256xf32, #tpu.memory_space<vmem>>, vector<16xf32>,
        %mul3A_140 = arith.constant 16 : i32
        %mul3A_141 = arith.muli %scan3A_22, %mul3A_140 : i32
        %add3A_142 = arith.constant 3 : i32
        %add3A_143 = arith.addi %mul3A_141, %add3A_142 : i32
        %broadcast_in_dim3A_144 = arith.constant 0.000000e+00 : f32
        %broadcast_in_dim3A_145 = vector.broadcast %broadcast_in_dim3A_144 : f32 to vector<16xf32>
        %get3A_146 = arith.index_cast %add3A_143 : i32 to index
        %get3A_147 = arith.constant 0 : index
        %get3A_148 = tpu.vector_load %arg5[%get3A_146, %get3A_147] {strides = array<i32>} : memref<128x128xf32, #tpu.memory_space<vmem>>, vector<16xf32>,
        %get3A_149 = arith.index_cast %add3A_143 : i32 to index
        %get3A_150 = arith.constant 0 : index
        %get3A_151 = tpu.vector_load %arg6[%get3A_149, %get3A_150] {strides = array<i32>} : memref<128x128xf32, #tpu.memory_space<vmem>>, vector<16xf32>,
        %mul3A_152 = arith.mulf %get3A_148, %get3A_151 : vector<16xf32>
        %add3A_153 = arith.addf %broadcast_in_dim3A_145, %mul3A_152 : vector<16xf32>
        %get3A_154 = arith.index_cast %add3A_143 : i32 to index
        %get3A_155 = arith.constant 16 : index
        %get3A_156 = tpu.vector_load %arg5[%get3A_154, %get3A_155] {strides = array<i32>} : memref<128x128xf32, #tpu.memory_space<vmem>>, vector<16xf32>,
        %get3A_157 = arith.index_cast %add3A_143 : i32 to index
        %get3A_158 = arith.constant 16 : index
        %get3A_159 = tpu.vector_load %arg6[%get3A_157, %get3A_158] {strides = array<i32>} : memref<128x128xf32, #tpu.memory_space<vmem>>, vector<16xf32>,
        %mul3A_160 = arith.mulf %get3A_156, %get3A_159 : vector<16xf32>
        %add3A_161 = arith.addf %add3A_153, %mul3A_160 : vector<16xf32>
        %get3A_162 = arith.index_cast %add3A_143 : i32 to index
        %get3A_163 = arith.constant 32 : index
        %get3A_164 = tpu.vector_load %arg5[%get3A_162, %get3A_163] {strides = array<i32>} : memref<128x128xf32, #tpu.memory_space<vmem>>, vector<16xf32>,
        %get3A_165 = arith.index_cast %add3A_143 : i32 to index
        %get3A_166 = arith.constant 32 : index
        %get3A_167 = tpu.vector_load %arg6[%get3A_165, %get3A_166] {strides = array<i32>} : memref<128x128xf32, #tpu.memory_space<vmem>>, vector<16xf32>,
        %mul3A_168 = arith.mulf %get3A_164, %get3A_167 : vector<16xf32>
        %add3A_169 = arith.addf %add3A_161, %mul3A_168 : vector<16xf32>
        %get3A_170 = arith.index_cast %add3A_143 : i32 to index
        %get3A_171 = arith.constant 48 : index
        %get3A_172 = tpu.vector_load %arg5[%get3A_170, %get3A_171] {strides = array<i32>} : memref<128x128xf32, #tpu.memory_space<vmem>>, vector<16xf32>,
        %get3A_173 = arith.index_cast %add3A_143 : i32 to index
        %get3A_174 = arith.constant 48 : index
        %get3A_175 = tpu.vector_load %arg6[%get3A_173, %get3A_174] {strides = array<i32>} : memref<128x128xf32, #tpu.memory_space<vmem>>, vector<16xf32>,
        %mul3A_176 = arith.mulf %get3A_172, %get3A_175 : vector<16xf32>
        %add3A_177 = arith.addf %add3A_169, %mul3A_176 : vector<16xf32>
        %swap3A_178 = arith.constant 48 : index
        %swap3A_179 = tpu.vector_load %arg8[%swap3A_178] {strides = array<i32>} : memref<256xf32, #tpu.memory_space<vmem>>, vector<16xf32>,
        tpu.vector_store %arg8[%swap3A_178], %add3A_177 {strides = array<i32>} : memref<256xf32, #tpu.memory_space<vmem>>, vector<16xf32>,
        %mul3A_180 = arith.constant 16 : i32
        %mul3A_181 = arith.muli %scan3A_22, %mul3A_180 : i32
        %add3A_182 = arith.constant 4 : i32
        %add3A_183 = arith.addi %mul3A_181, %add3A_182 : i32
        %broadcast_in_dim3A_184 = arith.constant 0.000000e+00 : f32
        %broadcast_in_dim3A_185 = vector.broadcast %broadcast_in_dim3A_184 : f32 to vector<16xf32>
        %get3A_186 = arith.index_cast %add3A_183 : i32 to index
        %get3A_187 = arith.constant 0 : index
        %get3A_188 = tpu.vector_load %arg5[%get3A_186, %get3A_187] {strides = array<i32>} : memref<128x128xf32, #tpu.memory_space<vmem>>, vector<16xf32>,
        %get3A_189 = arith.index_cast %add3A_183 : i32 to index
        %get3A_190 = arith.constant 0 : index
        %get3A_191 = tpu.vector_load %arg6[%get3A_189, %get3A_190] {strides = array<i32>} : memref<128x128xf32, #tpu.memory_space<vmem>>, vector<16xf32>,
        %mul3A_192 = arith.mulf %get3A_188, %get3A_191 : vector<16xf32>
        %add3A_193 = arith.addf %broadcast_in_dim3A_185, %mul3A_192 : vector<16xf32>
        %get3A_194 = arith.index_cast %add3A_183 : i32 to index
        %get3A_195 = arith.constant 16 : index
        %get3A_196 = tpu.vector_load %arg5[%get3A_194, %get3A_195] {strides = array<i32>} : memref<128x128xf32, #tpu.memory_space<vmem>>, vector<16xf32>,
        %get3A_197 = arith.index_cast %add3A_183 : i32 to index
        %get3A_198 = arith.constant 16 : index
        %get3A_199 = tpu.vector_load %arg6[%get3A_197, %get3A_198] {strides = array<i32>} : memref<128x128xf32, #tpu.memory_space<vmem>>, vector<16xf32>,
        %mul3A_200 = arith.mulf %get3A_196, %get3A_199 : vector<16xf32>
        %add3A_201 = arith.addf %add3A_193, %mul3A_200 : vector<16xf32>
        %get3A_202 = arith.index_cast %add3A_183 : i32 to index
        %get3A_203 = arith.constant 32 : index
        %get3A_204 = tpu.vector_load %arg5[%get3A_202, %get3A_203] {strides = array<i32>} : memref<128x128xf32, #tpu.memory_space<vmem>>, vector<16xf32>,
        %get3A_205 = arith.index_cast %add3A_183 : i32 to index
        %get3A_206 = arith.constant 32 : index
        %get3A_207 = tpu.vector_load %arg6[%get3A_205, %get3A_206] {strides = array<i32>} : memref<128x128xf32, #tpu.memory_space<vmem>>, vector<16xf32>,
        %mul3A_208 = arith.mulf %get3A_204, %get3A_207 : vector<16xf32>
        %add3A_209 = arith.addf %add3A_201, %mul3A_208 : vector<16xf32>
        %get3A_210 = arith.index_cast %add3A_183 : i32 to index
        %get3A_211 = arith.constant 48 : index
        %get3A_212 = tpu.vector_load %arg5[%get3A_210, %get3A_211] {strides = array<i32>} : memref<128x128xf32, #tpu.memory_space<vmem>>, vector<16xf32>,
        %get3A_213 = arith.index_cast %add3A_183 : i32 to index
        %get3A_214 = arith.constant 48 : index
        %get3A_215 = tpu.vector_load %arg6[%get3A_213, %get3A_214] {strides = array<i32>} : memref<128x128xf32, #tpu.memory_space<vmem>>, vector<16xf32>,
        %mul3A_216 = arith.mulf %get3A_212, %get3A_215 : vector<16xf32>
        %add3A_217 = arith.addf %add3A_209, %mul3A_216 : vector<16xf32>
        %swap3A_218 = arith.constant 64 : index
        %swap3A_219 = tpu.vector_load %arg8[%swap3A_218] {strides = array<i32>} : memref<256xf32, #tpu.memory_space<vmem>>, vector<16xf32>,
        tpu.vector_store %arg8[%swap3A_218], %add3A_217 {strides = array<i32>} : memref<256xf32, #tpu.memory_space<vmem>>, vector<16xf32>,
        %mul3A_220 = arith.constant 16 : i32
        %mul3A_221 = arith.muli %scan3A_22, %mul3A_220 : i32
        %add3A_222 = arith.constant 5 : i32
        %add3A_223 = arith.addi %mul3A_221, %add3A_222 : i32
        %broadcast_in_dim3A_224 = arith.constant 0.000000e+00 : f32
        %broadcast_in_dim3A_225 = vector.broadcast %broadcast_in_dim3A_224 : f32 to vector<16xf32>
        %get3A_226 = arith.index_cast %add3A_223 : i32 to index
        %get3A_227 = arith.constant 0 : index
        %get3A_228 = tpu.vector_load %arg5[%get3A_226, %get3A_227] {strides = array<i32>} : memref<128x128xf32, #tpu.memory_space<vmem>>, vector<16xf32>,
        %get3A_229 = arith.index_cast %add3A_223 : i32 to index
        %get3A_230 = arith.constant 0 : index
        %get3A_231 = tpu.vector_load %arg6[%get3A_229, %get3A_230] {strides = array<i32>} : memref<128x128xf32, #tpu.memory_space<vmem>>, vector<16xf32>,
        %mul3A_232 = arith.mulf %get3A_228, %get3A_231 : vector<16xf32>
        %add3A_233 = arith.addf %broadcast_in_dim3A_225, %mul3A_232 : vector<16xf32>
        %get3A_234 = arith.index_cast %add3A_223 : i32 to index
        %get3A_235 = arith.constant 16 : index
        %get3A_236 = tpu.vector_load %arg5[%get3A_234, %get3A_235] {strides = array<i32>} : memref<128x128xf32, #tpu.memory_space<vmem>>, vector<16xf32>,
        %get3A_237 = arith.index_cast %add3A_223 : i32 to index
        %get3A_238 = arith.constant 16 : index
        %get3A_239 = tpu.vector_load %arg6[%get3A_237, %get3A_238] {strides = array<i32>} : memref<128x128xf32, #tpu.memory_space<vmem>>, vector<16xf32>,
        %mul3A_240 = arith.mulf %get3A_236, %get3A_239 : vector<16xf32>
        %add3A_241 = arith.addf %add3A_233, %mul3A_240 : vector<16xf32>
        %get3A_242 = arith.index_cast %add3A_223 : i32 to index
        %get3A_243 = arith.constant 32 : index
        %get3A_244 = tpu.vector_load %arg5[%get3A_242, %get3A_243] {strides = array<i32>} : memref<128x128xf32, #tpu.memory_space<vmem>>, vector<16xf32>,
        %get3A_245 = arith.index_cast %add3A_223 : i32 to index
        %get3A_246 = arith.constant 32 : index
        %get3A_247 = tpu.vector_load %arg6[%get3A_245, %get3A_246] {strides = array<i32>} : memref<128x128xf32, #tpu.memory_space<vmem>>, vector<16xf32>,
        %mul3A_248 = arith.mulf %get3A_244, %get3A_247 : vector<16xf32>
        %add3A_249 = arith.addf %add3A_241, %mul3A_248 : vector<16xf32>
        %get3A_250 = arith.index_cast %add3A_223 : i32 to index
        %get3A_251 = arith.constant 48 : index
        %get3A_252 = tpu.vector_load %arg5[%get3A_250, %get3A_251] {strides = array<i32>} : memref<128x128xf32, #tpu.memory_space<vmem>>, vector<16xf32>,
        %get3A_253 = arith.index_cast %add3A_223 : i32 to index
        %get3A_254 = arith.constant 48 : index
        %get3A_255 = tpu.vector_load %arg6[%get3A_253, %get3A_254] {strides = array<i32>} : memref<128x128xf32, #tpu.memory_space<vmem>>, vector<16xf32>,
        %mul3A_256 = arith.mulf %get3A_252, %get3A_255 : vector<16xf32>
        %add3A_257 = arith.addf %add3A_249, %mul3A_256 : vector<16xf32>
        %swap3A_258 = arith.constant 80 : index
        %swap3A_259 = tpu.vector_load %arg8[%swap3A_258] {strides = array<i32>} : memref<256xf32, #tpu.memory_space<vmem>>, vector<16xf32>,
        tpu.vector_store %arg8[%swap3A_258], %add3A_257 {strides = array<i32>} : memref<256xf32, #tpu.memory_space<vmem>>, vector<16xf32>,
        %mul3A_260 = arith.constant 16 : i32
        %mul3A_261 = arith.muli %scan3A_22, %mul3A_260 : i32
        %add3A_262 = arith.constant 6 : i32
        %add3A_263 = arith.addi %mul3A_261, %add3A_262 : i32
        %broadcast_in_dim3A_264 = arith.constant 0.000000e+00 : f32
        %broadcast_in_dim3A_265 = vector.broadcast %broadcast_in_dim3A_264 : f32 to vector<16xf32>
        %get3A_266 = arith.index_cast %add3A_263 : i32 to index
        %get3A_267 = arith.constant 0 : index
        %get3A_268 = tpu.vector_load %arg5[%get3A_266, %get3A_267] {strides = array<i32>} : memref<128x128xf32, #tpu.memory_space<vmem>>, vector<16xf32>,
        %get3A_269 = arith.index_cast %add3A_263 : i32 to index
        %get3A_270 = arith.constant 0 : index
        %get3A_271 = tpu.vector_load %arg6[%get3A_269, %get3A_270] {strides = array<i32>} : memref<128x128xf32, #tpu.memory_space<vmem>>, vector<16xf32>,
        %mul3A_272 = arith.mulf %get3A_268, %get3A_271 : vector<16xf32>
        %add3A_273 = arith.addf %broadcast_in_dim3A_265, %mul3A_272 : vector<16xf32>
        %get3A_274 = arith.index_cast %add3A_263 : i32 to index
        %get3A_275 = arith.constant 16 : index
        %get3A_276 = tpu.vector_load %arg5[%get3A_274, %get3A_275] {strides = array<i32>} : memref<128x128xf32, #tpu.memory_space<vmem>>, vector<16xf32>,
        %get3A_277 = arith.index_cast %add3A_263 : i32 to index
        %get3A_278 = arith.constant 16 : index
        %get3A_279 = tpu.vector_load %arg6[%get3A_277, %get3A_278] {strides = array<i32>} : memref<128x128xf32, #tpu.memory_space<vmem>>, vector<16xf32>,
        %mul3A_280 = arith.mulf %get3A_276, %get3A_279 : vector<16xf32>
        %add3A_281 = arith.addf %add3A_273, %mul3A_280 : vector<16xf32>
        %get3A_282 = arith.index_cast %add3A_263 : i32 to index
        %get3A_283 = arith.constant 32 : index
        %get3A_284 = tpu.vector_load %arg5[%get3A_282, %get3A_283] {strides = array<i32>} : memref<128x128xf32, #tpu.memory_space<vmem>>, vector<16xf32>,
        %get3A_285 = arith.index_cast %add3A_263 : i32 to index
        %get3A_286 = arith.constant 32 : index
        %get3A_287 = tpu.vector_load %arg6[%get3A_285, %get3A_286] {strides = array<i32>} : memref<128x128xf32, #tpu.memory_space<vmem>>, vector<16xf32>,
        %mul3A_288 = arith.mulf %get3A_284, %get3A_287 : vector<16xf32>
        %add3A_289 = arith.addf %add3A_281, %mul3A_288 : vector<16xf32>
        %get3A_290 = arith.index_cast %add3A_263 : i32 to index
        %get3A_291 = arith.constant 48 : index
        %get3A_292 = tpu.vector_load %arg5[%get3A_290, %get3A_291] {strides = array<i32>} : memref<128x128xf32, #tpu.memory_space<vmem>>, vector<16xf32>,
        %get3A_293 = arith.index_cast %add3A_263 : i32 to index
        %get3A_294 = arith.constant 48 : index
        %get3A_295 = tpu.vector_load %arg6[%get3A_293, %get3A_294] {strides = array<i32>} : memref<128x128xf32, #tpu.memory_space<vmem>>, vector<16xf32>,
        %mul3A_296 = arith.mulf %get3A_292, %get3A_295 : vector<16xf32>
        %add3A_297 = arith.addf %add3A_289, %mul3A_296 : vector<16xf32>
        %swap3A_298 = arith.constant 96 : index
        %swap3A_299 = tpu.vector_load %arg8[%swap3A_298] {strides = array<i32>} : memref<256xf32, #tpu.memory_space<vmem>>, vector<16xf32>,
        tpu.vector_store %arg8[%swap3A_298], %add3A_297 {strides = array<i32>} : memref<256xf32, #tpu.memory_space<vmem>>, vector<16xf32>,
        %mul3A_300 = arith.constant 16 : i32
        %mul3A_301 = arith.muli %scan3A_22, %mul3A_300 : i32
        %add3A_302 = arith.constant 7 : i32
        %add3A_303 = arith.addi %mul3A_301, %add3A_302 : i32
        %broadcast_in_dim3A_304 = arith.constant 0.000000e+00 : f32
        %broadcast_in_dim3A_305 = vector.broadcast %broadcast_in_dim3A_304 : f32 to vector<16xf32>
        %get3A_306 = arith.index_cast %add3A_303 : i32 to index
        %get3A_307 = arith.constant 0 : index
        %get3A_308 = tpu.vector_load %arg5[%get3A_306, %get3A_307] {strides = array<i32>} : memref<128x128xf32, #tpu.memory_space<vmem>>, vector<16xf32>,
        %get3A_309 = arith.index_cast %add3A_303 : i32 to index
        %get3A_310 = arith.constant 0 : index
        %get3A_311 = tpu.vector_load %arg6[%get3A_309, %get3A_310] {strides = array<i32>} : memref<128x128xf32, #tpu.memory_space<vmem>>, vector<16xf32>,
        %mul3A_312 = arith.mulf %get3A_308, %get3A_311 : vector<16xf32>
        %add3A_313 = arith.addf %broadcast_in_dim3A_305, %mul3A_312 : vector<16xf32>
        %get3A_314 = arith.index_cast %add3A_303 : i32 to index
        %get3A_315 = arith.constant 16 : index
        %get3A_316 = tpu.vector_load %arg5[%get3A_314, %get3A_315] {strides = array<i32>} : memref<128x128xf32, #tpu.memory_space<vmem>>, vector<16xf32>,
        %get3A_317 = arith.index_cast %add3A_303 : i32 to index
        %get3A_318 = arith.constant 16 : index
        %get3A_319 = tpu.vector_load %arg6[%get3A_317, %get3A_318] {strides = array<i32>} : memref<128x128xf32, #tpu.memory_space<vmem>>, vector<16xf32>,
        %mul3A_320 = arith.mulf %get3A_316, %get3A_319 : vector<16xf32>
        %add3A_321 = arith.addf %add3A_313, %mul3A_320 : vector<16xf32>
        %get3A_322 = arith.index_cast %add3A_303 : i32 to index
        %get3A_323 = arith.constant 32 : index
        %get3A_324 = tpu.vector_load %arg5[%get3A_322, %get3A_323] {strides = array<i32>} : memref<128x128xf32, #tpu.memory_space<vmem>>, vector<16xf32>,
        %get3A_325 = arith.index_cast %add3A_303 : i32 to index
        %get3A_326 = arith.constant 32 : index
        %get3A_327 = tpu.vector_load %arg6[%get3A_325, %get3A_326] {strides = array<i32>} : memref<128x128xf32, #tpu.memory_space<vmem>>, vector<16xf32>,
        %mul3A_328 = arith.mulf %get3A_324, %get3A_327 : vector<16xf32>
        %add3A_329 = arith.addf %add3A_321, %mul3A_328 : vector<16xf32>
        %get3A_330 = arith.index_cast %add3A_303 : i32 to index
        %get3A_331 = arith.constant 48 : index
        %get3A_332 = tpu.vector_load %arg5[%get3A_330, %get3A_331] {strides = array<i32>} : memref<128x128xf32, #tpu.memory_space<vmem>>, vector<16xf32>,
        %get3A_333 = arith.index_cast %add3A_303 : i32 to index
        %get3A_334 = arith.constant 48 : index
        %get3A_335 = tpu.vector_load %arg6[%get3A_333, %get3A_334] {strides = array<i32>} : memref<128x128xf32, #tpu.memory_space<vmem>>, vector<16xf32>,
        %mul3A_336 = arith.mulf %get3A_332, %get3A_335 : vector<16xf32>
        %add3A_337 = arith.addf %add3A_329, %mul3A_336 : vector<16xf32>
        %swap3A_338 = arith.constant 112 : index
        %swap3A_339 = tpu.vector_load %arg8[%swap3A_338] {strides = array<i32>} : memref<256xf32, #tpu.memory_space<vmem>>, vector<16xf32>,
        tpu.vector_store %arg8[%swap3A_338], %add3A_337 {strides = array<i32>} : memref<256xf32, #tpu.memory_space<vmem>>, vector<16xf32>,
        %mul3A_340 = arith.constant 16 : i32
        %mul3A_341 = arith.muli %scan3A_22, %mul3A_340 : i32
        %add3A_342 = arith.constant 8 : i32
        %add3A_343 = arith.addi %mul3A_341, %add3A_342 : i32
        %broadcast_in_dim3A_344 = arith.constant 0.000000e+00 : f32
        %broadcast_in_dim3A_345 = vector.broadcast %broadcast_in_dim3A_344 : f32 to vector<16xf32>
        %get3A_346 = arith.index_cast %add3A_343 : i32 to index
        %get3A_347 = arith.constant 0 : index
        %get3A_348 = tpu.vector_load %arg5[%get3A_346, %get3A_347] {strides = array<i32>} : memref<128x128xf32, #tpu.memory_space<vmem>>, vector<16xf32>,
        %get3A_349 = arith.index_cast %add3A_343 : i32 to index
        %get3A_350 = arith.constant 0 : index
        %get3A_351 = tpu.vector_load %arg6[%get3A_349, %get3A_350] {strides = array<i32>} : memref<128x128xf32, #tpu.memory_space<vmem>>, vector<16xf32>,
        %mul3A_352 = arith.mulf %get3A_348, %get3A_351 : vector<16xf32>
        %add3A_353 = arith.addf %broadcast_in_dim3A_345, %mul3A_352 : vector<16xf32>
        %get3A_354 = arith.index_cast %add3A_343 : i32 to index
        %get3A_355 = arith.constant 16 : index
        %get3A_356 = tpu.vector_load %arg5[%get3A_354, %get3A_355] {strides = array<i32>} : memref<128x128xf32, #tpu.memory_space<vmem>>, vector<16xf32>,
        %get3A_357 = arith.index_cast %add3A_343 : i32 to index
        %get3A_358 = arith.constant 16 : index
        %get3A_359 = tpu.vector_load %arg6[%get3A_357, %get3A_358] {strides = array<i32>} : memref<128x128xf32, #tpu.memory_space<vmem>>, vector<16xf32>,
        %mul3A_360 = arith.mulf %get3A_356, %get3A_359 : vector<16xf32>
        %add3A_361 = arith.addf %add3A_353, %mul3A_360 : vector<16xf32>
        %get3A_362 = arith.index_cast %add3A_343 : i32 to index
        %get3A_363 = arith.constant 32 : index
        %get3A_364 = tpu.vector_load %arg5[%get3A_362, %get3A_363] {strides = array<i32>} : memref<128x128xf32, #tpu.memory_space<vmem>>, vector<16xf32>,
        %get3A_365 = arith.index_cast %add3A_343 : i32 to index
        %get3A_366 = arith.constant 32 : index
        %get3A_367 = tpu.vector_load %arg6[%get3A_365, %get3A_366] {strides = array<i32>} : memref<128x128xf32, #tpu.memory_space<vmem>>, vector<16xf32>,
        %mul3A_368 = arith.mulf %get3A_364, %get3A_367 : vector<16xf32>
        %add3A_369 = arith.addf %add3A_361, %mul3A_368 : vector<16xf32>
        %get3A_370 = arith.index_cast %add3A_343 : i32 to index
        %get3A_371 = arith.constant 48 : index
        %get3A_372 = tpu.vector_load %arg5[%get3A_370, %get3A_371] {strides = array<i32>} : memref<128x128xf32, #tpu.memory_space<vmem>>, vector<16xf32>,
        %get3A_373 = arith.index_cast %add3A_343 : i32 to index
        %get3A_374 = arith.constant 48 : index
        %get3A_375 = tpu.vector_load %arg6[%get3A_373, %get3A_374] {strides = array<i32>} : memref<128x128xf32, #tpu.memory_space<vmem>>, vector<16xf32>,
        %mul3A_376 = arith.mulf %get3A_372, %get3A_375 : vector<16xf32>
        %add3A_377 = arith.addf %add3A_369, %mul3A_376 : vector<16xf32>
        %swap3A_378 = arith.constant 128 : index
        %swap3A_379 = tpu.vector_load %arg8[%swap3A_378] {strides = array<i32>} : memref<256xf32, #tpu.memory_space<vmem>>, vector<16xf32>,
        tpu.vector_store %arg8[%swap3A_378], %add3A_377 {strides = array<i32>} : memref<256xf32, #tpu.memory_space<vmem>>, vector<16xf32>,
        %mul3A_380 = arith.constant 16 : i32
        %mul3A_381 = arith.muli %scan3A_22, %mul3A_380 : i32
        %add3A_382 = arith.constant 9 : i32
        %add3A_383 = arith.addi %mul3A_381, %add3A_382 : i32
        %broadcast_in_dim3A_384 = arith.constant 0.000000e+00 : f32
        %broadcast_in_dim3A_385 = vector.broadcast %broadcast_in_dim3A_384 : f32 to vector<16xf32>
        %get3A_386 = arith.index_cast %add3A_383 : i32 to index
        %get3A_387 = arith.constant 0 : index
        %get3A_388 = tpu.vector_load %arg5[%get3A_386, %get3A_387] {strides = array<i32>} : memref<128x128xf32, #tpu.memory_space<vmem>>, vector<16xf32>,
        %get3A_389 = arith.index_cast %add3A_383 : i32 to index
        %get3A_390 = arith.constant 0 : index
        %get3A_391 = tpu.vector_load %arg6[%get3A_389, %get3A_390] {strides = array<i32>} : memref<128x128xf32, #tpu.memory_space<vmem>>, vector<16xf32>,
        %mul3A_392 = arith.mulf %get3A_388, %get3A_391 : vector<16xf32>
        %add3A_393 = arith.addf %broadcast_in_dim3A_385, %mul3A_392 : vector<16xf32>
        %get3A_394 = arith.index_cast %add3A_383 : i32 to index
        %get3A_395 = arith.constant 16 : index
        %get3A_396 = tpu.vector_load %arg5[%get3A_394, %get3A_395] {strides = array<i32>} : memref<128x128xf32, #tpu.memory_space<vmem>>, vector<16xf32>,
        %get3A_397 = arith.index_cast %add3A_383 : i32 to index
        %get3A_398 = arith.constant 16 : index
        %get3A_399 = tpu.vector_load %arg6[%get3A_397, %get3A_398] {strides = array<i32>} : memref<128x128xf32, #tpu.memory_space<vmem>>, vector<16xf32>,
        %mul3A_400 = arith.mulf %get3A_396, %get3A_399 : vector<16xf32>
        %add3A_401 = arith.addf %add3A_393, %mul3A_400 : vector<16xf32>
        %get3A_402 = arith.index_cast %add3A_383 : i32 to index
        %get3A_403 = arith.constant 32 : index
        %get3A_404 = tpu.vector_load %arg5[%get3A_402, %get3A_403] {strides = array<i32>} : memref<128x128xf32, #tpu.memory_space<vmem>>, vector<16xf32>,
        %get3A_405 = arith.index_cast %add3A_383 : i32 to index
        %get3A_406 = arith.constant 32 : index
        %get3A_407 = tpu.vector_load %arg6[%get3A_405, %get3A_406] {strides = array<i32>} : memref<128x128xf32, #tpu.memory_space<vmem>>, vector<16xf32>,
        %mul3A_408 = arith.mulf %get3A_404, %get3A_407 : vector<16xf32>
        %add3A_409 = arith.addf %add3A_401, %mul3A_408 : vector<16xf32>
        %get3A_410 = arith.index_cast %add3A_383 : i32 to index
        %get3A_411 = arith.constant 48 : index
        %get3A_412 = tpu.vector_load %arg5[%get3A_410, %get3A_411] {strides = array<i32>} : memref<128x128xf32, #tpu.memory_space<vmem>>, vector<16xf32>,
        %get3A_413 = arith.index_cast %add3A_383 : i32 to index
        %get3A_414 = arith.constant 48 : index
        %get3A_415 = tpu.vector_load %arg6[%get3A_413, %get3A_414] {strides = array<i32>} : memref<128x128xf32, #tpu.memory_space<vmem>>, vector<16xf32>,
        %mul3A_416 = arith.mulf %get3A_412, %get3A_415 : vector<16xf32>
        %add3A_417 = arith.addf %add3A_409, %mul3A_416 : vector<16xf32>
        %swap3A_418 = arith.constant 144 : index
        %swap3A_419 = tpu.vector_load %arg8[%swap3A_418] {strides = array<i32>} : memref<256xf32, #tpu.memory_space<vmem>>, vector<16xf32>,
        tpu.vector_store %arg8[%swap3A_418], %add3A_417 {strides = array<i32>} : memref<256xf32, #tpu.memory_space<vmem>>, vector<16xf32>,
        %mul3A_420 = arith.constant 16 : i32
        %mul3A_421 = arith.muli %scan3A_22, %mul3A_420 : i32
        %add3A_422 = arith.constant 10 : i32
        %add3A_423 = arith.addi %mul3A_421, %add3A_422 : i32
        %broadcast_in_dim3A_424 = arith.constant 0.000000e+00 : f32
        %broadcast_in_dim3A_425 = vector.broadcast %broadcast_in_dim3A_424 : f32 to vector<16xf32>
        %get3A_426 = arith.index_cast %add3A_423 : i32 to index
        %get3A_427 = arith.constant 0 : index
        %get3A_428 = tpu.vector_load %arg5[%get3A_426, %get3A_427] {strides = array<i32>} : memref<128x128xf32, #tpu.memory_space<vmem>>, vector<16xf32>,
        %get3A_429 = arith.index_cast %add3A_423 : i32 to index
        %get3A_430 = arith.constant 0 : index
        %get3A_431 = tpu.vector_load %arg6[%get3A_429, %get3A_430] {strides = array<i32>} : memref<128x128xf32, #tpu.memory_space<vmem>>, vector<16xf32>,
        %mul3A_432 = arith.mulf %get3A_428, %get3A_431 : vector<16xf32>
        %add3A_433 = arith.addf %broadcast_in_dim3A_425, %mul3A_432 : vector<16xf32>
        %get3A_434 = arith.index_cast %add3A_423 : i32 to index
        %get3A_435 = arith.constant 16 : index
        %get3A_436 = tpu.vector_load %arg5[%get3A_434, %get3A_435] {strides = array<i32>} : memref<128x128xf32, #tpu.memory_space<vmem>>, vector<16xf32>,
        %get3A_437 = arith.index_cast %add3A_423 : i32 to index
        %get3A_438 = arith.constant 16 : index
        %get3A_439 = tpu.vector_load %arg6[%get3A_437, %get3A_438] {strides = array<i32>} : memref<128x128xf32, #tpu.memory_space<vmem>>, vector<16xf32>,
        %mul3A_440 = arith.mulf %get3A_436, %get3A_439 : vector<16xf32>
        %add3A_441 = arith.addf %add3A_433, %mul3A_440 : vector<16xf32>
        %get3A_442 = arith.index_cast %add3A_423 : i32 to index
        %get3A_443 = arith.constant 32 : index
        %get3A_444 = tpu.vector_load %arg5[%get3A_442, %get3A_443] {strides = array<i32>} : memref<128x128xf32, #tpu.memory_space<vmem>>, vector<16xf32>,
        %get3A_445 = arith.index_cast %add3A_423 : i32 to index
        %get3A_446 = arith.constant 32 : index
        %get3A_447 = tpu.vector_load %arg6[%get3A_445, %get3A_446] {strides = array<i32>} : memref<128x128xf32, #tpu.memory_space<vmem>>, vector<16xf32>,
        %mul3A_448 = arith.mulf %get3A_444, %get3A_447 : vector<16xf32>
        %add3A_449 = arith.addf %add3A_441, %mul3A_448 : vector<16xf32>
        %get3A_450 = arith.index_cast %add3A_423 : i32 to index
        %get3A_451 = arith.constant 48 : index
        %get3A_452 = tpu.vector_load %arg5[%get3A_450, %get3A_451] {strides = array<i32>} : memref<128x128xf32, #tpu.memory_space<vmem>>, vector<16xf32>,
        %get3A_453 = arith.index_cast %add3A_423 : i32 to index
        %get3A_454 = arith.constant 48 : index
        %get3A_455 = tpu.vector_load %arg6[%get3A_453, %get3A_454] {strides = array<i32>} : memref<128x128xf32, #tpu.memory_space<vmem>>, vector<16xf32>,
        %mul3A_456 = arith.mulf %get3A_452, %get3A_455 : vector<16xf32>
        %add3A_457 = arith.addf %add3A_449, %mul3A_456 : vector<16xf32>
        %swap3A_458 = arith.constant 160 : index
        %swap3A_459 = tpu.vector_load %arg8[%swap3A_458] {strides = array<i32>} : memref<256xf32, #tpu.memory_space<vmem>>, vector<16xf32>,
        tpu.vector_store %arg8[%swap3A_458], %add3A_457 {strides = array<i32>} : memref<256xf32, #tpu.memory_space<vmem>>, vector<16xf32>,
        %mul3A_460 = arith.constant 16 : i32
        %mul3A_461 = arith.muli %scan3A_22, %mul3A_460 : i32
        %add3A_462 = arith.constant 11 : i32
        %add3A_463 = arith.addi %mul3A_461, %add3A_462 : i32
        %broadcast_in_dim3A_464 = arith.constant 0.000000e+00 : f32
        %broadcast_in_dim3A_465 = vector.broadcast %broadcast_in_dim3A_464 : f32 to vector<16xf32>
        %get3A_466 = arith.index_cast %add3A_463 : i32 to index
        %get3A_467 = arith.constant 0 : index
        %get3A_468 = tpu.vector_load %arg5[%get3A_466, %get3A_467] {strides = array<i32>} : memref<128x128xf32, #tpu.memory_space<vmem>>, vector<16xf32>,
        %get3A_469 = arith.index_cast %add3A_463 : i32 to index
        %get3A_470 = arith.constant 0 : index
        %get3A_471 = tpu.vector_load %arg6[%get3A_469, %get3A_470] {strides = array<i32>} : memref<128x128xf32, #tpu.memory_space<vmem>>, vector<16xf32>,
        %mul3A_472 = arith.mulf %get3A_468, %get3A_471 : vector<16xf32>
        %add3A_473 = arith.addf %broadcast_in_dim3A_465, %mul3A_472 : vector<16xf32>
        %get3A_474 = arith.index_cast %add3A_463 : i32 to index
        %get3A_475 = arith.constant 16 : index
        %get3A_476 = tpu.vector_load %arg5[%get3A_474, %get3A_475] {strides = array<i32>} : memref<128x128xf32, #tpu.memory_space<vmem>>, vector<16xf32>,
        %get3A_477 = arith.index_cast %add3A_463 : i32 to index
        %get3A_478 = arith.constant 16 : index
        %get3A_479 = tpu.vector_load %arg6[%get3A_477, %get3A_478] {strides = array<i32>} : memref<128x128xf32, #tpu.memory_space<vmem>>, vector<16xf32>,
        %mul3A_480 = arith.mulf %get3A_476, %get3A_479 : vector<16xf32>
        %add3A_481 = arith.addf %add3A_473, %mul3A_480 : vector<16xf32>
        %get3A_482 = arith.index_cast %add3A_463 : i32 to index
        %get3A_483 = arith.constant 32 : index
        %get3A_484 = tpu.vector_load %arg5[%get3A_482, %get3A_483] {strides = array<i32>} : memref<128x128xf32, #tpu.memory_space<vmem>>, vector<16xf32>,
        %get3A_485 = arith.index_cast %add3A_463 : i32 to index
        %get3A_486 = arith.constant 32 : index
        %get3A_487 = tpu.vector_load %arg6[%get3A_485, %get3A_486] {strides = array<i32>} : memref<128x128xf32, #tpu.memory_space<vmem>>, vector<16xf32>,
        %mul3A_488 = arith.mulf %get3A_484, %get3A_487 : vector<16xf32>
        %add3A_489 = arith.addf %add3A_481, %mul3A_488 : vector<16xf32>
        %get3A_490 = arith.index_cast %add3A_463 : i32 to index
        %get3A_491 = arith.constant 48 : index
        %get3A_492 = tpu.vector_load %arg5[%get3A_490, %get3A_491] {strides = array<i32>} : memref<128x128xf32, #tpu.memory_space<vmem>>, vector<16xf32>,
        %get3A_493 = arith.index_cast %add3A_463 : i32 to index
        %get3A_494 = arith.constant 48 : index
        %get3A_495 = tpu.vector_load %arg6[%get3A_493, %get3A_494] {strides = array<i32>} : memref<128x128xf32, #tpu.memory_space<vmem>>, vector<16xf32>,
        %mul3A_496 = arith.mulf %get3A_492, %get3A_495 : vector<16xf32>
        %add3A_497 = arith.addf %add3A_489, %mul3A_496 : vector<16xf32>
        %swap3A_498 = arith.constant 176 : index
        %swap3A_499 = tpu.vector_load %arg8[%swap3A_498] {strides = array<i32>} : memref<256xf32, #tpu.memory_space<vmem>>, vector<16xf32>,
        tpu.vector_store %arg8[%swap3A_498], %add3A_497 {strides = array<i32>} : memref<256xf32, #tpu.memory_space<vmem>>, vector<16xf32>,
        %mul3A_500 = arith.constant 16 : i32
        %mul3A_501 = arith.muli %scan3A_22, %mul3A_500 : i32
        %add3A_502 = arith.constant 12 : i32
        %add3A_503 = arith.addi %mul3A_501, %add3A_502 : i32
        %broadcast_in_dim3A_504 = arith.constant 0.000000e+00 : f32
        %broadcast_in_dim3A_505 = vector.broadcast %broadcast_in_dim3A_504 : f32 to vector<16xf32>
        %get3A_506 = arith.index_cast %add3A_503 : i32 to index
        %get3A_507 = arith.constant 0 : index
        %get3A_508 = tpu.vector_load %arg5[%get3A_506, %get3A_507] {strides = array<i32>} : memref<128x128xf32, #tpu.memory_space<vmem>>, vector<16xf32>,
        %get3A_509 = arith.index_cast %add3A_503 : i32 to index
        %get3A_510 = arith.constant 0 : index
        %get3A_511 = tpu.vector_load %arg6[%get3A_509, %get3A_510] {strides = array<i32>} : memref<128x128xf32, #tpu.memory_space<vmem>>, vector<16xf32>,
        %mul3A_512 = arith.mulf %get3A_508, %get3A_511 : vector<16xf32>
        %add3A_513 = arith.addf %broadcast_in_dim3A_505, %mul3A_512 : vector<16xf32>
        %get3A_514 = arith.index_cast %add3A_503 : i32 to index
        %get3A_515 = arith.constant 16 : index
        %get3A_516 = tpu.vector_load %arg5[%get3A_514, %get3A_515] {strides = array<i32>} : memref<128x128xf32, #tpu.memory_space<vmem>>, vector<16xf32>,
        %get3A_517 = arith.index_cast %add3A_503 : i32 to index
        %get3A_518 = arith.constant 16 : index
        %get3A_519 = tpu.vector_load %arg6[%get3A_517, %get3A_518] {strides = array<i32>} : memref<128x128xf32, #tpu.memory_space<vmem>>, vector<16xf32>,
        %mul3A_520 = arith.mulf %get3A_516, %get3A_519 : vector<16xf32>
        %add3A_521 = arith.addf %add3A_513, %mul3A_520 : vector<16xf32>
        %get3A_522 = arith.index_cast %add3A_503 : i32 to index
        %get3A_523 = arith.constant 32 : index
        %get3A_524 = tpu.vector_load %arg5[%get3A_522, %get3A_523] {strides = array<i32>} : memref<128x128xf32, #tpu.memory_space<vmem>>, vector<16xf32>,
        %get3A_525 = arith.index_cast %add3A_503 : i32 to index
        %get3A_526 = arith.constant 32 : index
        %get3A_527 = tpu.vector_load %arg6[%get3A_525, %get3A_526] {strides = array<i32>} : memref<128x128xf32, #tpu.memory_space<vmem>>, vector<16xf32>,
        %mul3A_528 = arith.mulf %get3A_524, %get3A_527 : vector<16xf32>
        %add3A_529 = arith.addf %add3A_521, %mul3A_528 : vector<16xf32>
        %get3A_530 = arith.index_cast %add3A_503 : i32 to index
        %get3A_531 = arith.constant 48 : index
        %get3A_532 = tpu.vector_load %arg5[%get3A_530, %get3A_531] {strides = array<i32>} : memref<128x128xf32, #tpu.memory_space<vmem>>, vector<16xf32>,
        %get3A_533 = arith.index_cast %add3A_503 : i32 to index
        %get3A_534 = arith.constant 48 : index
        %get3A_535 = tpu.vector_load %arg6[%get3A_533, %get3A_534] {strides = array<i32>} : memref<128x128xf32, #tpu.memory_space<vmem>>, vector<16xf32>,
        %mul3A_536 = arith.mulf %get3A_532, %get3A_535 : vector<16xf32>
        %add3A_537 = arith.addf %add3A_529, %mul3A_536 : vector<16xf32>
        %swap3A_538 = arith.constant 192 : index
        %swap3A_539 = tpu.vector_load %arg8[%swap3A_538] {strides = array<i32>} : memref<256xf32, #tpu.memory_space<vmem>>, vector<16xf32>,
        tpu.vector_store %arg8[%swap3A_538], %add3A_537 {strides = array<i32>} : memref<256xf32, #tpu.memory_space<vmem>>, vector<16xf32>,
        %mul3A_540 = arith.constant 16 : i32
        %mul3A_541 = arith.muli %scan3A_22, %mul3A_540 : i32
        %add3A_542 = arith.constant 13 : i32
        %add3A_543 = arith.addi %mul3A_541, %add3A_542 : i32
        %broadcast_in_dim3A_544 = arith.constant 0.000000e+00 : f32
        %broadcast_in_dim3A_545 = vector.broadcast %broadcast_in_dim3A_544 : f32 to vector<16xf32>
        %get3A_546 = arith.index_cast %add3A_543 : i32 to index
        %get3A_547 = arith.constant 0 : index
        %get3A_548 = tpu.vector_load %arg5[%get3A_546, %get3A_547] {strides = array<i32>} : memref<128x128xf32, #tpu.memory_space<vmem>>, vector<16xf32>,
        %get3A_549 = arith.index_cast %add3A_543 : i32 to index
        %get3A_550 = arith.constant 0 : index
        %get3A_551 = tpu.vector_load %arg6[%get3A_549, %get3A_550] {strides = array<i32>} : memref<128x128xf32, #tpu.memory_space<vmem>>, vector<16xf32>,
        %mul3A_552 = arith.mulf %get3A_548, %get3A_551 : vector<16xf32>
        %add3A_553 = arith.addf %broadcast_in_dim3A_545, %mul3A_552 : vector<16xf32>
        %get3A_554 = arith.index_cast %add3A_543 : i32 to index
        %get3A_555 = arith.constant 16 : index
        %get3A_556 = tpu.vector_load %arg5[%get3A_554, %get3A_555] {strides = array<i32>} : memref<128x128xf32, #tpu.memory_space<vmem>>, vector<16xf32>,
        %get3A_557 = arith.index_cast %add3A_543 : i32 to index
        %get3A_558 = arith.constant 16 : index
        %get3A_559 = tpu.vector_load %arg6[%get3A_557, %get3A_558] {strides = array<i32>} : memref<128x128xf32, #tpu.memory_space<vmem>>, vector<16xf32>,
        %mul3A_560 = arith.mulf %get3A_556, %get3A_559 : vector<16xf32>
        %add3A_561 = arith.addf %add3A_553, %mul3A_560 : vector<16xf32>
        %get3A_562 = arith.index_cast %add3A_543 : i32 to index
        %get3A_563 = arith.constant 32 : index
        %get3A_564 = tpu.vector_load %arg5[%get3A_562, %get3A_563] {strides = array<i32>} : memref<128x128xf32, #tpu.memory_space<vmem>>, vector<16xf32>,
        %get3A_565 = arith.index_cast %add3A_543 : i32 to index
        %get3A_566 = arith.constant 32 : index
        %get3A_567 = tpu.vector_load %arg6[%get3A_565, %get3A_566] {strides = array<i32>} : memref<128x128xf32, #tpu.memory_space<vmem>>, vector<16xf32>,
        %mul3A_568 = arith.mulf %get3A_564, %get3A_567 : vector<16xf32>
        %add3A_569 = arith.addf %add3A_561, %mul3A_568 : vector<16xf32>
        %get3A_570 = arith.index_cast %add3A_543 : i32 to index
        %get3A_571 = arith.constant 48 : index
        %get3A_572 = tpu.vector_load %arg5[%get3A_570, %get3A_571] {strides = array<i32>} : memref<128x128xf32, #tpu.memory_space<vmem>>, vector<16xf32>,
        %get3A_573 = arith.index_cast %add3A_543 : i32 to index
        %get3A_574 = arith.constant 48 : index
        %get3A_575 = tpu.vector_load %arg6[%get3A_573, %get3A_574] {strides = array<i32>} : memref<128x128xf32, #tpu.memory_space<vmem>>, vector<16xf32>,
        %mul3A_576 = arith.mulf %get3A_572, %get3A_575 : vector<16xf32>
        %add3A_577 = arith.addf %add3A_569, %mul3A_576 : vector<16xf32>
        %swap3A_578 = arith.constant 208 : index
        %swap3A_579 = tpu.vector_load %arg8[%swap3A_578] {strides = array<i32>} : memref<256xf32, #tpu.memory_space<vmem>>, vector<16xf32>,
        tpu.vector_store %arg8[%swap3A_578], %add3A_577 {strides = array<i32>} : memref<256xf32, #tpu.memory_space<vmem>>, vector<16xf32>,
        %mul3A_580 = arith.constant 16 : i32
        %mul3A_581 = arith.muli %scan3A_22, %mul3A_580 : i32
        %add3A_582 = arith.constant 14 : i32
        %add3A_583 = arith.addi %mul3A_581, %add3A_582 : i32
        %broadcast_in_dim3A_584 = arith.constant 0.000000e+00 : f32
        %broadcast_in_dim3A_585 = vector.broadcast %broadcast_in_dim3A_584 : f32 to vector<16xf32>
        %get3A_586 = arith.index_cast %add3A_583 : i32 to index
        %get3A_587 = arith.constant 0 : index
        %get3A_588 = tpu.vector_load %arg5[%get3A_586, %get3A_587] {strides = array<i32>} : memref<128x128xf32, #tpu.memory_space<vmem>>, vector<16xf32>,
        %get3A_589 = arith.index_cast %add3A_583 : i32 to index
        %get3A_590 = arith.constant 0 : index
        %get3A_591 = tpu.vector_load %arg6[%get3A_589, %get3A_590] {strides = array<i32>} : memref<128x128xf32, #tpu.memory_space<vmem>>, vector<16xf32>,
        %mul3A_592 = arith.mulf %get3A_588, %get3A_591 : vector<16xf32>
        %add3A_593 = arith.addf %broadcast_in_dim3A_585, %mul3A_592 : vector<16xf32>
        %get3A_594 = arith.index_cast %add3A_583 : i32 to index
        %get3A_595 = arith.constant 16 : index
        %get3A_596 = tpu.vector_load %arg5[%get3A_594, %get3A_595] {strides = array<i32>} : memref<128x128xf32, #tpu.memory_space<vmem>>, vector<16xf32>,
        %get3A_597 = arith.index_cast %add3A_583 : i32 to index
        %get3A_598 = arith.constant 16 : index
        %get3A_599 = tpu.vector_load %arg6[%get3A_597, %get3A_598] {strides = array<i32>} : memref<128x128xf32, #tpu.memory_space<vmem>>, vector<16xf32>,
        %mul3A_600 = arith.mulf %get3A_596, %get3A_599 : vector<16xf32>
        %add3A_601 = arith.addf %add3A_593, %mul3A_600 : vector<16xf32>
        %get3A_602 = arith.index_cast %add3A_583 : i32 to index
        %get3A_603 = arith.constant 32 : index
        %get3A_604 = tpu.vector_load %arg5[%get3A_602, %get3A_603] {strides = array<i32>} : memref<128x128xf32, #tpu.memory_space<vmem>>, vector<16xf32>,
        %get3A_605 = arith.index_cast %add3A_583 : i32 to index
        %get3A_606 = arith.constant 32 : index
        %get3A_607 = tpu.vector_load %arg6[%get3A_605, %get3A_606] {strides = array<i32>} : memref<128x128xf32, #tpu.memory_space<vmem>>, vector<16xf32>,
        %mul3A_608 = arith.mulf %get3A_604, %get3A_607 : vector<16xf32>
        %add3A_609 = arith.addf %add3A_601, %mul3A_608 : vector<16xf32>
        %get3A_610 = arith.index_cast %add3A_583 : i32 to index
        %get3A_611 = arith.constant 48 : index
        %get3A_612 = tpu.vector_load %arg5[%get3A_610, %get3A_611] {strides = array<i32>} : memref<128x128xf32, #tpu.memory_space<vmem>>, vector<16xf32>,
        %get3A_613 = arith.index_cast %add3A_583 : i32 to index
        %get3A_614 = arith.constant 48 : index
        %get3A_615 = tpu.vector_load %arg6[%get3A_613, %get3A_614] {strides = array<i32>} : memref<128x128xf32, #tpu.memory_space<vmem>>, vector<16xf32>,
        %mul3A_616 = arith.mulf %get3A_612, %get3A_615 : vector<16xf32>
        %add3A_617 = arith.addf %add3A_609, %mul3A_616 : vector<16xf32>
        %swap3A_618 = arith.constant 224 : index
        %swap3A_619 = tpu.vector_load %arg8[%swap3A_618] {strides = array<i32>} : memref<256xf32, #tpu.memory_space<vmem>>, vector<16xf32>,
        tpu.vector_store %arg8[%swap3A_618], %add3A_617 {strides = array<i32>} : memref<256xf32, #tpu.memory_space<vmem>>, vector<16xf32>,
        %mul3A_620 = arith.constant 16 : i32
        %mul3A_621 = arith.muli %scan3A_22, %mul3A_620 : i32
        %add3A_622 = arith.constant 15 : i32
        %add3A_623 = arith.addi %mul3A_621, %add3A_622 : i32
        %broadcast_in_dim3A_624 = arith.constant 0.000000e+00 : f32
        %broadcast_in_dim3A_625 = vector.broadcast %broadcast_in_dim3A_624 : f32 to vector<16xf32>
        %get3A_626 = arith.index_cast %add3A_623 : i32 to index
        %get3A_627 = arith.constant 0 : index
        %get3A_628 = tpu.vector_load %arg5[%get3A_626, %get3A_627] {strides = array<i32>} : memref<128x128xf32, #tpu.memory_space<vmem>>, vector<16xf32>,
        %get3A_629 = arith.index_cast %add3A_623 : i32 to index
        %get3A_630 = arith.constant 0 : index
        %get3A_631 = tpu.vector_load %arg6[%get3A_629, %get3A_630] {strides = array<i32>} : memref<128x128xf32, #tpu.memory_space<vmem>>, vector<16xf32>,
        %mul3A_632 = arith.mulf %get3A_628, %get3A_631 : vector<16xf32>
        %add3A_633 = arith.addf %broadcast_in_dim3A_625, %mul3A_632 : vector<16xf32>
        %get3A_634 = arith.index_cast %add3A_623 : i32 to index
        %get3A_635 = arith.constant 16 : index
        %get3A_636 = tpu.vector_load %arg5[%get3A_634, %get3A_635] {strides = array<i32>} : memref<128x128xf32, #tpu.memory_space<vmem>>, vector<16xf32>,
        %get3A_637 = arith.index_cast %add3A_623 : i32 to index
        %get3A_638 = arith.constant 16 : index
        %get3A_639 = tpu.vector_load %arg6[%get3A_637, %get3A_638] {strides = array<i32>} : memref<128x128xf32, #tpu.memory_space<vmem>>, vector<16xf32>,
        %mul3A_640 = arith.mulf %get3A_636, %get3A_639 : vector<16xf32>
        %add3A_641 = arith.addf %add3A_633, %mul3A_640 : vector<16xf32>
        %get3A_642 = arith.index_cast %add3A_623 : i32 to index
        %get3A_643 = arith.constant 32 : index
        %get3A_644 = tpu.vector_load %arg5[%get3A_642, %get3A_643] {strides = array<i32>} : memref<128x128xf32, #tpu.memory_space<vmem>>, vector<16xf32>,
        %get3A_645 = arith.index_cast %add3A_623 : i32 to index
        %get3A_646 = arith.constant 32 : index
        %get3A_647 = tpu.vector_load %arg6[%get3A_645, %get3A_646] {strides = array<i32>} : memref<128x128xf32, #tpu.memory_space<vmem>>, vector<16xf32>,
        %mul3A_648 = arith.mulf %get3A_644, %get3A_647 : vector<16xf32>
        %add3A_649 = arith.addf %add3A_641, %mul3A_648 : vector<16xf32>
        %get3A_650 = arith.index_cast %add3A_623 : i32 to index
        %get3A_651 = arith.constant 48 : index
        %get3A_652 = tpu.vector_load %arg5[%get3A_650, %get3A_651] {strides = array<i32>} : memref<128x128xf32, #tpu.memory_space<vmem>>, vector<16xf32>,
        %get3A_653 = arith.index_cast %add3A_623 : i32 to index
        %get3A_654 = arith.constant 48 : index
        %get3A_655 = tpu.vector_load %arg6[%get3A_653, %get3A_654] {strides = array<i32>} : memref<128x128xf32, #tpu.memory_space<vmem>>, vector<16xf32>,
        %mul3A_656 = arith.mulf %get3A_652, %get3A_655 : vector<16xf32>
        %add3A_657 = arith.addf %add3A_649, %mul3A_656 : vector<16xf32>
        %swap3A_658 = arith.constant 240 : index
        %swap3A_659 = tpu.vector_load %arg8[%swap3A_658] {strides = array<i32>} : memref<256xf32, #tpu.memory_space<vmem>>, vector<16xf32>,
        tpu.vector_store %arg8[%swap3A_658], %add3A_657 {strides = array<i32>} : memref<256xf32, #tpu.memory_space<vmem>>, vector<16xf32>,
        %broadcast_in_dim3A_660 = arith.constant 0.000000e+00 : f32
        %broadcast_in_dim3A_661 = vector.broadcast %broadcast_in_dim3A_660 : f32 to vector<16xf32>
        %add3A_662 = arith.constant 0 : i32
        %add3A_663 = vector.broadcast %add3A_662 : i32 to vector<16xi32>
        %add3A_664 = arith.addi %mul3A_5, %add3A_663 : vector<16xi32>
        %gather3A = tpu.vector_load_idx %arg8[%add3A_664] : memref<256xf32, #tpu.memory_space<vmem>>[vector<16xi32>], vector<16xf32>,
        %add3A_665 = arith.addf %broadcast_in_dim3A_661, %gather3A : vector<16xf32>
        %add3A_666 = arith.constant 1 : i32
        %add3A_667 = vector.broadcast %add3A_666 : i32 to vector<16xi32>
        %add3A_668 = arith.addi %mul3A_5, %add3A_667 : vector<16xi32>
        %gather3A_669 = tpu.vector_load_idx %arg8[%add3A_668] : memref<256xf32, #tpu.memory_space<vmem>>[vector<16xi32>], vector<16xf32>,
        %add3A_670 = arith.addf %add3A_665, %gather3A_669 : vector<16xf32>
        %add3A_671 = arith.constant 2 : i32
        %add3A_672 = vector.broadcast %add3A_671 : i32 to vector<16xi32>
        %add3A_673 = arith.addi %mul3A_5, %add3A_672 : vector<16xi32>
        %gather3A_674 = tpu.vector_load_idx %arg8[%add3A_673] : memref<256xf32, #tpu.memory_space<vmem>>[vector<16xi32>], vector<16xf32>,
        %add3A_675 = arith.addf %add3A_670, %gather3A_674 : vector<16xf32>
        %add3A_676 = arith.constant 3 : i32
        %add3A_677 = vector.broadcast %add3A_676 : i32 to vector<16xi32>
        %add3A_678 = arith.addi %mul3A_5, %add3A_677 : vector<16xi32>
        %gather3A_679 = tpu.vector_load_idx %arg8[%add3A_678] : memref<256xf32, #tpu.memory_space<vmem>>[vector<16xi32>], vector<16xf32>,
        %add3A_680 = arith.addf %add3A_675, %gather3A_679 : vector<16xf32>
        %add3A_681 = arith.constant 4 : i32
        %add3A_682 = vector.broadcast %add3A_681 : i32 to vector<16xi32>
        %add3A_683 = arith.addi %mul3A_5, %add3A_682 : vector<16xi32>
        %gather3A_684 = tpu.vector_load_idx %arg8[%add3A_683] : memref<256xf32, #tpu.memory_space<vmem>>[vector<16xi32>], vector<16xf32>,
        %add3A_685 = arith.addf %add3A_680, %gather3A_684 : vector<16xf32>
        %add3A_686 = arith.constant 5 : i32
        %add3A_687 = vector.broadcast %add3A_686 : i32 to vector<16xi32>
        %add3A_688 = arith.addi %mul3A_5, %add3A_687 : vector<16xi32>
        %gather3A_689 = tpu.vector_load_idx %arg8[%add3A_688] : memref<256xf32, #tpu.memory_space<vmem>>[vector<16xi32>], vector<16xf32>,
        %add3A_690 = arith.addf %add3A_685, %gather3A_689 : vector<16xf32>
        %add3A_691 = arith.constant 6 : i32
        %add3A_692 = vector.broadcast %add3A_691 : i32 to vector<16xi32>
        %add3A_693 = arith.addi %mul3A_5, %add3A_692 : vector<16xi32>
        %gather3A_694 = tpu.vector_load_idx %arg8[%add3A_693] : memref<256xf32, #tpu.memory_space<vmem>>[vector<16xi32>], vector<16xf32>,
        %add3A_695 = arith.addf %add3A_690, %gather3A_694 : vector<16xf32>
        %add3A_696 = arith.constant 7 : i32
        %add3A_697 = vector.broadcast %add3A_696 : i32 to vector<16xi32>
        %add3A_698 = arith.addi %mul3A_5, %add3A_697 : vector<16xi32>
        %gather3A_699 = tpu.vector_load_idx %arg8[%add3A_698] : memref<256xf32, #tpu.memory_space<vmem>>[vector<16xi32>], vector<16xf32>,
        %add3A_700 = arith.addf %add3A_695, %gather3A_699 : vector<16xf32>
        %add3A_701 = arith.constant 8 : i32
        %add3A_702 = vector.broadcast %add3A_701 : i32 to vector<16xi32>
        %add3A_703 = arith.addi %mul3A_5, %add3A_702 : vector<16xi32>
        %gather3A_704 = tpu.vector_load_idx %arg8[%add3A_703] : memref<256xf32, #tpu.memory_space<vmem>>[vector<16xi32>], vector<16xf32>,
        %add3A_705 = arith.addf %add3A_700, %gather3A_704 : vector<16xf32>
        %add3A_706 = arith.constant 9 : i32
        %add3A_707 = vector.broadcast %add3A_706 : i32 to vector<16xi32>
        %add3A_708 = arith.addi %mul3A_5, %add3A_707 : vector<16xi32>
        %gather3A_709 = tpu.vector_load_idx %arg8[%add3A_708] : memref<256xf32, #tpu.memory_space<vmem>>[vector<16xi32>], vector<16xf32>,
        %add3A_710 = arith.addf %add3A_705, %gather3A_709 : vector<16xf32>
        %add3A_711 = arith.constant 10 : i32
        %add3A_712 = vector.broadcast %add3A_711 : i32 to vector<16xi32>
        %add3A_713 = arith.addi %mul3A_5, %add3A_712 : vector<16xi32>
        %gather3A_714 = tpu.vector_load_idx %arg8[%add3A_713] : memref<256xf32, #tpu.memory_space<vmem>>[vector<16xi32>], vector<16xf32>,
        %add3A_715 = arith.addf %add3A_710, %gather3A_714 : vector<16xf32>
        %add3A_716 = arith.constant 11 : i32
        %add3A_717 = vector.broadcast %add3A_716 : i32 to vector<16xi32>
        %add3A_718 = arith.addi %mul3A_5, %add3A_717 : vector<16xi32>
        %gather3A_719 = tpu.vector_load_idx %arg8[%add3A_718] : memref<256xf32, #tpu.memory_space<vmem>>[vector<16xi32>], vector<16xf32>,
        %add3A_720 = arith.addf %add3A_715, %gather3A_719 : vector<16xf32>
        %add3A_721 = arith.constant 12 : i32
        %add3A_722 = vector.broadcast %add3A_721 : i32 to vector<16xi32>
        %add3A_723 = arith.addi %mul3A_5, %add3A_722 : vector<16xi32>
        %gather3A_724 = tpu.vector_load_idx %arg8[%add3A_723] : memref<256xf32, #tpu.memory_space<vmem>>[vector<16xi32>], vector<16xf32>,
        %add3A_725 = arith.addf %add3A_720, %gather3A_724 : vector<16xf32>
        %add3A_726 = arith.constant 13 : i32
        %add3A_727 = vector.broadcast %add3A_726 : i32 to vector<16xi32>
        %add3A_728 = arith.addi %mul3A_5, %add3A_727 : vector<16xi32>
        %gather3A_729 = tpu.vector_load_idx %arg8[%add3A_728] : memref<256xf32, #tpu.memory_space<vmem>>[vector<16xi32>], vector<16xf32>,
        %add3A_730 = arith.addf %add3A_725, %gather3A_729 : vector<16xf32>
        %add3A_731 = arith.constant 14 : i32
        %add3A_732 = vector.broadcast %add3A_731 : i32 to vector<16xi32>
        %add3A_733 = arith.addi %mul3A_5, %add3A_732 : vector<16xi32>
        %gather3A_734 = tpu.vector_load_idx %arg8[%add3A_733] : memref<256xf32, #tpu.memory_space<vmem>>[vector<16xi32>], vector<16xf32>,
        %add3A_735 = arith.addf %add3A_730, %gather3A_734 : vector<16xf32>
        %add3A_736 = arith.constant 15 : i32
        %add3A_737 = vector.broadcast %add3A_736 : i32 to vector<16xi32>
        %add3A_738 = arith.addi %mul3A_5, %add3A_737 : vector<16xi32>
        %gather3A_739 = tpu.vector_load_idx %arg8[%add3A_738] : memref<256xf32, #tpu.memory_space<vmem>>[vector<16xi32>], vector<16xf32>,
        %add3A_740 = arith.addf %add3A_735, %gather3A_739 : vector<16xf32>
        %mul3A_741 = arith.constant 16 : i32
        %mul3A_742 = arith.muli %scan3A_22, %mul3A_741 : i32
        %add3A_743 = arith.addi %mul3A_13, %mul3A_742 : i32
        %swap3A_744 = arith.index_cast %add3A_743 : i32 to index
        %swap3A_745 = tpu.vector_load %arg7[%swap3A_744] {strides = array<i32>} : memref<512xf32, #tpu.memory_space<vmem>>, vector<16xf32>,
        tpu.vector_store %arg7[%swap3A_744], %add3A_740 {strides = array<i32>} : memref<512xf32, #tpu.memory_space<vmem>>, vector<16xf32>,
      }
      %scan3A_21 = arith.constant 8 : i32
    }
    %scan3A_10 = arith.constant 4 : i32
    "tpu.region"() ({
      %run_scoped3A = tpu.sem_alloc : memref<!tpu.dma_semaphore, #tpu.memory_space<semaphore_mem>>
      %dma_start3A = tpu.memref_slice %arg4[%mul3A_2] : memref<16384xf32, #tpu.memory_space<hbm>> -> memref<512xf32, #tpu.memory_space<hbm>>
      %dma_start3A_11 = tpu.memref_slice %arg4[%mul3A_2] : memref<16384xf32, #tpu.memory_space<hbm>> -> memref<512xf32, #tpu.memory_space<hbm>>
      tpu.enqueue_dma source(%arg7 : memref<512xf32, #tpu.memory_space<vmem>>) target(%dma_start3A_11 : memref<512xf32, #tpu.memory_space<hbm>>) target_semaphore(%run_scoped3A : memref<!tpu.dma_semaphore, #tpu.memory_space<semaphore_mem>>)
      %dma_wait3A = tpu.memref_slice %arg4[%mul3A_2] : memref<16384xf32, #tpu.memory_space<hbm>> -> memref<512xf32, #tpu.memory_space<hbm>>
      %dma_wait3A_12 = tpu.memref_slice %arg4[%mul3A_2] : memref<16384xf32, #tpu.memory_space<hbm>> -> memref<512xf32, #tpu.memory_space<hbm>>
      tpu.wait_dma2 semaphore(%run_scoped3A : memref<!tpu.dma_semaphore, #tpu.memory_space<semaphore_mem>>) src(%arg7 : memref<512xf32, #tpu.memory_space<vmem>>) dst(%dma_wait3A_12 : memref<512xf32, #tpu.memory_space<hbm>>)
      tpu.yield
    }) : () -> ()
    return
  }
}

#map = affine_map<(d0, d1) -> (0)>
#map1 = affine_map<(d0, d1) -> (0, 0)>
module attributes {stable_mosaic.version = 14 : i64} {
  func.func @_gather_cols(%arg0: i32, %arg1: i32, %arg2: memref<16384xi32, #tpu.memory_space<hbm>>, %arg3: memref<64x1000000xf32, #tpu.memory_space<hbm>>, %arg4: memref<16512x128xf32, #tpu.memory_space<hbm>>, %arg5: memref<16384xi32, #tpu.memory_space<vmem>>, %arg6: memref<1040xi32, #tpu.memory_space<vmem>>, %arg7: memref<2x64x512xf32, #tpu.memory_space<vmem>>, %arg8: memref<256x128xf32, #tpu.memory_space<vmem>>, %arg9: memref<2x128xi32, #tpu.memory_space<vmem>>, %arg10: memref<8xi32, #tpu.memory_space<smem>>, %arg11: memref<!tpu.dma_semaphore, #tpu.memory_space<semaphore_mem>>, %arg12: memref<!tpu.dma_semaphore, #tpu.memory_space<semaphore_mem>>, %arg13: memref<!tpu.dma_semaphore, #tpu.memory_space<semaphore_mem>>) attributes {dimension_semantics = [#tpu.dimension_semantics<core_parallel>, #tpu.dimension_semantics<subcore_parallel>], iteration_bounds = array<i64: 2, 16>, scalar_prefetch = 0 : i64, scratch_operands = 9 : i64, tpu.core_type = #tpu.core_type<sc_vector_subcore>, window_params = [{transform_indices = #map}, {transform_indices = #map1}, {transform_indices = #map1}]} {
    %mul3A = arith.constant 2 : i32
    %mul3A_0 = arith.muli %arg1, %mul3A : i32
    %add3A = arith.addi %mul3A_0, %arg0 : i32
    %mul3A_1 = arith.constant 245 : i32
    %mul3A_2 = arith.muli %add3A, %mul3A_1 : i32
    %mul3A_3 = arith.constant 128 : i32
    %mul3A_4 = arith.muli %mul3A_2, %mul3A_3 : i32
    %sub3A = arith.constant 7813 : i32
    %sub3A_5 = arith.subi %sub3A, %mul3A_2 : i32
    %min3A = arith.constant 245 : i32
    %min3A_6 = arith.minsi %min3A, %sub3A_5 : i32
    %add3A_7 = arith.constant 4 : i32
    %add3A_8 = arith.addi %min3A_6, %add3A_7 : i32
    %sub3A_9 = arith.constant 1 : i32
    %sub3A_10 = arith.subi %add3A_8, %sub3A_9 : i32
    %jit3A = arith.constant 4 : i32
    %div3A = arith.divsi %sub3A_10, %jit3A : i32
    %sign3A = arith.constant 0 : i32
    %sign3A_11 = arith.cmpi sgt, %sub3A_10, %sign3A : i32
    %sign3A_12 = arith.extui %sign3A_11 : i1 to i32
    %sign3A_13 = arith.constant 0 : i32
    %sign3A_14 = arith.cmpi slt, %sub3A_10, %sign3A_13 : i32
    %sign3A_15 = arith.extui %sign3A_14 : i1 to i32
    %sign3A_16 = arith.subi %sign3A_12, %sign3A_15 : i32
    %sign3A_17 = arith.constant 0 : i32
    %sign3A_18 = arith.cmpi sgt, %jit3A, %sign3A_17 : i32
    %sign3A_19 = arith.extui %sign3A_18 : i1 to i32
    %sign3A_20 = arith.constant 0 : i32
    %sign3A_21 = arith.cmpi slt, %jit3A, %sign3A_20 : i32
    %sign3A_22 = arith.extui %sign3A_21 : i1 to i32
    %sign3A_23 = arith.subi %sign3A_19, %sign3A_22 : i32
    %ne3A = arith.cmpi ne, %sign3A_16, %sign3A_23 : i32
    %rem3A = arith.remsi %sub3A_10, %jit3A : i32
    %ne3A_24 = arith.constant 0 : i32
    %ne3A_25 = arith.cmpi ne, %rem3A, %ne3A_24 : i32
    %and3A = arith.andi %ne3A, %ne3A_25 : i1
    %sub3A_26 = arith.constant 1 : i32
    %sub3A_27 = arith.subi %div3A, %sub3A_26 : i32
    %select_n3A = arith.select %and3A, %sub3A_27, %div3A : i32
    %iota3A = tpu.iota {dimensions = array<i32: 0>} : vector<16xi32>
    %add3A_28 = arith.constant 0 : i32
    %add3A_29 = vector.broadcast %add3A_28 : i32 to vector<16xi32>
    %add3A_30 = arith.addi %iota3A, %add3A_29 : vector<16xi32>
    %add3A_31 = arith.constant 16 : i32
    %add3A_32 = vector.broadcast %add3A_31 : i32 to vector<16xi32>
    %add3A_33 = arith.addi %iota3A, %add3A_32 : vector<16xi32>
    %add3A_34 = arith.constant 32 : i32
    %add3A_35 = vector.broadcast %add3A_34 : i32 to vector<16xi32>
    %add3A_36 = arith.addi %iota3A, %add3A_35 : vector<16xi32>
    %add3A_37 = arith.constant 48 : i32
    %add3A_38 = vector.broadcast %add3A_37 : i32 to vector<16xi32>
    %add3A_39 = arith.addi %iota3A, %add3A_38 : vector<16xi32>
    %swap3A = arith.constant 0 : i32
    %swap3A_40 = arith.constant 0 : i32
    %swap3A_41 = arith.index_cast %swap3A_40 : i32 to index
    %swap3A_42 = memref.load %arg10[%swap3A_41] : memref<8xi32, #tpu.memory_space<smem>>
    memref.store %swap3A, %arg10[%swap3A_41] : memref<8xi32, #tpu.memory_space<smem>>
    %swap3A_43 = arith.constant 0 : i32
    %swap3A_44 = arith.constant 1 : i32
    %swap3A_45 = arith.index_cast %swap3A_44 : i32 to index
    %swap3A_46 = memref.load %arg10[%swap3A_45] : memref<8xi32, #tpu.memory_space<smem>>
    memref.store %swap3A_43, %arg10[%swap3A_45] : memref<8xi32, #tpu.memory_space<smem>>
    %swap3A_47 = arith.constant 0 : i32
    %swap3A_48 = arith.constant 2 : i32
    %swap3A_49 = arith.index_cast %swap3A_48 : i32 to index
    %swap3A_50 = memref.load %arg10[%swap3A_49] : memref<8xi32, #tpu.memory_space<smem>>
    memref.store %swap3A_47, %arg10[%swap3A_49] : memref<8xi32, #tpu.memory_space<smem>>
    "tpu.region"() ({
      %run_scoped3A = tpu.sem_alloc : memref<!tpu.dma_semaphore, #tpu.memory_space<semaphore_mem>>
      tpu.enqueue_dma source(%arg2 : memref<16384xi32, #tpu.memory_space<hbm>>) target(%arg5 : memref<16384xi32, #tpu.memory_space<vmem>>) target_semaphore(%run_scoped3A : memref<!tpu.dma_semaphore, #tpu.memory_space<semaphore_mem>>)
      tpu.wait_dma2 semaphore(%run_scoped3A : memref<!tpu.dma_semaphore, #tpu.memory_space<semaphore_mem>>) src(%arg2 : memref<16384xi32, #tpu.memory_space<hbm>>) dst(%arg5 : memref<16384xi32, #tpu.memory_space<vmem>>)
      tpu.yield
    }) : () -> ()
    %scan3A = arith.constant 0 : i32
    %scan3A_51 = arith.constant 0 : i32
    %scan3A_52 = arith.constant 1024 : i32
    %scan3A_53 = arith.addi %scan3A_51, %scan3A_52 : i32
    %scan3A_54 = arith.constant 1 : i32
    %scan3A_55 = scf.for %scan3A_144 = %scan3A_51 to %scan3A_53 step %scan3A_54 iter_args(%scan3A_145 = %scan3A) -> (i32)  : i32 {
      %mul3A_146 = arith.constant 16 : i32
      %mul3A_147 = arith.muli %scan3A_144, %mul3A_146 : i32
      %get3A_148 = arith.index_cast %mul3A_147 : i32 to index
      %get3A_149 = tpu.vector_load %arg5[%get3A_148] {strides = array<i32>} : memref<16384xi32, #tpu.memory_space<vmem>>, vector<16xi32>,
      %sub3A_150 = vector.broadcast %mul3A_4 : i32 to vector<16xi32>
      %sub3A_151 = arith.subi %get3A_149, %sub3A_150 : vector<16xi32>
      %ge3A = arith.constant 0 : i32
      %ge3A_152 = vector.broadcast %ge3A : i32 to vector<16xi32>
      %ge3A_153 = arith.cmpi sge, %sub3A_151, %ge3A_152 : vector<16xi32>
      %mul3A_154 = arith.constant 128 : i32
      %mul3A_155 = arith.muli %min3A_6, %mul3A_154 : i32
      %lt3A = vector.broadcast %mul3A_155 : i32 to vector<16xi32>
      %lt3A_156 = arith.cmpi slt, %sub3A_151, %lt3A : vector<16xi32>
      %and3A_157 = arith.andi %ge3A_153, %lt3A_156 : vector<16xi1>
      %mul3A_158 = arith.constant 16 : i32
      %mul3A_159 = arith.muli %scan3A_144, %mul3A_158 : i32
      %add3A_160 = vector.broadcast %mul3A_159 : i32 to vector<16xi32>
      %add3A_161 = arith.addi %add3A_160, %iota3A : vector<16xi32>
      %shift_left3A = arith.constant 15 : i32
      %shift_left3A_162 = vector.broadcast %shift_left3A : i32 to vector<16xi32>
      %shift_left3A_163 = arith.shli %add3A_161, %shift_left3A_162 : vector<16xi32>
      %and3A_164 = arith.constant 32767 : i32
      %and3A_165 = vector.broadcast %and3A_164 : i32 to vector<16xi32>
      %and3A_166 = arith.andi %sub3A_151, %and3A_165 : vector<16xi32>
      %or3A = arith.ori %shift_left3A_163, %and3A_166 : vector<16xi32>
      %swap3A_167 = arith.index_cast %scan3A_145 : i32 to index
      %swap3A_168 = tpu.vector_load %arg6[%swap3A_167] masked %and3A_157 {strides = array<i32>} : memref<1040xi32, #tpu.memory_space<vmem>>, vector<16xi32>, vector<16xi1>
      tpu.vector_store %arg6[%swap3A_167], %or3A masked %and3A_157 {strides = array<i32>} : memref<1040xi32, #tpu.memory_space<vmem>>, vector<16xi32>, vector<16xi1>
      %all_reduce_population_count3A = tpu.all_reduce %and3A_157 {dim = 0 : i64, kind = #tpu.reduction_kind<sum>} : vector<16xi1> -> vector<16xi32>
      %slice3A = vector.extract_strided_slice %all_reduce_population_count3A {offsets = [0], sizes = [1], strides = [1]} : vector<16xi32> to vector<1xi32>
      %squeeze3A = vector.extract %slice3A[0] : i32 from vector<1xi32>
      %add3A_169 = arith.addi %scan3A_145, %squeeze3A : i32
      scf.yield %add3A_169 : i32
    }
    %scan3A_56 = arith.constant 1024 : i32
    %and3A_57 = arith.constant 127 : i32
    %and3A_58 = arith.andi %scan3A_55, %and3A_57 : i32
    %sub3A_59 = arith.constant 128 : i32
    %sub3A_60 = arith.subi %sub3A_59, %and3A_58 : i32
    %and3A_61 = arith.constant 127 : i32
    %and3A_62 = arith.andi %sub3A_60, %and3A_61 : i32
    %scan3A_63 = arith.constant 0 : i32
    %scan3A_64 = arith.constant 0 : i32
    %scan3A_65 = arith.constant 8 : i32
    %scan3A_66 = arith.addi %scan3A_64, %scan3A_65 : i32
    %scan3A_67 = arith.constant 1 : i32
    scf.for %scan3A_144 = %scan3A_64 to %scan3A_66 step %scan3A_67  : i32 {
      %mul3A_145 = arith.constant 16 : i32
      %mul3A_146 = arith.muli %scan3A_144, %mul3A_145 : i32
      %add3A_147 = vector.broadcast %mul3A_146 : i32 to vector<16xi32>
      %add3A_148 = arith.addi %add3A_147, %iota3A : vector<16xi32>
      %or3A = arith.constant 1073741824 : i32
      %or3A_149 = vector.broadcast %or3A : i32 to vector<16xi32>
      %or3A_150 = arith.ori %or3A_149, %add3A_148 : vector<16xi32>
      %mul3A_151 = arith.constant 16 : i32
      %mul3A_152 = arith.muli %scan3A_144, %mul3A_151 : i32
      %add3A_153 = vector.broadcast %mul3A_152 : i32 to vector<16xi32>
      %add3A_154 = arith.addi %add3A_153, %iota3A : vector<16xi32>
      %lt3A = vector.broadcast %and3A_62 : i32 to vector<16xi32>
      %lt3A_155 = arith.cmpi slt, %add3A_154, %lt3A : vector<16xi32>
      %jit3A_156 = arith.constant -1 : i32
      %broadcast_in_dim3A_157 = vector.broadcast %jit3A_156 : i32 to vector<16xi32>
      %select_n3A_158 = arith.select %lt3A_155, %or3A_150, %broadcast_in_dim3A_157 : vector<16xi1>, vector<16xi32>
      %mul3A_159 = arith.constant 16 : i32
      %mul3A_160 = arith.muli %scan3A_144, %mul3A_159 : i32
      %add3A_161 = arith.addi %scan3A_55, %mul3A_160 : i32
      %swap3A_162 = arith.index_cast %add3A_161 : i32 to index
      %swap3A_163 = tpu.vector_load %arg6[%swap3A_162] {strides = array<i32>} : memref<1040xi32, #tpu.memory_space<vmem>>, vector<16xi32>,
      tpu.vector_store %arg6[%swap3A_162], %select_n3A_158 {strides = array<i32>} : memref<1040xi32, #tpu.memory_space<vmem>>, vector<16xi32>,
    }
    %scan3A_68 = arith.constant 8 : i32
    %add3A_69 = arith.addi %scan3A_55, %and3A_62 : i32
    %broadcast_in_dim3A = arith.constant -1 : i32
    %broadcast_in_dim3A_70 = vector.broadcast %broadcast_in_dim3A : i32 to vector<16xi32>
    %swap3A_71 = arith.index_cast %add3A_69 : i32 to index
    %swap3A_72 = tpu.vector_load %arg6[%swap3A_71] {strides = array<i32>} : memref<1040xi32, #tpu.memory_space<vmem>>, vector<16xi32>,
    tpu.vector_store %arg6[%swap3A_71], %broadcast_in_dim3A_70 {strides = array<i32>} : memref<1040xi32, #tpu.memory_space<vmem>>, vector<16xi32>,
    %add3A_73 = arith.constant 16 : i32
    %add3A_74 = arith.addi %add3A_69, %add3A_73 : i32
    %sub3A_75 = arith.constant 1 : i32
    %sub3A_76 = arith.subi %add3A_74, %sub3A_75 : i32
    %jit3A_77 = arith.constant 16 : i32
    %div3A_78 = arith.divsi %sub3A_76, %jit3A_77 : i32
    %sign3A_79 = arith.constant 0 : i32
    %sign3A_80 = arith.cmpi sgt, %sub3A_76, %sign3A_79 : i32
    %sign3A_81 = arith.extui %sign3A_80 : i1 to i32
    %sign3A_82 = arith.constant 0 : i32
    %sign3A_83 = arith.cmpi slt, %sub3A_76, %sign3A_82 : i32
    %sign3A_84 = arith.extui %sign3A_83 : i1 to i32
    %sign3A_85 = arith.subi %sign3A_81, %sign3A_84 : i32
    %sign3A_86 = arith.constant 0 : i32
    %sign3A_87 = arith.cmpi sgt, %jit3A_77, %sign3A_86 : i32
    %sign3A_88 = arith.extui %sign3A_87 : i1 to i32
    %sign3A_89 = arith.constant 0 : i32
    %sign3A_90 = arith.cmpi slt, %jit3A_77, %sign3A_89 : i32
    %sign3A_91 = arith.extui %sign3A_90 : i1 to i32
    %sign3A_92 = arith.subi %sign3A_88, %sign3A_91 : i32
    %ne3A_93 = arith.cmpi ne, %sign3A_85, %sign3A_92 : i32
    %rem3A_94 = arith.remsi %sub3A_76, %jit3A_77 : i32
    %ne3A_95 = arith.constant 0 : i32
    %ne3A_96 = arith.cmpi ne, %rem3A_94, %ne3A_95 : i32
    %and3A_97 = arith.andi %ne3A_93, %ne3A_96 : i1
    %sub3A_98 = arith.constant 1 : i32
    %sub3A_99 = arith.subi %div3A_78, %sub3A_98 : i32
    %select_n3A_100 = arith.select %and3A_97, %sub3A_99, %div3A_78 : i32
    %add3A_101 = arith.constant 0 : i32
    %add3A_102 = arith.addi %mul3A_2, %add3A_101 : i32
    %min3A_103 = arith.constant 7809 : i32
    %min3A_104 = arith.minsi %add3A_102, %min3A_103 : i32
    %mul3A_105 = arith.constant 128 : i32
    %mul3A_106 = arith.muli %min3A_104, %mul3A_105 : i32
    %dma_start3A = arith.constant 0 : i32
    %dma_start3A_107 = arith.constant 0 : i32
    %dma_start3A_108 = arith.constant 0 : i32
    %dma_start3A_109 = tpu.memref_slice %arg7[%dma_start3A, %dma_start3A_107, %dma_start3A_108] : memref<2x64x512xf32, #tpu.memory_space<vmem>> -> memref<1x64x512xf32, #tpu.memory_space<vmem>>
    %dma_start3A_110 = tpu.memref_squeeze %dma_start3A_109 : memref<1x64x512xf32, #tpu.memory_space<vmem>> -> memref<64x512xf32, #tpu.memory_space<vmem>>
    %dma_start3A_111 = arith.constant 0 : i32
    %dma_start3A_112 = tpu.memref_slice %arg3[%dma_start3A_111, %mul3A_106] : memref<64x1000000xf32, #tpu.memory_space<hbm>> -> memref<64x512xf32, #tpu.memory_space<hbm>>
    %dma_start3A_113 = arith.constant 0 : i32
    %dma_start3A_114 = arith.constant 0 : i32
    %dma_start3A_115 = tpu.memref_slice %arg7[%dma_start3A, %dma_start3A_113, %dma_start3A_114] : memref<2x64x512xf32, #tpu.memory_space<vmem>> -> memref<1x64x512xf32, #tpu.memory_space<vmem>>
    %dma_start3A_116 = tpu.memref_squeeze %dma_start3A_115 : memref<1x64x512xf32, #tpu.memory_space<vmem>> -> memref<64x512xf32, #tpu.memory_space<vmem>>
    %dma_start3A_117 = arith.constant 0 : i32
    %dma_start3A_118 = tpu.memref_slice %arg3[%dma_start3A_117, %mul3A_106] : memref<64x1000000xf32, #tpu.memory_space<hbm>> -> memref<64x512xf32, #tpu.memory_space<hbm>>
    tpu.enqueue_dma source(%dma_start3A_118 : memref<64x512xf32, #tpu.memory_space<hbm>>) target(%dma_start3A_116 : memref<64x512xf32, #tpu.memory_space<vmem>>) target_semaphore(%arg11 : memref<!tpu.dma_semaphore, #tpu.memory_space<semaphore_mem>>)
    %while3A = arith.constant 0 : i32
    %while3A_119 = arith.constant 0 : i32
    %while3A_120 = arith.subi %select_n3A, %while3A_119 : i32
    %while3A_121 = arith.addi %while3A_119, %while3A_120 : i32
    %while3A_122 = arith.constant 1 : i32
    %while3A_123 = arith.divsi %while3A_120, %while3A_122 : i32
    %while3A_124 = arith.muli %while3A_123, %while3A_122 : i32
    %while3A_125 = arith.addi %while3A_119, %while3A_124 : i32
    %while3A_126 = arith.constant 1 : i32
    scf.for %while3A_144 = %while3A_119 to %while3A_125 step %while3A_126  : i32 {
      %and3A_145 = arith.constant 1 : i32
      %and3A_146 = arith.andi %while3A_144, %and3A_145 : i32
      %add3A_147 = arith.constant 1 : i32
      %add3A_148 = arith.addi %while3A_144, %add3A_147 : i32
      %lt3A = arith.cmpi slt, %add3A_148, %select_n3A : i32
      %eq3A = arith.constant 0 : i32
      %eq3A_149 = arith.cmpi eq, %and3A_146, %eq3A : i32
      %and3A_150 = arith.andi %lt3A, %eq3A_149 : i1
      %convert_element_type3A = arith.extui %and3A_150 : i1 to i32
      %cond3A = arith.constant 0 : i32
      %cond3A_151 = arith.cmpi ne, %convert_element_type3A, %cond3A : i32
      scf.if %cond3A_151 {
        %add3A_189 = arith.constant 1 : i32
        %add3A_190 = arith.addi %while3A_144, %add3A_189 : i32
        %mul3A_191 = arith.constant 4 : i32
        %mul3A_192 = arith.muli %add3A_190, %mul3A_191 : i32
        %add3A_193 = arith.addi %mul3A_2, %mul3A_192 : i32
        %min3A_194 = arith.constant 7809 : i32
        %min3A_195 = arith.minsi %add3A_193, %min3A_194 : i32
        %mul3A_196 = arith.constant 128 : i32
        %mul3A_197 = arith.muli %min3A_195, %mul3A_196 : i32
        %dma_start3A_198 = arith.constant 1 : i32
        %dma_start3A_199 = arith.constant 0 : i32
        %dma_start3A_200 = arith.constant 0 : i32
        %dma_start3A_201 = tpu.memref_slice %arg7[%dma_start3A_198, %dma_start3A_199, %dma_start3A_200] : memref<2x64x512xf32, #tpu.memory_space<vmem>> -> memref<1x64x512xf32, #tpu.memory_space<vmem>>
        %dma_start3A_202 = tpu.memref_squeeze %dma_start3A_201 : memref<1x64x512xf32, #tpu.memory_space<vmem>> -> memref<64x512xf32, #tpu.memory_space<vmem>>
        %dma_start3A_203 = arith.constant 0 : i32
        %dma_start3A_204 = tpu.memref_slice %arg3[%dma_start3A_203, %mul3A_197] : memref<64x1000000xf32, #tpu.memory_space<hbm>> -> memref<64x512xf32, #tpu.memory_space<hbm>>
        %dma_start3A_205 = arith.constant 0 : i32
        %dma_start3A_206 = arith.constant 0 : i32
        %dma_start3A_207 = tpu.memref_slice %arg7[%dma_start3A_198, %dma_start3A_205, %dma_start3A_206] : memref<2x64x512xf32, #tpu.memory_space<vmem>> -> memref<1x64x512xf32, #tpu.memory_space<vmem>>
        %dma_start3A_208 = tpu.memref_squeeze %dma_start3A_207 : memref<1x64x512xf32, #tpu.memory_space<vmem>> -> memref<64x512xf32, #tpu.memory_space<vmem>>
        %dma_start3A_209 = arith.constant 0 : i32
        %dma_start3A_210 = tpu.memref_slice %arg3[%dma_start3A_209, %mul3A_197] : memref<64x1000000xf32, #tpu.memory_space<hbm>> -> memref<64x512xf32, #tpu.memory_space<hbm>>
        tpu.enqueue_dma source(%dma_start3A_210 : memref<64x512xf32, #tpu.memory_space<hbm>>) target(%dma_start3A_208 : memref<64x512xf32, #tpu.memory_space<vmem>>) target_semaphore(%arg12 : memref<!tpu.dma_semaphore, #tpu.memory_space<semaphore_mem>>)
      } else {
      }
      %add3A_152 = arith.constant 1 : i32
      %add3A_153 = arith.addi %while3A_144, %add3A_152 : i32
      %lt3A_154 = arith.cmpi slt, %add3A_153, %select_n3A : i32
      %eq3A_155 = arith.constant 1 : i32
      %eq3A_156 = arith.cmpi eq, %and3A_146, %eq3A_155 : i32
      %and3A_157 = arith.andi %lt3A_154, %eq3A_156 : i1
      %convert_element_type3A_158 = arith.extui %and3A_157 : i1 to i32
      %cond3A_159 = arith.constant 0 : i32
      %cond3A_160 = arith.cmpi ne, %convert_element_type3A_158, %cond3A_159 : i32
      scf.if %cond3A_160 {
        %add3A_189 = arith.constant 1 : i32
        %add3A_190 = arith.addi %while3A_144, %add3A_189 : i32
        %mul3A_191 = arith.constant 4 : i32
        %mul3A_192 = arith.muli %add3A_190, %mul3A_191 : i32
        %add3A_193 = arith.addi %mul3A_2, %mul3A_192 : i32
        %min3A_194 = arith.constant 7809 : i32
        %min3A_195 = arith.minsi %add3A_193, %min3A_194 : i32
        %mul3A_196 = arith.constant 128 : i32
        %mul3A_197 = arith.muli %min3A_195, %mul3A_196 : i32
        %dma_start3A_198 = arith.constant 0 : i32
        %dma_start3A_199 = arith.constant 0 : i32
        %dma_start3A_200 = arith.constant 0 : i32
        %dma_start3A_201 = tpu.memref_slice %arg7[%dma_start3A_198, %dma_start3A_199, %dma_start3A_200] : memref<2x64x512xf32, #tpu.memory_space<vmem>> -> memref<1x64x512xf32, #tpu.memory_space<vmem>>
        %dma_start3A_202 = tpu.memref_squeeze %dma_start3A_201 : memref<1x64x512xf32, #tpu.memory_space<vmem>> -> memref<64x512xf32, #tpu.memory_space<vmem>>
        %dma_start3A_203 = arith.constant 0 : i32
        %dma_start3A_204 = tpu.memref_slice %arg3[%dma_start3A_203, %mul3A_197] : memref<64x1000000xf32, #tpu.memory_space<hbm>> -> memref<64x512xf32, #tpu.memory_space<hbm>>
        %dma_start3A_205 = arith.constant 0 : i32
        %dma_start3A_206 = arith.constant 0 : i32
        %dma_start3A_207 = tpu.memref_slice %arg7[%dma_start3A_198, %dma_start3A_205, %dma_start3A_206] : memref<2x64x512xf32, #tpu.memory_space<vmem>> -> memref<1x64x512xf32, #tpu.memory_space<vmem>>
        %dma_start3A_208 = tpu.memref_squeeze %dma_start3A_207 : memref<1x64x512xf32, #tpu.memory_space<vmem>> -> memref<64x512xf32, #tpu.memory_space<vmem>>
        %dma_start3A_209 = arith.constant 0 : i32
        %dma_start3A_210 = tpu.memref_slice %arg3[%dma_start3A_209, %mul3A_197] : memref<64x1000000xf32, #tpu.memory_space<hbm>> -> memref<64x512xf32, #tpu.memory_space<hbm>>
        tpu.enqueue_dma source(%dma_start3A_210 : memref<64x512xf32, #tpu.memory_space<hbm>>) target(%dma_start3A_208 : memref<64x512xf32, #tpu.memory_space<vmem>>) target_semaphore(%arg11 : memref<!tpu.dma_semaphore, #tpu.memory_space<semaphore_mem>>)
      } else {
      }
      %eq3A_161 = arith.constant 0 : i32
      %eq3A_162 = arith.cmpi eq, %and3A_146, %eq3A_161 : i32
      %convert_element_type3A_163 = arith.extui %eq3A_162 : i1 to i32
      %cond3A_164 = arith.constant 0 : i32
      %cond3A_165 = arith.cmpi ne, %convert_element_type3A_163, %cond3A_164 : i32
      scf.if %cond3A_165 {
        %dma_wait3A = arith.constant 0 : i32
        %dma_wait3A_189 = arith.constant 0 : i32
        %dma_wait3A_190 = arith.constant 0 : i32
        %dma_wait3A_191 = tpu.memref_slice %arg7[%dma_wait3A, %dma_wait3A_189, %dma_wait3A_190] : memref<2x64x512xf32, #tpu.memory_space<vmem>> -> memref<1x64x512xf32, #tpu.memory_space<vmem>>
        %dma_wait3A_192 = tpu.memref_squeeze %dma_wait3A_191 : memref<1x64x512xf32, #tpu.memory_space<vmem>> -> memref<64x512xf32, #tpu.memory_space<vmem>>
        %dma_wait3A_193 = arith.constant 0 : i32
        %dma_wait3A_194 = arith.constant 0 : i32
        %dma_wait3A_195 = tpu.memref_slice %arg3[%dma_wait3A_193, %dma_wait3A_194] : memref<64x1000000xf32, #tpu.memory_space<hbm>> -> memref<64x512xf32, #tpu.memory_space<hbm>>
        %dma_wait3A_196 = arith.constant 0 : i32
        %dma_wait3A_197 = arith.constant 0 : i32
        %dma_wait3A_198 = tpu.memref_slice %arg7[%dma_wait3A, %dma_wait3A_196, %dma_wait3A_197] : memref<2x64x512xf32, #tpu.memory_space<vmem>> -> memref<1x64x512xf32, #tpu.memory_space<vmem>>
        %dma_wait3A_199 = tpu.memref_squeeze %dma_wait3A_198 : memref<1x64x512xf32, #tpu.memory_space<vmem>> -> memref<64x512xf32, #tpu.memory_space<vmem>>
        %dma_wait3A_200 = arith.constant 0 : i32
        %dma_wait3A_201 = arith.constant 0 : i32
        %dma_wait3A_202 = tpu.memref_slice %arg3[%dma_wait3A_200, %dma_wait3A_201] : memref<64x1000000xf32, #tpu.memory_space<hbm>> -> memref<64x512xf32, #tpu.memory_space<hbm>>
        tpu.wait_dma2 semaphore(%arg11 : memref<!tpu.dma_semaphore, #tpu.memory_space<semaphore_mem>>) src(%dma_wait3A_202 : memref<64x512xf32, #tpu.memory_space<hbm>>) dst(%dma_wait3A_199 : memref<64x512xf32, #tpu.memory_space<vmem>>)
      } else {
      }
      %eq3A_166 = arith.constant 1 : i32
      %eq3A_167 = arith.cmpi eq, %and3A_146, %eq3A_166 : i32
      %convert_element_type3A_168 = arith.extui %eq3A_167 : i1 to i32
      %cond3A_169 = arith.constant 0 : i32
      %cond3A_170 = arith.cmpi ne, %convert_element_type3A_168, %cond3A_169 : i32
      scf.if %cond3A_170 {
        %dma_wait3A = arith.constant 1 : i32
        %dma_wait3A_189 = arith.constant 0 : i32
        %dma_wait3A_190 = arith.constant 0 : i32
        %dma_wait3A_191 = tpu.memref_slice %arg7[%dma_wait3A, %dma_wait3A_189, %dma_wait3A_190] : memref<2x64x512xf32, #tpu.memory_space<vmem>> -> memref<1x64x512xf32, #tpu.memory_space<vmem>>
        %dma_wait3A_192 = tpu.memref_squeeze %dma_wait3A_191 : memref<1x64x512xf32, #tpu.memory_space<vmem>> -> memref<64x512xf32, #tpu.memory_space<vmem>>
        %dma_wait3A_193 = arith.constant 0 : i32
        %dma_wait3A_194 = arith.constant 0 : i32
        %dma_wait3A_195 = tpu.memref_slice %arg3[%dma_wait3A_193, %dma_wait3A_194] : memref<64x1000000xf32, #tpu.memory_space<hbm>> -> memref<64x512xf32, #tpu.memory_space<hbm>>
        %dma_wait3A_196 = arith.constant 0 : i32
        %dma_wait3A_197 = arith.constant 0 : i32
        %dma_wait3A_198 = tpu.memref_slice %arg7[%dma_wait3A, %dma_wait3A_196, %dma_wait3A_197] : memref<2x64x512xf32, #tpu.memory_space<vmem>> -> memref<1x64x512xf32, #tpu.memory_space<vmem>>
        %dma_wait3A_199 = tpu.memref_squeeze %dma_wait3A_198 : memref<1x64x512xf32, #tpu.memory_space<vmem>> -> memref<64x512xf32, #tpu.memory_space<vmem>>
        %dma_wait3A_200 = arith.constant 0 : i32
        %dma_wait3A_201 = arith.constant 0 : i32
        %dma_wait3A_202 = tpu.memref_slice %arg3[%dma_wait3A_200, %dma_wait3A_201] : memref<64x1000000xf32, #tpu.memory_space<hbm>> -> memref<64x512xf32, #tpu.memory_space<hbm>>
        tpu.wait_dma2 semaphore(%arg12 : memref<!tpu.dma_semaphore, #tpu.memory_space<semaphore_mem>>) src(%dma_wait3A_202 : memref<64x512xf32, #tpu.memory_space<hbm>>) dst(%dma_wait3A_199 : memref<64x512xf32, #tpu.memory_space<vmem>>)
      } else {
      }
      %mul3A_171 = arith.constant 4 : i32
      %mul3A_172 = arith.muli %while3A_144, %mul3A_171 : i32
      %add3A_173 = arith.addi %mul3A_2, %mul3A_172 : i32
      %min3A_174 = arith.constant 7809 : i32
      %min3A_175 = arith.minsi %add3A_173, %min3A_174 : i32
      %sub3A_176 = arith.subi %min3A_175, %mul3A_2 : i32
      %mul3A_177 = arith.constant 128 : i32
      %mul3A_178 = arith.muli %sub3A_176, %mul3A_177 : i32
      %while3A_179 = arith.constant 0 : i32
      %while3A_180 = arith.constant 0 : i32
      %while3A_181 = arith.subi %select_n3A_100, %while3A_180 : i32
      %while3A_182 = arith.addi %while3A_180, %while3A_181 : i32
      %while3A_183 = arith.constant 1 : i32
      %while3A_184 = arith.divsi %while3A_181, %while3A_183 : i32
      %while3A_185 = arith.muli %while3A_184, %while3A_183 : i32
      %while3A_186 = arith.addi %while3A_180, %while3A_185 : i32
      %while3A_187 = arith.constant 1 : i32
      scf.for %while3A_189 = %while3A_180 to %while3A_186 step %while3A_187  : i32 {
        %mul3A_190 = arith.constant 16 : i32
        %mul3A_191 = arith.muli %while3A_189, %mul3A_190 : i32
        %get3A_192 = arith.index_cast %mul3A_191 : i32 to index
        %get3A_193 = tpu.vector_load %arg6[%get3A_192] {strides = array<i32>} : memref<1040xi32, #tpu.memory_space<vmem>>, vector<16xi32>,
        %and3A_194 = arith.constant 32767 : i32
        %and3A_195 = vector.broadcast %and3A_194 : i32 to vector<16xi32>
        %and3A_196 = arith.andi %get3A_193, %and3A_195 : vector<16xi32>
        %ge3A = arith.constant 1073741824 : i32
        %ge3A_197 = vector.broadcast %ge3A : i32 to vector<16xi32>
        %ge3A_198 = arith.cmpi sge, %get3A_193, %ge3A_197 : vector<16xi32>
        %shift_right_arithmetic3A = arith.constant 9 : i32
        %shift_right_arithmetic3A_199 = vector.broadcast %shift_right_arithmetic3A : i32 to vector<16xi32>
        %shift_right_arithmetic3A_200 = arith.shrsi %and3A_196, %shift_right_arithmetic3A_199 : vector<16xi32>
        %eq3A_201 = vector.broadcast %while3A_144 : i32 to vector<16xi32>
        %eq3A_202 = arith.cmpi eq, %shift_right_arithmetic3A_200, %eq3A_201 : vector<16xi32>
        %eq3A_203 = arith.constant 0 : i32
        %eq3A_204 = arith.cmpi eq, %while3A_144, %eq3A_203 : i32
        %and3A_205 = vector.broadcast %eq3A_204 : i1 to vector<16xi1>
        %and3A_206 = arith.andi %ge3A_198, %and3A_205 : vector<16xi1>
        %or3A = arith.ori %eq3A_202, %and3A_206 : vector<16xi1>
        %ge3A_207 = arith.constant 0 : i32
        %ge3A_208 = vector.broadcast %ge3A_207 : i32 to vector<16xi32>
        %ge3A_209 = arith.cmpi sge, %get3A_193, %ge3A_208 : vector<16xi32>
        %and3A_210 = arith.andi %or3A, %ge3A_209 : vector<16xi1>
        %all_reduce_population_count3A = tpu.all_reduce %and3A_210 {dim = 0 : i64, kind = #tpu.reduction_kind<sum>} : vector<16xi1> -> vector<16xi32>
        %slice3A = vector.extract_strided_slice %all_reduce_population_count3A {offsets = [0], sizes = [1], strides = [1]} : vector<16xi32> to vector<1xi32>
        %squeeze3A = vector.extract %slice3A[0] : i32 from vector<1xi32>
        %gt3A = arith.constant 0 : i32
        %gt3A_211 = arith.cmpi sgt, %squeeze3A, %gt3A : i32
        %convert_element_type3A_212 = arith.extui %gt3A_211 : i1 to i32
        %cond3A_213 = arith.constant 0 : i32
        %cond3A_214 = arith.cmpi ne, %convert_element_type3A_212, %cond3A_213 : i32
        scf.if %cond3A_214 {
          %while3A_215 = arith.constant 0 : i32
          %while3A_216 = arith.subi %squeeze3A, %while3A_215 : i32
          %while3A_217 = arith.addi %while3A_215, %while3A_216 : i32
          %while3A_218 = arith.constant 1 : i32
          %while3A_219 = arith.divsi %while3A_216, %while3A_218 : i32
          %while3A_220 = arith.muli %while3A_219, %while3A_218 : i32
          %while3A_221 = arith.addi %while3A_215, %while3A_220 : i32
          %while3A_222 = arith.constant 1 : i32
          %while3A_223 = scf.for %while3A_226 = %while3A_215 to %while3A_221 step %while3A_222 iter_args(%while3A_227 = %and3A_210) -> (vector<16xi1>)  : i32 {
            %all_reduce_ffs3A = tpu.all_reduce %while3A_227 {dim = 0 : i64, kind = #tpu.reduction_kind<find_first_set>} : vector<16xi1> -> vector<16xi32>
            %slice3A_228 = vector.extract_strided_slice %all_reduce_ffs3A {offsets = [0], sizes = [1], strides = [1]} : vector<16xi32> to vector<1xi32>
            %squeeze3A_229 = vector.extract %slice3A_228[0] : i32 from vector<1xi32>
            %broadcast_in_dim3A_230 = vector.broadcast %squeeze3A_229 : i32 to vector<16xi32>
            %lt3A_231 = arith.constant 0 : i32
            %lt3A_232 = vector.broadcast %lt3A_231 : i32 to vector<16xi32>
            %lt3A_233 = arith.cmpi slt, %broadcast_in_dim3A_230, %lt3A_232 : vector<16xi32>
            %add3A_234 = arith.constant 16 : i32
            %add3A_235 = vector.broadcast %add3A_234 : i32 to vector<16xi32>
            %add3A_236 = arith.addi %broadcast_in_dim3A_230, %add3A_235 : vector<16xi32>
            %select_n3A_237 = arith.select %lt3A_233, %add3A_236, %broadcast_in_dim3A_230 : vector<16xi1>, vector<16xi32>
            %broadcast_in_dim3A_238 = vector.shape_cast %select_n3A_237 : vector<16xi32> to vector<16x1xi32>
            %gather3A = vector.shape_cast %broadcast_in_dim3A_238 : vector<16x1xi32> to vector<16xi32>
            %gather3A_239 = tpu.dynamic_gather %get3A_193[%gather3A] in [0] : vector<16xi32>, vector<16xi32> -> vector<16xi32>
            %slice3A_240 = vector.extract_strided_slice %gather3A_239 {offsets = [0], sizes = [1], strides = [1]} : vector<16xi32> to vector<1xi32>
            %squeeze3A_241 = vector.extract %slice3A_240[0] : i32 from vector<1xi32>
            %ge3A_242 = arith.constant 1073741824 : i32
            %ge3A_243 = arith.cmpi sge, %squeeze3A_241, %ge3A_242 : i32
            %and3A_244 = arith.constant 127 : i32
            %and3A_245 = arith.andi %squeeze3A_241, %and3A_244 : i32
            %add3A_246 = arith.constant 16384 : i32
            %add3A_247 = arith.addi %add3A_246, %and3A_245 : i32
            %shift_right_arithmetic3A_248 = arith.constant 15 : i32
            %shift_right_arithmetic3A_249 = arith.shrsi %squeeze3A_241, %shift_right_arithmetic3A_248 : i32
            %select_n3A_250 = arith.select %ge3A_243, %add3A_247, %shift_right_arithmetic3A_249 : i32
            %and3A_251 = arith.constant 32767 : i32
            %and3A_252 = arith.andi %squeeze3A_241, %and3A_251 : i32
            %sub3A_253 = arith.subi %and3A_252, %mul3A_178 : i32
            %jit3A_254 = arith.constant 0 : i32
            %select_n3A_255 = arith.select %ge3A_243, %jit3A_254, %sub3A_253 : i32
            %get3A_256 = arith.constant 0 : i32
            %get3A_257 = arith.index_cast %get3A_256 : i32 to index
            %get3A_258 = memref.load %arg10[%get3A_257] : memref<8xi32, #tpu.memory_space<smem>>
            %and3A_259 = arith.constant 255 : i32
            %and3A_260 = arith.andi %get3A_258, %and3A_259 : i32
            %and3A_261 = arith.constant 255 : i32
            %and3A_262 = arith.andi %get3A_258, %and3A_261 : i32
            %shift_right_arithmetic3A_263 = arith.constant 7 : i32
            %shift_right_arithmetic3A_264 = arith.shrsi %and3A_262, %shift_right_arithmetic3A_263 : i32
            %and3A_265 = arith.constant 127 : i32
            %and3A_266 = arith.andi %get3A_258, %and3A_265 : i32
            %eq3A_267 = arith.constant 0 : i32
            %eq3A_268 = arith.cmpi eq, %and3A_266, %eq3A_267 : i32
            %ge3A_269 = arith.constant 256 : i32
            %ge3A_270 = arith.cmpi sge, %get3A_258, %ge3A_269 : i32
            %and3A_271 = arith.andi %eq3A_268, %ge3A_270 : i1
            %convert_element_type3A_272 = arith.extui %and3A_271 : i1 to i32
            %cond3A_273 = arith.constant 0 : i32
            %cond3A_274 = arith.cmpi ne, %convert_element_type3A_272, %cond3A_273 : i32
            scf.if %cond3A_274 {
              %mul3A_340 = arith.constant 128 : i32
              %mul3A_341 = arith.muli %shift_right_arithmetic3A_264, %mul3A_340 : i32
              %dma_wait3A = arith.constant 0 : i32
              %dma_wait3A_342 = tpu.memref_slice %arg8[%mul3A_341, %dma_wait3A] : memref<256x128xf32, #tpu.memory_space<vmem>> -> memref<128x128xf32, #tpu.memory_space<vmem>>
              %dma_wait3A_343 = arith.constant 0 : i32
              %dma_wait3A_344 = arith.constant 0 : i32
              %dma_wait3A_345 = tpu.memref_slice %arg4[%dma_wait3A_343, %dma_wait3A_344] : memref<16512x128xf32, #tpu.memory_space<hbm>> -> memref<128x128xf32, #tpu.memory_space<hbm>>
              %dma_wait3A_346 = arith.constant 0 : i32
              %dma_wait3A_347 = tpu.memref_slice %arg8[%mul3A_341, %dma_wait3A_346] : memref<256x128xf32, #tpu.memory_space<vmem>> -> memref<128x128xf32, #tpu.memory_space<vmem>>
              %dma_wait3A_348 = arith.constant 0 : i32
              %dma_wait3A_349 = arith.constant 0 : i32
              %dma_wait3A_350 = tpu.memref_slice %arg4[%dma_wait3A_348, %dma_wait3A_349] : memref<16512x128xf32, #tpu.memory_space<hbm>> -> memref<128x128xf32, #tpu.memory_space<hbm>>
              tpu.wait_dma2 semaphore(%arg13 : memref<!tpu.dma_semaphore, #tpu.memory_space<semaphore_mem>>) src(%dma_wait3A_350 : memref<128x128xf32, #tpu.memory_space<hbm>>) dst(%dma_wait3A_347 : memref<128x128xf32, #tpu.memory_space<vmem>>)
              %get3A_351 = arith.constant 2 : i32
              %get3A_352 = arith.index_cast %get3A_351 : i32 to index
              %get3A_353 = memref.load %arg10[%get3A_352] : memref<8xi32, #tpu.memory_space<smem>>
              %add3A_354 = arith.constant 1 : i32
              %add3A_355 = arith.addi %get3A_353, %add3A_354 : i32
              %swap3A_356 = arith.constant 2 : i32
              %swap3A_357 = arith.index_cast %swap3A_356 : i32 to index
              %swap3A_358 = memref.load %arg10[%swap3A_357] : memref<8xi32, #tpu.memory_space<smem>>
              memref.store %add3A_355, %arg10[%swap3A_357] : memref<8xi32, #tpu.memory_space<smem>>
            } else {
            }
            %broadcast_in_dim3A_275 = vector.broadcast %select_n3A_255 : i32 to vector<16xi32>
            %gather3A_276 = arith.constant 0 : i32
            %gather3A_277 = arith.constant 0 : i32
            %gather3A_278 = tpu.memref_slice %arg7[%and3A_146, %gather3A_276, %gather3A_277] : memref<2x64x512xf32, #tpu.memory_space<vmem>> -> memref<1x64x512xf32, #tpu.memory_space<vmem>>
            %gather3A_279 = tpu.memref_squeeze %gather3A_278 : memref<1x64x512xf32, #tpu.memory_space<vmem>> -> memref<64x512xf32, #tpu.memory_space<vmem>>
            %gather3A_280 = tpu.vector_load_idx %gather3A_279[%add3A_30, %broadcast_in_dim3A_275] : memref<64x512xf32, #tpu.memory_space<vmem>>[vector<16xi32>, vector<16xi32>], vector<16xf32>,
            %swap3A_281 = arith.index_cast %and3A_260 : i32 to index
            %swap3A_282 = arith.constant 0 : index
            %swap3A_283 = tpu.vector_load %arg8[%swap3A_281, %swap3A_282] {strides = array<i32>} : memref<256x128xf32, #tpu.memory_space<vmem>>, vector<16xf32>,
            tpu.vector_store %arg8[%swap3A_281, %swap3A_282], %gather3A_280 {strides = array<i32>} : memref<256x128xf32, #tpu.memory_space<vmem>>, vector<16xf32>,
            %gather3A_284 = arith.constant 0 : i32
            %gather3A_285 = arith.constant 0 : i32
            %gather3A_286 = tpu.memref_slice %arg7[%and3A_146, %gather3A_284, %gather3A_285] : memref<2x64x512xf32, #tpu.memory_space<vmem>> -> memref<1x64x512xf32, #tpu.memory_space<vmem>>
            %gather3A_287 = tpu.memref_squeeze %gather3A_286 : memref<1x64x512xf32, #tpu.memory_space<vmem>> -> memref<64x512xf32, #tpu.memory_space<vmem>>
            %gather3A_288 = tpu.vector_load_idx %gather3A_287[%add3A_33, %broadcast_in_dim3A_275] : memref<64x512xf32, #tpu.memory_space<vmem>>[vector<16xi32>, vector<16xi32>], vector<16xf32>,
            %swap3A_289 = arith.index_cast %and3A_260 : i32 to index
            %swap3A_290 = arith.constant 16 : index
            %swap3A_291 = tpu.vector_load %arg8[%swap3A_289, %swap3A_290] {strides = array<i32>} : memref<256x128xf32, #tpu.memory_space<vmem>>, vector<16xf32>,
            tpu.vector_store %arg8[%swap3A_289, %swap3A_290], %gather3A_288 {strides = array<i32>} : memref<256x128xf32, #tpu.memory_space<vmem>>, vector<16xf32>,
            %gather3A_292 = arith.constant 0 : i32
            %gather3A_293 = arith.constant 0 : i32
            %gather3A_294 = tpu.memref_slice %arg7[%and3A_146, %gather3A_292, %gather3A_293] : memref<2x64x512xf32, #tpu.memory_space<vmem>> -> memref<1x64x512xf32, #tpu.memory_space<vmem>>
            %gather3A_295 = tpu.memref_squeeze %gather3A_294 : memref<1x64x512xf32, #tpu.memory_space<vmem>> -> memref<64x512xf32, #tpu.memory_space<vmem>>
            %gather3A_296 = tpu.vector_load_idx %gather3A_295[%add3A_36, %broadcast_in_dim3A_275] : memref<64x512xf32, #tpu.memory_space<vmem>>[vector<16xi32>, vector<16xi32>], vector<16xf32>,
            %swap3A_297 = arith.index_cast %and3A_260 : i32 to index
            %swap3A_298 = arith.constant 32 : index
            %swap3A_299 = tpu.vector_load %arg8[%swap3A_297, %swap3A_298] {strides = array<i32>} : memref<256x128xf32, #tpu.memory_space<vmem>>, vector<16xf32>,
            tpu.vector_store %arg8[%swap3A_297, %swap3A_298], %gather3A_296 {strides = array<i32>} : memref<256x128xf32, #tpu.memory_space<vmem>>, vector<16xf32>,
            %gather3A_300 = arith.constant 0 : i32
            %gather3A_301 = arith.constant 0 : i32
            %gather3A_302 = tpu.memref_slice %arg7[%and3A_146, %gather3A_300, %gather3A_301] : memref<2x64x512xf32, #tpu.memory_space<vmem>> -> memref<1x64x512xf32, #tpu.memory_space<vmem>>
            %gather3A_303 = tpu.memref_squeeze %gather3A_302 : memref<1x64x512xf32, #tpu.memory_space<vmem>> -> memref<64x512xf32, #tpu.memory_space<vmem>>
            %gather3A_304 = tpu.vector_load_idx %gather3A_303[%add3A_39, %broadcast_in_dim3A_275] : memref<64x512xf32, #tpu.memory_space<vmem>>[vector<16xi32>, vector<16xi32>], vector<16xf32>,
            %swap3A_305 = arith.index_cast %and3A_260 : i32 to index
            %swap3A_306 = arith.constant 48 : index
            %swap3A_307 = tpu.vector_load %arg8[%swap3A_305, %swap3A_306] {strides = array<i32>} : memref<256x128xf32, #tpu.memory_space<vmem>>, vector<16xf32>,
            tpu.vector_store %arg8[%swap3A_305, %swap3A_306], %gather3A_304 {strides = array<i32>} : memref<256x128xf32, #tpu.memory_space<vmem>>, vector<16xf32>,
            %and3A_308 = arith.constant 127 : i32
            %and3A_309 = arith.andi %get3A_258, %and3A_308 : i32
            %shift_right_arithmetic3A_310 = arith.constant 4 : i32
            %shift_right_arithmetic3A_311 = arith.shrsi %and3A_309, %shift_right_arithmetic3A_310 : i32
            %shift_left3A = arith.constant 4 : i32
            %shift_left3A_312 = arith.shli %shift_right_arithmetic3A_311, %shift_left3A : i32
            %get3A_313 = arith.index_cast %shift_right_arithmetic3A_264 : i32 to index
            %get3A_314 = arith.index_cast %shift_left3A_312 : i32 to index
            %get3A_315 = tpu.vector_load %arg9[%get3A_313, %get3A_314] {strides = array<i32>} : memref<2x128xi32, #tpu.memory_space<vmem>>, vector<16xi32>,
            %and3A_316 = arith.constant 15 : i32
            %and3A_317 = arith.andi %get3A_258, %and3A_316 : i32
            %eq3A_318 = vector.broadcast %and3A_317 : i32 to vector<16xi32>
            %eq3A_319 = arith.cmpi eq, %iota3A, %eq3A_318 : vector<16xi32>
            %broadcast_in_dim3A_320 = vector.broadcast %select_n3A_250 : i32 to vector<16xi32>
            %select_n3A_321 = arith.select %eq3A_319, %broadcast_in_dim3A_320, %get3A_315 : vector<16xi1>, vector<16xi32>
            %swap3A_322 = arith.index_cast %shift_right_arithmetic3A_264 : i32 to index
            %swap3A_323 = arith.index_cast %shift_left3A_312 : i32 to index
            %swap3A_324 = tpu.vector_load %arg9[%swap3A_322, %swap3A_323] {strides = array<i32>} : memref<2x128xi32, #tpu.memory_space<vmem>>, vector<16xi32>,
            tpu.vector_store %arg9[%swap3A_322, %swap3A_323], %select_n3A_321 {strides = array<i32>} : memref<2x128xi32, #tpu.memory_space<vmem>>, vector<16xi32>,
            %add3A_325 = arith.constant 1 : i32
            %add3A_326 = arith.addi %get3A_258, %add3A_325 : i32
            %swap3A_327 = arith.constant 0 : i32
            %swap3A_328 = arith.index_cast %swap3A_327 : i32 to index
            %swap3A_329 = memref.load %arg10[%swap3A_328] : memref<8xi32, #tpu.memory_space<smem>>
            memref.store %add3A_326, %arg10[%swap3A_328] : memref<8xi32, #tpu.memory_space<smem>>
            %and3A_330 = arith.constant 127 : i32
            %and3A_331 = arith.andi %get3A_258, %and3A_330 : i32
            %eq3A_332 = arith.constant 127 : i32
            %eq3A_333 = arith.cmpi eq, %and3A_331, %eq3A_332 : i32
            %convert_element_type3A_334 = arith.extui %eq3A_333 : i1 to i32
            %cond3A_335 = arith.constant 0 : i32
            %cond3A_336 = arith.cmpi ne, %convert_element_type3A_334, %cond3A_335 : i32
            scf.if %cond3A_336 {
              %mul3A_340 = arith.constant 128 : i32
              %mul3A_341 = arith.muli %shift_right_arithmetic3A_264, %mul3A_340 : i32
              %dma_start3A_342 = arith.constant 0 : i32
              %dma_start3A_343 = tpu.memref_slice %arg8[%mul3A_341, %dma_start3A_342] : memref<256x128xf32, #tpu.memory_space<vmem>> -> memref<128x128xf32, #tpu.memory_space<vmem>>
              %dma_start3A_344 = arith.constant 0 : i32
              %dma_start3A_345 = tpu.memref_slice %arg9[%shift_right_arithmetic3A_264, %dma_start3A_344] : memref<2x128xi32, #tpu.memory_space<vmem>> -> memref<1x128xi32, #tpu.memory_space<vmem>>
              %dma_start3A_346 = tpu.memref_squeeze %dma_start3A_345 : memref<1x128xi32, #tpu.memory_space<vmem>> -> memref<128xi32, #tpu.memory_space<vmem>>
              %dma_start3A_347 = arith.constant 0 : i32
              %dma_start3A_348 = arith.constant 0 : i32
              %dma_start3A_349 = tpu.memref_slice %arg4[%dma_start3A_347, %dma_start3A_348] : memref<16512x128xf32, #tpu.memory_space<hbm>> -> memref<16512x128xf32, #tpu.memory_space<hbm>>
              tpu.enqueue_indirect_dma source(%dma_start3A_343 : memref<128x128xf32, #tpu.memory_space<vmem>>) target(%dma_start3A_349 : memref<16512x128xf32, #tpu.memory_space<hbm>>) offsets(%dma_start3A_346 : memref<128xi32, #tpu.memory_space<vmem>>) semaphore(%arg13 : memref<!tpu.dma_semaphore, #tpu.memory_space<semaphore_mem>>)
              %get3A_350 = arith.constant 1 : i32
              %get3A_351 = arith.index_cast %get3A_350 : i32 to index
              %get3A_352 = memref.load %arg10[%get3A_351] : memref<8xi32, #tpu.memory_space<smem>>
              %add3A_353 = arith.constant 1 : i32
              %add3A_354 = arith.addi %get3A_352, %add3A_353 : i32
              %swap3A_355 = arith.constant 1 : i32
              %swap3A_356 = arith.index_cast %swap3A_355 : i32 to index
              %swap3A_357 = memref.load %arg10[%swap3A_356] : memref<8xi32, #tpu.memory_space<smem>>
              memref.store %add3A_354, %arg10[%swap3A_356] : memref<8xi32, #tpu.memory_space<smem>>
            } else {
            }
            %ne3A_337 = vector.broadcast %squeeze3A_229 : i32 to vector<16xi32>
            %ne3A_338 = arith.cmpi ne, %iota3A, %ne3A_337 : vector<16xi32>
            %and3A_339 = arith.andi %while3A_227, %ne3A_338 : vector<16xi1>
            scf.yield %and3A_339 : vector<16xi1>
          }
          %while3A_224 = arith.constant 1 : i32
          %while3A_225 = scf.for %while3A_226 = %while3A_221 to %while3A_217 step %while3A_224 iter_args(%while3A_227 = %while3A_223) -> (vector<16xi1>)  : i32 {
            %all_reduce_ffs3A = tpu.all_reduce %while3A_227 {dim = 0 : i64, kind = #tpu.reduction_kind<find_first_set>} : vector<16xi1> -> vector<16xi32>
            %slice3A_228 = vector.extract_strided_slice %all_reduce_ffs3A {offsets = [0], sizes = [1], strides = [1]} : vector<16xi32> to vector<1xi32>
            %squeeze3A_229 = vector.extract %slice3A_228[0] : i32 from vector<1xi32>
            %broadcast_in_dim3A_230 = vector.broadcast %squeeze3A_229 : i32 to vector<16xi32>
            %lt3A_231 = arith.constant 0 : i32
            %lt3A_232 = vector.broadcast %lt3A_231 : i32 to vector<16xi32>
            %lt3A_233 = arith.cmpi slt, %broadcast_in_dim3A_230, %lt3A_232 : vector<16xi32>
            %add3A_234 = arith.constant 16 : i32
            %add3A_235 = vector.broadcast %add3A_234 : i32 to vector<16xi32>
            %add3A_236 = arith.addi %broadcast_in_dim3A_230, %add3A_235 : vector<16xi32>
            %select_n3A_237 = arith.select %lt3A_233, %add3A_236, %broadcast_in_dim3A_230 : vector<16xi1>, vector<16xi32>
            %broadcast_in_dim3A_238 = vector.shape_cast %select_n3A_237 : vector<16xi32> to vector<16x1xi32>
            %gather3A = vector.shape_cast %broadcast_in_dim3A_238 : vector<16x1xi32> to vector<16xi32>
            %gather3A_239 = tpu.dynamic_gather %get3A_193[%gather3A] in [0] : vector<16xi32>, vector<16xi32> -> vector<16xi32>
            %slice3A_240 = vector.extract_strided_slice %gather3A_239 {offsets = [0], sizes = [1], strides = [1]} : vector<16xi32> to vector<1xi32>
            %squeeze3A_241 = vector.extract %slice3A_240[0] : i32 from vector<1xi32>
            %ge3A_242 = arith.constant 1073741824 : i32
            %ge3A_243 = arith.cmpi sge, %squeeze3A_241, %ge3A_242 : i32
            %and3A_244 = arith.constant 127 : i32
            %and3A_245 = arith.andi %squeeze3A_241, %and3A_244 : i32
            %add3A_246 = arith.constant 16384 : i32
            %add3A_247 = arith.addi %add3A_246, %and3A_245 : i32
            %shift_right_arithmetic3A_248 = arith.constant 15 : i32
            %shift_right_arithmetic3A_249 = arith.shrsi %squeeze3A_241, %shift_right_arithmetic3A_248 : i32
            %select_n3A_250 = arith.select %ge3A_243, %add3A_247, %shift_right_arithmetic3A_249 : i32
            %and3A_251 = arith.constant 32767 : i32
            %and3A_252 = arith.andi %squeeze3A_241, %and3A_251 : i32
            %sub3A_253 = arith.subi %and3A_252, %mul3A_178 : i32
            %jit3A_254 = arith.constant 0 : i32
            %select_n3A_255 = arith.select %ge3A_243, %jit3A_254, %sub3A_253 : i32
            %get3A_256 = arith.constant 0 : i32
            %get3A_257 = arith.index_cast %get3A_256 : i32 to index
            %get3A_258 = memref.load %arg10[%get3A_257] : memref<8xi32, #tpu.memory_space<smem>>
            %and3A_259 = arith.constant 255 : i32
            %and3A_260 = arith.andi %get3A_258, %and3A_259 : i32
            %and3A_261 = arith.constant 255 : i32
            %and3A_262 = arith.andi %get3A_258, %and3A_261 : i32
            %shift_right_arithmetic3A_263 = arith.constant 7 : i32
            %shift_right_arithmetic3A_264 = arith.shrsi %and3A_262, %shift_right_arithmetic3A_263 : i32
            %and3A_265 = arith.constant 127 : i32
            %and3A_266 = arith.andi %get3A_258, %and3A_265 : i32
            %eq3A_267 = arith.constant 0 : i32
            %eq3A_268 = arith.cmpi eq, %and3A_266, %eq3A_267 : i32
            %ge3A_269 = arith.constant 256 : i32
            %ge3A_270 = arith.cmpi sge, %get3A_258, %ge3A_269 : i32
            %and3A_271 = arith.andi %eq3A_268, %ge3A_270 : i1
            %convert_element_type3A_272 = arith.extui %and3A_271 : i1 to i32
            %cond3A_273 = arith.constant 0 : i32
            %cond3A_274 = arith.cmpi ne, %convert_element_type3A_272, %cond3A_273 : i32
            scf.if %cond3A_274 {
              %mul3A_340 = arith.constant 128 : i32
              %mul3A_341 = arith.muli %shift_right_arithmetic3A_264, %mul3A_340 : i32
              %dma_wait3A = arith.constant 0 : i32
              %dma_wait3A_342 = tpu.memref_slice %arg8[%mul3A_341, %dma_wait3A] : memref<256x128xf32, #tpu.memory_space<vmem>> -> memref<128x128xf32, #tpu.memory_space<vmem>>
              %dma_wait3A_343 = arith.constant 0 : i32
              %dma_wait3A_344 = arith.constant 0 : i32
              %dma_wait3A_345 = tpu.memref_slice %arg4[%dma_wait3A_343, %dma_wait3A_344] : memref<16512x128xf32, #tpu.memory_space<hbm>> -> memref<128x128xf32, #tpu.memory_space<hbm>>
              %dma_wait3A_346 = arith.constant 0 : i32
              %dma_wait3A_347 = tpu.memref_slice %arg8[%mul3A_341, %dma_wait3A_346] : memref<256x128xf32, #tpu.memory_space<vmem>> -> memref<128x128xf32, #tpu.memory_space<vmem>>
              %dma_wait3A_348 = arith.constant 0 : i32
              %dma_wait3A_349 = arith.constant 0 : i32
              %dma_wait3A_350 = tpu.memref_slice %arg4[%dma_wait3A_348, %dma_wait3A_349] : memref<16512x128xf32, #tpu.memory_space<hbm>> -> memref<128x128xf32, #tpu.memory_space<hbm>>
              tpu.wait_dma2 semaphore(%arg13 : memref<!tpu.dma_semaphore, #tpu.memory_space<semaphore_mem>>) src(%dma_wait3A_350 : memref<128x128xf32, #tpu.memory_space<hbm>>) dst(%dma_wait3A_347 : memref<128x128xf32, #tpu.memory_space<vmem>>)
              %get3A_351 = arith.constant 2 : i32
              %get3A_352 = arith.index_cast %get3A_351 : i32 to index
              %get3A_353 = memref.load %arg10[%get3A_352] : memref<8xi32, #tpu.memory_space<smem>>
              %add3A_354 = arith.constant 1 : i32
              %add3A_355 = arith.addi %get3A_353, %add3A_354 : i32
              %swap3A_356 = arith.constant 2 : i32
              %swap3A_357 = arith.index_cast %swap3A_356 : i32 to index
              %swap3A_358 = memref.load %arg10[%swap3A_357] : memref<8xi32, #tpu.memory_space<smem>>
              memref.store %add3A_355, %arg10[%swap3A_357] : memref<8xi32, #tpu.memory_space<smem>>
            } else {
            }
            %broadcast_in_dim3A_275 = vector.broadcast %select_n3A_255 : i32 to vector<16xi32>
            %gather3A_276 = arith.constant 0 : i32
            %gather3A_277 = arith.constant 0 : i32
            %gather3A_278 = tpu.memref_slice %arg7[%and3A_146, %gather3A_276, %gather3A_277] : memref<2x64x512xf32, #tpu.memory_space<vmem>> -> memref<1x64x512xf32, #tpu.memory_space<vmem>>
            %gather3A_279 = tpu.memref_squeeze %gather3A_278 : memref<1x64x512xf32, #tpu.memory_space<vmem>> -> memref<64x512xf32, #tpu.memory_space<vmem>>
            %gather3A_280 = tpu.vector_load_idx %gather3A_279[%add3A_30, %broadcast_in_dim3A_275] : memref<64x512xf32, #tpu.memory_space<vmem>>[vector<16xi32>, vector<16xi32>], vector<16xf32>,
            %swap3A_281 = arith.index_cast %and3A_260 : i32 to index
            %swap3A_282 = arith.constant 0 : index
            %swap3A_283 = tpu.vector_load %arg8[%swap3A_281, %swap3A_282] {strides = array<i32>} : memref<256x128xf32, #tpu.memory_space<vmem>>, vector<16xf32>,
            tpu.vector_store %arg8[%swap3A_281, %swap3A_282], %gather3A_280 {strides = array<i32>} : memref<256x128xf32, #tpu.memory_space<vmem>>, vector<16xf32>,
            %gather3A_284 = arith.constant 0 : i32
            %gather3A_285 = arith.constant 0 : i32
            %gather3A_286 = tpu.memref_slice %arg7[%and3A_146, %gather3A_284, %gather3A_285] : memref<2x64x512xf32, #tpu.memory_space<vmem>> -> memref<1x64x512xf32, #tpu.memory_space<vmem>>
            %gather3A_287 = tpu.memref_squeeze %gather3A_286 : memref<1x64x512xf32, #tpu.memory_space<vmem>> -> memref<64x512xf32, #tpu.memory_space<vmem>>
            %gather3A_288 = tpu.vector_load_idx %gather3A_287[%add3A_33, %broadcast_in_dim3A_275] : memref<64x512xf32, #tpu.memory_space<vmem>>[vector<16xi32>, vector<16xi32>], vector<16xf32>,
            %swap3A_289 = arith.index_cast %and3A_260 : i32 to index
            %swap3A_290 = arith.constant 16 : index
            %swap3A_291 = tpu.vector_load %arg8[%swap3A_289, %swap3A_290] {strides = array<i32>} : memref<256x128xf32, #tpu.memory_space<vmem>>, vector<16xf32>,
            tpu.vector_store %arg8[%swap3A_289, %swap3A_290], %gather3A_288 {strides = array<i32>} : memref<256x128xf32, #tpu.memory_space<vmem>>, vector<16xf32>,
            %gather3A_292 = arith.constant 0 : i32
            %gather3A_293 = arith.constant 0 : i32
            %gather3A_294 = tpu.memref_slice %arg7[%and3A_146, %gather3A_292, %gather3A_293] : memref<2x64x512xf32, #tpu.memory_space<vmem>> -> memref<1x64x512xf32, #tpu.memory_space<vmem>>
            %gather3A_295 = tpu.memref_squeeze %gather3A_294 : memref<1x64x512xf32, #tpu.memory_space<vmem>> -> memref<64x512xf32, #tpu.memory_space<vmem>>
            %gather3A_296 = tpu.vector_load_idx %gather3A_295[%add3A_36, %broadcast_in_dim3A_275] : memref<64x512xf32, #tpu.memory_space<vmem>>[vector<16xi32>, vector<16xi32>], vector<16xf32>,
            %swap3A_297 = arith.index_cast %and3A_260 : i32 to index
            %swap3A_298 = arith.constant 32 : index
            %swap3A_299 = tpu.vector_load %arg8[%swap3A_297, %swap3A_298] {strides = array<i32>} : memref<256x128xf32, #tpu.memory_space<vmem>>, vector<16xf32>,
            tpu.vector_store %arg8[%swap3A_297, %swap3A_298], %gather3A_296 {strides = array<i32>} : memref<256x128xf32, #tpu.memory_space<vmem>>, vector<16xf32>,
            %gather3A_300 = arith.constant 0 : i32
            %gather3A_301 = arith.constant 0 : i32
            %gather3A_302 = tpu.memref_slice %arg7[%and3A_146, %gather3A_300, %gather3A_301] : memref<2x64x512xf32, #tpu.memory_space<vmem>> -> memref<1x64x512xf32, #tpu.memory_space<vmem>>
            %gather3A_303 = tpu.memref_squeeze %gather3A_302 : memref<1x64x512xf32, #tpu.memory_space<vmem>> -> memref<64x512xf32, #tpu.memory_space<vmem>>
            %gather3A_304 = tpu.vector_load_idx %gather3A_303[%add3A_39, %broadcast_in_dim3A_275] : memref<64x512xf32, #tpu.memory_space<vmem>>[vector<16xi32>, vector<16xi32>], vector<16xf32>,
            %swap3A_305 = arith.index_cast %and3A_260 : i32 to index
            %swap3A_306 = arith.constant 48 : index
            %swap3A_307 = tpu.vector_load %arg8[%swap3A_305, %swap3A_306] {strides = array<i32>} : memref<256x128xf32, #tpu.memory_space<vmem>>, vector<16xf32>,
            tpu.vector_store %arg8[%swap3A_305, %swap3A_306], %gather3A_304 {strides = array<i32>} : memref<256x128xf32, #tpu.memory_space<vmem>>, vector<16xf32>,
            %and3A_308 = arith.constant 127 : i32
            %and3A_309 = arith.andi %get3A_258, %and3A_308 : i32
            %shift_right_arithmetic3A_310 = arith.constant 4 : i32
            %shift_right_arithmetic3A_311 = arith.shrsi %and3A_309, %shift_right_arithmetic3A_310 : i32
            %shift_left3A = arith.constant 4 : i32
            %shift_left3A_312 = arith.shli %shift_right_arithmetic3A_311, %shift_left3A : i32
            %get3A_313 = arith.index_cast %shift_right_arithmetic3A_264 : i32 to index
            %get3A_314 = arith.index_cast %shift_left3A_312 : i32 to index
            %get3A_315 = tpu.vector_load %arg9[%get3A_313, %get3A_314] {strides = array<i32>} : memref<2x128xi32, #tpu.memory_space<vmem>>, vector<16xi32>,
            %and3A_316 = arith.constant 15 : i32
            %and3A_317 = arith.andi %get3A_258, %and3A_316 : i32
            %eq3A_318 = vector.broadcast %and3A_317 : i32 to vector<16xi32>
            %eq3A_319 = arith.cmpi eq, %iota3A, %eq3A_318 : vector<16xi32>
            %broadcast_in_dim3A_320 = vector.broadcast %select_n3A_250 : i32 to vector<16xi32>
            %select_n3A_321 = arith.select %eq3A_319, %broadcast_in_dim3A_320, %get3A_315 : vector<16xi1>, vector<16xi32>
            %swap3A_322 = arith.index_cast %shift_right_arithmetic3A_264 : i32 to index
            %swap3A_323 = arith.index_cast %shift_left3A_312 : i32 to index
            %swap3A_324 = tpu.vector_load %arg9[%swap3A_322, %swap3A_323] {strides = array<i32>} : memref<2x128xi32, #tpu.memory_space<vmem>>, vector<16xi32>,
            tpu.vector_store %arg9[%swap3A_322, %swap3A_323], %select_n3A_321 {strides = array<i32>} : memref<2x128xi32, #tpu.memory_space<vmem>>, vector<16xi32>,
            %add3A_325 = arith.constant 1 : i32
            %add3A_326 = arith.addi %get3A_258, %add3A_325 : i32
            %swap3A_327 = arith.constant 0 : i32
            %swap3A_328 = arith.index_cast %swap3A_327 : i32 to index
            %swap3A_329 = memref.load %arg10[%swap3A_328] : memref<8xi32, #tpu.memory_space<smem>>
            memref.store %add3A_326, %arg10[%swap3A_328] : memref<8xi32, #tpu.memory_space<smem>>
            %and3A_330 = arith.constant 127 : i32
            %and3A_331 = arith.andi %get3A_258, %and3A_330 : i32
            %eq3A_332 = arith.constant 127 : i32
            %eq3A_333 = arith.cmpi eq, %and3A_331, %eq3A_332 : i32
            %convert_element_type3A_334 = arith.extui %eq3A_333 : i1 to i32
            %cond3A_335 = arith.constant 0 : i32
            %cond3A_336 = arith.cmpi ne, %convert_element_type3A_334, %cond3A_335 : i32
            scf.if %cond3A_336 {
              %mul3A_340 = arith.constant 128 : i32
              %mul3A_341 = arith.muli %shift_right_arithmetic3A_264, %mul3A_340 : i32
              %dma_start3A_342 = arith.constant 0 : i32
              %dma_start3A_343 = tpu.memref_slice %arg8[%mul3A_341, %dma_start3A_342] : memref<256x128xf32, #tpu.memory_space<vmem>> -> memref<128x128xf32, #tpu.memory_space<vmem>>
              %dma_start3A_344 = arith.constant 0 : i32
              %dma_start3A_345 = tpu.memref_slice %arg9[%shift_right_arithmetic3A_264, %dma_start3A_344] : memref<2x128xi32, #tpu.memory_space<vmem>> -> memref<1x128xi32, #tpu.memory_space<vmem>>
              %dma_start3A_346 = tpu.memref_squeeze %dma_start3A_345 : memref<1x128xi32, #tpu.memory_space<vmem>> -> memref<128xi32, #tpu.memory_space<vmem>>
              %dma_start3A_347 = arith.constant 0 : i32
              %dma_start3A_348 = arith.constant 0 : i32
              %dma_start3A_349 = tpu.memref_slice %arg4[%dma_start3A_347, %dma_start3A_348] : memref<16512x128xf32, #tpu.memory_space<hbm>> -> memref<16512x128xf32, #tpu.memory_space<hbm>>
              tpu.enqueue_indirect_dma source(%dma_start3A_343 : memref<128x128xf32, #tpu.memory_space<vmem>>) target(%dma_start3A_349 : memref<16512x128xf32, #tpu.memory_space<hbm>>) offsets(%dma_start3A_346 : memref<128xi32, #tpu.memory_space<vmem>>) semaphore(%arg13 : memref<!tpu.dma_semaphore, #tpu.memory_space<semaphore_mem>>)
              %get3A_350 = arith.constant 1 : i32
              %get3A_351 = arith.index_cast %get3A_350 : i32 to index
              %get3A_352 = memref.load %arg10[%get3A_351] : memref<8xi32, #tpu.memory_space<smem>>
              %add3A_353 = arith.constant 1 : i32
              %add3A_354 = arith.addi %get3A_352, %add3A_353 : i32
              %swap3A_355 = arith.constant 1 : i32
              %swap3A_356 = arith.index_cast %swap3A_355 : i32 to index
              %swap3A_357 = memref.load %arg10[%swap3A_356] : memref<8xi32, #tpu.memory_space<smem>>
              memref.store %add3A_354, %arg10[%swap3A_356] : memref<8xi32, #tpu.memory_space<smem>>
            } else {
            }
            %ne3A_337 = vector.broadcast %squeeze3A_229 : i32 to vector<16xi32>
            %ne3A_338 = arith.cmpi ne, %iota3A, %ne3A_337 : vector<16xi32>
            %and3A_339 = arith.andi %while3A_227, %ne3A_338 : vector<16xi1>
            scf.yield %and3A_339 : vector<16xi1>
          }
        } else {
        }
      }
      %while3A_188 = arith.constant 1 : i32
      scf.for %while3A_189 = %while3A_186 to %while3A_182 step %while3A_188  : i32 {
        %mul3A_190 = arith.constant 16 : i32
        %mul3A_191 = arith.muli %while3A_189, %mul3A_190 : i32
        %get3A_192 = arith.index_cast %mul3A_191 : i32 to index
        %get3A_193 = tpu.vector_load %arg6[%get3A_192] {strides = array<i32>} : memref<1040xi32, #tpu.memory_space<vmem>>, vector<16xi32>,
        %and3A_194 = arith.constant 32767 : i32
        %and3A_195 = vector.broadcast %and3A_194 : i32 to vector<16xi32>
        %and3A_196 = arith.andi %get3A_193, %and3A_195 : vector<16xi32>
        %ge3A = arith.constant 1073741824 : i32
        %ge3A_197 = vector.broadcast %ge3A : i32 to vector<16xi32>
        %ge3A_198 = arith.cmpi sge, %get3A_193, %ge3A_197 : vector<16xi32>
        %shift_right_arithmetic3A = arith.constant 9 : i32
        %shift_right_arithmetic3A_199 = vector.broadcast %shift_right_arithmetic3A : i32 to vector<16xi32>
        %shift_right_arithmetic3A_200 = arith.shrsi %and3A_196, %shift_right_arithmetic3A_199 : vector<16xi32>
        %eq3A_201 = vector.broadcast %while3A_144 : i32 to vector<16xi32>
        %eq3A_202 = arith.cmpi eq, %shift_right_arithmetic3A_200, %eq3A_201 : vector<16xi32>
        %eq3A_203 = arith.constant 0 : i32
        %eq3A_204 = arith.cmpi eq, %while3A_144, %eq3A_203 : i32
        %and3A_205 = vector.broadcast %eq3A_204 : i1 to vector<16xi1>
        %and3A_206 = arith.andi %ge3A_198, %and3A_205 : vector<16xi1>
        %or3A = arith.ori %eq3A_202, %and3A_206 : vector<16xi1>
        %ge3A_207 = arith.constant 0 : i32
        %ge3A_208 = vector.broadcast %ge3A_207 : i32 to vector<16xi32>
        %ge3A_209 = arith.cmpi sge, %get3A_193, %ge3A_208 : vector<16xi32>
        %and3A_210 = arith.andi %or3A, %ge3A_209 : vector<16xi1>
        %all_reduce_population_count3A = tpu.all_reduce %and3A_210 {dim = 0 : i64, kind = #tpu.reduction_kind<sum>} : vector<16xi1> -> vector<16xi32>
        %slice3A = vector.extract_strided_slice %all_reduce_population_count3A {offsets = [0], sizes = [1], strides = [1]} : vector<16xi32> to vector<1xi32>
        %squeeze3A = vector.extract %slice3A[0] : i32 from vector<1xi32>
        %gt3A = arith.constant 0 : i32
        %gt3A_211 = arith.cmpi sgt, %squeeze3A, %gt3A : i32
        %convert_element_type3A_212 = arith.extui %gt3A_211 : i1 to i32
        %cond3A_213 = arith.constant 0 : i32
        %cond3A_214 = arith.cmpi ne, %convert_element_type3A_212, %cond3A_213 : i32
        scf.if %cond3A_214 {
          %while3A_215 = arith.constant 0 : i32
          %while3A_216 = arith.subi %squeeze3A, %while3A_215 : i32
          %while3A_217 = arith.addi %while3A_215, %while3A_216 : i32
          %while3A_218 = arith.constant 1 : i32
          %while3A_219 = arith.divsi %while3A_216, %while3A_218 : i32
          %while3A_220 = arith.muli %while3A_219, %while3A_218 : i32
          %while3A_221 = arith.addi %while3A_215, %while3A_220 : i32
          %while3A_222 = arith.constant 1 : i32
          %while3A_223 = scf.for %while3A_226 = %while3A_215 to %while3A_221 step %while3A_222 iter_args(%while3A_227 = %and3A_210) -> (vector<16xi1>)  : i32 {
            %all_reduce_ffs3A = tpu.all_reduce %while3A_227 {dim = 0 : i64, kind = #tpu.reduction_kind<find_first_set>} : vector<16xi1> -> vector<16xi32>
            %slice3A_228 = vector.extract_strided_slice %all_reduce_ffs3A {offsets = [0], sizes = [1], strides = [1]} : vector<16xi32> to vector<1xi32>
            %squeeze3A_229 = vector.extract %slice3A_228[0] : i32 from vector<1xi32>
            %broadcast_in_dim3A_230 = vector.broadcast %squeeze3A_229 : i32 to vector<16xi32>
            %lt3A_231 = arith.constant 0 : i32
            %lt3A_232 = vector.broadcast %lt3A_231 : i32 to vector<16xi32>
            %lt3A_233 = arith.cmpi slt, %broadcast_in_dim3A_230, %lt3A_232 : vector<16xi32>
            %add3A_234 = arith.constant 16 : i32
            %add3A_235 = vector.broadcast %add3A_234 : i32 to vector<16xi32>
            %add3A_236 = arith.addi %broadcast_in_dim3A_230, %add3A_235 : vector<16xi32>
            %select_n3A_237 = arith.select %lt3A_233, %add3A_236, %broadcast_in_dim3A_230 : vector<16xi1>, vector<16xi32>
            %broadcast_in_dim3A_238 = vector.shape_cast %select_n3A_237 : vector<16xi32> to vector<16x1xi32>
            %gather3A = vector.shape_cast %broadcast_in_dim3A_238 : vector<16x1xi32> to vector<16xi32>
            %gather3A_239 = tpu.dynamic_gather %get3A_193[%gather3A] in [0] : vector<16xi32>, vector<16xi32> -> vector<16xi32>
            %slice3A_240 = vector.extract_strided_slice %gather3A_239 {offsets = [0], sizes = [1], strides = [1]} : vector<16xi32> to vector<1xi32>
            %squeeze3A_241 = vector.extract %slice3A_240[0] : i32 from vector<1xi32>
            %ge3A_242 = arith.constant 1073741824 : i32
            %ge3A_243 = arith.cmpi sge, %squeeze3A_241, %ge3A_242 : i32
            %and3A_244 = arith.constant 127 : i32
            %and3A_245 = arith.andi %squeeze3A_241, %and3A_244 : i32
            %add3A_246 = arith.constant 16384 : i32
            %add3A_247 = arith.addi %add3A_246, %and3A_245 : i32
            %shift_right_arithmetic3A_248 = arith.constant 15 : i32
            %shift_right_arithmetic3A_249 = arith.shrsi %squeeze3A_241, %shift_right_arithmetic3A_248 : i32
            %select_n3A_250 = arith.select %ge3A_243, %add3A_247, %shift_right_arithmetic3A_249 : i32
            %and3A_251 = arith.constant 32767 : i32
            %and3A_252 = arith.andi %squeeze3A_241, %and3A_251 : i32
            %sub3A_253 = arith.subi %and3A_252, %mul3A_178 : i32
            %jit3A_254 = arith.constant 0 : i32
            %select_n3A_255 = arith.select %ge3A_243, %jit3A_254, %sub3A_253 : i32
            %get3A_256 = arith.constant 0 : i32
            %get3A_257 = arith.index_cast %get3A_256 : i32 to index
            %get3A_258 = memref.load %arg10[%get3A_257] : memref<8xi32, #tpu.memory_space<smem>>
            %and3A_259 = arith.constant 255 : i32
            %and3A_260 = arith.andi %get3A_258, %and3A_259 : i32
            %and3A_261 = arith.constant 255 : i32
            %and3A_262 = arith.andi %get3A_258, %and3A_261 : i32
            %shift_right_arithmetic3A_263 = arith.constant 7 : i32
            %shift_right_arithmetic3A_264 = arith.shrsi %and3A_262, %shift_right_arithmetic3A_263 : i32
            %and3A_265 = arith.constant 127 : i32
            %and3A_266 = arith.andi %get3A_258, %and3A_265 : i32
            %eq3A_267 = arith.constant 0 : i32
            %eq3A_268 = arith.cmpi eq, %and3A_266, %eq3A_267 : i32
            %ge3A_269 = arith.constant 256 : i32
            %ge3A_270 = arith.cmpi sge, %get3A_258, %ge3A_269 : i32
            %and3A_271 = arith.andi %eq3A_268, %ge3A_270 : i1
            %convert_element_type3A_272 = arith.extui %and3A_271 : i1 to i32
            %cond3A_273 = arith.constant 0 : i32
            %cond3A_274 = arith.cmpi ne, %convert_element_type3A_272, %cond3A_273 : i32
            scf.if %cond3A_274 {
              %mul3A_340 = arith.constant 128 : i32
              %mul3A_341 = arith.muli %shift_right_arithmetic3A_264, %mul3A_340 : i32
              %dma_wait3A = arith.constant 0 : i32
              %dma_wait3A_342 = tpu.memref_slice %arg8[%mul3A_341, %dma_wait3A] : memref<256x128xf32, #tpu.memory_space<vmem>> -> memref<128x128xf32, #tpu.memory_space<vmem>>
              %dma_wait3A_343 = arith.constant 0 : i32
              %dma_wait3A_344 = arith.constant 0 : i32
              %dma_wait3A_345 = tpu.memref_slice %arg4[%dma_wait3A_343, %dma_wait3A_344] : memref<16512x128xf32, #tpu.memory_space<hbm>> -> memref<128x128xf32, #tpu.memory_space<hbm>>
              %dma_wait3A_346 = arith.constant 0 : i32
              %dma_wait3A_347 = tpu.memref_slice %arg8[%mul3A_341, %dma_wait3A_346] : memref<256x128xf32, #tpu.memory_space<vmem>> -> memref<128x128xf32, #tpu.memory_space<vmem>>
              %dma_wait3A_348 = arith.constant 0 : i32
              %dma_wait3A_349 = arith.constant 0 : i32
              %dma_wait3A_350 = tpu.memref_slice %arg4[%dma_wait3A_348, %dma_wait3A_349] : memref<16512x128xf32, #tpu.memory_space<hbm>> -> memref<128x128xf32, #tpu.memory_space<hbm>>
              tpu.wait_dma2 semaphore(%arg13 : memref<!tpu.dma_semaphore, #tpu.memory_space<semaphore_mem>>) src(%dma_wait3A_350 : memref<128x128xf32, #tpu.memory_space<hbm>>) dst(%dma_wait3A_347 : memref<128x128xf32, #tpu.memory_space<vmem>>)
              %get3A_351 = arith.constant 2 : i32
              %get3A_352 = arith.index_cast %get3A_351 : i32 to index
              %get3A_353 = memref.load %arg10[%get3A_352] : memref<8xi32, #tpu.memory_space<smem>>
              %add3A_354 = arith.constant 1 : i32
              %add3A_355 = arith.addi %get3A_353, %add3A_354 : i32
              %swap3A_356 = arith.constant 2 : i32
              %swap3A_357 = arith.index_cast %swap3A_356 : i32 to index
              %swap3A_358 = memref.load %arg10[%swap3A_357] : memref<8xi32, #tpu.memory_space<smem>>
              memref.store %add3A_355, %arg10[%swap3A_357] : memref<8xi32, #tpu.memory_space<smem>>
            } else {
            }
            %broadcast_in_dim3A_275 = vector.broadcast %select_n3A_255 : i32 to vector<16xi32>
            %gather3A_276 = arith.constant 0 : i32
            %gather3A_277 = arith.constant 0 : i32
            %gather3A_278 = tpu.memref_slice %arg7[%and3A_146, %gather3A_276, %gather3A_277] : memref<2x64x512xf32, #tpu.memory_space<vmem>> -> memref<1x64x512xf32, #tpu.memory_space<vmem>>
            %gather3A_279 = tpu.memref_squeeze %gather3A_278 : memref<1x64x512xf32, #tpu.memory_space<vmem>> -> memref<64x512xf32, #tpu.memory_space<vmem>>
            %gather3A_280 = tpu.vector_load_idx %gather3A_279[%add3A_30, %broadcast_in_dim3A_275] : memref<64x512xf32, #tpu.memory_space<vmem>>[vector<16xi32>, vector<16xi32>], vector<16xf32>,
            %swap3A_281 = arith.index_cast %and3A_260 : i32 to index
            %swap3A_282 = arith.constant 0 : index
            %swap3A_283 = tpu.vector_load %arg8[%swap3A_281, %swap3A_282] {strides = array<i32>} : memref<256x128xf32, #tpu.memory_space<vmem>>, vector<16xf32>,
            tpu.vector_store %arg8[%swap3A_281, %swap3A_282], %gather3A_280 {strides = array<i32>} : memref<256x128xf32, #tpu.memory_space<vmem>>, vector<16xf32>,
            %gather3A_284 = arith.constant 0 : i32
            %gather3A_285 = arith.constant 0 : i32
            %gather3A_286 = tpu.memref_slice %arg7[%and3A_146, %gather3A_284, %gather3A_285] : memref<2x64x512xf32, #tpu.memory_space<vmem>> -> memref<1x64x512xf32, #tpu.memory_space<vmem>>
            %gather3A_287 = tpu.memref_squeeze %gather3A_286 : memref<1x64x512xf32, #tpu.memory_space<vmem>> -> memref<64x512xf32, #tpu.memory_space<vmem>>
            %gather3A_288 = tpu.vector_load_idx %gather3A_287[%add3A_33, %broadcast_in_dim3A_275] : memref<64x512xf32, #tpu.memory_space<vmem>>[vector<16xi32>, vector<16xi32>], vector<16xf32>,
            %swap3A_289 = arith.index_cast %and3A_260 : i32 to index
            %swap3A_290 = arith.constant 16 : index
            %swap3A_291 = tpu.vector_load %arg8[%swap3A_289, %swap3A_290] {strides = array<i32>} : memref<256x128xf32, #tpu.memory_space<vmem>>, vector<16xf32>,
            tpu.vector_store %arg8[%swap3A_289, %swap3A_290], %gather3A_288 {strides = array<i32>} : memref<256x128xf32, #tpu.memory_space<vmem>>, vector<16xf32>,
            %gather3A_292 = arith.constant 0 : i32
            %gather3A_293 = arith.constant 0 : i32
            %gather3A_294 = tpu.memref_slice %arg7[%and3A_146, %gather3A_292, %gather3A_293] : memref<2x64x512xf32, #tpu.memory_space<vmem>> -> memref<1x64x512xf32, #tpu.memory_space<vmem>>
            %gather3A_295 = tpu.memref_squeeze %gather3A_294 : memref<1x64x512xf32, #tpu.memory_space<vmem>> -> memref<64x512xf32, #tpu.memory_space<vmem>>
            %gather3A_296 = tpu.vector_load_idx %gather3A_295[%add3A_36, %broadcast_in_dim3A_275] : memref<64x512xf32, #tpu.memory_space<vmem>>[vector<16xi32>, vector<16xi32>], vector<16xf32>,
            %swap3A_297 = arith.index_cast %and3A_260 : i32 to index
            %swap3A_298 = arith.constant 32 : index
            %swap3A_299 = tpu.vector_load %arg8[%swap3A_297, %swap3A_298] {strides = array<i32>} : memref<256x128xf32, #tpu.memory_space<vmem>>, vector<16xf32>,
            tpu.vector_store %arg8[%swap3A_297, %swap3A_298], %gather3A_296 {strides = array<i32>} : memref<256x128xf32, #tpu.memory_space<vmem>>, vector<16xf32>,
            %gather3A_300 = arith.constant 0 : i32
            %gather3A_301 = arith.constant 0 : i32
            %gather3A_302 = tpu.memref_slice %arg7[%and3A_146, %gather3A_300, %gather3A_301] : memref<2x64x512xf32, #tpu.memory_space<vmem>> -> memref<1x64x512xf32, #tpu.memory_space<vmem>>
            %gather3A_303 = tpu.memref_squeeze %gather3A_302 : memref<1x64x512xf32, #tpu.memory_space<vmem>> -> memref<64x512xf32, #tpu.memory_space<vmem>>
            %gather3A_304 = tpu.vector_load_idx %gather3A_303[%add3A_39, %broadcast_in_dim3A_275] : memref<64x512xf32, #tpu.memory_space<vmem>>[vector<16xi32>, vector<16xi32>], vector<16xf32>,
            %swap3A_305 = arith.index_cast %and3A_260 : i32 to index
            %swap3A_306 = arith.constant 48 : index
            %swap3A_307 = tpu.vector_load %arg8[%swap3A_305, %swap3A_306] {strides = array<i32>} : memref<256x128xf32, #tpu.memory_space<vmem>>, vector<16xf32>,
            tpu.vector_store %arg8[%swap3A_305, %swap3A_306], %gather3A_304 {strides = array<i32>} : memref<256x128xf32, #tpu.memory_space<vmem>>, vector<16xf32>,
            %and3A_308 = arith.constant 127 : i32
            %and3A_309 = arith.andi %get3A_258, %and3A_308 : i32
            %shift_right_arithmetic3A_310 = arith.constant 4 : i32
            %shift_right_arithmetic3A_311 = arith.shrsi %and3A_309, %shift_right_arithmetic3A_310 : i32
            %shift_left3A = arith.constant 4 : i32
            %shift_left3A_312 = arith.shli %shift_right_arithmetic3A_311, %shift_left3A : i32
            %get3A_313 = arith.index_cast %shift_right_arithmetic3A_264 : i32 to index
            %get3A_314 = arith.index_cast %shift_left3A_312 : i32 to index
            %get3A_315 = tpu.vector_load %arg9[%get3A_313, %get3A_314] {strides = array<i32>} : memref<2x128xi32, #tpu.memory_space<vmem>>, vector<16xi32>,
            %and3A_316 = arith.constant 15 : i32
            %and3A_317 = arith.andi %get3A_258, %and3A_316 : i32
            %eq3A_318 = vector.broadcast %and3A_317 : i32 to vector<16xi32>
            %eq3A_319 = arith.cmpi eq, %iota3A, %eq3A_318 : vector<16xi32>
            %broadcast_in_dim3A_320 = vector.broadcast %select_n3A_250 : i32 to vector<16xi32>
            %select_n3A_321 = arith.select %eq3A_319, %broadcast_in_dim3A_320, %get3A_315 : vector<16xi1>, vector<16xi32>
            %swap3A_322 = arith.index_cast %shift_right_arithmetic3A_264 : i32 to index
            %swap3A_323 = arith.index_cast %shift_left3A_312 : i32 to index
            %swap3A_324 = tpu.vector_load %arg9[%swap3A_322, %swap3A_323] {strides = array<i32>} : memref<2x128xi32, #tpu.memory_space<vmem>>, vector<16xi32>,
            tpu.vector_store %arg9[%swap3A_322, %swap3A_323], %select_n3A_321 {strides = array<i32>} : memref<2x128xi32, #tpu.memory_space<vmem>>, vector<16xi32>,
            %add3A_325 = arith.constant 1 : i32
            %add3A_326 = arith.addi %get3A_258, %add3A_325 : i32
            %swap3A_327 = arith.constant 0 : i32
            %swap3A_328 = arith.index_cast %swap3A_327 : i32 to index
            %swap3A_329 = memref.load %arg10[%swap3A_328] : memref<8xi32, #tpu.memory_space<smem>>
            memref.store %add3A_326, %arg10[%swap3A_328] : memref<8xi32, #tpu.memory_space<smem>>
            %and3A_330 = arith.constant 127 : i32
            %and3A_331 = arith.andi %get3A_258, %and3A_330 : i32
            %eq3A_332 = arith.constant 127 : i32
            %eq3A_333 = arith.cmpi eq, %and3A_331, %eq3A_332 : i32
            %convert_element_type3A_334 = arith.extui %eq3A_333 : i1 to i32
            %cond3A_335 = arith.constant 0 : i32
            %cond3A_336 = arith.cmpi ne, %convert_element_type3A_334, %cond3A_335 : i32
            scf.if %cond3A_336 {
              %mul3A_340 = arith.constant 128 : i32
              %mul3A_341 = arith.muli %shift_right_arithmetic3A_264, %mul3A_340 : i32
              %dma_start3A_342 = arith.constant 0 : i32
              %dma_start3A_343 = tpu.memref_slice %arg8[%mul3A_341, %dma_start3A_342] : memref<256x128xf32, #tpu.memory_space<vmem>> -> memref<128x128xf32, #tpu.memory_space<vmem>>
              %dma_start3A_344 = arith.constant 0 : i32
              %dma_start3A_345 = tpu.memref_slice %arg9[%shift_right_arithmetic3A_264, %dma_start3A_344] : memref<2x128xi32, #tpu.memory_space<vmem>> -> memref<1x128xi32, #tpu.memory_space<vmem>>
              %dma_start3A_346 = tpu.memref_squeeze %dma_start3A_345 : memref<1x128xi32, #tpu.memory_space<vmem>> -> memref<128xi32, #tpu.memory_space<vmem>>
              %dma_start3A_347 = arith.constant 0 : i32
              %dma_start3A_348 = arith.constant 0 : i32
              %dma_start3A_349 = tpu.memref_slice %arg4[%dma_start3A_347, %dma_start3A_348] : memref<16512x128xf32, #tpu.memory_space<hbm>> -> memref<16512x128xf32, #tpu.memory_space<hbm>>
              tpu.enqueue_indirect_dma source(%dma_start3A_343 : memref<128x128xf32, #tpu.memory_space<vmem>>) target(%dma_start3A_349 : memref<16512x128xf32, #tpu.memory_space<hbm>>) offsets(%dma_start3A_346 : memref<128xi32, #tpu.memory_space<vmem>>) semaphore(%arg13 : memref<!tpu.dma_semaphore, #tpu.memory_space<semaphore_mem>>)
              %get3A_350 = arith.constant 1 : i32
              %get3A_351 = arith.index_cast %get3A_350 : i32 to index
              %get3A_352 = memref.load %arg10[%get3A_351] : memref<8xi32, #tpu.memory_space<smem>>
              %add3A_353 = arith.constant 1 : i32
              %add3A_354 = arith.addi %get3A_352, %add3A_353 : i32
              %swap3A_355 = arith.constant 1 : i32
              %swap3A_356 = arith.index_cast %swap3A_355 : i32 to index
              %swap3A_357 = memref.load %arg10[%swap3A_356] : memref<8xi32, #tpu.memory_space<smem>>
              memref.store %add3A_354, %arg10[%swap3A_356] : memref<8xi32, #tpu.memory_space<smem>>
            } else {
            }
            %ne3A_337 = vector.broadcast %squeeze3A_229 : i32 to vector<16xi32>
            %ne3A_338 = arith.cmpi ne, %iota3A, %ne3A_337 : vector<16xi32>
            %and3A_339 = arith.andi %while3A_227, %ne3A_338 : vector<16xi1>
            scf.yield %and3A_339 : vector<16xi1>
          }
          %while3A_224 = arith.constant 1 : i32
          %while3A_225 = scf.for %while3A_226 = %while3A_221 to %while3A_217 step %while3A_224 iter_args(%while3A_227 = %while3A_223) -> (vector<16xi1>)  : i32 {
            %all_reduce_ffs3A = tpu.all_reduce %while3A_227 {dim = 0 : i64, kind = #tpu.reduction_kind<find_first_set>} : vector<16xi1> -> vector<16xi32>
            %slice3A_228 = vector.extract_strided_slice %all_reduce_ffs3A {offsets = [0], sizes = [1], strides = [1]} : vector<16xi32> to vector<1xi32>
            %squeeze3A_229 = vector.extract %slice3A_228[0] : i32 from vector<1xi32>
            %broadcast_in_dim3A_230 = vector.broadcast %squeeze3A_229 : i32 to vector<16xi32>
            %lt3A_231 = arith.constant 0 : i32
            %lt3A_232 = vector.broadcast %lt3A_231 : i32 to vector<16xi32>
            %lt3A_233 = arith.cmpi slt, %broadcast_in_dim3A_230, %lt3A_232 : vector<16xi32>
            %add3A_234 = arith.constant 16 : i32
            %add3A_235 = vector.broadcast %add3A_234 : i32 to vector<16xi32>
            %add3A_236 = arith.addi %broadcast_in_dim3A_230, %add3A_235 : vector<16xi32>
            %select_n3A_237 = arith.select %lt3A_233, %add3A_236, %broadcast_in_dim3A_230 : vector<16xi1>, vector<16xi32>
            %broadcast_in_dim3A_238 = vector.shape_cast %select_n3A_237 : vector<16xi32> to vector<16x1xi32>
            %gather3A = vector.shape_cast %broadcast_in_dim3A_238 : vector<16x1xi32> to vector<16xi32>
            %gather3A_239 = tpu.dynamic_gather %get3A_193[%gather3A] in [0] : vector<16xi32>, vector<16xi32> -> vector<16xi32>
            %slice3A_240 = vector.extract_strided_slice %gather3A_239 {offsets = [0], sizes = [1], strides = [1]} : vector<16xi32> to vector<1xi32>
            %squeeze3A_241 = vector.extract %slice3A_240[0] : i32 from vector<1xi32>
            %ge3A_242 = arith.constant 1073741824 : i32
            %ge3A_243 = arith.cmpi sge, %squeeze3A_241, %ge3A_242 : i32
            %and3A_244 = arith.constant 127 : i32
            %and3A_245 = arith.andi %squeeze3A_241, %and3A_244 : i32
            %add3A_246 = arith.constant 16384 : i32
            %add3A_247 = arith.addi %add3A_246, %and3A_245 : i32
            %shift_right_arithmetic3A_248 = arith.constant 15 : i32
            %shift_right_arithmetic3A_249 = arith.shrsi %squeeze3A_241, %shift_right_arithmetic3A_248 : i32
            %select_n3A_250 = arith.select %ge3A_243, %add3A_247, %shift_right_arithmetic3A_249 : i32
            %and3A_251 = arith.constant 32767 : i32
            %and3A_252 = arith.andi %squeeze3A_241, %and3A_251 : i32
            %sub3A_253 = arith.subi %and3A_252, %mul3A_178 : i32
            %jit3A_254 = arith.constant 0 : i32
            %select_n3A_255 = arith.select %ge3A_243, %jit3A_254, %sub3A_253 : i32
            %get3A_256 = arith.constant 0 : i32
            %get3A_257 = arith.index_cast %get3A_256 : i32 to index
            %get3A_258 = memref.load %arg10[%get3A_257] : memref<8xi32, #tpu.memory_space<smem>>
            %and3A_259 = arith.constant 255 : i32
            %and3A_260 = arith.andi %get3A_258, %and3A_259 : i32
            %and3A_261 = arith.constant 255 : i32
            %and3A_262 = arith.andi %get3A_258, %and3A_261 : i32
            %shift_right_arithmetic3A_263 = arith.constant 7 : i32
            %shift_right_arithmetic3A_264 = arith.shrsi %and3A_262, %shift_right_arithmetic3A_263 : i32
            %and3A_265 = arith.constant 127 : i32
            %and3A_266 = arith.andi %get3A_258, %and3A_265 : i32
            %eq3A_267 = arith.constant 0 : i32
            %eq3A_268 = arith.cmpi eq, %and3A_266, %eq3A_267 : i32
            %ge3A_269 = arith.constant 256 : i32
            %ge3A_270 = arith.cmpi sge, %get3A_258, %ge3A_269 : i32
            %and3A_271 = arith.andi %eq3A_268, %ge3A_270 : i1
            %convert_element_type3A_272 = arith.extui %and3A_271 : i1 to i32
            %cond3A_273 = arith.constant 0 : i32
            %cond3A_274 = arith.cmpi ne, %convert_element_type3A_272, %cond3A_273 : i32
            scf.if %cond3A_274 {
              %mul3A_340 = arith.constant 128 : i32
              %mul3A_341 = arith.muli %shift_right_arithmetic3A_264, %mul3A_340 : i32
              %dma_wait3A = arith.constant 0 : i32
              %dma_wait3A_342 = tpu.memref_slice %arg8[%mul3A_341, %dma_wait3A] : memref<256x128xf32, #tpu.memory_space<vmem>> -> memref<128x128xf32, #tpu.memory_space<vmem>>
              %dma_wait3A_343 = arith.constant 0 : i32
              %dma_wait3A_344 = arith.constant 0 : i32
              %dma_wait3A_345 = tpu.memref_slice %arg4[%dma_wait3A_343, %dma_wait3A_344] : memref<16512x128xf32, #tpu.memory_space<hbm>> -> memref<128x128xf32, #tpu.memory_space<hbm>>
              %dma_wait3A_346 = arith.constant 0 : i32
              %dma_wait3A_347 = tpu.memref_slice %arg8[%mul3A_341, %dma_wait3A_346] : memref<256x128xf32, #tpu.memory_space<vmem>> -> memref<128x128xf32, #tpu.memory_space<vmem>>
              %dma_wait3A_348 = arith.constant 0 : i32
              %dma_wait3A_349 = arith.constant 0 : i32
              %dma_wait3A_350 = tpu.memref_slice %arg4[%dma_wait3A_348, %dma_wait3A_349] : memref<16512x128xf32, #tpu.memory_space<hbm>> -> memref<128x128xf32, #tpu.memory_space<hbm>>
              tpu.wait_dma2 semaphore(%arg13 : memref<!tpu.dma_semaphore, #tpu.memory_space<semaphore_mem>>) src(%dma_wait3A_350 : memref<128x128xf32, #tpu.memory_space<hbm>>) dst(%dma_wait3A_347 : memref<128x128xf32, #tpu.memory_space<vmem>>)
              %get3A_351 = arith.constant 2 : i32
              %get3A_352 = arith.index_cast %get3A_351 : i32 to index
              %get3A_353 = memref.load %arg10[%get3A_352] : memref<8xi32, #tpu.memory_space<smem>>
              %add3A_354 = arith.constant 1 : i32
              %add3A_355 = arith.addi %get3A_353, %add3A_354 : i32
              %swap3A_356 = arith.constant 2 : i32
              %swap3A_357 = arith.index_cast %swap3A_356 : i32 to index
              %swap3A_358 = memref.load %arg10[%swap3A_357] : memref<8xi32, #tpu.memory_space<smem>>
              memref.store %add3A_355, %arg10[%swap3A_357] : memref<8xi32, #tpu.memory_space<smem>>
            } else {
            }
            %broadcast_in_dim3A_275 = vector.broadcast %select_n3A_255 : i32 to vector<16xi32>
            %gather3A_276 = arith.constant 0 : i32
            %gather3A_277 = arith.constant 0 : i32
            %gather3A_278 = tpu.memref_slice %arg7[%and3A_146, %gather3A_276, %gather3A_277] : memref<2x64x512xf32, #tpu.memory_space<vmem>> -> memref<1x64x512xf32, #tpu.memory_space<vmem>>
            %gather3A_279 = tpu.memref_squeeze %gather3A_278 : memref<1x64x512xf32, #tpu.memory_space<vmem>> -> memref<64x512xf32, #tpu.memory_space<vmem>>
            %gather3A_280 = tpu.vector_load_idx %gather3A_279[%add3A_30, %broadcast_in_dim3A_275] : memref<64x512xf32, #tpu.memory_space<vmem>>[vector<16xi32>, vector<16xi32>], vector<16xf32>,
            %swap3A_281 = arith.index_cast %and3A_260 : i32 to index
            %swap3A_282 = arith.constant 0 : index
            %swap3A_283 = tpu.vector_load %arg8[%swap3A_281, %swap3A_282] {strides = array<i32>} : memref<256x128xf32, #tpu.memory_space<vmem>>, vector<16xf32>,
            tpu.vector_store %arg8[%swap3A_281, %swap3A_282], %gather3A_280 {strides = array<i32>} : memref<256x128xf32, #tpu.memory_space<vmem>>, vector<16xf32>,
            %gather3A_284 = arith.constant 0 : i32
            %gather3A_285 = arith.constant 0 : i32
            %gather3A_286 = tpu.memref_slice %arg7[%and3A_146, %gather3A_284, %gather3A_285] : memref<2x64x512xf32, #tpu.memory_space<vmem>> -> memref<1x64x512xf32, #tpu.memory_space<vmem>>
            %gather3A_287 = tpu.memref_squeeze %gather3A_286 : memref<1x64x512xf32, #tpu.memory_space<vmem>> -> memref<64x512xf32, #tpu.memory_space<vmem>>
            %gather3A_288 = tpu.vector_load_idx %gather3A_287[%add3A_33, %broadcast_in_dim3A_275] : memref<64x512xf32, #tpu.memory_space<vmem>>[vector<16xi32>, vector<16xi32>], vector<16xf32>,
            %swap3A_289 = arith.index_cast %and3A_260 : i32 to index
            %swap3A_290 = arith.constant 16 : index
            %swap3A_291 = tpu.vector_load %arg8[%swap3A_289, %swap3A_290] {strides = array<i32>} : memref<256x128xf32, #tpu.memory_space<vmem>>, vector<16xf32>,
            tpu.vector_store %arg8[%swap3A_289, %swap3A_290], %gather3A_288 {strides = array<i32>} : memref<256x128xf32, #tpu.memory_space<vmem>>, vector<16xf32>,
            %gather3A_292 = arith.constant 0 : i32
            %gather3A_293 = arith.constant 0 : i32
            %gather3A_294 = tpu.memref_slice %arg7[%and3A_146, %gather3A_292, %gather3A_293] : memref<2x64x512xf32, #tpu.memory_space<vmem>> -> memref<1x64x512xf32, #tpu.memory_space<vmem>>
            %gather3A_295 = tpu.memref_squeeze %gather3A_294 : memref<1x64x512xf32, #tpu.memory_space<vmem>> -> memref<64x512xf32, #tpu.memory_space<vmem>>
            %gather3A_296 = tpu.vector_load_idx %gather3A_295[%add3A_36, %broadcast_in_dim3A_275] : memref<64x512xf32, #tpu.memory_space<vmem>>[vector<16xi32>, vector<16xi32>], vector<16xf32>,
            %swap3A_297 = arith.index_cast %and3A_260 : i32 to index
            %swap3A_298 = arith.constant 32 : index
            %swap3A_299 = tpu.vector_load %arg8[%swap3A_297, %swap3A_298] {strides = array<i32>} : memref<256x128xf32, #tpu.memory_space<vmem>>, vector<16xf32>,
            tpu.vector_store %arg8[%swap3A_297, %swap3A_298], %gather3A_296 {strides = array<i32>} : memref<256x128xf32, #tpu.memory_space<vmem>>, vector<16xf32>,
            %gather3A_300 = arith.constant 0 : i32
            %gather3A_301 = arith.constant 0 : i32
            %gather3A_302 = tpu.memref_slice %arg7[%and3A_146, %gather3A_300, %gather3A_301] : memref<2x64x512xf32, #tpu.memory_space<vmem>> -> memref<1x64x512xf32, #tpu.memory_space<vmem>>
            %gather3A_303 = tpu.memref_squeeze %gather3A_302 : memref<1x64x512xf32, #tpu.memory_space<vmem>> -> memref<64x512xf32, #tpu.memory_space<vmem>>
            %gather3A_304 = tpu.vector_load_idx %gather3A_303[%add3A_39, %broadcast_in_dim3A_275] : memref<64x512xf32, #tpu.memory_space<vmem>>[vector<16xi32>, vector<16xi32>], vector<16xf32>,
            %swap3A_305 = arith.index_cast %and3A_260 : i32 to index
            %swap3A_306 = arith.constant 48 : index
            %swap3A_307 = tpu.vector_load %arg8[%swap3A_305, %swap3A_306] {strides = array<i32>} : memref<256x128xf32, #tpu.memory_space<vmem>>, vector<16xf32>,
            tpu.vector_store %arg8[%swap3A_305, %swap3A_306], %gather3A_304 {strides = array<i32>} : memref<256x128xf32, #tpu.memory_space<vmem>>, vector<16xf32>,
            %and3A_308 = arith.constant 127 : i32
            %and3A_309 = arith.andi %get3A_258, %and3A_308 : i32
            %shift_right_arithmetic3A_310 = arith.constant 4 : i32
            %shift_right_arithmetic3A_311 = arith.shrsi %and3A_309, %shift_right_arithmetic3A_310 : i32
            %shift_left3A = arith.constant 4 : i32
            %shift_left3A_312 = arith.shli %shift_right_arithmetic3A_311, %shift_left3A : i32
            %get3A_313 = arith.index_cast %shift_right_arithmetic3A_264 : i32 to index
            %get3A_314 = arith.index_cast %shift_left3A_312 : i32 to index
            %get3A_315 = tpu.vector_load %arg9[%get3A_313, %get3A_314] {strides = array<i32>} : memref<2x128xi32, #tpu.memory_space<vmem>>, vector<16xi32>,
            %and3A_316 = arith.constant 15 : i32
            %and3A_317 = arith.andi %get3A_258, %and3A_316 : i32
            %eq3A_318 = vector.broadcast %and3A_317 : i32 to vector<16xi32>
            %eq3A_319 = arith.cmpi eq, %iota3A, %eq3A_318 : vector<16xi32>
            %broadcast_in_dim3A_320 = vector.broadcast %select_n3A_250 : i32 to vector<16xi32>
            %select_n3A_321 = arith.select %eq3A_319, %broadcast_in_dim3A_320, %get3A_315 : vector<16xi1>, vector<16xi32>
            %swap3A_322 = arith.index_cast %shift_right_arithmetic3A_264 : i32 to index
            %swap3A_323 = arith.index_cast %shift_left3A_312 : i32 to index
            %swap3A_324 = tpu.vector_load %arg9[%swap3A_322, %swap3A_323] {strides = array<i32>} : memref<2x128xi32, #tpu.memory_space<vmem>>, vector<16xi32>,
            tpu.vector_store %arg9[%swap3A_322, %swap3A_323], %select_n3A_321 {strides = array<i32>} : memref<2x128xi32, #tpu.memory_space<vmem>>, vector<16xi32>,
            %add3A_325 = arith.constant 1 : i32
            %add3A_326 = arith.addi %get3A_258, %add3A_325 : i32
            %swap3A_327 = arith.constant 0 : i32
            %swap3A_328 = arith.index_cast %swap3A_327 : i32 to index
            %swap3A_329 = memref.load %arg10[%swap3A_328] : memref<8xi32, #tpu.memory_space<smem>>
            memref.store %add3A_326, %arg10[%swap3A_328] : memref<8xi32, #tpu.memory_space<smem>>
            %and3A_330 = arith.constant 127 : i32
            %and3A_331 = arith.andi %get3A_258, %and3A_330 : i32
            %eq3A_332 = arith.constant 127 : i32
            %eq3A_333 = arith.cmpi eq, %and3A_331, %eq3A_332 : i32
            %convert_element_type3A_334 = arith.extui %eq3A_333 : i1 to i32
            %cond3A_335 = arith.constant 0 : i32
            %cond3A_336 = arith.cmpi ne, %convert_element_type3A_334, %cond3A_335 : i32
            scf.if %cond3A_336 {
              %mul3A_340 = arith.constant 128 : i32
              %mul3A_341 = arith.muli %shift_right_arithmetic3A_264, %mul3A_340 : i32
              %dma_start3A_342 = arith.constant 0 : i32
              %dma_start3A_343 = tpu.memref_slice %arg8[%mul3A_341, %dma_start3A_342] : memref<256x128xf32, #tpu.memory_space<vmem>> -> memref<128x128xf32, #tpu.memory_space<vmem>>
              %dma_start3A_344 = arith.constant 0 : i32
              %dma_start3A_345 = tpu.memref_slice %arg9[%shift_right_arithmetic3A_264, %dma_start3A_344] : memref<2x128xi32, #tpu.memory_space<vmem>> -> memref<1x128xi32, #tpu.memory_space<vmem>>
              %dma_start3A_346 = tpu.memref_squeeze %dma_start3A_345 : memref<1x128xi32, #tpu.memory_space<vmem>> -> memref<128xi32, #tpu.memory_space<vmem>>
              %dma_start3A_347 = arith.constant 0 : i32
              %dma_start3A_348 = arith.constant 0 : i32
              %dma_start3A_349 = tpu.memref_slice %arg4[%dma_start3A_347, %dma_start3A_348] : memref<16512x128xf32, #tpu.memory_space<hbm>> -> memref<16512x128xf32, #tpu.memory_space<hbm>>
              tpu.enqueue_indirect_dma source(%dma_start3A_343 : memref<128x128xf32, #tpu.memory_space<vmem>>) target(%dma_start3A_349 : memref<16512x128xf32, #tpu.memory_space<hbm>>) offsets(%dma_start3A_346 : memref<128xi32, #tpu.memory_space<vmem>>) semaphore(%arg13 : memref<!tpu.dma_semaphore, #tpu.memory_space<semaphore_mem>>)
              %get3A_350 = arith.constant 1 : i32
              %get3A_351 = arith.index_cast %get3A_350 : i32 to index
              %get3A_352 = memref.load %arg10[%get3A_351] : memref<8xi32, #tpu.memory_space<smem>>
              %add3A_353 = arith.constant 1 : i32
              %add3A_354 = arith.addi %get3A_352, %add3A_353 : i32
              %swap3A_355 = arith.constant 1 : i32
              %swap3A_356 = arith.index_cast %swap3A_355 : i32 to index
              %swap3A_357 = memref.load %arg10[%swap3A_356] : memref<8xi32, #tpu.memory_space<smem>>
              memref.store %add3A_354, %arg10[%swap3A_356] : memref<8xi32, #tpu.memory_space<smem>>
            } else {
            }
            %ne3A_337 = vector.broadcast %squeeze3A_229 : i32 to vector<16xi32>
            %ne3A_338 = arith.cmpi ne, %iota3A, %ne3A_337 : vector<16xi32>
            %and3A_339 = arith.andi %while3A_227, %ne3A_338 : vector<16xi1>
            scf.yield %and3A_339 : vector<16xi1>
          }
        } else {
        }
      }
    }
    %while3A_127 = arith.constant 1 : i32
    scf.for %while3A_144 = %while3A_125 to %while3A_121 step %while3A_127  : i32 {
      %and3A_145 = arith.constant 1 : i32
      %and3A_146 = arith.andi %while3A_144, %and3A_145 : i32
      %add3A_147 = arith.constant 1 : i32
      %add3A_148 = arith.addi %while3A_144, %add3A_147 : i32
      %lt3A = arith.cmpi slt, %add3A_148, %select_n3A : i32
      %eq3A = arith.constant 0 : i32
      %eq3A_149 = arith.cmpi eq, %and3A_146, %eq3A : i32
      %and3A_150 = arith.andi %lt3A, %eq3A_149 : i1
      %convert_element_type3A = arith.extui %and3A_150 : i1 to i32
      %cond3A = arith.constant 0 : i32
      %cond3A_151 = arith.cmpi ne, %convert_element_type3A, %cond3A : i32
      scf.if %cond3A_151 {
        %add3A_189 = arith.constant 1 : i32
        %add3A_190 = arith.addi %while3A_144, %add3A_189 : i32
        %mul3A_191 = arith.constant 4 : i32
        %mul3A_192 = arith.muli %add3A_190, %mul3A_191 : i32
        %add3A_193 = arith.addi %mul3A_2, %mul3A_192 : i32
        %min3A_194 = arith.constant 7809 : i32
        %min3A_195 = arith.minsi %add3A_193, %min3A_194 : i32
        %mul3A_196 = arith.constant 128 : i32
        %mul3A_197 = arith.muli %min3A_195, %mul3A_196 : i32
        %dma_start3A_198 = arith.constant 1 : i32
        %dma_start3A_199 = arith.constant 0 : i32
        %dma_start3A_200 = arith.constant 0 : i32
        %dma_start3A_201 = tpu.memref_slice %arg7[%dma_start3A_198, %dma_start3A_199, %dma_start3A_200] : memref<2x64x512xf32, #tpu.memory_space<vmem>> -> memref<1x64x512xf32, #tpu.memory_space<vmem>>
        %dma_start3A_202 = tpu.memref_squeeze %dma_start3A_201 : memref<1x64x512xf32, #tpu.memory_space<vmem>> -> memref<64x512xf32, #tpu.memory_space<vmem>>
        %dma_start3A_203 = arith.constant 0 : i32
        %dma_start3A_204 = tpu.memref_slice %arg3[%dma_start3A_203, %mul3A_197] : memref<64x1000000xf32, #tpu.memory_space<hbm>> -> memref<64x512xf32, #tpu.memory_space<hbm>>
        %dma_start3A_205 = arith.constant 0 : i32
        %dma_start3A_206 = arith.constant 0 : i32
        %dma_start3A_207 = tpu.memref_slice %arg7[%dma_start3A_198, %dma_start3A_205, %dma_start3A_206] : memref<2x64x512xf32, #tpu.memory_space<vmem>> -> memref<1x64x512xf32, #tpu.memory_space<vmem>>
        %dma_start3A_208 = tpu.memref_squeeze %dma_start3A_207 : memref<1x64x512xf32, #tpu.memory_space<vmem>> -> memref<64x512xf32, #tpu.memory_space<vmem>>
        %dma_start3A_209 = arith.constant 0 : i32
        %dma_start3A_210 = tpu.memref_slice %arg3[%dma_start3A_209, %mul3A_197] : memref<64x1000000xf32, #tpu.memory_space<hbm>> -> memref<64x512xf32, #tpu.memory_space<hbm>>
        tpu.enqueue_dma source(%dma_start3A_210 : memref<64x512xf32, #tpu.memory_space<hbm>>) target(%dma_start3A_208 : memref<64x512xf32, #tpu.memory_space<vmem>>) target_semaphore(%arg12 : memref<!tpu.dma_semaphore, #tpu.memory_space<semaphore_mem>>)
      } else {
      }
      %add3A_152 = arith.constant 1 : i32
      %add3A_153 = arith.addi %while3A_144, %add3A_152 : i32
      %lt3A_154 = arith.cmpi slt, %add3A_153, %select_n3A : i32
      %eq3A_155 = arith.constant 1 : i32
      %eq3A_156 = arith.cmpi eq, %and3A_146, %eq3A_155 : i32
      %and3A_157 = arith.andi %lt3A_154, %eq3A_156 : i1
      %convert_element_type3A_158 = arith.extui %and3A_157 : i1 to i32
      %cond3A_159 = arith.constant 0 : i32
      %cond3A_160 = arith.cmpi ne, %convert_element_type3A_158, %cond3A_159 : i32
      scf.if %cond3A_160 {
        %add3A_189 = arith.constant 1 : i32
        %add3A_190 = arith.addi %while3A_144, %add3A_189 : i32
        %mul3A_191 = arith.constant 4 : i32
        %mul3A_192 = arith.muli %add3A_190, %mul3A_191 : i32
        %add3A_193 = arith.addi %mul3A_2, %mul3A_192 : i32
        %min3A_194 = arith.constant 7809 : i32
        %min3A_195 = arith.minsi %add3A_193, %min3A_194 : i32
        %mul3A_196 = arith.constant 128 : i32
        %mul3A_197 = arith.muli %min3A_195, %mul3A_196 : i32
        %dma_start3A_198 = arith.constant 0 : i32
        %dma_start3A_199 = arith.constant 0 : i32
        %dma_start3A_200 = arith.constant 0 : i32
        %dma_start3A_201 = tpu.memref_slice %arg7[%dma_start3A_198, %dma_start3A_199, %dma_start3A_200] : memref<2x64x512xf32, #tpu.memory_space<vmem>> -> memref<1x64x512xf32, #tpu.memory_space<vmem>>
        %dma_start3A_202 = tpu.memref_squeeze %dma_start3A_201 : memref<1x64x512xf32, #tpu.memory_space<vmem>> -> memref<64x512xf32, #tpu.memory_space<vmem>>
        %dma_start3A_203 = arith.constant 0 : i32
        %dma_start3A_204 = tpu.memref_slice %arg3[%dma_start3A_203, %mul3A_197] : memref<64x1000000xf32, #tpu.memory_space<hbm>> -> memref<64x512xf32, #tpu.memory_space<hbm>>
        %dma_start3A_205 = arith.constant 0 : i32
        %dma_start3A_206 = arith.constant 0 : i32
        %dma_start3A_207 = tpu.memref_slice %arg7[%dma_start3A_198, %dma_start3A_205, %dma_start3A_206] : memref<2x64x512xf32, #tpu.memory_space<vmem>> -> memref<1x64x512xf32, #tpu.memory_space<vmem>>
        %dma_start3A_208 = tpu.memref_squeeze %dma_start3A_207 : memref<1x64x512xf32, #tpu.memory_space<vmem>> -> memref<64x512xf32, #tpu.memory_space<vmem>>
        %dma_start3A_209 = arith.constant 0 : i32
        %dma_start3A_210 = tpu.memref_slice %arg3[%dma_start3A_209, %mul3A_197] : memref<64x1000000xf32, #tpu.memory_space<hbm>> -> memref<64x512xf32, #tpu.memory_space<hbm>>
        tpu.enqueue_dma source(%dma_start3A_210 : memref<64x512xf32, #tpu.memory_space<hbm>>) target(%dma_start3A_208 : memref<64x512xf32, #tpu.memory_space<vmem>>) target_semaphore(%arg11 : memref<!tpu.dma_semaphore, #tpu.memory_space<semaphore_mem>>)
      } else {
      }
      %eq3A_161 = arith.constant 0 : i32
      %eq3A_162 = arith.cmpi eq, %and3A_146, %eq3A_161 : i32
      %convert_element_type3A_163 = arith.extui %eq3A_162 : i1 to i32
      %cond3A_164 = arith.constant 0 : i32
      %cond3A_165 = arith.cmpi ne, %convert_element_type3A_163, %cond3A_164 : i32
      scf.if %cond3A_165 {
        %dma_wait3A = arith.constant 0 : i32
        %dma_wait3A_189 = arith.constant 0 : i32
        %dma_wait3A_190 = arith.constant 0 : i32
        %dma_wait3A_191 = tpu.memref_slice %arg7[%dma_wait3A, %dma_wait3A_189, %dma_wait3A_190] : memref<2x64x512xf32, #tpu.memory_space<vmem>> -> memref<1x64x512xf32, #tpu.memory_space<vmem>>
        %dma_wait3A_192 = tpu.memref_squeeze %dma_wait3A_191 : memref<1x64x512xf32, #tpu.memory_space<vmem>> -> memref<64x512xf32, #tpu.memory_space<vmem>>
        %dma_wait3A_193 = arith.constant 0 : i32
        %dma_wait3A_194 = arith.constant 0 : i32
        %dma_wait3A_195 = tpu.memref_slice %arg3[%dma_wait3A_193, %dma_wait3A_194] : memref<64x1000000xf32, #tpu.memory_space<hbm>> -> memref<64x512xf32, #tpu.memory_space<hbm>>
        %dma_wait3A_196 = arith.constant 0 : i32
        %dma_wait3A_197 = arith.constant 0 : i32
        %dma_wait3A_198 = tpu.memref_slice %arg7[%dma_wait3A, %dma_wait3A_196, %dma_wait3A_197] : memref<2x64x512xf32, #tpu.memory_space<vmem>> -> memref<1x64x512xf32, #tpu.memory_space<vmem>>
        %dma_wait3A_199 = tpu.memref_squeeze %dma_wait3A_198 : memref<1x64x512xf32, #tpu.memory_space<vmem>> -> memref<64x512xf32, #tpu.memory_space<vmem>>
        %dma_wait3A_200 = arith.constant 0 : i32
        %dma_wait3A_201 = arith.constant 0 : i32
        %dma_wait3A_202 = tpu.memref_slice %arg3[%dma_wait3A_200, %dma_wait3A_201] : memref<64x1000000xf32, #tpu.memory_space<hbm>> -> memref<64x512xf32, #tpu.memory_space<hbm>>
        tpu.wait_dma2 semaphore(%arg11 : memref<!tpu.dma_semaphore, #tpu.memory_space<semaphore_mem>>) src(%dma_wait3A_202 : memref<64x512xf32, #tpu.memory_space<hbm>>) dst(%dma_wait3A_199 : memref<64x512xf32, #tpu.memory_space<vmem>>)
      } else {
      }
      %eq3A_166 = arith.constant 1 : i32
      %eq3A_167 = arith.cmpi eq, %and3A_146, %eq3A_166 : i32
      %convert_element_type3A_168 = arith.extui %eq3A_167 : i1 to i32
      %cond3A_169 = arith.constant 0 : i32
      %cond3A_170 = arith.cmpi ne, %convert_element_type3A_168, %cond3A_169 : i32
      scf.if %cond3A_170 {
        %dma_wait3A = arith.constant 1 : i32
        %dma_wait3A_189 = arith.constant 0 : i32
        %dma_wait3A_190 = arith.constant 0 : i32
        %dma_wait3A_191 = tpu.memref_slice %arg7[%dma_wait3A, %dma_wait3A_189, %dma_wait3A_190] : memref<2x64x512xf32, #tpu.memory_space<vmem>> -> memref<1x64x512xf32, #tpu.memory_space<vmem>>
        %dma_wait3A_192 = tpu.memref_squeeze %dma_wait3A_191 : memref<1x64x512xf32, #tpu.memory_space<vmem>> -> memref<64x512xf32, #tpu.memory_space<vmem>>
        %dma_wait3A_193 = arith.constant 0 : i32
        %dma_wait3A_194 = arith.constant 0 : i32
        %dma_wait3A_195 = tpu.memref_slice %arg3[%dma_wait3A_193, %dma_wait3A_194] : memref<64x1000000xf32, #tpu.memory_space<hbm>> -> memref<64x512xf32, #tpu.memory_space<hbm>>
        %dma_wait3A_196 = arith.constant 0 : i32
        %dma_wait3A_197 = arith.constant 0 : i32
        %dma_wait3A_198 = tpu.memref_slice %arg7[%dma_wait3A, %dma_wait3A_196, %dma_wait3A_197] : memref<2x64x512xf32, #tpu.memory_space<vmem>> -> memref<1x64x512xf32, #tpu.memory_space<vmem>>
        %dma_wait3A_199 = tpu.memref_squeeze %dma_wait3A_198 : memref<1x64x512xf32, #tpu.memory_space<vmem>> -> memref<64x512xf32, #tpu.memory_space<vmem>>
        %dma_wait3A_200 = arith.constant 0 : i32
        %dma_wait3A_201 = arith.constant 0 : i32
        %dma_wait3A_202 = tpu.memref_slice %arg3[%dma_wait3A_200, %dma_wait3A_201] : memref<64x1000000xf32, #tpu.memory_space<hbm>> -> memref<64x512xf32, #tpu.memory_space<hbm>>
        tpu.wait_dma2 semaphore(%arg12 : memref<!tpu.dma_semaphore, #tpu.memory_space<semaphore_mem>>) src(%dma_wait3A_202 : memref<64x512xf32, #tpu.memory_space<hbm>>) dst(%dma_wait3A_199 : memref<64x512xf32, #tpu.memory_space<vmem>>)
      } else {
      }
      %mul3A_171 = arith.constant 4 : i32
      %mul3A_172 = arith.muli %while3A_144, %mul3A_171 : i32
      %add3A_173 = arith.addi %mul3A_2, %mul3A_172 : i32
      %min3A_174 = arith.constant 7809 : i32
      %min3A_175 = arith.minsi %add3A_173, %min3A_174 : i32
      %sub3A_176 = arith.subi %min3A_175, %mul3A_2 : i32
      %mul3A_177 = arith.constant 128 : i32
      %mul3A_178 = arith.muli %sub3A_176, %mul3A_177 : i32
      %while3A_179 = arith.constant 0 : i32
      %while3A_180 = arith.constant 0 : i32
      %while3A_181 = arith.subi %select_n3A_100, %while3A_180 : i32
      %while3A_182 = arith.addi %while3A_180, %while3A_181 : i32
      %while3A_183 = arith.constant 1 : i32
      %while3A_184 = arith.divsi %while3A_181, %while3A_183 : i32
      %while3A_185 = arith.muli %while3A_184, %while3A_183 : i32
      %while3A_186 = arith.addi %while3A_180, %while3A_185 : i32
      %while3A_187 = arith.constant 1 : i32
      scf.for %while3A_189 = %while3A_180 to %while3A_186 step %while3A_187  : i32 {
        %mul3A_190 = arith.constant 16 : i32
        %mul3A_191 = arith.muli %while3A_189, %mul3A_190 : i32
        %get3A_192 = arith.index_cast %mul3A_191 : i32 to index
        %get3A_193 = tpu.vector_load %arg6[%get3A_192] {strides = array<i32>} : memref<1040xi32, #tpu.memory_space<vmem>>, vector<16xi32>,
        %and3A_194 = arith.constant 32767 : i32
        %and3A_195 = vector.broadcast %and3A_194 : i32 to vector<16xi32>
        %and3A_196 = arith.andi %get3A_193, %and3A_195 : vector<16xi32>
        %ge3A = arith.constant 1073741824 : i32
        %ge3A_197 = vector.broadcast %ge3A : i32 to vector<16xi32>
        %ge3A_198 = arith.cmpi sge, %get3A_193, %ge3A_197 : vector<16xi32>
        %shift_right_arithmetic3A = arith.constant 9 : i32
        %shift_right_arithmetic3A_199 = vector.broadcast %shift_right_arithmetic3A : i32 to vector<16xi32>
        %shift_right_arithmetic3A_200 = arith.shrsi %and3A_196, %shift_right_arithmetic3A_199 : vector<16xi32>
        %eq3A_201 = vector.broadcast %while3A_144 : i32 to vector<16xi32>
        %eq3A_202 = arith.cmpi eq, %shift_right_arithmetic3A_200, %eq3A_201 : vector<16xi32>
        %eq3A_203 = arith.constant 0 : i32
        %eq3A_204 = arith.cmpi eq, %while3A_144, %eq3A_203 : i32
        %and3A_205 = vector.broadcast %eq3A_204 : i1 to vector<16xi1>
        %and3A_206 = arith.andi %ge3A_198, %and3A_205 : vector<16xi1>
        %or3A = arith.ori %eq3A_202, %and3A_206 : vector<16xi1>
        %ge3A_207 = arith.constant 0 : i32
        %ge3A_208 = vector.broadcast %ge3A_207 : i32 to vector<16xi32>
        %ge3A_209 = arith.cmpi sge, %get3A_193, %ge3A_208 : vector<16xi32>
        %and3A_210 = arith.andi %or3A, %ge3A_209 : vector<16xi1>
        %all_reduce_population_count3A = tpu.all_reduce %and3A_210 {dim = 0 : i64, kind = #tpu.reduction_kind<sum>} : vector<16xi1> -> vector<16xi32>
        %slice3A = vector.extract_strided_slice %all_reduce_population_count3A {offsets = [0], sizes = [1], strides = [1]} : vector<16xi32> to vector<1xi32>
        %squeeze3A = vector.extract %slice3A[0] : i32 from vector<1xi32>
        %gt3A = arith.constant 0 : i32
        %gt3A_211 = arith.cmpi sgt, %squeeze3A, %gt3A : i32
        %convert_element_type3A_212 = arith.extui %gt3A_211 : i1 to i32
        %cond3A_213 = arith.constant 0 : i32
        %cond3A_214 = arith.cmpi ne, %convert_element_type3A_212, %cond3A_213 : i32
        scf.if %cond3A_214 {
          %while3A_215 = arith.constant 0 : i32
          %while3A_216 = arith.subi %squeeze3A, %while3A_215 : i32
          %while3A_217 = arith.addi %while3A_215, %while3A_216 : i32
          %while3A_218 = arith.constant 1 : i32
          %while3A_219 = arith.divsi %while3A_216, %while3A_218 : i32
          %while3A_220 = arith.muli %while3A_219, %while3A_218 : i32
          %while3A_221 = arith.addi %while3A_215, %while3A_220 : i32
          %while3A_222 = arith.constant 1 : i32
          %while3A_223 = scf.for %while3A_226 = %while3A_215 to %while3A_221 step %while3A_222 iter_args(%while3A_227 = %and3A_210) -> (vector<16xi1>)  : i32 {
            %all_reduce_ffs3A = tpu.all_reduce %while3A_227 {dim = 0 : i64, kind = #tpu.reduction_kind<find_first_set>} : vector<16xi1> -> vector<16xi32>
            %slice3A_228 = vector.extract_strided_slice %all_reduce_ffs3A {offsets = [0], sizes = [1], strides = [1]} : vector<16xi32> to vector<1xi32>
            %squeeze3A_229 = vector.extract %slice3A_228[0] : i32 from vector<1xi32>
            %broadcast_in_dim3A_230 = vector.broadcast %squeeze3A_229 : i32 to vector<16xi32>
            %lt3A_231 = arith.constant 0 : i32
            %lt3A_232 = vector.broadcast %lt3A_231 : i32 to vector<16xi32>
            %lt3A_233 = arith.cmpi slt, %broadcast_in_dim3A_230, %lt3A_232 : vector<16xi32>
            %add3A_234 = arith.constant 16 : i32
            %add3A_235 = vector.broadcast %add3A_234 : i32 to vector<16xi32>
            %add3A_236 = arith.addi %broadcast_in_dim3A_230, %add3A_235 : vector<16xi32>
            %select_n3A_237 = arith.select %lt3A_233, %add3A_236, %broadcast_in_dim3A_230 : vector<16xi1>, vector<16xi32>
            %broadcast_in_dim3A_238 = vector.shape_cast %select_n3A_237 : vector<16xi32> to vector<16x1xi32>
            %gather3A = vector.shape_cast %broadcast_in_dim3A_238 : vector<16x1xi32> to vector<16xi32>
            %gather3A_239 = tpu.dynamic_gather %get3A_193[%gather3A] in [0] : vector<16xi32>, vector<16xi32> -> vector<16xi32>
            %slice3A_240 = vector.extract_strided_slice %gather3A_239 {offsets = [0], sizes = [1], strides = [1]} : vector<16xi32> to vector<1xi32>
            %squeeze3A_241 = vector.extract %slice3A_240[0] : i32 from vector<1xi32>
            %ge3A_242 = arith.constant 1073741824 : i32
            %ge3A_243 = arith.cmpi sge, %squeeze3A_241, %ge3A_242 : i32
            %and3A_244 = arith.constant 127 : i32
            %and3A_245 = arith.andi %squeeze3A_241, %and3A_244 : i32
            %add3A_246 = arith.constant 16384 : i32
            %add3A_247 = arith.addi %add3A_246, %and3A_245 : i32
            %shift_right_arithmetic3A_248 = arith.constant 15 : i32
            %shift_right_arithmetic3A_249 = arith.shrsi %squeeze3A_241, %shift_right_arithmetic3A_248 : i32
            %select_n3A_250 = arith.select %ge3A_243, %add3A_247, %shift_right_arithmetic3A_249 : i32
            %and3A_251 = arith.constant 32767 : i32
            %and3A_252 = arith.andi %squeeze3A_241, %and3A_251 : i32
            %sub3A_253 = arith.subi %and3A_252, %mul3A_178 : i32
            %jit3A_254 = arith.constant 0 : i32
            %select_n3A_255 = arith.select %ge3A_243, %jit3A_254, %sub3A_253 : i32
            %get3A_256 = arith.constant 0 : i32
            %get3A_257 = arith.index_cast %get3A_256 : i32 to index
            %get3A_258 = memref.load %arg10[%get3A_257] : memref<8xi32, #tpu.memory_space<smem>>
            %and3A_259 = arith.constant 255 : i32
            %and3A_260 = arith.andi %get3A_258, %and3A_259 : i32
            %and3A_261 = arith.constant 255 : i32
            %and3A_262 = arith.andi %get3A_258, %and3A_261 : i32
            %shift_right_arithmetic3A_263 = arith.constant 7 : i32
            %shift_right_arithmetic3A_264 = arith.shrsi %and3A_262, %shift_right_arithmetic3A_263 : i32
            %and3A_265 = arith.constant 127 : i32
            %and3A_266 = arith.andi %get3A_258, %and3A_265 : i32
            %eq3A_267 = arith.constant 0 : i32
            %eq3A_268 = arith.cmpi eq, %and3A_266, %eq3A_267 : i32
            %ge3A_269 = arith.constant 256 : i32
            %ge3A_270 = arith.cmpi sge, %get3A_258, %ge3A_269 : i32
            %and3A_271 = arith.andi %eq3A_268, %ge3A_270 : i1
            %convert_element_type3A_272 = arith.extui %and3A_271 : i1 to i32
            %cond3A_273 = arith.constant 0 : i32
            %cond3A_274 = arith.cmpi ne, %convert_element_type3A_272, %cond3A_273 : i32
            scf.if %cond3A_274 {
              %mul3A_340 = arith.constant 128 : i32
              %mul3A_341 = arith.muli %shift_right_arithmetic3A_264, %mul3A_340 : i32
              %dma_wait3A = arith.constant 0 : i32
              %dma_wait3A_342 = tpu.memref_slice %arg8[%mul3A_341, %dma_wait3A] : memref<256x128xf32, #tpu.memory_space<vmem>> -> memref<128x128xf32, #tpu.memory_space<vmem>>
              %dma_wait3A_343 = arith.constant 0 : i32
              %dma_wait3A_344 = arith.constant 0 : i32
              %dma_wait3A_345 = tpu.memref_slice %arg4[%dma_wait3A_343, %dma_wait3A_344] : memref<16512x128xf32, #tpu.memory_space<hbm>> -> memref<128x128xf32, #tpu.memory_space<hbm>>
              %dma_wait3A_346 = arith.constant 0 : i32
              %dma_wait3A_347 = tpu.memref_slice %arg8[%mul3A_341, %dma_wait3A_346] : memref<256x128xf32, #tpu.memory_space<vmem>> -> memref<128x128xf32, #tpu.memory_space<vmem>>
              %dma_wait3A_348 = arith.constant 0 : i32
              %dma_wait3A_349 = arith.constant 0 : i32
              %dma_wait3A_350 = tpu.memref_slice %arg4[%dma_wait3A_348, %dma_wait3A_349] : memref<16512x128xf32, #tpu.memory_space<hbm>> -> memref<128x128xf32, #tpu.memory_space<hbm>>
              tpu.wait_dma2 semaphore(%arg13 : memref<!tpu.dma_semaphore, #tpu.memory_space<semaphore_mem>>) src(%dma_wait3A_350 : memref<128x128xf32, #tpu.memory_space<hbm>>) dst(%dma_wait3A_347 : memref<128x128xf32, #tpu.memory_space<vmem>>)
              %get3A_351 = arith.constant 2 : i32
              %get3A_352 = arith.index_cast %get3A_351 : i32 to index
              %get3A_353 = memref.load %arg10[%get3A_352] : memref<8xi32, #tpu.memory_space<smem>>
              %add3A_354 = arith.constant 1 : i32
              %add3A_355 = arith.addi %get3A_353, %add3A_354 : i32
              %swap3A_356 = arith.constant 2 : i32
              %swap3A_357 = arith.index_cast %swap3A_356 : i32 to index
              %swap3A_358 = memref.load %arg10[%swap3A_357] : memref<8xi32, #tpu.memory_space<smem>>
              memref.store %add3A_355, %arg10[%swap3A_357] : memref<8xi32, #tpu.memory_space<smem>>
            } else {
            }
            %broadcast_in_dim3A_275 = vector.broadcast %select_n3A_255 : i32 to vector<16xi32>
            %gather3A_276 = arith.constant 0 : i32
            %gather3A_277 = arith.constant 0 : i32
            %gather3A_278 = tpu.memref_slice %arg7[%and3A_146, %gather3A_276, %gather3A_277] : memref<2x64x512xf32, #tpu.memory_space<vmem>> -> memref<1x64x512xf32, #tpu.memory_space<vmem>>
            %gather3A_279 = tpu.memref_squeeze %gather3A_278 : memref<1x64x512xf32, #tpu.memory_space<vmem>> -> memref<64x512xf32, #tpu.memory_space<vmem>>
            %gather3A_280 = tpu.vector_load_idx %gather3A_279[%add3A_30, %broadcast_in_dim3A_275] : memref<64x512xf32, #tpu.memory_space<vmem>>[vector<16xi32>, vector<16xi32>], vector<16xf32>,
            %swap3A_281 = arith.index_cast %and3A_260 : i32 to index
            %swap3A_282 = arith.constant 0 : index
            %swap3A_283 = tpu.vector_load %arg8[%swap3A_281, %swap3A_282] {strides = array<i32>} : memref<256x128xf32, #tpu.memory_space<vmem>>, vector<16xf32>,
            tpu.vector_store %arg8[%swap3A_281, %swap3A_282], %gather3A_280 {strides = array<i32>} : memref<256x128xf32, #tpu.memory_space<vmem>>, vector<16xf32>,
            %gather3A_284 = arith.constant 0 : i32
            %gather3A_285 = arith.constant 0 : i32
            %gather3A_286 = tpu.memref_slice %arg7[%and3A_146, %gather3A_284, %gather3A_285] : memref<2x64x512xf32, #tpu.memory_space<vmem>> -> memref<1x64x512xf32, #tpu.memory_space<vmem>>
            %gather3A_287 = tpu.memref_squeeze %gather3A_286 : memref<1x64x512xf32, #tpu.memory_space<vmem>> -> memref<64x512xf32, #tpu.memory_space<vmem>>
            %gather3A_288 = tpu.vector_load_idx %gather3A_287[%add3A_33, %broadcast_in_dim3A_275] : memref<64x512xf32, #tpu.memory_space<vmem>>[vector<16xi32>, vector<16xi32>], vector<16xf32>,
            %swap3A_289 = arith.index_cast %and3A_260 : i32 to index
            %swap3A_290 = arith.constant 16 : index
            %swap3A_291 = tpu.vector_load %arg8[%swap3A_289, %swap3A_290] {strides = array<i32>} : memref<256x128xf32, #tpu.memory_space<vmem>>, vector<16xf32>,
            tpu.vector_store %arg8[%swap3A_289, %swap3A_290], %gather3A_288 {strides = array<i32>} : memref<256x128xf32, #tpu.memory_space<vmem>>, vector<16xf32>,
            %gather3A_292 = arith.constant 0 : i32
            %gather3A_293 = arith.constant 0 : i32
            %gather3A_294 = tpu.memref_slice %arg7[%and3A_146, %gather3A_292, %gather3A_293] : memref<2x64x512xf32, #tpu.memory_space<vmem>> -> memref<1x64x512xf32, #tpu.memory_space<vmem>>
            %gather3A_295 = tpu.memref_squeeze %gather3A_294 : memref<1x64x512xf32, #tpu.memory_space<vmem>> -> memref<64x512xf32, #tpu.memory_space<vmem>>
            %gather3A_296 = tpu.vector_load_idx %gather3A_295[%add3A_36, %broadcast_in_dim3A_275] : memref<64x512xf32, #tpu.memory_space<vmem>>[vector<16xi32>, vector<16xi32>], vector<16xf32>,
            %swap3A_297 = arith.index_cast %and3A_260 : i32 to index
            %swap3A_298 = arith.constant 32 : index
            %swap3A_299 = tpu.vector_load %arg8[%swap3A_297, %swap3A_298] {strides = array<i32>} : memref<256x128xf32, #tpu.memory_space<vmem>>, vector<16xf32>,
            tpu.vector_store %arg8[%swap3A_297, %swap3A_298], %gather3A_296 {strides = array<i32>} : memref<256x128xf32, #tpu.memory_space<vmem>>, vector<16xf32>,
            %gather3A_300 = arith.constant 0 : i32
            %gather3A_301 = arith.constant 0 : i32
            %gather3A_302 = tpu.memref_slice %arg7[%and3A_146, %gather3A_300, %gather3A_301] : memref<2x64x512xf32, #tpu.memory_space<vmem>> -> memref<1x64x512xf32, #tpu.memory_space<vmem>>
            %gather3A_303 = tpu.memref_squeeze %gather3A_302 : memref<1x64x512xf32, #tpu.memory_space<vmem>> -> memref<64x512xf32, #tpu.memory_space<vmem>>
            %gather3A_304 = tpu.vector_load_idx %gather3A_303[%add3A_39, %broadcast_in_dim3A_275] : memref<64x512xf32, #tpu.memory_space<vmem>>[vector<16xi32>, vector<16xi32>], vector<16xf32>,
            %swap3A_305 = arith.index_cast %and3A_260 : i32 to index
            %swap3A_306 = arith.constant 48 : index
            %swap3A_307 = tpu.vector_load %arg8[%swap3A_305, %swap3A_306] {strides = array<i32>} : memref<256x128xf32, #tpu.memory_space<vmem>>, vector<16xf32>,
            tpu.vector_store %arg8[%swap3A_305, %swap3A_306], %gather3A_304 {strides = array<i32>} : memref<256x128xf32, #tpu.memory_space<vmem>>, vector<16xf32>,
            %and3A_308 = arith.constant 127 : i32
            %and3A_309 = arith.andi %get3A_258, %and3A_308 : i32
            %shift_right_arithmetic3A_310 = arith.constant 4 : i32
            %shift_right_arithmetic3A_311 = arith.shrsi %and3A_309, %shift_right_arithmetic3A_310 : i32
            %shift_left3A = arith.constant 4 : i32
            %shift_left3A_312 = arith.shli %shift_right_arithmetic3A_311, %shift_left3A : i32
            %get3A_313 = arith.index_cast %shift_right_arithmetic3A_264 : i32 to index
            %get3A_314 = arith.index_cast %shift_left3A_312 : i32 to index
            %get3A_315 = tpu.vector_load %arg9[%get3A_313, %get3A_314] {strides = array<i32>} : memref<2x128xi32, #tpu.memory_space<vmem>>, vector<16xi32>,
            %and3A_316 = arith.constant 15 : i32
            %and3A_317 = arith.andi %get3A_258, %and3A_316 : i32
            %eq3A_318 = vector.broadcast %and3A_317 : i32 to vector<16xi32>
            %eq3A_319 = arith.cmpi eq, %iota3A, %eq3A_318 : vector<16xi32>
            %broadcast_in_dim3A_320 = vector.broadcast %select_n3A_250 : i32 to vector<16xi32>
            %select_n3A_321 = arith.select %eq3A_319, %broadcast_in_dim3A_320, %get3A_315 : vector<16xi1>, vector<16xi32>
            %swap3A_322 = arith.index_cast %shift_right_arithmetic3A_264 : i32 to index
            %swap3A_323 = arith.index_cast %shift_left3A_312 : i32 to index
            %swap3A_324 = tpu.vector_load %arg9[%swap3A_322, %swap3A_323] {strides = array<i32>} : memref<2x128xi32, #tpu.memory_space<vmem>>, vector<16xi32>,
            tpu.vector_store %arg9[%swap3A_322, %swap3A_323], %select_n3A_321 {strides = array<i32>} : memref<2x128xi32, #tpu.memory_space<vmem>>, vector<16xi32>,
            %add3A_325 = arith.constant 1 : i32
            %add3A_326 = arith.addi %get3A_258, %add3A_325 : i32
            %swap3A_327 = arith.constant 0 : i32
            %swap3A_328 = arith.index_cast %swap3A_327 : i32 to index
            %swap3A_329 = memref.load %arg10[%swap3A_328] : memref<8xi32, #tpu.memory_space<smem>>
            memref.store %add3A_326, %arg10[%swap3A_328] : memref<8xi32, #tpu.memory_space<smem>>
            %and3A_330 = arith.constant 127 : i32
            %and3A_331 = arith.andi %get3A_258, %and3A_330 : i32
            %eq3A_332 = arith.constant 127 : i32
            %eq3A_333 = arith.cmpi eq, %and3A_331, %eq3A_332 : i32
            %convert_element_type3A_334 = arith.extui %eq3A_333 : i1 to i32
            %cond3A_335 = arith.constant 0 : i32
            %cond3A_336 = arith.cmpi ne, %convert_element_type3A_334, %cond3A_335 : i32
            scf.if %cond3A_336 {
              %mul3A_340 = arith.constant 128 : i32
              %mul3A_341 = arith.muli %shift_right_arithmetic3A_264, %mul3A_340 : i32
              %dma_start3A_342 = arith.constant 0 : i32
              %dma_start3A_343 = tpu.memref_slice %arg8[%mul3A_341, %dma_start3A_342] : memref<256x128xf32, #tpu.memory_space<vmem>> -> memref<128x128xf32, #tpu.memory_space<vmem>>
              %dma_start3A_344 = arith.constant 0 : i32
              %dma_start3A_345 = tpu.memref_slice %arg9[%shift_right_arithmetic3A_264, %dma_start3A_344] : memref<2x128xi32, #tpu.memory_space<vmem>> -> memref<1x128xi32, #tpu.memory_space<vmem>>
              %dma_start3A_346 = tpu.memref_squeeze %dma_start3A_345 : memref<1x128xi32, #tpu.memory_space<vmem>> -> memref<128xi32, #tpu.memory_space<vmem>>
              %dma_start3A_347 = arith.constant 0 : i32
              %dma_start3A_348 = arith.constant 0 : i32
              %dma_start3A_349 = tpu.memref_slice %arg4[%dma_start3A_347, %dma_start3A_348] : memref<16512x128xf32, #tpu.memory_space<hbm>> -> memref<16512x128xf32, #tpu.memory_space<hbm>>
              tpu.enqueue_indirect_dma source(%dma_start3A_343 : memref<128x128xf32, #tpu.memory_space<vmem>>) target(%dma_start3A_349 : memref<16512x128xf32, #tpu.memory_space<hbm>>) offsets(%dma_start3A_346 : memref<128xi32, #tpu.memory_space<vmem>>) semaphore(%arg13 : memref<!tpu.dma_semaphore, #tpu.memory_space<semaphore_mem>>)
              %get3A_350 = arith.constant 1 : i32
              %get3A_351 = arith.index_cast %get3A_350 : i32 to index
              %get3A_352 = memref.load %arg10[%get3A_351] : memref<8xi32, #tpu.memory_space<smem>>
              %add3A_353 = arith.constant 1 : i32
              %add3A_354 = arith.addi %get3A_352, %add3A_353 : i32
              %swap3A_355 = arith.constant 1 : i32
              %swap3A_356 = arith.index_cast %swap3A_355 : i32 to index
              %swap3A_357 = memref.load %arg10[%swap3A_356] : memref<8xi32, #tpu.memory_space<smem>>
              memref.store %add3A_354, %arg10[%swap3A_356] : memref<8xi32, #tpu.memory_space<smem>>
            } else {
            }
            %ne3A_337 = vector.broadcast %squeeze3A_229 : i32 to vector<16xi32>
            %ne3A_338 = arith.cmpi ne, %iota3A, %ne3A_337 : vector<16xi32>
            %and3A_339 = arith.andi %while3A_227, %ne3A_338 : vector<16xi1>
            scf.yield %and3A_339 : vector<16xi1>
          }
          %while3A_224 = arith.constant 1 : i32
          %while3A_225 = scf.for %while3A_226 = %while3A_221 to %while3A_217 step %while3A_224 iter_args(%while3A_227 = %while3A_223) -> (vector<16xi1>)  : i32 {
            %all_reduce_ffs3A = tpu.all_reduce %while3A_227 {dim = 0 : i64, kind = #tpu.reduction_kind<find_first_set>} : vector<16xi1> -> vector<16xi32>
            %slice3A_228 = vector.extract_strided_slice %all_reduce_ffs3A {offsets = [0], sizes = [1], strides = [1]} : vector<16xi32> to vector<1xi32>
            %squeeze3A_229 = vector.extract %slice3A_228[0] : i32 from vector<1xi32>
            %broadcast_in_dim3A_230 = vector.broadcast %squeeze3A_229 : i32 to vector<16xi32>
            %lt3A_231 = arith.constant 0 : i32
            %lt3A_232 = vector.broadcast %lt3A_231 : i32 to vector<16xi32>
            %lt3A_233 = arith.cmpi slt, %broadcast_in_dim3A_230, %lt3A_232 : vector<16xi32>
            %add3A_234 = arith.constant 16 : i32
            %add3A_235 = vector.broadcast %add3A_234 : i32 to vector<16xi32>
            %add3A_236 = arith.addi %broadcast_in_dim3A_230, %add3A_235 : vector<16xi32>
            %select_n3A_237 = arith.select %lt3A_233, %add3A_236, %broadcast_in_dim3A_230 : vector<16xi1>, vector<16xi32>
            %broadcast_in_dim3A_238 = vector.shape_cast %select_n3A_237 : vector<16xi32> to vector<16x1xi32>
            %gather3A = vector.shape_cast %broadcast_in_dim3A_238 : vector<16x1xi32> to vector<16xi32>
            %gather3A_239 = tpu.dynamic_gather %get3A_193[%gather3A] in [0] : vector<16xi32>, vector<16xi32> -> vector<16xi32>
            %slice3A_240 = vector.extract_strided_slice %gather3A_239 {offsets = [0], sizes = [1], strides = [1]} : vector<16xi32> to vector<1xi32>
            %squeeze3A_241 = vector.extract %slice3A_240[0] : i32 from vector<1xi32>
            %ge3A_242 = arith.constant 1073741824 : i32
            %ge3A_243 = arith.cmpi sge, %squeeze3A_241, %ge3A_242 : i32
            %and3A_244 = arith.constant 127 : i32
            %and3A_245 = arith.andi %squeeze3A_241, %and3A_244 : i32
            %add3A_246 = arith.constant 16384 : i32
            %add3A_247 = arith.addi %add3A_246, %and3A_245 : i32
            %shift_right_arithmetic3A_248 = arith.constant 15 : i32
            %shift_right_arithmetic3A_249 = arith.shrsi %squeeze3A_241, %shift_right_arithmetic3A_248 : i32
            %select_n3A_250 = arith.select %ge3A_243, %add3A_247, %shift_right_arithmetic3A_249 : i32
            %and3A_251 = arith.constant 32767 : i32
            %and3A_252 = arith.andi %squeeze3A_241, %and3A_251 : i32
            %sub3A_253 = arith.subi %and3A_252, %mul3A_178 : i32
            %jit3A_254 = arith.constant 0 : i32
            %select_n3A_255 = arith.select %ge3A_243, %jit3A_254, %sub3A_253 : i32
            %get3A_256 = arith.constant 0 : i32
            %get3A_257 = arith.index_cast %get3A_256 : i32 to index
            %get3A_258 = memref.load %arg10[%get3A_257] : memref<8xi32, #tpu.memory_space<smem>>
            %and3A_259 = arith.constant 255 : i32
            %and3A_260 = arith.andi %get3A_258, %and3A_259 : i32
            %and3A_261 = arith.constant 255 : i32
            %and3A_262 = arith.andi %get3A_258, %and3A_261 : i32
            %shift_right_arithmetic3A_263 = arith.constant 7 : i32
            %shift_right_arithmetic3A_264 = arith.shrsi %and3A_262, %shift_right_arithmetic3A_263 : i32
            %and3A_265 = arith.constant 127 : i32
            %and3A_266 = arith.andi %get3A_258, %and3A_265 : i32
            %eq3A_267 = arith.constant 0 : i32
            %eq3A_268 = arith.cmpi eq, %and3A_266, %eq3A_267 : i32
            %ge3A_269 = arith.constant 256 : i32
            %ge3A_270 = arith.cmpi sge, %get3A_258, %ge3A_269 : i32
            %and3A_271 = arith.andi %eq3A_268, %ge3A_270 : i1
            %convert_element_type3A_272 = arith.extui %and3A_271 : i1 to i32
            %cond3A_273 = arith.constant 0 : i32
            %cond3A_274 = arith.cmpi ne, %convert_element_type3A_272, %cond3A_273 : i32
            scf.if %cond3A_274 {
              %mul3A_340 = arith.constant 128 : i32
              %mul3A_341 = arith.muli %shift_right_arithmetic3A_264, %mul3A_340 : i32
              %dma_wait3A = arith.constant 0 : i32
              %dma_wait3A_342 = tpu.memref_slice %arg8[%mul3A_341, %dma_wait3A] : memref<256x128xf32, #tpu.memory_space<vmem>> -> memref<128x128xf32, #tpu.memory_space<vmem>>
              %dma_wait3A_343 = arith.constant 0 : i32
              %dma_wait3A_344 = arith.constant 0 : i32
              %dma_wait3A_345 = tpu.memref_slice %arg4[%dma_wait3A_343, %dma_wait3A_344] : memref<16512x128xf32, #tpu.memory_space<hbm>> -> memref<128x128xf32, #tpu.memory_space<hbm>>
              %dma_wait3A_346 = arith.constant 0 : i32
              %dma_wait3A_347 = tpu.memref_slice %arg8[%mul3A_341, %dma_wait3A_346] : memref<256x128xf32, #tpu.memory_space<vmem>> -> memref<128x128xf32, #tpu.memory_space<vmem>>
              %dma_wait3A_348 = arith.constant 0 : i32
              %dma_wait3A_349 = arith.constant 0 : i32
              %dma_wait3A_350 = tpu.memref_slice %arg4[%dma_wait3A_348, %dma_wait3A_349] : memref<16512x128xf32, #tpu.memory_space<hbm>> -> memref<128x128xf32, #tpu.memory_space<hbm>>
              tpu.wait_dma2 semaphore(%arg13 : memref<!tpu.dma_semaphore, #tpu.memory_space<semaphore_mem>>) src(%dma_wait3A_350 : memref<128x128xf32, #tpu.memory_space<hbm>>) dst(%dma_wait3A_347 : memref<128x128xf32, #tpu.memory_space<vmem>>)
              %get3A_351 = arith.constant 2 : i32
              %get3A_352 = arith.index_cast %get3A_351 : i32 to index
              %get3A_353 = memref.load %arg10[%get3A_352] : memref<8xi32, #tpu.memory_space<smem>>
              %add3A_354 = arith.constant 1 : i32
              %add3A_355 = arith.addi %get3A_353, %add3A_354 : i32
              %swap3A_356 = arith.constant 2 : i32
              %swap3A_357 = arith.index_cast %swap3A_356 : i32 to index
              %swap3A_358 = memref.load %arg10[%swap3A_357] : memref<8xi32, #tpu.memory_space<smem>>
              memref.store %add3A_355, %arg10[%swap3A_357] : memref<8xi32, #tpu.memory_space<smem>>
            } else {
            }
            %broadcast_in_dim3A_275 = vector.broadcast %select_n3A_255 : i32 to vector<16xi32>
            %gather3A_276 = arith.constant 0 : i32
            %gather3A_277 = arith.constant 0 : i32
            %gather3A_278 = tpu.memref_slice %arg7[%and3A_146, %gather3A_276, %gather3A_277] : memref<2x64x512xf32, #tpu.memory_space<vmem>> -> memref<1x64x512xf32, #tpu.memory_space<vmem>>
            %gather3A_279 = tpu.memref_squeeze %gather3A_278 : memref<1x64x512xf32, #tpu.memory_space<vmem>> -> memref<64x512xf32, #tpu.memory_space<vmem>>
            %gather3A_280 = tpu.vector_load_idx %gather3A_279[%add3A_30, %broadcast_in_dim3A_275] : memref<64x512xf32, #tpu.memory_space<vmem>>[vector<16xi32>, vector<16xi32>], vector<16xf32>,
            %swap3A_281 = arith.index_cast %and3A_260 : i32 to index
            %swap3A_282 = arith.constant 0 : index
            %swap3A_283 = tpu.vector_load %arg8[%swap3A_281, %swap3A_282] {strides = array<i32>} : memref<256x128xf32, #tpu.memory_space<vmem>>, vector<16xf32>,
            tpu.vector_store %arg8[%swap3A_281, %swap3A_282], %gather3A_280 {strides = array<i32>} : memref<256x128xf32, #tpu.memory_space<vmem>>, vector<16xf32>,
            %gather3A_284 = arith.constant 0 : i32
            %gather3A_285 = arith.constant 0 : i32
            %gather3A_286 = tpu.memref_slice %arg7[%and3A_146, %gather3A_284, %gather3A_285] : memref<2x64x512xf32, #tpu.memory_space<vmem>> -> memref<1x64x512xf32, #tpu.memory_space<vmem>>
            %gather3A_287 = tpu.memref_squeeze %gather3A_286 : memref<1x64x512xf32, #tpu.memory_space<vmem>> -> memref<64x512xf32, #tpu.memory_space<vmem>>
            %gather3A_288 = tpu.vector_load_idx %gather3A_287[%add3A_33, %broadcast_in_dim3A_275] : memref<64x512xf32, #tpu.memory_space<vmem>>[vector<16xi32>, vector<16xi32>], vector<16xf32>,
            %swap3A_289 = arith.index_cast %and3A_260 : i32 to index
            %swap3A_290 = arith.constant 16 : index
            %swap3A_291 = tpu.vector_load %arg8[%swap3A_289, %swap3A_290] {strides = array<i32>} : memref<256x128xf32, #tpu.memory_space<vmem>>, vector<16xf32>,
            tpu.vector_store %arg8[%swap3A_289, %swap3A_290], %gather3A_288 {strides = array<i32>} : memref<256x128xf32, #tpu.memory_space<vmem>>, vector<16xf32>,
            %gather3A_292 = arith.constant 0 : i32
            %gather3A_293 = arith.constant 0 : i32
            %gather3A_294 = tpu.memref_slice %arg7[%and3A_146, %gather3A_292, %gather3A_293] : memref<2x64x512xf32, #tpu.memory_space<vmem>> -> memref<1x64x512xf32, #tpu.memory_space<vmem>>
            %gather3A_295 = tpu.memref_squeeze %gather3A_294 : memref<1x64x512xf32, #tpu.memory_space<vmem>> -> memref<64x512xf32, #tpu.memory_space<vmem>>
            %gather3A_296 = tpu.vector_load_idx %gather3A_295[%add3A_36, %broadcast_in_dim3A_275] : memref<64x512xf32, #tpu.memory_space<vmem>>[vector<16xi32>, vector<16xi32>], vector<16xf32>,
            %swap3A_297 = arith.index_cast %and3A_260 : i32 to index
            %swap3A_298 = arith.constant 32 : index
            %swap3A_299 = tpu.vector_load %arg8[%swap3A_297, %swap3A_298] {strides = array<i32>} : memref<256x128xf32, #tpu.memory_space<vmem>>, vector<16xf32>,
            tpu.vector_store %arg8[%swap3A_297, %swap3A_298], %gather3A_296 {strides = array<i32>} : memref<256x128xf32, #tpu.memory_space<vmem>>, vector<16xf32>,
            %gather3A_300 = arith.constant 0 : i32
            %gather3A_301 = arith.constant 0 : i32
            %gather3A_302 = tpu.memref_slice %arg7[%and3A_146, %gather3A_300, %gather3A_301] : memref<2x64x512xf32, #tpu.memory_space<vmem>> -> memref<1x64x512xf32, #tpu.memory_space<vmem>>
            %gather3A_303 = tpu.memref_squeeze %gather3A_302 : memref<1x64x512xf32, #tpu.memory_space<vmem>> -> memref<64x512xf32, #tpu.memory_space<vmem>>
            %gather3A_304 = tpu.vector_load_idx %gather3A_303[%add3A_39, %broadcast_in_dim3A_275] : memref<64x512xf32, #tpu.memory_space<vmem>>[vector<16xi32>, vector<16xi32>], vector<16xf32>,
            %swap3A_305 = arith.index_cast %and3A_260 : i32 to index
            %swap3A_306 = arith.constant 48 : index
            %swap3A_307 = tpu.vector_load %arg8[%swap3A_305, %swap3A_306] {strides = array<i32>} : memref<256x128xf32, #tpu.memory_space<vmem>>, vector<16xf32>,
            tpu.vector_store %arg8[%swap3A_305, %swap3A_306], %gather3A_304 {strides = array<i32>} : memref<256x128xf32, #tpu.memory_space<vmem>>, vector<16xf32>,
            %and3A_308 = arith.constant 127 : i32
            %and3A_309 = arith.andi %get3A_258, %and3A_308 : i32
            %shift_right_arithmetic3A_310 = arith.constant 4 : i32
            %shift_right_arithmetic3A_311 = arith.shrsi %and3A_309, %shift_right_arithmetic3A_310 : i32
            %shift_left3A = arith.constant 4 : i32
            %shift_left3A_312 = arith.shli %shift_right_arithmetic3A_311, %shift_left3A : i32
            %get3A_313 = arith.index_cast %shift_right_arithmetic3A_264 : i32 to index
            %get3A_314 = arith.index_cast %shift_left3A_312 : i32 to index
            %get3A_315 = tpu.vector_load %arg9[%get3A_313, %get3A_314] {strides = array<i32>} : memref<2x128xi32, #tpu.memory_space<vmem>>, vector<16xi32>,
            %and3A_316 = arith.constant 15 : i32
            %and3A_317 = arith.andi %get3A_258, %and3A_316 : i32
            %eq3A_318 = vector.broadcast %and3A_317 : i32 to vector<16xi32>
            %eq3A_319 = arith.cmpi eq, %iota3A, %eq3A_318 : vector<16xi32>
            %broadcast_in_dim3A_320 = vector.broadcast %select_n3A_250 : i32 to vector<16xi32>
            %select_n3A_321 = arith.select %eq3A_319, %broadcast_in_dim3A_320, %get3A_315 : vector<16xi1>, vector<16xi32>
            %swap3A_322 = arith.index_cast %shift_right_arithmetic3A_264 : i32 to index
            %swap3A_323 = arith.index_cast %shift_left3A_312 : i32 to index
            %swap3A_324 = tpu.vector_load %arg9[%swap3A_322, %swap3A_323] {strides = array<i32>} : memref<2x128xi32, #tpu.memory_space<vmem>>, vector<16xi32>,
            tpu.vector_store %arg9[%swap3A_322, %swap3A_323], %select_n3A_321 {strides = array<i32>} : memref<2x128xi32, #tpu.memory_space<vmem>>, vector<16xi32>,
            %add3A_325 = arith.constant 1 : i32
            %add3A_326 = arith.addi %get3A_258, %add3A_325 : i32
            %swap3A_327 = arith.constant 0 : i32
            %swap3A_328 = arith.index_cast %swap3A_327 : i32 to index
            %swap3A_329 = memref.load %arg10[%swap3A_328] : memref<8xi32, #tpu.memory_space<smem>>
            memref.store %add3A_326, %arg10[%swap3A_328] : memref<8xi32, #tpu.memory_space<smem>>
            %and3A_330 = arith.constant 127 : i32
            %and3A_331 = arith.andi %get3A_258, %and3A_330 : i32
            %eq3A_332 = arith.constant 127 : i32
            %eq3A_333 = arith.cmpi eq, %and3A_331, %eq3A_332 : i32
            %convert_element_type3A_334 = arith.extui %eq3A_333 : i1 to i32
            %cond3A_335 = arith.constant 0 : i32
            %cond3A_336 = arith.cmpi ne, %convert_element_type3A_334, %cond3A_335 : i32
            scf.if %cond3A_336 {
              %mul3A_340 = arith.constant 128 : i32
              %mul3A_341 = arith.muli %shift_right_arithmetic3A_264, %mul3A_340 : i32
              %dma_start3A_342 = arith.constant 0 : i32
              %dma_start3A_343 = tpu.memref_slice %arg8[%mul3A_341, %dma_start3A_342] : memref<256x128xf32, #tpu.memory_space<vmem>> -> memref<128x128xf32, #tpu.memory_space<vmem>>
              %dma_start3A_344 = arith.constant 0 : i32
              %dma_start3A_345 = tpu.memref_slice %arg9[%shift_right_arithmetic3A_264, %dma_start3A_344] : memref<2x128xi32, #tpu.memory_space<vmem>> -> memref<1x128xi32, #tpu.memory_space<vmem>>
              %dma_start3A_346 = tpu.memref_squeeze %dma_start3A_345 : memref<1x128xi32, #tpu.memory_space<vmem>> -> memref<128xi32, #tpu.memory_space<vmem>>
              %dma_start3A_347 = arith.constant 0 : i32
              %dma_start3A_348 = arith.constant 0 : i32
              %dma_start3A_349 = tpu.memref_slice %arg4[%dma_start3A_347, %dma_start3A_348] : memref<16512x128xf32, #tpu.memory_space<hbm>> -> memref<16512x128xf32, #tpu.memory_space<hbm>>
              tpu.enqueue_indirect_dma source(%dma_start3A_343 : memref<128x128xf32, #tpu.memory_space<vmem>>) target(%dma_start3A_349 : memref<16512x128xf32, #tpu.memory_space<hbm>>) offsets(%dma_start3A_346 : memref<128xi32, #tpu.memory_space<vmem>>) semaphore(%arg13 : memref<!tpu.dma_semaphore, #tpu.memory_space<semaphore_mem>>)
              %get3A_350 = arith.constant 1 : i32
              %get3A_351 = arith.index_cast %get3A_350 : i32 to index
              %get3A_352 = memref.load %arg10[%get3A_351] : memref<8xi32, #tpu.memory_space<smem>>
              %add3A_353 = arith.constant 1 : i32
              %add3A_354 = arith.addi %get3A_352, %add3A_353 : i32
              %swap3A_355 = arith.constant 1 : i32
              %swap3A_356 = arith.index_cast %swap3A_355 : i32 to index
              %swap3A_357 = memref.load %arg10[%swap3A_356] : memref<8xi32, #tpu.memory_space<smem>>
              memref.store %add3A_354, %arg10[%swap3A_356] : memref<8xi32, #tpu.memory_space<smem>>
            } else {
            }
            %ne3A_337 = vector.broadcast %squeeze3A_229 : i32 to vector<16xi32>
            %ne3A_338 = arith.cmpi ne, %iota3A, %ne3A_337 : vector<16xi32>
            %and3A_339 = arith.andi %while3A_227, %ne3A_338 : vector<16xi1>
            scf.yield %and3A_339 : vector<16xi1>
          }
        } else {
        }
      }
      %while3A_188 = arith.constant 1 : i32
      scf.for %while3A_189 = %while3A_186 to %while3A_182 step %while3A_188  : i32 {
        %mul3A_190 = arith.constant 16 : i32
        %mul3A_191 = arith.muli %while3A_189, %mul3A_190 : i32
        %get3A_192 = arith.index_cast %mul3A_191 : i32 to index
        %get3A_193 = tpu.vector_load %arg6[%get3A_192] {strides = array<i32>} : memref<1040xi32, #tpu.memory_space<vmem>>, vector<16xi32>,
        %and3A_194 = arith.constant 32767 : i32
        %and3A_195 = vector.broadcast %and3A_194 : i32 to vector<16xi32>
        %and3A_196 = arith.andi %get3A_193, %and3A_195 : vector<16xi32>
        %ge3A = arith.constant 1073741824 : i32
        %ge3A_197 = vector.broadcast %ge3A : i32 to vector<16xi32>
        %ge3A_198 = arith.cmpi sge, %get3A_193, %ge3A_197 : vector<16xi32>
        %shift_right_arithmetic3A = arith.constant 9 : i32
        %shift_right_arithmetic3A_199 = vector.broadcast %shift_right_arithmetic3A : i32 to vector<16xi32>
        %shift_right_arithmetic3A_200 = arith.shrsi %and3A_196, %shift_right_arithmetic3A_199 : vector<16xi32>
        %eq3A_201 = vector.broadcast %while3A_144 : i32 to vector<16xi32>
        %eq3A_202 = arith.cmpi eq, %shift_right_arithmetic3A_200, %eq3A_201 : vector<16xi32>
        %eq3A_203 = arith.constant 0 : i32
        %eq3A_204 = arith.cmpi eq, %while3A_144, %eq3A_203 : i32
        %and3A_205 = vector.broadcast %eq3A_204 : i1 to vector<16xi1>
        %and3A_206 = arith.andi %ge3A_198, %and3A_205 : vector<16xi1>
        %or3A = arith.ori %eq3A_202, %and3A_206 : vector<16xi1>
        %ge3A_207 = arith.constant 0 : i32
        %ge3A_208 = vector.broadcast %ge3A_207 : i32 to vector<16xi32>
        %ge3A_209 = arith.cmpi sge, %get3A_193, %ge3A_208 : vector<16xi32>
        %and3A_210 = arith.andi %or3A, %ge3A_209 : vector<16xi1>
        %all_reduce_population_count3A = tpu.all_reduce %and3A_210 {dim = 0 : i64, kind = #tpu.reduction_kind<sum>} : vector<16xi1> -> vector<16xi32>
        %slice3A = vector.extract_strided_slice %all_reduce_population_count3A {offsets = [0], sizes = [1], strides = [1]} : vector<16xi32> to vector<1xi32>
        %squeeze3A = vector.extract %slice3A[0] : i32 from vector<1xi32>
        %gt3A = arith.constant 0 : i32
        %gt3A_211 = arith.cmpi sgt, %squeeze3A, %gt3A : i32
        %convert_element_type3A_212 = arith.extui %gt3A_211 : i1 to i32
        %cond3A_213 = arith.constant 0 : i32
        %cond3A_214 = arith.cmpi ne, %convert_element_type3A_212, %cond3A_213 : i32
        scf.if %cond3A_214 {
          %while3A_215 = arith.constant 0 : i32
          %while3A_216 = arith.subi %squeeze3A, %while3A_215 : i32
          %while3A_217 = arith.addi %while3A_215, %while3A_216 : i32
          %while3A_218 = arith.constant 1 : i32
          %while3A_219 = arith.divsi %while3A_216, %while3A_218 : i32
          %while3A_220 = arith.muli %while3A_219, %while3A_218 : i32
          %while3A_221 = arith.addi %while3A_215, %while3A_220 : i32
          %while3A_222 = arith.constant 1 : i32
          %while3A_223 = scf.for %while3A_226 = %while3A_215 to %while3A_221 step %while3A_222 iter_args(%while3A_227 = %and3A_210) -> (vector<16xi1>)  : i32 {
            %all_reduce_ffs3A = tpu.all_reduce %while3A_227 {dim = 0 : i64, kind = #tpu.reduction_kind<find_first_set>} : vector<16xi1> -> vector<16xi32>
            %slice3A_228 = vector.extract_strided_slice %all_reduce_ffs3A {offsets = [0], sizes = [1], strides = [1]} : vector<16xi32> to vector<1xi32>
            %squeeze3A_229 = vector.extract %slice3A_228[0] : i32 from vector<1xi32>
            %broadcast_in_dim3A_230 = vector.broadcast %squeeze3A_229 : i32 to vector<16xi32>
            %lt3A_231 = arith.constant 0 : i32
            %lt3A_232 = vector.broadcast %lt3A_231 : i32 to vector<16xi32>
            %lt3A_233 = arith.cmpi slt, %broadcast_in_dim3A_230, %lt3A_232 : vector<16xi32>
            %add3A_234 = arith.constant 16 : i32
            %add3A_235 = vector.broadcast %add3A_234 : i32 to vector<16xi32>
            %add3A_236 = arith.addi %broadcast_in_dim3A_230, %add3A_235 : vector<16xi32>
            %select_n3A_237 = arith.select %lt3A_233, %add3A_236, %broadcast_in_dim3A_230 : vector<16xi1>, vector<16xi32>
            %broadcast_in_dim3A_238 = vector.shape_cast %select_n3A_237 : vector<16xi32> to vector<16x1xi32>
            %gather3A = vector.shape_cast %broadcast_in_dim3A_238 : vector<16x1xi32> to vector<16xi32>
            %gather3A_239 = tpu.dynamic_gather %get3A_193[%gather3A] in [0] : vector<16xi32>, vector<16xi32> -> vector<16xi32>
            %slice3A_240 = vector.extract_strided_slice %gather3A_239 {offsets = [0], sizes = [1], strides = [1]} : vector<16xi32> to vector<1xi32>
            %squeeze3A_241 = vector.extract %slice3A_240[0] : i32 from vector<1xi32>
            %ge3A_242 = arith.constant 1073741824 : i32
            %ge3A_243 = arith.cmpi sge, %squeeze3A_241, %ge3A_242 : i32
            %and3A_244 = arith.constant 127 : i32
            %and3A_245 = arith.andi %squeeze3A_241, %and3A_244 : i32
            %add3A_246 = arith.constant 16384 : i32
            %add3A_247 = arith.addi %add3A_246, %and3A_245 : i32
            %shift_right_arithmetic3A_248 = arith.constant 15 : i32
            %shift_right_arithmetic3A_249 = arith.shrsi %squeeze3A_241, %shift_right_arithmetic3A_248 : i32
            %select_n3A_250 = arith.select %ge3A_243, %add3A_247, %shift_right_arithmetic3A_249 : i32
            %and3A_251 = arith.constant 32767 : i32
            %and3A_252 = arith.andi %squeeze3A_241, %and3A_251 : i32
            %sub3A_253 = arith.subi %and3A_252, %mul3A_178 : i32
            %jit3A_254 = arith.constant 0 : i32
            %select_n3A_255 = arith.select %ge3A_243, %jit3A_254, %sub3A_253 : i32
            %get3A_256 = arith.constant 0 : i32
            %get3A_257 = arith.index_cast %get3A_256 : i32 to index
            %get3A_258 = memref.load %arg10[%get3A_257] : memref<8xi32, #tpu.memory_space<smem>>
            %and3A_259 = arith.constant 255 : i32
            %and3A_260 = arith.andi %get3A_258, %and3A_259 : i32
            %and3A_261 = arith.constant 255 : i32
            %and3A_262 = arith.andi %get3A_258, %and3A_261 : i32
            %shift_right_arithmetic3A_263 = arith.constant 7 : i32
            %shift_right_arithmetic3A_264 = arith.shrsi %and3A_262, %shift_right_arithmetic3A_263 : i32
            %and3A_265 = arith.constant 127 : i32
            %and3A_266 = arith.andi %get3A_258, %and3A_265 : i32
            %eq3A_267 = arith.constant 0 : i32
            %eq3A_268 = arith.cmpi eq, %and3A_266, %eq3A_267 : i32
            %ge3A_269 = arith.constant 256 : i32
            %ge3A_270 = arith.cmpi sge, %get3A_258, %ge3A_269 : i32
            %and3A_271 = arith.andi %eq3A_268, %ge3A_270 : i1
            %convert_element_type3A_272 = arith.extui %and3A_271 : i1 to i32
            %cond3A_273 = arith.constant 0 : i32
            %cond3A_274 = arith.cmpi ne, %convert_element_type3A_272, %cond3A_273 : i32
            scf.if %cond3A_274 {
              %mul3A_340 = arith.constant 128 : i32
              %mul3A_341 = arith.muli %shift_right_arithmetic3A_264, %mul3A_340 : i32
              %dma_wait3A = arith.constant 0 : i32
              %dma_wait3A_342 = tpu.memref_slice %arg8[%mul3A_341, %dma_wait3A] : memref<256x128xf32, #tpu.memory_space<vmem>> -> memref<128x128xf32, #tpu.memory_space<vmem>>
              %dma_wait3A_343 = arith.constant 0 : i32
              %dma_wait3A_344 = arith.constant 0 : i32
              %dma_wait3A_345 = tpu.memref_slice %arg4[%dma_wait3A_343, %dma_wait3A_344] : memref<16512x128xf32, #tpu.memory_space<hbm>> -> memref<128x128xf32, #tpu.memory_space<hbm>>
              %dma_wait3A_346 = arith.constant 0 : i32
              %dma_wait3A_347 = tpu.memref_slice %arg8[%mul3A_341, %dma_wait3A_346] : memref<256x128xf32, #tpu.memory_space<vmem>> -> memref<128x128xf32, #tpu.memory_space<vmem>>
              %dma_wait3A_348 = arith.constant 0 : i32
              %dma_wait3A_349 = arith.constant 0 : i32
              %dma_wait3A_350 = tpu.memref_slice %arg4[%dma_wait3A_348, %dma_wait3A_349] : memref<16512x128xf32, #tpu.memory_space<hbm>> -> memref<128x128xf32, #tpu.memory_space<hbm>>
              tpu.wait_dma2 semaphore(%arg13 : memref<!tpu.dma_semaphore, #tpu.memory_space<semaphore_mem>>) src(%dma_wait3A_350 : memref<128x128xf32, #tpu.memory_space<hbm>>) dst(%dma_wait3A_347 : memref<128x128xf32, #tpu.memory_space<vmem>>)
              %get3A_351 = arith.constant 2 : i32
              %get3A_352 = arith.index_cast %get3A_351 : i32 to index
              %get3A_353 = memref.load %arg10[%get3A_352] : memref<8xi32, #tpu.memory_space<smem>>
              %add3A_354 = arith.constant 1 : i32
              %add3A_355 = arith.addi %get3A_353, %add3A_354 : i32
              %swap3A_356 = arith.constant 2 : i32
              %swap3A_357 = arith.index_cast %swap3A_356 : i32 to index
              %swap3A_358 = memref.load %arg10[%swap3A_357] : memref<8xi32, #tpu.memory_space<smem>>
              memref.store %add3A_355, %arg10[%swap3A_357] : memref<8xi32, #tpu.memory_space<smem>>
            } else {
            }
            %broadcast_in_dim3A_275 = vector.broadcast %select_n3A_255 : i32 to vector<16xi32>
            %gather3A_276 = arith.constant 0 : i32
            %gather3A_277 = arith.constant 0 : i32
            %gather3A_278 = tpu.memref_slice %arg7[%and3A_146, %gather3A_276, %gather3A_277] : memref<2x64x512xf32, #tpu.memory_space<vmem>> -> memref<1x64x512xf32, #tpu.memory_space<vmem>>
            %gather3A_279 = tpu.memref_squeeze %gather3A_278 : memref<1x64x512xf32, #tpu.memory_space<vmem>> -> memref<64x512xf32, #tpu.memory_space<vmem>>
            %gather3A_280 = tpu.vector_load_idx %gather3A_279[%add3A_30, %broadcast_in_dim3A_275] : memref<64x512xf32, #tpu.memory_space<vmem>>[vector<16xi32>, vector<16xi32>], vector<16xf32>,
            %swap3A_281 = arith.index_cast %and3A_260 : i32 to index
            %swap3A_282 = arith.constant 0 : index
            %swap3A_283 = tpu.vector_load %arg8[%swap3A_281, %swap3A_282] {strides = array<i32>} : memref<256x128xf32, #tpu.memory_space<vmem>>, vector<16xf32>,
            tpu.vector_store %arg8[%swap3A_281, %swap3A_282], %gather3A_280 {strides = array<i32>} : memref<256x128xf32, #tpu.memory_space<vmem>>, vector<16xf32>,
            %gather3A_284 = arith.constant 0 : i32
            %gather3A_285 = arith.constant 0 : i32
            %gather3A_286 = tpu.memref_slice %arg7[%and3A_146, %gather3A_284, %gather3A_285] : memref<2x64x512xf32, #tpu.memory_space<vmem>> -> memref<1x64x512xf32, #tpu.memory_space<vmem>>
            %gather3A_287 = tpu.memref_squeeze %gather3A_286 : memref<1x64x512xf32, #tpu.memory_space<vmem>> -> memref<64x512xf32, #tpu.memory_space<vmem>>
            %gather3A_288 = tpu.vector_load_idx %gather3A_287[%add3A_33, %broadcast_in_dim3A_275] : memref<64x512xf32, #tpu.memory_space<vmem>>[vector<16xi32>, vector<16xi32>], vector<16xf32>,
            %swap3A_289 = arith.index_cast %and3A_260 : i32 to index
            %swap3A_290 = arith.constant 16 : index
            %swap3A_291 = tpu.vector_load %arg8[%swap3A_289, %swap3A_290] {strides = array<i32>} : memref<256x128xf32, #tpu.memory_space<vmem>>, vector<16xf32>,
            tpu.vector_store %arg8[%swap3A_289, %swap3A_290], %gather3A_288 {strides = array<i32>} : memref<256x128xf32, #tpu.memory_space<vmem>>, vector<16xf32>,
            %gather3A_292 = arith.constant 0 : i32
            %gather3A_293 = arith.constant 0 : i32
            %gather3A_294 = tpu.memref_slice %arg7[%and3A_146, %gather3A_292, %gather3A_293] : memref<2x64x512xf32, #tpu.memory_space<vmem>> -> memref<1x64x512xf32, #tpu.memory_space<vmem>>
            %gather3A_295 = tpu.memref_squeeze %gather3A_294 : memref<1x64x512xf32, #tpu.memory_space<vmem>> -> memref<64x512xf32, #tpu.memory_space<vmem>>
            %gather3A_296 = tpu.vector_load_idx %gather3A_295[%add3A_36, %broadcast_in_dim3A_275] : memref<64x512xf32, #tpu.memory_space<vmem>>[vector<16xi32>, vector<16xi32>], vector<16xf32>,
            %swap3A_297 = arith.index_cast %and3A_260 : i32 to index
            %swap3A_298 = arith.constant 32 : index
            %swap3A_299 = tpu.vector_load %arg8[%swap3A_297, %swap3A_298] {strides = array<i32>} : memref<256x128xf32, #tpu.memory_space<vmem>>, vector<16xf32>,
            tpu.vector_store %arg8[%swap3A_297, %swap3A_298], %gather3A_296 {strides = array<i32>} : memref<256x128xf32, #tpu.memory_space<vmem>>, vector<16xf32>,
            %gather3A_300 = arith.constant 0 : i32
            %gather3A_301 = arith.constant 0 : i32
            %gather3A_302 = tpu.memref_slice %arg7[%and3A_146, %gather3A_300, %gather3A_301] : memref<2x64x512xf32, #tpu.memory_space<vmem>> -> memref<1x64x512xf32, #tpu.memory_space<vmem>>
            %gather3A_303 = tpu.memref_squeeze %gather3A_302 : memref<1x64x512xf32, #tpu.memory_space<vmem>> -> memref<64x512xf32, #tpu.memory_space<vmem>>
            %gather3A_304 = tpu.vector_load_idx %gather3A_303[%add3A_39, %broadcast_in_dim3A_275] : memref<64x512xf32, #tpu.memory_space<vmem>>[vector<16xi32>, vector<16xi32>], vector<16xf32>,
            %swap3A_305 = arith.index_cast %and3A_260 : i32 to index
            %swap3A_306 = arith.constant 48 : index
            %swap3A_307 = tpu.vector_load %arg8[%swap3A_305, %swap3A_306] {strides = array<i32>} : memref<256x128xf32, #tpu.memory_space<vmem>>, vector<16xf32>,
            tpu.vector_store %arg8[%swap3A_305, %swap3A_306], %gather3A_304 {strides = array<i32>} : memref<256x128xf32, #tpu.memory_space<vmem>>, vector<16xf32>,
            %and3A_308 = arith.constant 127 : i32
            %and3A_309 = arith.andi %get3A_258, %and3A_308 : i32
            %shift_right_arithmetic3A_310 = arith.constant 4 : i32
            %shift_right_arithmetic3A_311 = arith.shrsi %and3A_309, %shift_right_arithmetic3A_310 : i32
            %shift_left3A = arith.constant 4 : i32
            %shift_left3A_312 = arith.shli %shift_right_arithmetic3A_311, %shift_left3A : i32
            %get3A_313 = arith.index_cast %shift_right_arithmetic3A_264 : i32 to index
            %get3A_314 = arith.index_cast %shift_left3A_312 : i32 to index
            %get3A_315 = tpu.vector_load %arg9[%get3A_313, %get3A_314] {strides = array<i32>} : memref<2x128xi32, #tpu.memory_space<vmem>>, vector<16xi32>,
            %and3A_316 = arith.constant 15 : i32
            %and3A_317 = arith.andi %get3A_258, %and3A_316 : i32
            %eq3A_318 = vector.broadcast %and3A_317 : i32 to vector<16xi32>
            %eq3A_319 = arith.cmpi eq, %iota3A, %eq3A_318 : vector<16xi32>
            %broadcast_in_dim3A_320 = vector.broadcast %select_n3A_250 : i32 to vector<16xi32>
            %select_n3A_321 = arith.select %eq3A_319, %broadcast_in_dim3A_320, %get3A_315 : vector<16xi1>, vector<16xi32>
            %swap3A_322 = arith.index_cast %shift_right_arithmetic3A_264 : i32 to index
            %swap3A_323 = arith.index_cast %shift_left3A_312 : i32 to index
            %swap3A_324 = tpu.vector_load %arg9[%swap3A_322, %swap3A_323] {strides = array<i32>} : memref<2x128xi32, #tpu.memory_space<vmem>>, vector<16xi32>,
            tpu.vector_store %arg9[%swap3A_322, %swap3A_323], %select_n3A_321 {strides = array<i32>} : memref<2x128xi32, #tpu.memory_space<vmem>>, vector<16xi32>,
            %add3A_325 = arith.constant 1 : i32
            %add3A_326 = arith.addi %get3A_258, %add3A_325 : i32
            %swap3A_327 = arith.constant 0 : i32
            %swap3A_328 = arith.index_cast %swap3A_327 : i32 to index
            %swap3A_329 = memref.load %arg10[%swap3A_328] : memref<8xi32, #tpu.memory_space<smem>>
            memref.store %add3A_326, %arg10[%swap3A_328] : memref<8xi32, #tpu.memory_space<smem>>
            %and3A_330 = arith.constant 127 : i32
            %and3A_331 = arith.andi %get3A_258, %and3A_330 : i32
            %eq3A_332 = arith.constant 127 : i32
            %eq3A_333 = arith.cmpi eq, %and3A_331, %eq3A_332 : i32
            %convert_element_type3A_334 = arith.extui %eq3A_333 : i1 to i32
            %cond3A_335 = arith.constant 0 : i32
            %cond3A_336 = arith.cmpi ne, %convert_element_type3A_334, %cond3A_335 : i32
            scf.if %cond3A_336 {
              %mul3A_340 = arith.constant 128 : i32
              %mul3A_341 = arith.muli %shift_right_arithmetic3A_264, %mul3A_340 : i32
              %dma_start3A_342 = arith.constant 0 : i32
              %dma_start3A_343 = tpu.memref_slice %arg8[%mul3A_341, %dma_start3A_342] : memref<256x128xf32, #tpu.memory_space<vmem>> -> memref<128x128xf32, #tpu.memory_space<vmem>>
              %dma_start3A_344 = arith.constant 0 : i32
              %dma_start3A_345 = tpu.memref_slice %arg9[%shift_right_arithmetic3A_264, %dma_start3A_344] : memref<2x128xi32, #tpu.memory_space<vmem>> -> memref<1x128xi32, #tpu.memory_space<vmem>>
              %dma_start3A_346 = tpu.memref_squeeze %dma_start3A_345 : memref<1x128xi32, #tpu.memory_space<vmem>> -> memref<128xi32, #tpu.memory_space<vmem>>
              %dma_start3A_347 = arith.constant 0 : i32
              %dma_start3A_348 = arith.constant 0 : i32
              %dma_start3A_349 = tpu.memref_slice %arg4[%dma_start3A_347, %dma_start3A_348] : memref<16512x128xf32, #tpu.memory_space<hbm>> -> memref<16512x128xf32, #tpu.memory_space<hbm>>
              tpu.enqueue_indirect_dma source(%dma_start3A_343 : memref<128x128xf32, #tpu.memory_space<vmem>>) target(%dma_start3A_349 : memref<16512x128xf32, #tpu.memory_space<hbm>>) offsets(%dma_start3A_346 : memref<128xi32, #tpu.memory_space<vmem>>) semaphore(%arg13 : memref<!tpu.dma_semaphore, #tpu.memory_space<semaphore_mem>>)
              %get3A_350 = arith.constant 1 : i32
              %get3A_351 = arith.index_cast %get3A_350 : i32 to index
              %get3A_352 = memref.load %arg10[%get3A_351] : memref<8xi32, #tpu.memory_space<smem>>
              %add3A_353 = arith.constant 1 : i32
              %add3A_354 = arith.addi %get3A_352, %add3A_353 : i32
              %swap3A_355 = arith.constant 1 : i32
              %swap3A_356 = arith.index_cast %swap3A_355 : i32 to index
              %swap3A_357 = memref.load %arg10[%swap3A_356] : memref<8xi32, #tpu.memory_space<smem>>
              memref.store %add3A_354, %arg10[%swap3A_356] : memref<8xi32, #tpu.memory_space<smem>>
            } else {
            }
            %ne3A_337 = vector.broadcast %squeeze3A_229 : i32 to vector<16xi32>
            %ne3A_338 = arith.cmpi ne, %iota3A, %ne3A_337 : vector<16xi32>
            %and3A_339 = arith.andi %while3A_227, %ne3A_338 : vector<16xi1>
            scf.yield %and3A_339 : vector<16xi1>
          }
          %while3A_224 = arith.constant 1 : i32
          %while3A_225 = scf.for %while3A_226 = %while3A_221 to %while3A_217 step %while3A_224 iter_args(%while3A_227 = %while3A_223) -> (vector<16xi1>)  : i32 {
            %all_reduce_ffs3A = tpu.all_reduce %while3A_227 {dim = 0 : i64, kind = #tpu.reduction_kind<find_first_set>} : vector<16xi1> -> vector<16xi32>
            %slice3A_228 = vector.extract_strided_slice %all_reduce_ffs3A {offsets = [0], sizes = [1], strides = [1]} : vector<16xi32> to vector<1xi32>
            %squeeze3A_229 = vector.extract %slice3A_228[0] : i32 from vector<1xi32>
            %broadcast_in_dim3A_230 = vector.broadcast %squeeze3A_229 : i32 to vector<16xi32>
            %lt3A_231 = arith.constant 0 : i32
            %lt3A_232 = vector.broadcast %lt3A_231 : i32 to vector<16xi32>
            %lt3A_233 = arith.cmpi slt, %broadcast_in_dim3A_230, %lt3A_232 : vector<16xi32>
            %add3A_234 = arith.constant 16 : i32
            %add3A_235 = vector.broadcast %add3A_234 : i32 to vector<16xi32>
            %add3A_236 = arith.addi %broadcast_in_dim3A_230, %add3A_235 : vector<16xi32>
            %select_n3A_237 = arith.select %lt3A_233, %add3A_236, %broadcast_in_dim3A_230 : vector<16xi1>, vector<16xi32>
            %broadcast_in_dim3A_238 = vector.shape_cast %select_n3A_237 : vector<16xi32> to vector<16x1xi32>
            %gather3A = vector.shape_cast %broadcast_in_dim3A_238 : vector<16x1xi32> to vector<16xi32>
            %gather3A_239 = tpu.dynamic_gather %get3A_193[%gather3A] in [0] : vector<16xi32>, vector<16xi32> -> vector<16xi32>
            %slice3A_240 = vector.extract_strided_slice %gather3A_239 {offsets = [0], sizes = [1], strides = [1]} : vector<16xi32> to vector<1xi32>
            %squeeze3A_241 = vector.extract %slice3A_240[0] : i32 from vector<1xi32>
            %ge3A_242 = arith.constant 1073741824 : i32
            %ge3A_243 = arith.cmpi sge, %squeeze3A_241, %ge3A_242 : i32
            %and3A_244 = arith.constant 127 : i32
            %and3A_245 = arith.andi %squeeze3A_241, %and3A_244 : i32
            %add3A_246 = arith.constant 16384 : i32
            %add3A_247 = arith.addi %add3A_246, %and3A_245 : i32
            %shift_right_arithmetic3A_248 = arith.constant 15 : i32
            %shift_right_arithmetic3A_249 = arith.shrsi %squeeze3A_241, %shift_right_arithmetic3A_248 : i32
            %select_n3A_250 = arith.select %ge3A_243, %add3A_247, %shift_right_arithmetic3A_249 : i32
            %and3A_251 = arith.constant 32767 : i32
            %and3A_252 = arith.andi %squeeze3A_241, %and3A_251 : i32
            %sub3A_253 = arith.subi %and3A_252, %mul3A_178 : i32
            %jit3A_254 = arith.constant 0 : i32
            %select_n3A_255 = arith.select %ge3A_243, %jit3A_254, %sub3A_253 : i32
            %get3A_256 = arith.constant 0 : i32
            %get3A_257 = arith.index_cast %get3A_256 : i32 to index
            %get3A_258 = memref.load %arg10[%get3A_257] : memref<8xi32, #tpu.memory_space<smem>>
            %and3A_259 = arith.constant 255 : i32
            %and3A_260 = arith.andi %get3A_258, %and3A_259 : i32
            %and3A_261 = arith.constant 255 : i32
            %and3A_262 = arith.andi %get3A_258, %and3A_261 : i32
            %shift_right_arithmetic3A_263 = arith.constant 7 : i32
            %shift_right_arithmetic3A_264 = arith.shrsi %and3A_262, %shift_right_arithmetic3A_263 : i32
            %and3A_265 = arith.constant 127 : i32
            %and3A_266 = arith.andi %get3A_258, %and3A_265 : i32
            %eq3A_267 = arith.constant 0 : i32
            %eq3A_268 = arith.cmpi eq, %and3A_266, %eq3A_267 : i32
            %ge3A_269 = arith.constant 256 : i32
            %ge3A_270 = arith.cmpi sge, %get3A_258, %ge3A_269 : i32
            %and3A_271 = arith.andi %eq3A_268, %ge3A_270 : i1
            %convert_element_type3A_272 = arith.extui %and3A_271 : i1 to i32
            %cond3A_273 = arith.constant 0 : i32
            %cond3A_274 = arith.cmpi ne, %convert_element_type3A_272, %cond3A_273 : i32
            scf.if %cond3A_274 {
              %mul3A_340 = arith.constant 128 : i32
              %mul3A_341 = arith.muli %shift_right_arithmetic3A_264, %mul3A_340 : i32
              %dma_wait3A = arith.constant 0 : i32
              %dma_wait3A_342 = tpu.memref_slice %arg8[%mul3A_341, %dma_wait3A] : memref<256x128xf32, #tpu.memory_space<vmem>> -> memref<128x128xf32, #tpu.memory_space<vmem>>
              %dma_wait3A_343 = arith.constant 0 : i32
              %dma_wait3A_344 = arith.constant 0 : i32
              %dma_wait3A_345 = tpu.memref_slice %arg4[%dma_wait3A_343, %dma_wait3A_344] : memref<16512x128xf32, #tpu.memory_space<hbm>> -> memref<128x128xf32, #tpu.memory_space<hbm>>
              %dma_wait3A_346 = arith.constant 0 : i32
              %dma_wait3A_347 = tpu.memref_slice %arg8[%mul3A_341, %dma_wait3A_346] : memref<256x128xf32, #tpu.memory_space<vmem>> -> memref<128x128xf32, #tpu.memory_space<vmem>>
              %dma_wait3A_348 = arith.constant 0 : i32
              %dma_wait3A_349 = arith.constant 0 : i32
              %dma_wait3A_350 = tpu.memref_slice %arg4[%dma_wait3A_348, %dma_wait3A_349] : memref<16512x128xf32, #tpu.memory_space<hbm>> -> memref<128x128xf32, #tpu.memory_space<hbm>>
              tpu.wait_dma2 semaphore(%arg13 : memref<!tpu.dma_semaphore, #tpu.memory_space<semaphore_mem>>) src(%dma_wait3A_350 : memref<128x128xf32, #tpu.memory_space<hbm>>) dst(%dma_wait3A_347 : memref<128x128xf32, #tpu.memory_space<vmem>>)
              %get3A_351 = arith.constant 2 : i32
              %get3A_352 = arith.index_cast %get3A_351 : i32 to index
              %get3A_353 = memref.load %arg10[%get3A_352] : memref<8xi32, #tpu.memory_space<smem>>
              %add3A_354 = arith.constant 1 : i32
              %add3A_355 = arith.addi %get3A_353, %add3A_354 : i32
              %swap3A_356 = arith.constant 2 : i32
              %swap3A_357 = arith.index_cast %swap3A_356 : i32 to index
              %swap3A_358 = memref.load %arg10[%swap3A_357] : memref<8xi32, #tpu.memory_space<smem>>
              memref.store %add3A_355, %arg10[%swap3A_357] : memref<8xi32, #tpu.memory_space<smem>>
            } else {
            }
            %broadcast_in_dim3A_275 = vector.broadcast %select_n3A_255 : i32 to vector<16xi32>
            %gather3A_276 = arith.constant 0 : i32
            %gather3A_277 = arith.constant 0 : i32
            %gather3A_278 = tpu.memref_slice %arg7[%and3A_146, %gather3A_276, %gather3A_277] : memref<2x64x512xf32, #tpu.memory_space<vmem>> -> memref<1x64x512xf32, #tpu.memory_space<vmem>>
            %gather3A_279 = tpu.memref_squeeze %gather3A_278 : memref<1x64x512xf32, #tpu.memory_space<vmem>> -> memref<64x512xf32, #tpu.memory_space<vmem>>
            %gather3A_280 = tpu.vector_load_idx %gather3A_279[%add3A_30, %broadcast_in_dim3A_275] : memref<64x512xf32, #tpu.memory_space<vmem>>[vector<16xi32>, vector<16xi32>], vector<16xf32>,
            %swap3A_281 = arith.index_cast %and3A_260 : i32 to index
            %swap3A_282 = arith.constant 0 : index
            %swap3A_283 = tpu.vector_load %arg8[%swap3A_281, %swap3A_282] {strides = array<i32>} : memref<256x128xf32, #tpu.memory_space<vmem>>, vector<16xf32>,
            tpu.vector_store %arg8[%swap3A_281, %swap3A_282], %gather3A_280 {strides = array<i32>} : memref<256x128xf32, #tpu.memory_space<vmem>>, vector<16xf32>,
            %gather3A_284 = arith.constant 0 : i32
            %gather3A_285 = arith.constant 0 : i32
            %gather3A_286 = tpu.memref_slice %arg7[%and3A_146, %gather3A_284, %gather3A_285] : memref<2x64x512xf32, #tpu.memory_space<vmem>> -> memref<1x64x512xf32, #tpu.memory_space<vmem>>
            %gather3A_287 = tpu.memref_squeeze %gather3A_286 : memref<1x64x512xf32, #tpu.memory_space<vmem>> -> memref<64x512xf32, #tpu.memory_space<vmem>>
            %gather3A_288 = tpu.vector_load_idx %gather3A_287[%add3A_33, %broadcast_in_dim3A_275] : memref<64x512xf32, #tpu.memory_space<vmem>>[vector<16xi32>, vector<16xi32>], vector<16xf32>,
            %swap3A_289 = arith.index_cast %and3A_260 : i32 to index
            %swap3A_290 = arith.constant 16 : index
            %swap3A_291 = tpu.vector_load %arg8[%swap3A_289, %swap3A_290] {strides = array<i32>} : memref<256x128xf32, #tpu.memory_space<vmem>>, vector<16xf32>,
            tpu.vector_store %arg8[%swap3A_289, %swap3A_290], %gather3A_288 {strides = array<i32>} : memref<256x128xf32, #tpu.memory_space<vmem>>, vector<16xf32>,
            %gather3A_292 = arith.constant 0 : i32
            %gather3A_293 = arith.constant 0 : i32
            %gather3A_294 = tpu.memref_slice %arg7[%and3A_146, %gather3A_292, %gather3A_293] : memref<2x64x512xf32, #tpu.memory_space<vmem>> -> memref<1x64x512xf32, #tpu.memory_space<vmem>>
            %gather3A_295 = tpu.memref_squeeze %gather3A_294 : memref<1x64x512xf32, #tpu.memory_space<vmem>> -> memref<64x512xf32, #tpu.memory_space<vmem>>
            %gather3A_296 = tpu.vector_load_idx %gather3A_295[%add3A_36, %broadcast_in_dim3A_275] : memref<64x512xf32, #tpu.memory_space<vmem>>[vector<16xi32>, vector<16xi32>], vector<16xf32>,
            %swap3A_297 = arith.index_cast %and3A_260 : i32 to index
            %swap3A_298 = arith.constant 32 : index
            %swap3A_299 = tpu.vector_load %arg8[%swap3A_297, %swap3A_298] {strides = array<i32>} : memref<256x128xf32, #tpu.memory_space<vmem>>, vector<16xf32>,
            tpu.vector_store %arg8[%swap3A_297, %swap3A_298], %gather3A_296 {strides = array<i32>} : memref<256x128xf32, #tpu.memory_space<vmem>>, vector<16xf32>,
            %gather3A_300 = arith.constant 0 : i32
            %gather3A_301 = arith.constant 0 : i32
            %gather3A_302 = tpu.memref_slice %arg7[%and3A_146, %gather3A_300, %gather3A_301] : memref<2x64x512xf32, #tpu.memory_space<vmem>> -> memref<1x64x512xf32, #tpu.memory_space<vmem>>
            %gather3A_303 = tpu.memref_squeeze %gather3A_302 : memref<1x64x512xf32, #tpu.memory_space<vmem>> -> memref<64x512xf32, #tpu.memory_space<vmem>>
            %gather3A_304 = tpu.vector_load_idx %gather3A_303[%add3A_39, %broadcast_in_dim3A_275] : memref<64x512xf32, #tpu.memory_space<vmem>>[vector<16xi32>, vector<16xi32>], vector<16xf32>,
            %swap3A_305 = arith.index_cast %and3A_260 : i32 to index
            %swap3A_306 = arith.constant 48 : index
            %swap3A_307 = tpu.vector_load %arg8[%swap3A_305, %swap3A_306] {strides = array<i32>} : memref<256x128xf32, #tpu.memory_space<vmem>>, vector<16xf32>,
            tpu.vector_store %arg8[%swap3A_305, %swap3A_306], %gather3A_304 {strides = array<i32>} : memref<256x128xf32, #tpu.memory_space<vmem>>, vector<16xf32>,
            %and3A_308 = arith.constant 127 : i32
            %and3A_309 = arith.andi %get3A_258, %and3A_308 : i32
            %shift_right_arithmetic3A_310 = arith.constant 4 : i32
            %shift_right_arithmetic3A_311 = arith.shrsi %and3A_309, %shift_right_arithmetic3A_310 : i32
            %shift_left3A = arith.constant 4 : i32
            %shift_left3A_312 = arith.shli %shift_right_arithmetic3A_311, %shift_left3A : i32
            %get3A_313 = arith.index_cast %shift_right_arithmetic3A_264 : i32 to index
            %get3A_314 = arith.index_cast %shift_left3A_312 : i32 to index
            %get3A_315 = tpu.vector_load %arg9[%get3A_313, %get3A_314] {strides = array<i32>} : memref<2x128xi32, #tpu.memory_space<vmem>>, vector<16xi32>,
            %and3A_316 = arith.constant 15 : i32
            %and3A_317 = arith.andi %get3A_258, %and3A_316 : i32
            %eq3A_318 = vector.broadcast %and3A_317 : i32 to vector<16xi32>
            %eq3A_319 = arith.cmpi eq, %iota3A, %eq3A_318 : vector<16xi32>
            %broadcast_in_dim3A_320 = vector.broadcast %select_n3A_250 : i32 to vector<16xi32>
            %select_n3A_321 = arith.select %eq3A_319, %broadcast_in_dim3A_320, %get3A_315 : vector<16xi1>, vector<16xi32>
            %swap3A_322 = arith.index_cast %shift_right_arithmetic3A_264 : i32 to index
            %swap3A_323 = arith.index_cast %shift_left3A_312 : i32 to index
            %swap3A_324 = tpu.vector_load %arg9[%swap3A_322, %swap3A_323] {strides = array<i32>} : memref<2x128xi32, #tpu.memory_space<vmem>>, vector<16xi32>,
            tpu.vector_store %arg9[%swap3A_322, %swap3A_323], %select_n3A_321 {strides = array<i32>} : memref<2x128xi32, #tpu.memory_space<vmem>>, vector<16xi32>,
            %add3A_325 = arith.constant 1 : i32
            %add3A_326 = arith.addi %get3A_258, %add3A_325 : i32
            %swap3A_327 = arith.constant 0 : i32
            %swap3A_328 = arith.index_cast %swap3A_327 : i32 to index
            %swap3A_329 = memref.load %arg10[%swap3A_328] : memref<8xi32, #tpu.memory_space<smem>>
            memref.store %add3A_326, %arg10[%swap3A_328] : memref<8xi32, #tpu.memory_space<smem>>
            %and3A_330 = arith.constant 127 : i32
            %and3A_331 = arith.andi %get3A_258, %and3A_330 : i32
            %eq3A_332 = arith.constant 127 : i32
            %eq3A_333 = arith.cmpi eq, %and3A_331, %eq3A_332 : i32
            %convert_element_type3A_334 = arith.extui %eq3A_333 : i1 to i32
            %cond3A_335 = arith.constant 0 : i32
            %cond3A_336 = arith.cmpi ne, %convert_element_type3A_334, %cond3A_335 : i32
            scf.if %cond3A_336 {
              %mul3A_340 = arith.constant 128 : i32
              %mul3A_341 = arith.muli %shift_right_arithmetic3A_264, %mul3A_340 : i32
              %dma_start3A_342 = arith.constant 0 : i32
              %dma_start3A_343 = tpu.memref_slice %arg8[%mul3A_341, %dma_start3A_342] : memref<256x128xf32, #tpu.memory_space<vmem>> -> memref<128x128xf32, #tpu.memory_space<vmem>>
              %dma_start3A_344 = arith.constant 0 : i32
              %dma_start3A_345 = tpu.memref_slice %arg9[%shift_right_arithmetic3A_264, %dma_start3A_344] : memref<2x128xi32, #tpu.memory_space<vmem>> -> memref<1x128xi32, #tpu.memory_space<vmem>>
              %dma_start3A_346 = tpu.memref_squeeze %dma_start3A_345 : memref<1x128xi32, #tpu.memory_space<vmem>> -> memref<128xi32, #tpu.memory_space<vmem>>
              %dma_start3A_347 = arith.constant 0 : i32
              %dma_start3A_348 = arith.constant 0 : i32
              %dma_start3A_349 = tpu.memref_slice %arg4[%dma_start3A_347, %dma_start3A_348] : memref<16512x128xf32, #tpu.memory_space<hbm>> -> memref<16512x128xf32, #tpu.memory_space<hbm>>
              tpu.enqueue_indirect_dma source(%dma_start3A_343 : memref<128x128xf32, #tpu.memory_space<vmem>>) target(%dma_start3A_349 : memref<16512x128xf32, #tpu.memory_space<hbm>>) offsets(%dma_start3A_346 : memref<128xi32, #tpu.memory_space<vmem>>) semaphore(%arg13 : memref<!tpu.dma_semaphore, #tpu.memory_space<semaphore_mem>>)
              %get3A_350 = arith.constant 1 : i32
              %get3A_351 = arith.index_cast %get3A_350 : i32 to index
              %get3A_352 = memref.load %arg10[%get3A_351] : memref<8xi32, #tpu.memory_space<smem>>
              %add3A_353 = arith.constant 1 : i32
              %add3A_354 = arith.addi %get3A_352, %add3A_353 : i32
              %swap3A_355 = arith.constant 1 : i32
              %swap3A_356 = arith.index_cast %swap3A_355 : i32 to index
              %swap3A_357 = memref.load %arg10[%swap3A_356] : memref<8xi32, #tpu.memory_space<smem>>
              memref.store %add3A_354, %arg10[%swap3A_356] : memref<8xi32, #tpu.memory_space<smem>>
            } else {
            }
            %ne3A_337 = vector.broadcast %squeeze3A_229 : i32 to vector<16xi32>
            %ne3A_338 = arith.cmpi ne, %iota3A, %ne3A_337 : vector<16xi32>
            %and3A_339 = arith.andi %while3A_227, %ne3A_338 : vector<16xi1>
            scf.yield %and3A_339 : vector<16xi1>
          }
        } else {
        }
      }
    }
    %get3A = arith.constant 1 : i32
    %get3A_128 = arith.index_cast %get3A : i32 to index
    %get3A_129 = memref.load %arg10[%get3A_128] : memref<8xi32, #tpu.memory_space<smem>>
    %get3A_130 = arith.constant 2 : i32
    %get3A_131 = arith.index_cast %get3A_130 : i32 to index
    %get3A_132 = memref.load %arg10[%get3A_131] : memref<8xi32, #tpu.memory_space<smem>>
    %sub3A_133 = arith.subi %get3A_129, %get3A_132 : i32
    %while3A_134 = arith.constant 0 : i32
    %while3A_135 = arith.constant 0 : i32
    %while3A_136 = arith.subi %sub3A_133, %while3A_135 : i32
    %while3A_137 = arith.addi %while3A_135, %while3A_136 : i32
    %while3A_138 = arith.constant 1 : i32
    %while3A_139 = arith.divsi %while3A_136, %while3A_138 : i32
    %while3A_140 = arith.muli %while3A_139, %while3A_138 : i32
    %while3A_141 = arith.addi %while3A_135, %while3A_140 : i32
    %while3A_142 = arith.constant 1 : i32
    scf.for %while3A_144 = %while3A_135 to %while3A_141 step %while3A_142  : i32 {
      %dma_wait3A = arith.constant 0 : i32
      %dma_wait3A_145 = arith.constant 0 : i32
      %dma_wait3A_146 = tpu.memref_slice %arg8[%dma_wait3A, %dma_wait3A_145] : memref<256x128xf32, #tpu.memory_space<vmem>> -> memref<128x128xf32, #tpu.memory_space<vmem>>
      %dma_wait3A_147 = arith.constant 0 : i32
      %dma_wait3A_148 = arith.constant 0 : i32
      %dma_wait3A_149 = tpu.memref_slice %arg4[%dma_wait3A_147, %dma_wait3A_148] : memref<16512x128xf32, #tpu.memory_space<hbm>> -> memref<128x128xf32, #tpu.memory_space<hbm>>
      %dma_wait3A_150 = arith.constant 0 : i32
      %dma_wait3A_151 = arith.constant 0 : i32
      %dma_wait3A_152 = tpu.memref_slice %arg8[%dma_wait3A_150, %dma_wait3A_151] : memref<256x128xf32, #tpu.memory_space<vmem>> -> memref<128x128xf32, #tpu.memory_space<vmem>>
      %dma_wait3A_153 = arith.constant 0 : i32
      %dma_wait3A_154 = arith.constant 0 : i32
      %dma_wait3A_155 = tpu.memref_slice %arg4[%dma_wait3A_153, %dma_wait3A_154] : memref<16512x128xf32, #tpu.memory_space<hbm>> -> memref<128x128xf32, #tpu.memory_space<hbm>>
      tpu.wait_dma2 semaphore(%arg13 : memref<!tpu.dma_semaphore, #tpu.memory_space<semaphore_mem>>) src(%dma_wait3A_155 : memref<128x128xf32, #tpu.memory_space<hbm>>) dst(%dma_wait3A_152 : memref<128x128xf32, #tpu.memory_space<vmem>>)
    }
    %while3A_143 = arith.constant 1 : i32
    scf.for %while3A_144 = %while3A_141 to %while3A_137 step %while3A_143  : i32 {
      %dma_wait3A = arith.constant 0 : i32
      %dma_wait3A_145 = arith.constant 0 : i32
      %dma_wait3A_146 = tpu.memref_slice %arg8[%dma_wait3A, %dma_wait3A_145] : memref<256x128xf32, #tpu.memory_space<vmem>> -> memref<128x128xf32, #tpu.memory_space<vmem>>
      %dma_wait3A_147 = arith.constant 0 : i32
      %dma_wait3A_148 = arith.constant 0 : i32
      %dma_wait3A_149 = tpu.memref_slice %arg4[%dma_wait3A_147, %dma_wait3A_148] : memref<16512x128xf32, #tpu.memory_space<hbm>> -> memref<128x128xf32, #tpu.memory_space<hbm>>
      %dma_wait3A_150 = arith.constant 0 : i32
      %dma_wait3A_151 = arith.constant 0 : i32
      %dma_wait3A_152 = tpu.memref_slice %arg8[%dma_wait3A_150, %dma_wait3A_151] : memref<256x128xf32, #tpu.memory_space<vmem>> -> memref<128x128xf32, #tpu.memory_space<vmem>>
      %dma_wait3A_153 = arith.constant 0 : i32
      %dma_wait3A_154 = arith.constant 0 : i32
      %dma_wait3A_155 = tpu.memref_slice %arg4[%dma_wait3A_153, %dma_wait3A_154] : memref<16512x128xf32, #tpu.memory_space<hbm>> -> memref<128x128xf32, #tpu.memory_space<hbm>>
      tpu.wait_dma2 semaphore(%arg13 : memref<!tpu.dma_semaphore, #tpu.memory_space<semaphore_mem>>) src(%dma_wait3A_155 : memref<128x128xf32, #tpu.memory_space<hbm>>) dst(%dma_wait3A_152 : memref<128x128xf32, #tpu.memory_space<vmem>>)
    }
    return
  }
}

#map = affine_map<(d0, d1) -> (0)>
#map1 = affine_map<(d0, d1) -> (0, 0)>
module attributes {stable_mosaic.version = 14 : i64} {
  func.func @_gather_cols(%arg0: i32, %arg1: i32, %arg2: memref<16384xi32, #tpu.memory_space<hbm>>, %arg3: memref<64x1000000xf32, #tpu.memory_space<hbm>>, %arg4: memref<16512x128xf32, #tpu.memory_space<hbm>>, %arg5: memref<16384xi32, #tpu.memory_space<vmem>>, %arg6: memref<1040xi32, #tpu.memory_space<vmem>>, %arg7: memref<2x64x512xf32, #tpu.memory_space<vmem>>, %arg8: memref<256x128xf32, #tpu.memory_space<vmem>>, %arg9: memref<2x128xi32, #tpu.memory_space<vmem>>, %arg10: memref<8xi32, #tpu.memory_space<smem>>, %arg11: memref<!tpu.dma_semaphore, #tpu.memory_space<semaphore_mem>>, %arg12: memref<!tpu.dma_semaphore, #tpu.memory_space<semaphore_mem>>, %arg13: memref<!tpu.dma_semaphore, #tpu.memory_space<semaphore_mem>>) attributes {dimension_semantics = [#tpu.dimension_semantics<core_parallel>, #tpu.dimension_semantics<subcore_parallel>], iteration_bounds = array<i64: 2, 16>, scalar_prefetch = 0 : i64, scratch_operands = 9 : i64, tpu.core_type = #tpu.core_type<sc_vector_subcore>, window_params = [{transform_indices = #map}, {transform_indices = #map1}, {transform_indices = #map1}]} {
    %mul3A = arith.constant 2 : i32
    %mul3A_0 = arith.muli %arg1, %mul3A : i32
    %add3A = arith.addi %mul3A_0, %arg0 : i32
    %mul3A_1 = arith.constant 245 : i32
    %mul3A_2 = arith.muli %add3A, %mul3A_1 : i32
    %mul3A_3 = arith.constant 128 : i32
    %mul3A_4 = arith.muli %mul3A_2, %mul3A_3 : i32
    %sub3A = arith.constant 7813 : i32
    %sub3A_5 = arith.subi %sub3A, %mul3A_2 : i32
    %min3A = arith.constant 245 : i32
    %min3A_6 = arith.minsi %min3A, %sub3A_5 : i32
    %add3A_7 = arith.constant 4 : i32
    %add3A_8 = arith.addi %min3A_6, %add3A_7 : i32
    %sub3A_9 = arith.constant 1 : i32
    %sub3A_10 = arith.subi %add3A_8, %sub3A_9 : i32
    %jit3A = arith.constant 4 : i32
    %div3A = arith.divsi %sub3A_10, %jit3A : i32
    %sign3A = arith.constant 0 : i32
    %sign3A_11 = arith.cmpi sgt, %sub3A_10, %sign3A : i32
    %sign3A_12 = arith.extui %sign3A_11 : i1 to i32
    %sign3A_13 = arith.constant 0 : i32
    %sign3A_14 = arith.cmpi slt, %sub3A_10, %sign3A_13 : i32
    %sign3A_15 = arith.extui %sign3A_14 : i1 to i32
    %sign3A_16 = arith.subi %sign3A_12, %sign3A_15 : i32
    %sign3A_17 = arith.constant 0 : i32
    %sign3A_18 = arith.cmpi sgt, %jit3A, %sign3A_17 : i32
    %sign3A_19 = arith.extui %sign3A_18 : i1 to i32
    %sign3A_20 = arith.constant 0 : i32
    %sign3A_21 = arith.cmpi slt, %jit3A, %sign3A_20 : i32
    %sign3A_22 = arith.extui %sign3A_21 : i1 to i32
    %sign3A_23 = arith.subi %sign3A_19, %sign3A_22 : i32
    %ne3A = arith.cmpi ne, %sign3A_16, %sign3A_23 : i32
    %rem3A = arith.remsi %sub3A_10, %jit3A : i32
    %ne3A_24 = arith.constant 0 : i32
    %ne3A_25 = arith.cmpi ne, %rem3A, %ne3A_24 : i32
    %and3A = arith.andi %ne3A, %ne3A_25 : i1
    %sub3A_26 = arith.constant 1 : i32
    %sub3A_27 = arith.subi %div3A, %sub3A_26 : i32
    %select_n3A = arith.select %and3A, %sub3A_27, %div3A : i32
    %iota3A = tpu.iota {dimensions = array<i32: 0>} : vector<16xi32>
    %add3A_28 = arith.constant 0 : i32
    %add3A_29 = vector.broadcast %add3A_28 : i32 to vector<16xi32>
    %add3A_30 = arith.addi %iota3A, %add3A_29 : vector<16xi32>
    %add3A_31 = arith.constant 16 : i32
    %add3A_32 = vector.broadcast %add3A_31 : i32 to vector<16xi32>
    %add3A_33 = arith.addi %iota3A, %add3A_32 : vector<16xi32>
    %add3A_34 = arith.constant 32 : i32
    %add3A_35 = vector.broadcast %add3A_34 : i32 to vector<16xi32>
    %add3A_36 = arith.addi %iota3A, %add3A_35 : vector<16xi32>
    %add3A_37 = arith.constant 48 : i32
    %add3A_38 = vector.broadcast %add3A_37 : i32 to vector<16xi32>
    %add3A_39 = arith.addi %iota3A, %add3A_38 : vector<16xi32>
    %swap3A = arith.constant 0 : i32
    %swap3A_40 = arith.constant 0 : i32
    %swap3A_41 = arith.index_cast %swap3A_40 : i32 to index
    %swap3A_42 = memref.load %arg10[%swap3A_41] : memref<8xi32, #tpu.memory_space<smem>>
    memref.store %swap3A, %arg10[%swap3A_41] : memref<8xi32, #tpu.memory_space<smem>>
    %swap3A_43 = arith.constant 0 : i32
    %swap3A_44 = arith.constant 1 : i32
    %swap3A_45 = arith.index_cast %swap3A_44 : i32 to index
    %swap3A_46 = memref.load %arg10[%swap3A_45] : memref<8xi32, #tpu.memory_space<smem>>
    memref.store %swap3A_43, %arg10[%swap3A_45] : memref<8xi32, #tpu.memory_space<smem>>
    %swap3A_47 = arith.constant 0 : i32
    %swap3A_48 = arith.constant 2 : i32
    %swap3A_49 = arith.index_cast %swap3A_48 : i32 to index
    %swap3A_50 = memref.load %arg10[%swap3A_49] : memref<8xi32, #tpu.memory_space<smem>>
    memref.store %swap3A_47, %arg10[%swap3A_49] : memref<8xi32, #tpu.memory_space<smem>>
    "tpu.region"() ({
      %run_scoped3A = tpu.sem_alloc : memref<!tpu.dma_semaphore, #tpu.memory_space<semaphore_mem>>
      tpu.enqueue_dma source(%arg2 : memref<16384xi32, #tpu.memory_space<hbm>>) target(%arg5 : memref<16384xi32, #tpu.memory_space<vmem>>) target_semaphore(%run_scoped3A : memref<!tpu.dma_semaphore, #tpu.memory_space<semaphore_mem>>)
      tpu.wait_dma2 semaphore(%run_scoped3A : memref<!tpu.dma_semaphore, #tpu.memory_space<semaphore_mem>>) src(%arg2 : memref<16384xi32, #tpu.memory_space<hbm>>) dst(%arg5 : memref<16384xi32, #tpu.memory_space<vmem>>)
      tpu.yield
    }) : () -> ()
    %scan3A = arith.constant 0 : i32
    %scan3A_51 = arith.constant 0 : i32
    %scan3A_52 = arith.constant 1024 : i32
    %scan3A_53 = arith.addi %scan3A_51, %scan3A_52 : i32
    %scan3A_54 = arith.constant 1 : i32
    %scan3A_55 = scf.for %scan3A_144 = %scan3A_51 to %scan3A_53 step %scan3A_54 iter_args(%scan3A_145 = %scan3A) -> (i32)  : i32 {
      %mul3A_146 = arith.constant 16 : i32
      %mul3A_147 = arith.muli %scan3A_144, %mul3A_146 : i32
      %get3A_148 = arith.index_cast %mul3A_147 : i32 to index
      %get3A_149 = tpu.vector_load %arg5[%get3A_148] {strides = array<i32>} : memref<16384xi32, #tpu.memory_space<vmem>>, vector<16xi32>,
      %sub3A_150 = vector.broadcast %mul3A_4 : i32 to vector<16xi32>
      %sub3A_151 = arith.subi %get3A_149, %sub3A_150 : vector<16xi32>
      %ge3A = arith.constant 0 : i32
      %ge3A_152 = vector.broadcast %ge3A : i32 to vector<16xi32>
      %ge3A_153 = arith.cmpi sge, %sub3A_151, %ge3A_152 : vector<16xi32>
      %mul3A_154 = arith.constant 128 : i32
      %mul3A_155 = arith.muli %min3A_6, %mul3A_154 : i32
      %lt3A = vector.broadcast %mul3A_155 : i32 to vector<16xi32>
      %lt3A_156 = arith.cmpi slt, %sub3A_151, %lt3A : vector<16xi32>
      %and3A_157 = arith.andi %ge3A_153, %lt3A_156 : vector<16xi1>
      %mul3A_158 = arith.constant 16 : i32
      %mul3A_159 = arith.muli %scan3A_144, %mul3A_158 : i32
      %add3A_160 = vector.broadcast %mul3A_159 : i32 to vector<16xi32>
      %add3A_161 = arith.addi %add3A_160, %iota3A : vector<16xi32>
      %shift_left3A = arith.constant 15 : i32
      %shift_left3A_162 = vector.broadcast %shift_left3A : i32 to vector<16xi32>
      %shift_left3A_163 = arith.shli %add3A_161, %shift_left3A_162 : vector<16xi32>
      %and3A_164 = arith.constant 32767 : i32
      %and3A_165 = vector.broadcast %and3A_164 : i32 to vector<16xi32>
      %and3A_166 = arith.andi %sub3A_151, %and3A_165 : vector<16xi32>
      %or3A = arith.ori %shift_left3A_163, %and3A_166 : vector<16xi32>
      %swap3A_167 = arith.index_cast %scan3A_145 : i32 to index
      %swap3A_168 = tpu.vector_load %arg6[%swap3A_167] masked %and3A_157 {strides = array<i32>} : memref<1040xi32, #tpu.memory_space<vmem>>, vector<16xi32>, vector<16xi1>
      tpu.vector_store %arg6[%swap3A_167], %or3A masked %and3A_157 {strides = array<i32>} : memref<1040xi32, #tpu.memory_space<vmem>>, vector<16xi32>, vector<16xi1>
      %all_reduce_population_count3A = tpu.all_reduce %and3A_157 {dim = 0 : i64, kind = #tpu.reduction_kind<sum>} : vector<16xi1> -> vector<16xi32>
      %slice3A = vector.extract_strided_slice %all_reduce_population_count3A {offsets = [0], sizes = [1], strides = [1]} : vector<16xi32> to vector<1xi32>
      %squeeze3A = vector.extract %slice3A[0] : i32 from vector<1xi32>
      %add3A_169 = arith.addi %scan3A_145, %squeeze3A : i32
      scf.yield %add3A_169 : i32
    }
    %scan3A_56 = arith.constant 1024 : i32
    %and3A_57 = arith.constant 127 : i32
    %and3A_58 = arith.andi %scan3A_55, %and3A_57 : i32
    %sub3A_59 = arith.constant 128 : i32
    %sub3A_60 = arith.subi %sub3A_59, %and3A_58 : i32
    %and3A_61 = arith.constant 127 : i32
    %and3A_62 = arith.andi %sub3A_60, %and3A_61 : i32
    %scan3A_63 = arith.constant 0 : i32
    %scan3A_64 = arith.constant 0 : i32
    %scan3A_65 = arith.constant 8 : i32
    %scan3A_66 = arith.addi %scan3A_64, %scan3A_65 : i32
    %scan3A_67 = arith.constant 1 : i32
    scf.for %scan3A_144 = %scan3A_64 to %scan3A_66 step %scan3A_67  : i32 {
      %mul3A_145 = arith.constant 16 : i32
      %mul3A_146 = arith.muli %scan3A_144, %mul3A_145 : i32
      %add3A_147 = vector.broadcast %mul3A_146 : i32 to vector<16xi32>
      %add3A_148 = arith.addi %add3A_147, %iota3A : vector<16xi32>
      %or3A = arith.constant 1073741824 : i32
      %or3A_149 = vector.broadcast %or3A : i32 to vector<16xi32>
      %or3A_150 = arith.ori %or3A_149, %add3A_148 : vector<16xi32>
      %mul3A_151 = arith.constant 16 : i32
      %mul3A_152 = arith.muli %scan3A_144, %mul3A_151 : i32
      %add3A_153 = vector.broadcast %mul3A_152 : i32 to vector<16xi32>
      %add3A_154 = arith.addi %add3A_153, %iota3A : vector<16xi32>
      %lt3A = vector.broadcast %and3A_62 : i32 to vector<16xi32>
      %lt3A_155 = arith.cmpi slt, %add3A_154, %lt3A : vector<16xi32>
      %jit3A_156 = arith.constant -1 : i32
      %broadcast_in_dim3A_157 = vector.broadcast %jit3A_156 : i32 to vector<16xi32>
      %select_n3A_158 = arith.select %lt3A_155, %or3A_150, %broadcast_in_dim3A_157 : vector<16xi1>, vector<16xi32>
      %mul3A_159 = arith.constant 16 : i32
      %mul3A_160 = arith.muli %scan3A_144, %mul3A_159 : i32
      %add3A_161 = arith.addi %scan3A_55, %mul3A_160 : i32
      %swap3A_162 = arith.index_cast %add3A_161 : i32 to index
      %swap3A_163 = tpu.vector_load %arg6[%swap3A_162] {strides = array<i32>} : memref<1040xi32, #tpu.memory_space<vmem>>, vector<16xi32>,
      tpu.vector_store %arg6[%swap3A_162], %select_n3A_158 {strides = array<i32>} : memref<1040xi32, #tpu.memory_space<vmem>>, vector<16xi32>,
    }
    %scan3A_68 = arith.constant 8 : i32
    %add3A_69 = arith.addi %scan3A_55, %and3A_62 : i32
    %broadcast_in_dim3A = arith.constant -1 : i32
    %broadcast_in_dim3A_70 = vector.broadcast %broadcast_in_dim3A : i32 to vector<16xi32>
    %swap3A_71 = arith.index_cast %add3A_69 : i32 to index
    %swap3A_72 = tpu.vector_load %arg6[%swap3A_71] {strides = array<i32>} : memref<1040xi32, #tpu.memory_space<vmem>>, vector<16xi32>,
    tpu.vector_store %arg6[%swap3A_71], %broadcast_in_dim3A_70 {strides = array<i32>} : memref<1040xi32, #tpu.memory_space<vmem>>, vector<16xi32>,
    %add3A_73 = arith.constant 16 : i32
    %add3A_74 = arith.addi %add3A_69, %add3A_73 : i32
    %sub3A_75 = arith.constant 1 : i32
    %sub3A_76 = arith.subi %add3A_74, %sub3A_75 : i32
    %jit3A_77 = arith.constant 16 : i32
    %div3A_78 = arith.divsi %sub3A_76, %jit3A_77 : i32
    %sign3A_79 = arith.constant 0 : i32
    %sign3A_80 = arith.cmpi sgt, %sub3A_76, %sign3A_79 : i32
    %sign3A_81 = arith.extui %sign3A_80 : i1 to i32
    %sign3A_82 = arith.constant 0 : i32
    %sign3A_83 = arith.cmpi slt, %sub3A_76, %sign3A_82 : i32
    %sign3A_84 = arith.extui %sign3A_83 : i1 to i32
    %sign3A_85 = arith.subi %sign3A_81, %sign3A_84 : i32
    %sign3A_86 = arith.constant 0 : i32
    %sign3A_87 = arith.cmpi sgt, %jit3A_77, %sign3A_86 : i32
    %sign3A_88 = arith.extui %sign3A_87 : i1 to i32
    %sign3A_89 = arith.constant 0 : i32
    %sign3A_90 = arith.cmpi slt, %jit3A_77, %sign3A_89 : i32
    %sign3A_91 = arith.extui %sign3A_90 : i1 to i32
    %sign3A_92 = arith.subi %sign3A_88, %sign3A_91 : i32
    %ne3A_93 = arith.cmpi ne, %sign3A_85, %sign3A_92 : i32
    %rem3A_94 = arith.remsi %sub3A_76, %jit3A_77 : i32
    %ne3A_95 = arith.constant 0 : i32
    %ne3A_96 = arith.cmpi ne, %rem3A_94, %ne3A_95 : i32
    %and3A_97 = arith.andi %ne3A_93, %ne3A_96 : i1
    %sub3A_98 = arith.constant 1 : i32
    %sub3A_99 = arith.subi %div3A_78, %sub3A_98 : i32
    %select_n3A_100 = arith.select %and3A_97, %sub3A_99, %div3A_78 : i32
    %add3A_101 = arith.constant 0 : i32
    %add3A_102 = arith.addi %mul3A_2, %add3A_101 : i32
    %min3A_103 = arith.constant 7809 : i32
    %min3A_104 = arith.minsi %add3A_102, %min3A_103 : i32
    %mul3A_105 = arith.constant 128 : i32
    %mul3A_106 = arith.muli %min3A_104, %mul3A_105 : i32
    %dma_start3A = arith.constant 0 : i32
    %dma_start3A_107 = arith.constant 0 : i32
    %dma_start3A_108 = arith.constant 0 : i32
    %dma_start3A_109 = tpu.memref_slice %arg7[%dma_start3A, %dma_start3A_107, %dma_start3A_108] : memref<2x64x512xf32, #tpu.memory_space<vmem>> -> memref<1x64x512xf32, #tpu.memory_space<vmem>>
    %dma_start3A_110 = tpu.memref_squeeze %dma_start3A_109 : memref<1x64x512xf32, #tpu.memory_space<vmem>> -> memref<64x512xf32, #tpu.memory_space<vmem>>
    %dma_start3A_111 = arith.constant 0 : i32
    %dma_start3A_112 = tpu.memref_slice %arg3[%dma_start3A_111, %mul3A_106] : memref<64x1000000xf32, #tpu.memory_space<hbm>> -> memref<64x512xf32, #tpu.memory_space<hbm>>
    %dma_start3A_113 = arith.constant 0 : i32
    %dma_start3A_114 = arith.constant 0 : i32
    %dma_start3A_115 = tpu.memref_slice %arg7[%dma_start3A, %dma_start3A_113, %dma_start3A_114] : memref<2x64x512xf32, #tpu.memory_space<vmem>> -> memref<1x64x512xf32, #tpu.memory_space<vmem>>
    %dma_start3A_116 = tpu.memref_squeeze %dma_start3A_115 : memref<1x64x512xf32, #tpu.memory_space<vmem>> -> memref<64x512xf32, #tpu.memory_space<vmem>>
    %dma_start3A_117 = arith.constant 0 : i32
    %dma_start3A_118 = tpu.memref_slice %arg3[%dma_start3A_117, %mul3A_106] : memref<64x1000000xf32, #tpu.memory_space<hbm>> -> memref<64x512xf32, #tpu.memory_space<hbm>>
    tpu.enqueue_dma source(%dma_start3A_118 : memref<64x512xf32, #tpu.memory_space<hbm>>) target(%dma_start3A_116 : memref<64x512xf32, #tpu.memory_space<vmem>>) target_semaphore(%arg11 : memref<!tpu.dma_semaphore, #tpu.memory_space<semaphore_mem>>)
    %while3A = arith.constant 0 : i32
    %while3A_119 = arith.constant 0 : i32
    %while3A_120 = arith.subi %select_n3A, %while3A_119 : i32
    %while3A_121 = arith.addi %while3A_119, %while3A_120 : i32
    %while3A_122 = arith.constant 1 : i32
    %while3A_123 = arith.divsi %while3A_120, %while3A_122 : i32
    %while3A_124 = arith.muli %while3A_123, %while3A_122 : i32
    %while3A_125 = arith.addi %while3A_119, %while3A_124 : i32
    %while3A_126 = arith.constant 1 : i32
    scf.for %while3A_144 = %while3A_119 to %while3A_125 step %while3A_126  : i32 {
      %and3A_145 = arith.constant 1 : i32
      %and3A_146 = arith.andi %while3A_144, %and3A_145 : i32
      %add3A_147 = arith.constant 1 : i32
      %add3A_148 = arith.addi %while3A_144, %add3A_147 : i32
      %lt3A = arith.cmpi slt, %add3A_148, %select_n3A : i32
      %eq3A = arith.constant 0 : i32
      %eq3A_149 = arith.cmpi eq, %and3A_146, %eq3A : i32
      %and3A_150 = arith.andi %lt3A, %eq3A_149 : i1
      %convert_element_type3A = arith.extui %and3A_150 : i1 to i32
      %cond3A = arith.constant 0 : i32
      %cond3A_151 = arith.cmpi ne, %convert_element_type3A, %cond3A : i32
      scf.if %cond3A_151 {
        %add3A_189 = arith.constant 1 : i32
        %add3A_190 = arith.addi %while3A_144, %add3A_189 : i32
        %mul3A_191 = arith.constant 4 : i32
        %mul3A_192 = arith.muli %add3A_190, %mul3A_191 : i32
        %add3A_193 = arith.addi %mul3A_2, %mul3A_192 : i32
        %min3A_194 = arith.constant 7809 : i32
        %min3A_195 = arith.minsi %add3A_193, %min3A_194 : i32
        %mul3A_196 = arith.constant 128 : i32
        %mul3A_197 = arith.muli %min3A_195, %mul3A_196 : i32
        %dma_start3A_198 = arith.constant 1 : i32
        %dma_start3A_199 = arith.constant 0 : i32
        %dma_start3A_200 = arith.constant 0 : i32
        %dma_start3A_201 = tpu.memref_slice %arg7[%dma_start3A_198, %dma_start3A_199, %dma_start3A_200] : memref<2x64x512xf32, #tpu.memory_space<vmem>> -> memref<1x64x512xf32, #tpu.memory_space<vmem>>
        %dma_start3A_202 = tpu.memref_squeeze %dma_start3A_201 : memref<1x64x512xf32, #tpu.memory_space<vmem>> -> memref<64x512xf32, #tpu.memory_space<vmem>>
        %dma_start3A_203 = arith.constant 0 : i32
        %dma_start3A_204 = tpu.memref_slice %arg3[%dma_start3A_203, %mul3A_197] : memref<64x1000000xf32, #tpu.memory_space<hbm>> -> memref<64x512xf32, #tpu.memory_space<hbm>>
        %dma_start3A_205 = arith.constant 0 : i32
        %dma_start3A_206 = arith.constant 0 : i32
        %dma_start3A_207 = tpu.memref_slice %arg7[%dma_start3A_198, %dma_start3A_205, %dma_start3A_206] : memref<2x64x512xf32, #tpu.memory_space<vmem>> -> memref<1x64x512xf32, #tpu.memory_space<vmem>>
        %dma_start3A_208 = tpu.memref_squeeze %dma_start3A_207 : memref<1x64x512xf32, #tpu.memory_space<vmem>> -> memref<64x512xf32, #tpu.memory_space<vmem>>
        %dma_start3A_209 = arith.constant 0 : i32
        %dma_start3A_210 = tpu.memref_slice %arg3[%dma_start3A_209, %mul3A_197] : memref<64x1000000xf32, #tpu.memory_space<hbm>> -> memref<64x512xf32, #tpu.memory_space<hbm>>
        tpu.enqueue_dma source(%dma_start3A_210 : memref<64x512xf32, #tpu.memory_space<hbm>>) target(%dma_start3A_208 : memref<64x512xf32, #tpu.memory_space<vmem>>) target_semaphore(%arg12 : memref<!tpu.dma_semaphore, #tpu.memory_space<semaphore_mem>>)
      } else {
      }
      %add3A_152 = arith.constant 1 : i32
      %add3A_153 = arith.addi %while3A_144, %add3A_152 : i32
      %lt3A_154 = arith.cmpi slt, %add3A_153, %select_n3A : i32
      %eq3A_155 = arith.constant 1 : i32
      %eq3A_156 = arith.cmpi eq, %and3A_146, %eq3A_155 : i32
      %and3A_157 = arith.andi %lt3A_154, %eq3A_156 : i1
      %convert_element_type3A_158 = arith.extui %and3A_157 : i1 to i32
      %cond3A_159 = arith.constant 0 : i32
      %cond3A_160 = arith.cmpi ne, %convert_element_type3A_158, %cond3A_159 : i32
      scf.if %cond3A_160 {
        %add3A_189 = arith.constant 1 : i32
        %add3A_190 = arith.addi %while3A_144, %add3A_189 : i32
        %mul3A_191 = arith.constant 4 : i32
        %mul3A_192 = arith.muli %add3A_190, %mul3A_191 : i32
        %add3A_193 = arith.addi %mul3A_2, %mul3A_192 : i32
        %min3A_194 = arith.constant 7809 : i32
        %min3A_195 = arith.minsi %add3A_193, %min3A_194 : i32
        %mul3A_196 = arith.constant 128 : i32
        %mul3A_197 = arith.muli %min3A_195, %mul3A_196 : i32
        %dma_start3A_198 = arith.constant 0 : i32
        %dma_start3A_199 = arith.constant 0 : i32
        %dma_start3A_200 = arith.constant 0 : i32
        %dma_start3A_201 = tpu.memref_slice %arg7[%dma_start3A_198, %dma_start3A_199, %dma_start3A_200] : memref<2x64x512xf32, #tpu.memory_space<vmem>> -> memref<1x64x512xf32, #tpu.memory_space<vmem>>
        %dma_start3A_202 = tpu.memref_squeeze %dma_start3A_201 : memref<1x64x512xf32, #tpu.memory_space<vmem>> -> memref<64x512xf32, #tpu.memory_space<vmem>>
        %dma_start3A_203 = arith.constant 0 : i32
        %dma_start3A_204 = tpu.memref_slice %arg3[%dma_start3A_203, %mul3A_197] : memref<64x1000000xf32, #tpu.memory_space<hbm>> -> memref<64x512xf32, #tpu.memory_space<hbm>>
        %dma_start3A_205 = arith.constant 0 : i32
        %dma_start3A_206 = arith.constant 0 : i32
        %dma_start3A_207 = tpu.memref_slice %arg7[%dma_start3A_198, %dma_start3A_205, %dma_start3A_206] : memref<2x64x512xf32, #tpu.memory_space<vmem>> -> memref<1x64x512xf32, #tpu.memory_space<vmem>>
        %dma_start3A_208 = tpu.memref_squeeze %dma_start3A_207 : memref<1x64x512xf32, #tpu.memory_space<vmem>> -> memref<64x512xf32, #tpu.memory_space<vmem>>
        %dma_start3A_209 = arith.constant 0 : i32
        %dma_start3A_210 = tpu.memref_slice %arg3[%dma_start3A_209, %mul3A_197] : memref<64x1000000xf32, #tpu.memory_space<hbm>> -> memref<64x512xf32, #tpu.memory_space<hbm>>
        tpu.enqueue_dma source(%dma_start3A_210 : memref<64x512xf32, #tpu.memory_space<hbm>>) target(%dma_start3A_208 : memref<64x512xf32, #tpu.memory_space<vmem>>) target_semaphore(%arg11 : memref<!tpu.dma_semaphore, #tpu.memory_space<semaphore_mem>>)
      } else {
      }
      %eq3A_161 = arith.constant 0 : i32
      %eq3A_162 = arith.cmpi eq, %and3A_146, %eq3A_161 : i32
      %convert_element_type3A_163 = arith.extui %eq3A_162 : i1 to i32
      %cond3A_164 = arith.constant 0 : i32
      %cond3A_165 = arith.cmpi ne, %convert_element_type3A_163, %cond3A_164 : i32
      scf.if %cond3A_165 {
        %dma_wait3A = arith.constant 0 : i32
        %dma_wait3A_189 = arith.constant 0 : i32
        %dma_wait3A_190 = arith.constant 0 : i32
        %dma_wait3A_191 = tpu.memref_slice %arg7[%dma_wait3A, %dma_wait3A_189, %dma_wait3A_190] : memref<2x64x512xf32, #tpu.memory_space<vmem>> -> memref<1x64x512xf32, #tpu.memory_space<vmem>>
        %dma_wait3A_192 = tpu.memref_squeeze %dma_wait3A_191 : memref<1x64x512xf32, #tpu.memory_space<vmem>> -> memref<64x512xf32, #tpu.memory_space<vmem>>
        %dma_wait3A_193 = arith.constant 0 : i32
        %dma_wait3A_194 = arith.constant 0 : i32
        %dma_wait3A_195 = tpu.memref_slice %arg3[%dma_wait3A_193, %dma_wait3A_194] : memref<64x1000000xf32, #tpu.memory_space<hbm>> -> memref<64x512xf32, #tpu.memory_space<hbm>>
        %dma_wait3A_196 = arith.constant 0 : i32
        %dma_wait3A_197 = arith.constant 0 : i32
        %dma_wait3A_198 = tpu.memref_slice %arg7[%dma_wait3A, %dma_wait3A_196, %dma_wait3A_197] : memref<2x64x512xf32, #tpu.memory_space<vmem>> -> memref<1x64x512xf32, #tpu.memory_space<vmem>>
        %dma_wait3A_199 = tpu.memref_squeeze %dma_wait3A_198 : memref<1x64x512xf32, #tpu.memory_space<vmem>> -> memref<64x512xf32, #tpu.memory_space<vmem>>
        %dma_wait3A_200 = arith.constant 0 : i32
        %dma_wait3A_201 = arith.constant 0 : i32
        %dma_wait3A_202 = tpu.memref_slice %arg3[%dma_wait3A_200, %dma_wait3A_201] : memref<64x1000000xf32, #tpu.memory_space<hbm>> -> memref<64x512xf32, #tpu.memory_space<hbm>>
        tpu.wait_dma2 semaphore(%arg11 : memref<!tpu.dma_semaphore, #tpu.memory_space<semaphore_mem>>) src(%dma_wait3A_202 : memref<64x512xf32, #tpu.memory_space<hbm>>) dst(%dma_wait3A_199 : memref<64x512xf32, #tpu.memory_space<vmem>>)
      } else {
      }
      %eq3A_166 = arith.constant 1 : i32
      %eq3A_167 = arith.cmpi eq, %and3A_146, %eq3A_166 : i32
      %convert_element_type3A_168 = arith.extui %eq3A_167 : i1 to i32
      %cond3A_169 = arith.constant 0 : i32
      %cond3A_170 = arith.cmpi ne, %convert_element_type3A_168, %cond3A_169 : i32
      scf.if %cond3A_170 {
        %dma_wait3A = arith.constant 1 : i32
        %dma_wait3A_189 = arith.constant 0 : i32
        %dma_wait3A_190 = arith.constant 0 : i32
        %dma_wait3A_191 = tpu.memref_slice %arg7[%dma_wait3A, %dma_wait3A_189, %dma_wait3A_190] : memref<2x64x512xf32, #tpu.memory_space<vmem>> -> memref<1x64x512xf32, #tpu.memory_space<vmem>>
        %dma_wait3A_192 = tpu.memref_squeeze %dma_wait3A_191 : memref<1x64x512xf32, #tpu.memory_space<vmem>> -> memref<64x512xf32, #tpu.memory_space<vmem>>
        %dma_wait3A_193 = arith.constant 0 : i32
        %dma_wait3A_194 = arith.constant 0 : i32
        %dma_wait3A_195 = tpu.memref_slice %arg3[%dma_wait3A_193, %dma_wait3A_194] : memref<64x1000000xf32, #tpu.memory_space<hbm>> -> memref<64x512xf32, #tpu.memory_space<hbm>>
        %dma_wait3A_196 = arith.constant 0 : i32
        %dma_wait3A_197 = arith.constant 0 : i32
        %dma_wait3A_198 = tpu.memref_slice %arg7[%dma_wait3A, %dma_wait3A_196, %dma_wait3A_197] : memref<2x64x512xf32, #tpu.memory_space<vmem>> -> memref<1x64x512xf32, #tpu.memory_space<vmem>>
        %dma_wait3A_199 = tpu.memref_squeeze %dma_wait3A_198 : memref<1x64x512xf32, #tpu.memory_space<vmem>> -> memref<64x512xf32, #tpu.memory_space<vmem>>
        %dma_wait3A_200 = arith.constant 0 : i32
        %dma_wait3A_201 = arith.constant 0 : i32
        %dma_wait3A_202 = tpu.memref_slice %arg3[%dma_wait3A_200, %dma_wait3A_201] : memref<64x1000000xf32, #tpu.memory_space<hbm>> -> memref<64x512xf32, #tpu.memory_space<hbm>>
        tpu.wait_dma2 semaphore(%arg12 : memref<!tpu.dma_semaphore, #tpu.memory_space<semaphore_mem>>) src(%dma_wait3A_202 : memref<64x512xf32, #tpu.memory_space<hbm>>) dst(%dma_wait3A_199 : memref<64x512xf32, #tpu.memory_space<vmem>>)
      } else {
      }
      %mul3A_171 = arith.constant 4 : i32
      %mul3A_172 = arith.muli %while3A_144, %mul3A_171 : i32
      %add3A_173 = arith.addi %mul3A_2, %mul3A_172 : i32
      %min3A_174 = arith.constant 7809 : i32
      %min3A_175 = arith.minsi %add3A_173, %min3A_174 : i32
      %sub3A_176 = arith.subi %min3A_175, %mul3A_2 : i32
      %mul3A_177 = arith.constant 128 : i32
      %mul3A_178 = arith.muli %sub3A_176, %mul3A_177 : i32
      %while3A_179 = arith.constant 0 : i32
      %while3A_180 = arith.constant 0 : i32
      %while3A_181 = arith.subi %select_n3A_100, %while3A_180 : i32
      %while3A_182 = arith.addi %while3A_180, %while3A_181 : i32
      %while3A_183 = arith.constant 1 : i32
      %while3A_184 = arith.divsi %while3A_181, %while3A_183 : i32
      %while3A_185 = arith.muli %while3A_184, %while3A_183 : i32
      %while3A_186 = arith.addi %while3A_180, %while3A_185 : i32
      %while3A_187 = arith.constant 1 : i32
      scf.for %while3A_189 = %while3A_180 to %while3A_186 step %while3A_187  : i32 {
        %mul3A_190 = arith.constant 16 : i32
        %mul3A_191 = arith.muli %while3A_189, %mul3A_190 : i32
        %get3A_192 = arith.index_cast %mul3A_191 : i32 to index
        %get3A_193 = tpu.vector_load %arg6[%get3A_192] {strides = array<i32>} : memref<1040xi32, #tpu.memory_space<vmem>>, vector<16xi32>,
        %and3A_194 = arith.constant 32767 : i32
        %and3A_195 = vector.broadcast %and3A_194 : i32 to vector<16xi32>
        %and3A_196 = arith.andi %get3A_193, %and3A_195 : vector<16xi32>
        %ge3A = arith.constant 1073741824 : i32
        %ge3A_197 = vector.broadcast %ge3A : i32 to vector<16xi32>
        %ge3A_198 = arith.cmpi sge, %get3A_193, %ge3A_197 : vector<16xi32>
        %shift_right_arithmetic3A = arith.constant 9 : i32
        %shift_right_arithmetic3A_199 = vector.broadcast %shift_right_arithmetic3A : i32 to vector<16xi32>
        %shift_right_arithmetic3A_200 = arith.shrsi %and3A_196, %shift_right_arithmetic3A_199 : vector<16xi32>
        %eq3A_201 = vector.broadcast %while3A_144 : i32 to vector<16xi32>
        %eq3A_202 = arith.cmpi eq, %shift_right_arithmetic3A_200, %eq3A_201 : vector<16xi32>
        %eq3A_203 = arith.constant 0 : i32
        %eq3A_204 = arith.cmpi eq, %while3A_144, %eq3A_203 : i32
        %and3A_205 = vector.broadcast %eq3A_204 : i1 to vector<16xi1>
        %and3A_206 = arith.andi %ge3A_198, %and3A_205 : vector<16xi1>
        %or3A = arith.ori %eq3A_202, %and3A_206 : vector<16xi1>
        %ge3A_207 = arith.constant 0 : i32
        %ge3A_208 = vector.broadcast %ge3A_207 : i32 to vector<16xi32>
        %ge3A_209 = arith.cmpi sge, %get3A_193, %ge3A_208 : vector<16xi32>
        %and3A_210 = arith.andi %or3A, %ge3A_209 : vector<16xi1>
        %all_reduce_population_count3A = tpu.all_reduce %and3A_210 {dim = 0 : i64, kind = #tpu.reduction_kind<sum>} : vector<16xi1> -> vector<16xi32>
        %slice3A = vector.extract_strided_slice %all_reduce_population_count3A {offsets = [0], sizes = [1], strides = [1]} : vector<16xi32> to vector<1xi32>
        %squeeze3A = vector.extract %slice3A[0] : i32 from vector<1xi32>
        %gt3A = arith.constant 0 : i32
        %gt3A_211 = arith.cmpi sgt, %squeeze3A, %gt3A : i32
        %convert_element_type3A_212 = arith.extui %gt3A_211 : i1 to i32
        %cond3A_213 = arith.constant 0 : i32
        %cond3A_214 = arith.cmpi ne, %convert_element_type3A_212, %cond3A_213 : i32
        scf.if %cond3A_214 {
          %while3A_215 = arith.constant 0 : i32
          %while3A_216 = arith.subi %squeeze3A, %while3A_215 : i32
          %while3A_217 = arith.addi %while3A_215, %while3A_216 : i32
          %while3A_218 = arith.constant 1 : i32
          %while3A_219 = arith.divsi %while3A_216, %while3A_218 : i32
          %while3A_220 = arith.muli %while3A_219, %while3A_218 : i32
          %while3A_221 = arith.addi %while3A_215, %while3A_220 : i32
          %while3A_222 = arith.constant 1 : i32
          %while3A_223 = scf.for %while3A_226 = %while3A_215 to %while3A_221 step %while3A_222 iter_args(%while3A_227 = %and3A_210) -> (vector<16xi1>)  : i32 {
            %all_reduce_ffs3A = tpu.all_reduce %while3A_227 {dim = 0 : i64, kind = #tpu.reduction_kind<find_first_set>} : vector<16xi1> -> vector<16xi32>
            %slice3A_228 = vector.extract_strided_slice %all_reduce_ffs3A {offsets = [0], sizes = [1], strides = [1]} : vector<16xi32> to vector<1xi32>
            %squeeze3A_229 = vector.extract %slice3A_228[0] : i32 from vector<1xi32>
            %broadcast_in_dim3A_230 = vector.broadcast %squeeze3A_229 : i32 to vector<16xi32>
            %lt3A_231 = arith.constant 0 : i32
            %lt3A_232 = vector.broadcast %lt3A_231 : i32 to vector<16xi32>
            %lt3A_233 = arith.cmpi slt, %broadcast_in_dim3A_230, %lt3A_232 : vector<16xi32>
            %add3A_234 = arith.constant 16 : i32
            %add3A_235 = vector.broadcast %add3A_234 : i32 to vector<16xi32>
            %add3A_236 = arith.addi %broadcast_in_dim3A_230, %add3A_235 : vector<16xi32>
            %select_n3A_237 = arith.select %lt3A_233, %add3A_236, %broadcast_in_dim3A_230 : vector<16xi1>, vector<16xi32>
            %broadcast_in_dim3A_238 = vector.shape_cast %select_n3A_237 : vector<16xi32> to vector<16x1xi32>
            %gather3A = vector.shape_cast %broadcast_in_dim3A_238 : vector<16x1xi32> to vector<16xi32>
            %gather3A_239 = tpu.dynamic_gather %get3A_193[%gather3A] in [0] : vector<16xi32>, vector<16xi32> -> vector<16xi32>
            %slice3A_240 = vector.extract_strided_slice %gather3A_239 {offsets = [0], sizes = [1], strides = [1]} : vector<16xi32> to vector<1xi32>
            %squeeze3A_241 = vector.extract %slice3A_240[0] : i32 from vector<1xi32>
            %ge3A_242 = arith.constant 1073741824 : i32
            %ge3A_243 = arith.cmpi sge, %squeeze3A_241, %ge3A_242 : i32
            %and3A_244 = arith.constant 127 : i32
            %and3A_245 = arith.andi %squeeze3A_241, %and3A_244 : i32
            %add3A_246 = arith.constant 16384 : i32
            %add3A_247 = arith.addi %add3A_246, %and3A_245 : i32
            %shift_right_arithmetic3A_248 = arith.constant 15 : i32
            %shift_right_arithmetic3A_249 = arith.shrsi %squeeze3A_241, %shift_right_arithmetic3A_248 : i32
            %select_n3A_250 = arith.select %ge3A_243, %add3A_247, %shift_right_arithmetic3A_249 : i32
            %and3A_251 = arith.constant 32767 : i32
            %and3A_252 = arith.andi %squeeze3A_241, %and3A_251 : i32
            %sub3A_253 = arith.subi %and3A_252, %mul3A_178 : i32
            %jit3A_254 = arith.constant 0 : i32
            %select_n3A_255 = arith.select %ge3A_243, %jit3A_254, %sub3A_253 : i32
            %get3A_256 = arith.constant 0 : i32
            %get3A_257 = arith.index_cast %get3A_256 : i32 to index
            %get3A_258 = memref.load %arg10[%get3A_257] : memref<8xi32, #tpu.memory_space<smem>>
            %and3A_259 = arith.constant 255 : i32
            %and3A_260 = arith.andi %get3A_258, %and3A_259 : i32
            %and3A_261 = arith.constant 255 : i32
            %and3A_262 = arith.andi %get3A_258, %and3A_261 : i32
            %shift_right_arithmetic3A_263 = arith.constant 7 : i32
            %shift_right_arithmetic3A_264 = arith.shrsi %and3A_262, %shift_right_arithmetic3A_263 : i32
            %and3A_265 = arith.constant 127 : i32
            %and3A_266 = arith.andi %get3A_258, %and3A_265 : i32
            %eq3A_267 = arith.constant 0 : i32
            %eq3A_268 = arith.cmpi eq, %and3A_266, %eq3A_267 : i32
            %ge3A_269 = arith.constant 256 : i32
            %ge3A_270 = arith.cmpi sge, %get3A_258, %ge3A_269 : i32
            %and3A_271 = arith.andi %eq3A_268, %ge3A_270 : i1
            %convert_element_type3A_272 = arith.extui %and3A_271 : i1 to i32
            %cond3A_273 = arith.constant 0 : i32
            %cond3A_274 = arith.cmpi ne, %convert_element_type3A_272, %cond3A_273 : i32
            scf.if %cond3A_274 {
              %mul3A_340 = arith.constant 128 : i32
              %mul3A_341 = arith.muli %shift_right_arithmetic3A_264, %mul3A_340 : i32
              %dma_wait3A = arith.constant 0 : i32
              %dma_wait3A_342 = tpu.memref_slice %arg8[%mul3A_341, %dma_wait3A] : memref<256x128xf32, #tpu.memory_space<vmem>> -> memref<128x128xf32, #tpu.memory_space<vmem>>
              %dma_wait3A_343 = arith.constant 0 : i32
              %dma_wait3A_344 = arith.constant 0 : i32
              %dma_wait3A_345 = tpu.memref_slice %arg4[%dma_wait3A_343, %dma_wait3A_344] : memref<16512x128xf32, #tpu.memory_space<hbm>> -> memref<128x128xf32, #tpu.memory_space<hbm>>
              %dma_wait3A_346 = arith.constant 0 : i32
              %dma_wait3A_347 = tpu.memref_slice %arg8[%mul3A_341, %dma_wait3A_346] : memref<256x128xf32, #tpu.memory_space<vmem>> -> memref<128x128xf32, #tpu.memory_space<vmem>>
              %dma_wait3A_348 = arith.constant 0 : i32
              %dma_wait3A_349 = arith.constant 0 : i32
              %dma_wait3A_350 = tpu.memref_slice %arg4[%dma_wait3A_348, %dma_wait3A_349] : memref<16512x128xf32, #tpu.memory_space<hbm>> -> memref<128x128xf32, #tpu.memory_space<hbm>>
              tpu.wait_dma2 semaphore(%arg13 : memref<!tpu.dma_semaphore, #tpu.memory_space<semaphore_mem>>) src(%dma_wait3A_350 : memref<128x128xf32, #tpu.memory_space<hbm>>) dst(%dma_wait3A_347 : memref<128x128xf32, #tpu.memory_space<vmem>>)
              %get3A_351 = arith.constant 2 : i32
              %get3A_352 = arith.index_cast %get3A_351 : i32 to index
              %get3A_353 = memref.load %arg10[%get3A_352] : memref<8xi32, #tpu.memory_space<smem>>
              %add3A_354 = arith.constant 1 : i32
              %add3A_355 = arith.addi %get3A_353, %add3A_354 : i32
              %swap3A_356 = arith.constant 2 : i32
              %swap3A_357 = arith.index_cast %swap3A_356 : i32 to index
              %swap3A_358 = memref.load %arg10[%swap3A_357] : memref<8xi32, #tpu.memory_space<smem>>
              memref.store %add3A_355, %arg10[%swap3A_357] : memref<8xi32, #tpu.memory_space<smem>>
            } else {
            }
            %broadcast_in_dim3A_275 = vector.broadcast %select_n3A_255 : i32 to vector<16xi32>
            %gather3A_276 = arith.constant 0 : i32
            %gather3A_277 = arith.constant 0 : i32
            %gather3A_278 = tpu.memref_slice %arg7[%and3A_146, %gather3A_276, %gather3A_277] : memref<2x64x512xf32, #tpu.memory_space<vmem>> -> memref<1x64x512xf32, #tpu.memory_space<vmem>>
            %gather3A_279 = tpu.memref_squeeze %gather3A_278 : memref<1x64x512xf32, #tpu.memory_space<vmem>> -> memref<64x512xf32, #tpu.memory_space<vmem>>
            %gather3A_280 = tpu.vector_load_idx %gather3A_279[%add3A_30, %broadcast_in_dim3A_275] : memref<64x512xf32, #tpu.memory_space<vmem>>[vector<16xi32>, vector<16xi32>], vector<16xf32>,
            %swap3A_281 = arith.index_cast %and3A_260 : i32 to index
            %swap3A_282 = arith.constant 0 : index
            %swap3A_283 = tpu.vector_load %arg8[%swap3A_281, %swap3A_282] {strides = array<i32>} : memref<256x128xf32, #tpu.memory_space<vmem>>, vector<16xf32>,
            tpu.vector_store %arg8[%swap3A_281, %swap3A_282], %gather3A_280 {strides = array<i32>} : memref<256x128xf32, #tpu.memory_space<vmem>>, vector<16xf32>,
            %gather3A_284 = arith.constant 0 : i32
            %gather3A_285 = arith.constant 0 : i32
            %gather3A_286 = tpu.memref_slice %arg7[%and3A_146, %gather3A_284, %gather3A_285] : memref<2x64x512xf32, #tpu.memory_space<vmem>> -> memref<1x64x512xf32, #tpu.memory_space<vmem>>
            %gather3A_287 = tpu.memref_squeeze %gather3A_286 : memref<1x64x512xf32, #tpu.memory_space<vmem>> -> memref<64x512xf32, #tpu.memory_space<vmem>>
            %gather3A_288 = tpu.vector_load_idx %gather3A_287[%add3A_33, %broadcast_in_dim3A_275] : memref<64x512xf32, #tpu.memory_space<vmem>>[vector<16xi32>, vector<16xi32>], vector<16xf32>,
            %swap3A_289 = arith.index_cast %and3A_260 : i32 to index
            %swap3A_290 = arith.constant 16 : index
            %swap3A_291 = tpu.vector_load %arg8[%swap3A_289, %swap3A_290] {strides = array<i32>} : memref<256x128xf32, #tpu.memory_space<vmem>>, vector<16xf32>,
            tpu.vector_store %arg8[%swap3A_289, %swap3A_290], %gather3A_288 {strides = array<i32>} : memref<256x128xf32, #tpu.memory_space<vmem>>, vector<16xf32>,
            %gather3A_292 = arith.constant 0 : i32
            %gather3A_293 = arith.constant 0 : i32
            %gather3A_294 = tpu.memref_slice %arg7[%and3A_146, %gather3A_292, %gather3A_293] : memref<2x64x512xf32, #tpu.memory_space<vmem>> -> memref<1x64x512xf32, #tpu.memory_space<vmem>>
            %gather3A_295 = tpu.memref_squeeze %gather3A_294 : memref<1x64x512xf32, #tpu.memory_space<vmem>> -> memref<64x512xf32, #tpu.memory_space<vmem>>
            %gather3A_296 = tpu.vector_load_idx %gather3A_295[%add3A_36, %broadcast_in_dim3A_275] : memref<64x512xf32, #tpu.memory_space<vmem>>[vector<16xi32>, vector<16xi32>], vector<16xf32>,
            %swap3A_297 = arith.index_cast %and3A_260 : i32 to index
            %swap3A_298 = arith.constant 32 : index
            %swap3A_299 = tpu.vector_load %arg8[%swap3A_297, %swap3A_298] {strides = array<i32>} : memref<256x128xf32, #tpu.memory_space<vmem>>, vector<16xf32>,
            tpu.vector_store %arg8[%swap3A_297, %swap3A_298], %gather3A_296 {strides = array<i32>} : memref<256x128xf32, #tpu.memory_space<vmem>>, vector<16xf32>,
            %gather3A_300 = arith.constant 0 : i32
            %gather3A_301 = arith.constant 0 : i32
            %gather3A_302 = tpu.memref_slice %arg7[%and3A_146, %gather3A_300, %gather3A_301] : memref<2x64x512xf32, #tpu.memory_space<vmem>> -> memref<1x64x512xf32, #tpu.memory_space<vmem>>
            %gather3A_303 = tpu.memref_squeeze %gather3A_302 : memref<1x64x512xf32, #tpu.memory_space<vmem>> -> memref<64x512xf32, #tpu.memory_space<vmem>>
            %gather3A_304 = tpu.vector_load_idx %gather3A_303[%add3A_39, %broadcast_in_dim3A_275] : memref<64x512xf32, #tpu.memory_space<vmem>>[vector<16xi32>, vector<16xi32>], vector<16xf32>,
            %swap3A_305 = arith.index_cast %and3A_260 : i32 to index
            %swap3A_306 = arith.constant 48 : index
            %swap3A_307 = tpu.vector_load %arg8[%swap3A_305, %swap3A_306] {strides = array<i32>} : memref<256x128xf32, #tpu.memory_space<vmem>>, vector<16xf32>,
            tpu.vector_store %arg8[%swap3A_305, %swap3A_306], %gather3A_304 {strides = array<i32>} : memref<256x128xf32, #tpu.memory_space<vmem>>, vector<16xf32>,
            %and3A_308 = arith.constant 127 : i32
            %and3A_309 = arith.andi %get3A_258, %and3A_308 : i32
            %shift_right_arithmetic3A_310 = arith.constant 4 : i32
            %shift_right_arithmetic3A_311 = arith.shrsi %and3A_309, %shift_right_arithmetic3A_310 : i32
            %shift_left3A = arith.constant 4 : i32
            %shift_left3A_312 = arith.shli %shift_right_arithmetic3A_311, %shift_left3A : i32
            %get3A_313 = arith.index_cast %shift_right_arithmetic3A_264 : i32 to index
            %get3A_314 = arith.index_cast %shift_left3A_312 : i32 to index
            %get3A_315 = tpu.vector_load %arg9[%get3A_313, %get3A_314] {strides = array<i32>} : memref<2x128xi32, #tpu.memory_space<vmem>>, vector<16xi32>,
            %and3A_316 = arith.constant 15 : i32
            %and3A_317 = arith.andi %get3A_258, %and3A_316 : i32
            %eq3A_318 = vector.broadcast %and3A_317 : i32 to vector<16xi32>
            %eq3A_319 = arith.cmpi eq, %iota3A, %eq3A_318 : vector<16xi32>
            %broadcast_in_dim3A_320 = vector.broadcast %select_n3A_250 : i32 to vector<16xi32>
            %select_n3A_321 = arith.select %eq3A_319, %broadcast_in_dim3A_320, %get3A_315 : vector<16xi1>, vector<16xi32>
            %swap3A_322 = arith.index_cast %shift_right_arithmetic3A_264 : i32 to index
            %swap3A_323 = arith.index_cast %shift_left3A_312 : i32 to index
            %swap3A_324 = tpu.vector_load %arg9[%swap3A_322, %swap3A_323] {strides = array<i32>} : memref<2x128xi32, #tpu.memory_space<vmem>>, vector<16xi32>,
            tpu.vector_store %arg9[%swap3A_322, %swap3A_323], %select_n3A_321 {strides = array<i32>} : memref<2x128xi32, #tpu.memory_space<vmem>>, vector<16xi32>,
            %add3A_325 = arith.constant 1 : i32
            %add3A_326 = arith.addi %get3A_258, %add3A_325 : i32
            %swap3A_327 = arith.constant 0 : i32
            %swap3A_328 = arith.index_cast %swap3A_327 : i32 to index
            %swap3A_329 = memref.load %arg10[%swap3A_328] : memref<8xi32, #tpu.memory_space<smem>>
            memref.store %add3A_326, %arg10[%swap3A_328] : memref<8xi32, #tpu.memory_space<smem>>
            %and3A_330 = arith.constant 127 : i32
            %and3A_331 = arith.andi %get3A_258, %and3A_330 : i32
            %eq3A_332 = arith.constant 127 : i32
            %eq3A_333 = arith.cmpi eq, %and3A_331, %eq3A_332 : i32
            %convert_element_type3A_334 = arith.extui %eq3A_333 : i1 to i32
            %cond3A_335 = arith.constant 0 : i32
            %cond3A_336 = arith.cmpi ne, %convert_element_type3A_334, %cond3A_335 : i32
            scf.if %cond3A_336 {
              %mul3A_340 = arith.constant 128 : i32
              %mul3A_341 = arith.muli %shift_right_arithmetic3A_264, %mul3A_340 : i32
              %dma_start3A_342 = arith.constant 0 : i32
              %dma_start3A_343 = tpu.memref_slice %arg8[%mul3A_341, %dma_start3A_342] : memref<256x128xf32, #tpu.memory_space<vmem>> -> memref<128x128xf32, #tpu.memory_space<vmem>>
              %dma_start3A_344 = arith.constant 0 : i32
              %dma_start3A_345 = tpu.memref_slice %arg9[%shift_right_arithmetic3A_264, %dma_start3A_344] : memref<2x128xi32, #tpu.memory_space<vmem>> -> memref<1x128xi32, #tpu.memory_space<vmem>>
              %dma_start3A_346 = tpu.memref_squeeze %dma_start3A_345 : memref<1x128xi32, #tpu.memory_space<vmem>> -> memref<128xi32, #tpu.memory_space<vmem>>
              %dma_start3A_347 = arith.constant 0 : i32
              %dma_start3A_348 = arith.constant 0 : i32
              %dma_start3A_349 = tpu.memref_slice %arg4[%dma_start3A_347, %dma_start3A_348] : memref<16512x128xf32, #tpu.memory_space<hbm>> -> memref<16512x128xf32, #tpu.memory_space<hbm>>
              tpu.enqueue_indirect_dma source(%dma_start3A_343 : memref<128x128xf32, #tpu.memory_space<vmem>>) target(%dma_start3A_349 : memref<16512x128xf32, #tpu.memory_space<hbm>>) offsets(%dma_start3A_346 : memref<128xi32, #tpu.memory_space<vmem>>) semaphore(%arg13 : memref<!tpu.dma_semaphore, #tpu.memory_space<semaphore_mem>>)
              %get3A_350 = arith.constant 1 : i32
              %get3A_351 = arith.index_cast %get3A_350 : i32 to index
              %get3A_352 = memref.load %arg10[%get3A_351] : memref<8xi32, #tpu.memory_space<smem>>
              %add3A_353 = arith.constant 1 : i32
              %add3A_354 = arith.addi %get3A_352, %add3A_353 : i32
              %swap3A_355 = arith.constant 1 : i32
              %swap3A_356 = arith.index_cast %swap3A_355 : i32 to index
              %swap3A_357 = memref.load %arg10[%swap3A_356] : memref<8xi32, #tpu.memory_space<smem>>
              memref.store %add3A_354, %arg10[%swap3A_356] : memref<8xi32, #tpu.memory_space<smem>>
            } else {
            }
            %ne3A_337 = vector.broadcast %squeeze3A_229 : i32 to vector<16xi32>
            %ne3A_338 = arith.cmpi ne, %iota3A, %ne3A_337 : vector<16xi32>
            %and3A_339 = arith.andi %while3A_227, %ne3A_338 : vector<16xi1>
            scf.yield %and3A_339 : vector<16xi1>
          }
          %while3A_224 = arith.constant 1 : i32
          %while3A_225 = scf.for %while3A_226 = %while3A_221 to %while3A_217 step %while3A_224 iter_args(%while3A_227 = %while3A_223) -> (vector<16xi1>)  : i32 {
            %all_reduce_ffs3A = tpu.all_reduce %while3A_227 {dim = 0 : i64, kind = #tpu.reduction_kind<find_first_set>} : vector<16xi1> -> vector<16xi32>
            %slice3A_228 = vector.extract_strided_slice %all_reduce_ffs3A {offsets = [0], sizes = [1], strides = [1]} : vector<16xi32> to vector<1xi32>
            %squeeze3A_229 = vector.extract %slice3A_228[0] : i32 from vector<1xi32>
            %broadcast_in_dim3A_230 = vector.broadcast %squeeze3A_229 : i32 to vector<16xi32>
            %lt3A_231 = arith.constant 0 : i32
            %lt3A_232 = vector.broadcast %lt3A_231 : i32 to vector<16xi32>
            %lt3A_233 = arith.cmpi slt, %broadcast_in_dim3A_230, %lt3A_232 : vector<16xi32>
            %add3A_234 = arith.constant 16 : i32
            %add3A_235 = vector.broadcast %add3A_234 : i32 to vector<16xi32>
            %add3A_236 = arith.addi %broadcast_in_dim3A_230, %add3A_235 : vector<16xi32>
            %select_n3A_237 = arith.select %lt3A_233, %add3A_236, %broadcast_in_dim3A_230 : vector<16xi1>, vector<16xi32>
            %broadcast_in_dim3A_238 = vector.shape_cast %select_n3A_237 : vector<16xi32> to vector<16x1xi32>
            %gather3A = vector.shape_cast %broadcast_in_dim3A_238 : vector<16x1xi32> to vector<16xi32>
            %gather3A_239 = tpu.dynamic_gather %get3A_193[%gather3A] in [0] : vector<16xi32>, vector<16xi32> -> vector<16xi32>
            %slice3A_240 = vector.extract_strided_slice %gather3A_239 {offsets = [0], sizes = [1], strides = [1]} : vector<16xi32> to vector<1xi32>
            %squeeze3A_241 = vector.extract %slice3A_240[0] : i32 from vector<1xi32>
            %ge3A_242 = arith.constant 1073741824 : i32
            %ge3A_243 = arith.cmpi sge, %squeeze3A_241, %ge3A_242 : i32
            %and3A_244 = arith.constant 127 : i32
            %and3A_245 = arith.andi %squeeze3A_241, %and3A_244 : i32
            %add3A_246 = arith.constant 16384 : i32
            %add3A_247 = arith.addi %add3A_246, %and3A_245 : i32
            %shift_right_arithmetic3A_248 = arith.constant 15 : i32
            %shift_right_arithmetic3A_249 = arith.shrsi %squeeze3A_241, %shift_right_arithmetic3A_248 : i32
            %select_n3A_250 = arith.select %ge3A_243, %add3A_247, %shift_right_arithmetic3A_249 : i32
            %and3A_251 = arith.constant 32767 : i32
            %and3A_252 = arith.andi %squeeze3A_241, %and3A_251 : i32
            %sub3A_253 = arith.subi %and3A_252, %mul3A_178 : i32
            %jit3A_254 = arith.constant 0 : i32
            %select_n3A_255 = arith.select %ge3A_243, %jit3A_254, %sub3A_253 : i32
            %get3A_256 = arith.constant 0 : i32
            %get3A_257 = arith.index_cast %get3A_256 : i32 to index
            %get3A_258 = memref.load %arg10[%get3A_257] : memref<8xi32, #tpu.memory_space<smem>>
            %and3A_259 = arith.constant 255 : i32
            %and3A_260 = arith.andi %get3A_258, %and3A_259 : i32
            %and3A_261 = arith.constant 255 : i32
            %and3A_262 = arith.andi %get3A_258, %and3A_261 : i32
            %shift_right_arithmetic3A_263 = arith.constant 7 : i32
            %shift_right_arithmetic3A_264 = arith.shrsi %and3A_262, %shift_right_arithmetic3A_263 : i32
            %and3A_265 = arith.constant 127 : i32
            %and3A_266 = arith.andi %get3A_258, %and3A_265 : i32
            %eq3A_267 = arith.constant 0 : i32
            %eq3A_268 = arith.cmpi eq, %and3A_266, %eq3A_267 : i32
            %ge3A_269 = arith.constant 256 : i32
            %ge3A_270 = arith.cmpi sge, %get3A_258, %ge3A_269 : i32
            %and3A_271 = arith.andi %eq3A_268, %ge3A_270 : i1
            %convert_element_type3A_272 = arith.extui %and3A_271 : i1 to i32
            %cond3A_273 = arith.constant 0 : i32
            %cond3A_274 = arith.cmpi ne, %convert_element_type3A_272, %cond3A_273 : i32
            scf.if %cond3A_274 {
              %mul3A_340 = arith.constant 128 : i32
              %mul3A_341 = arith.muli %shift_right_arithmetic3A_264, %mul3A_340 : i32
              %dma_wait3A = arith.constant 0 : i32
              %dma_wait3A_342 = tpu.memref_slice %arg8[%mul3A_341, %dma_wait3A] : memref<256x128xf32, #tpu.memory_space<vmem>> -> memref<128x128xf32, #tpu.memory_space<vmem>>
              %dma_wait3A_343 = arith.constant 0 : i32
              %dma_wait3A_344 = arith.constant 0 : i32
              %dma_wait3A_345 = tpu.memref_slice %arg4[%dma_wait3A_343, %dma_wait3A_344] : memref<16512x128xf32, #tpu.memory_space<hbm>> -> memref<128x128xf32, #tpu.memory_space<hbm>>
              %dma_wait3A_346 = arith.constant 0 : i32
              %dma_wait3A_347 = tpu.memref_slice %arg8[%mul3A_341, %dma_wait3A_346] : memref<256x128xf32, #tpu.memory_space<vmem>> -> memref<128x128xf32, #tpu.memory_space<vmem>>
              %dma_wait3A_348 = arith.constant 0 : i32
              %dma_wait3A_349 = arith.constant 0 : i32
              %dma_wait3A_350 = tpu.memref_slice %arg4[%dma_wait3A_348, %dma_wait3A_349] : memref<16512x128xf32, #tpu.memory_space<hbm>> -> memref<128x128xf32, #tpu.memory_space<hbm>>
              tpu.wait_dma2 semaphore(%arg13 : memref<!tpu.dma_semaphore, #tpu.memory_space<semaphore_mem>>) src(%dma_wait3A_350 : memref<128x128xf32, #tpu.memory_space<hbm>>) dst(%dma_wait3A_347 : memref<128x128xf32, #tpu.memory_space<vmem>>)
              %get3A_351 = arith.constant 2 : i32
              %get3A_352 = arith.index_cast %get3A_351 : i32 to index
              %get3A_353 = memref.load %arg10[%get3A_352] : memref<8xi32, #tpu.memory_space<smem>>
              %add3A_354 = arith.constant 1 : i32
              %add3A_355 = arith.addi %get3A_353, %add3A_354 : i32
              %swap3A_356 = arith.constant 2 : i32
              %swap3A_357 = arith.index_cast %swap3A_356 : i32 to index
              %swap3A_358 = memref.load %arg10[%swap3A_357] : memref<8xi32, #tpu.memory_space<smem>>
              memref.store %add3A_355, %arg10[%swap3A_357] : memref<8xi32, #tpu.memory_space<smem>>
            } else {
            }
            %broadcast_in_dim3A_275 = vector.broadcast %select_n3A_255 : i32 to vector<16xi32>
            %gather3A_276 = arith.constant 0 : i32
            %gather3A_277 = arith.constant 0 : i32
            %gather3A_278 = tpu.memref_slice %arg7[%and3A_146, %gather3A_276, %gather3A_277] : memref<2x64x512xf32, #tpu.memory_space<vmem>> -> memref<1x64x512xf32, #tpu.memory_space<vmem>>
            %gather3A_279 = tpu.memref_squeeze %gather3A_278 : memref<1x64x512xf32, #tpu.memory_space<vmem>> -> memref<64x512xf32, #tpu.memory_space<vmem>>
            %gather3A_280 = tpu.vector_load_idx %gather3A_279[%add3A_30, %broadcast_in_dim3A_275] : memref<64x512xf32, #tpu.memory_space<vmem>>[vector<16xi32>, vector<16xi32>], vector<16xf32>,
            %swap3A_281 = arith.index_cast %and3A_260 : i32 to index
            %swap3A_282 = arith.constant 0 : index
            %swap3A_283 = tpu.vector_load %arg8[%swap3A_281, %swap3A_282] {strides = array<i32>} : memref<256x128xf32, #tpu.memory_space<vmem>>, vector<16xf32>,
            tpu.vector_store %arg8[%swap3A_281, %swap3A_282], %gather3A_280 {strides = array<i32>} : memref<256x128xf32, #tpu.memory_space<vmem>>, vector<16xf32>,
            %gather3A_284 = arith.constant 0 : i32
            %gather3A_285 = arith.constant 0 : i32
            %gather3A_286 = tpu.memref_slice %arg7[%and3A_146, %gather3A_284, %gather3A_285] : memref<2x64x512xf32, #tpu.memory_space<vmem>> -> memref<1x64x512xf32, #tpu.memory_space<vmem>>
            %gather3A_287 = tpu.memref_squeeze %gather3A_286 : memref<1x64x512xf32, #tpu.memory_space<vmem>> -> memref<64x512xf32, #tpu.memory_space<vmem>>
            %gather3A_288 = tpu.vector_load_idx %gather3A_287[%add3A_33, %broadcast_in_dim3A_275] : memref<64x512xf32, #tpu.memory_space<vmem>>[vector<16xi32>, vector<16xi32>], vector<16xf32>,
            %swap3A_289 = arith.index_cast %and3A_260 : i32 to index
            %swap3A_290 = arith.constant 16 : index
            %swap3A_291 = tpu.vector_load %arg8[%swap3A_289, %swap3A_290] {strides = array<i32>} : memref<256x128xf32, #tpu.memory_space<vmem>>, vector<16xf32>,
            tpu.vector_store %arg8[%swap3A_289, %swap3A_290], %gather3A_288 {strides = array<i32>} : memref<256x128xf32, #tpu.memory_space<vmem>>, vector<16xf32>,
            %gather3A_292 = arith.constant 0 : i32
            %gather3A_293 = arith.constant 0 : i32
            %gather3A_294 = tpu.memref_slice %arg7[%and3A_146, %gather3A_292, %gather3A_293] : memref<2x64x512xf32, #tpu.memory_space<vmem>> -> memref<1x64x512xf32, #tpu.memory_space<vmem>>
            %gather3A_295 = tpu.memref_squeeze %gather3A_294 : memref<1x64x512xf32, #tpu.memory_space<vmem>> -> memref<64x512xf32, #tpu.memory_space<vmem>>
            %gather3A_296 = tpu.vector_load_idx %gather3A_295[%add3A_36, %broadcast_in_dim3A_275] : memref<64x512xf32, #tpu.memory_space<vmem>>[vector<16xi32>, vector<16xi32>], vector<16xf32>,
            %swap3A_297 = arith.index_cast %and3A_260 : i32 to index
            %swap3A_298 = arith.constant 32 : index
            %swap3A_299 = tpu.vector_load %arg8[%swap3A_297, %swap3A_298] {strides = array<i32>} : memref<256x128xf32, #tpu.memory_space<vmem>>, vector<16xf32>,
            tpu.vector_store %arg8[%swap3A_297, %swap3A_298], %gather3A_296 {strides = array<i32>} : memref<256x128xf32, #tpu.memory_space<vmem>>, vector<16xf32>,
            %gather3A_300 = arith.constant 0 : i32
            %gather3A_301 = arith.constant 0 : i32
            %gather3A_302 = tpu.memref_slice %arg7[%and3A_146, %gather3A_300, %gather3A_301] : memref<2x64x512xf32, #tpu.memory_space<vmem>> -> memref<1x64x512xf32, #tpu.memory_space<vmem>>
            %gather3A_303 = tpu.memref_squeeze %gather3A_302 : memref<1x64x512xf32, #tpu.memory_space<vmem>> -> memref<64x512xf32, #tpu.memory_space<vmem>>
            %gather3A_304 = tpu.vector_load_idx %gather3A_303[%add3A_39, %broadcast_in_dim3A_275] : memref<64x512xf32, #tpu.memory_space<vmem>>[vector<16xi32>, vector<16xi32>], vector<16xf32>,
            %swap3A_305 = arith.index_cast %and3A_260 : i32 to index
            %swap3A_306 = arith.constant 48 : index
            %swap3A_307 = tpu.vector_load %arg8[%swap3A_305, %swap3A_306] {strides = array<i32>} : memref<256x128xf32, #tpu.memory_space<vmem>>, vector<16xf32>,
            tpu.vector_store %arg8[%swap3A_305, %swap3A_306], %gather3A_304 {strides = array<i32>} : memref<256x128xf32, #tpu.memory_space<vmem>>, vector<16xf32>,
            %and3A_308 = arith.constant 127 : i32
            %and3A_309 = arith.andi %get3A_258, %and3A_308 : i32
            %shift_right_arithmetic3A_310 = arith.constant 4 : i32
            %shift_right_arithmetic3A_311 = arith.shrsi %and3A_309, %shift_right_arithmetic3A_310 : i32
            %shift_left3A = arith.constant 4 : i32
            %shift_left3A_312 = arith.shli %shift_right_arithmetic3A_311, %shift_left3A : i32
            %get3A_313 = arith.index_cast %shift_right_arithmetic3A_264 : i32 to index
            %get3A_314 = arith.index_cast %shift_left3A_312 : i32 to index
            %get3A_315 = tpu.vector_load %arg9[%get3A_313, %get3A_314] {strides = array<i32>} : memref<2x128xi32, #tpu.memory_space<vmem>>, vector<16xi32>,
            %and3A_316 = arith.constant 15 : i32
            %and3A_317 = arith.andi %get3A_258, %and3A_316 : i32
            %eq3A_318 = vector.broadcast %and3A_317 : i32 to vector<16xi32>
            %eq3A_319 = arith.cmpi eq, %iota3A, %eq3A_318 : vector<16xi32>
            %broadcast_in_dim3A_320 = vector.broadcast %select_n3A_250 : i32 to vector<16xi32>
            %select_n3A_321 = arith.select %eq3A_319, %broadcast_in_dim3A_320, %get3A_315 : vector<16xi1>, vector<16xi32>
            %swap3A_322 = arith.index_cast %shift_right_arithmetic3A_264 : i32 to index
            %swap3A_323 = arith.index_cast %shift_left3A_312 : i32 to index
            %swap3A_324 = tpu.vector_load %arg9[%swap3A_322, %swap3A_323] {strides = array<i32>} : memref<2x128xi32, #tpu.memory_space<vmem>>, vector<16xi32>,
            tpu.vector_store %arg9[%swap3A_322, %swap3A_323], %select_n3A_321 {strides = array<i32>} : memref<2x128xi32, #tpu.memory_space<vmem>>, vector<16xi32>,
            %add3A_325 = arith.constant 1 : i32
            %add3A_326 = arith.addi %get3A_258, %add3A_325 : i32
            %swap3A_327 = arith.constant 0 : i32
            %swap3A_328 = arith.index_cast %swap3A_327 : i32 to index
            %swap3A_329 = memref.load %arg10[%swap3A_328] : memref<8xi32, #tpu.memory_space<smem>>
            memref.store %add3A_326, %arg10[%swap3A_328] : memref<8xi32, #tpu.memory_space<smem>>
            %and3A_330 = arith.constant 127 : i32
            %and3A_331 = arith.andi %get3A_258, %and3A_330 : i32
            %eq3A_332 = arith.constant 127 : i32
            %eq3A_333 = arith.cmpi eq, %and3A_331, %eq3A_332 : i32
            %convert_element_type3A_334 = arith.extui %eq3A_333 : i1 to i32
            %cond3A_335 = arith.constant 0 : i32
            %cond3A_336 = arith.cmpi ne, %convert_element_type3A_334, %cond3A_335 : i32
            scf.if %cond3A_336 {
              %mul3A_340 = arith.constant 128 : i32
              %mul3A_341 = arith.muli %shift_right_arithmetic3A_264, %mul3A_340 : i32
              %dma_start3A_342 = arith.constant 0 : i32
              %dma_start3A_343 = tpu.memref_slice %arg8[%mul3A_341, %dma_start3A_342] : memref<256x128xf32, #tpu.memory_space<vmem>> -> memref<128x128xf32, #tpu.memory_space<vmem>>
              %dma_start3A_344 = arith.constant 0 : i32
              %dma_start3A_345 = tpu.memref_slice %arg9[%shift_right_arithmetic3A_264, %dma_start3A_344] : memref<2x128xi32, #tpu.memory_space<vmem>> -> memref<1x128xi32, #tpu.memory_space<vmem>>
              %dma_start3A_346 = tpu.memref_squeeze %dma_start3A_345 : memref<1x128xi32, #tpu.memory_space<vmem>> -> memref<128xi32, #tpu.memory_space<vmem>>
              %dma_start3A_347 = arith.constant 0 : i32
              %dma_start3A_348 = arith.constant 0 : i32
              %dma_start3A_349 = tpu.memref_slice %arg4[%dma_start3A_347, %dma_start3A_348] : memref<16512x128xf32, #tpu.memory_space<hbm>> -> memref<16512x128xf32, #tpu.memory_space<hbm>>
              tpu.enqueue_indirect_dma source(%dma_start3A_343 : memref<128x128xf32, #tpu.memory_space<vmem>>) target(%dma_start3A_349 : memref<16512x128xf32, #tpu.memory_space<hbm>>) offsets(%dma_start3A_346 : memref<128xi32, #tpu.memory_space<vmem>>) semaphore(%arg13 : memref<!tpu.dma_semaphore, #tpu.memory_space<semaphore_mem>>)
              %get3A_350 = arith.constant 1 : i32
              %get3A_351 = arith.index_cast %get3A_350 : i32 to index
              %get3A_352 = memref.load %arg10[%get3A_351] : memref<8xi32, #tpu.memory_space<smem>>
              %add3A_353 = arith.constant 1 : i32
              %add3A_354 = arith.addi %get3A_352, %add3A_353 : i32
              %swap3A_355 = arith.constant 1 : i32
              %swap3A_356 = arith.index_cast %swap3A_355 : i32 to index
              %swap3A_357 = memref.load %arg10[%swap3A_356] : memref<8xi32, #tpu.memory_space<smem>>
              memref.store %add3A_354, %arg10[%swap3A_356] : memref<8xi32, #tpu.memory_space<smem>>
            } else {
            }
            %ne3A_337 = vector.broadcast %squeeze3A_229 : i32 to vector<16xi32>
            %ne3A_338 = arith.cmpi ne, %iota3A, %ne3A_337 : vector<16xi32>
            %and3A_339 = arith.andi %while3A_227, %ne3A_338 : vector<16xi1>
            scf.yield %and3A_339 : vector<16xi1>
          }
        } else {
        }
      }
      %while3A_188 = arith.constant 1 : i32
      scf.for %while3A_189 = %while3A_186 to %while3A_182 step %while3A_188  : i32 {
        %mul3A_190 = arith.constant 16 : i32
        %mul3A_191 = arith.muli %while3A_189, %mul3A_190 : i32
        %get3A_192 = arith.index_cast %mul3A_191 : i32 to index
        %get3A_193 = tpu.vector_load %arg6[%get3A_192] {strides = array<i32>} : memref<1040xi32, #tpu.memory_space<vmem>>, vector<16xi32>,
        %and3A_194 = arith.constant 32767 : i32
        %and3A_195 = vector.broadcast %and3A_194 : i32 to vector<16xi32>
        %and3A_196 = arith.andi %get3A_193, %and3A_195 : vector<16xi32>
        %ge3A = arith.constant 1073741824 : i32
        %ge3A_197 = vector.broadcast %ge3A : i32 to vector<16xi32>
        %ge3A_198 = arith.cmpi sge, %get3A_193, %ge3A_197 : vector<16xi32>
        %shift_right_arithmetic3A = arith.constant 9 : i32
        %shift_right_arithmetic3A_199 = vector.broadcast %shift_right_arithmetic3A : i32 to vector<16xi32>
        %shift_right_arithmetic3A_200 = arith.shrsi %and3A_196, %shift_right_arithmetic3A_199 : vector<16xi32>
        %eq3A_201 = vector.broadcast %while3A_144 : i32 to vector<16xi32>
        %eq3A_202 = arith.cmpi eq, %shift_right_arithmetic3A_200, %eq3A_201 : vector<16xi32>
        %eq3A_203 = arith.constant 0 : i32
        %eq3A_204 = arith.cmpi eq, %while3A_144, %eq3A_203 : i32
        %and3A_205 = vector.broadcast %eq3A_204 : i1 to vector<16xi1>
        %and3A_206 = arith.andi %ge3A_198, %and3A_205 : vector<16xi1>
        %or3A = arith.ori %eq3A_202, %and3A_206 : vector<16xi1>
        %ge3A_207 = arith.constant 0 : i32
        %ge3A_208 = vector.broadcast %ge3A_207 : i32 to vector<16xi32>
        %ge3A_209 = arith.cmpi sge, %get3A_193, %ge3A_208 : vector<16xi32>
        %and3A_210 = arith.andi %or3A, %ge3A_209 : vector<16xi1>
        %all_reduce_population_count3A = tpu.all_reduce %and3A_210 {dim = 0 : i64, kind = #tpu.reduction_kind<sum>} : vector<16xi1> -> vector<16xi32>
        %slice3A = vector.extract_strided_slice %all_reduce_population_count3A {offsets = [0], sizes = [1], strides = [1]} : vector<16xi32> to vector<1xi32>
        %squeeze3A = vector.extract %slice3A[0] : i32 from vector<1xi32>
        %gt3A = arith.constant 0 : i32
        %gt3A_211 = arith.cmpi sgt, %squeeze3A, %gt3A : i32
        %convert_element_type3A_212 = arith.extui %gt3A_211 : i1 to i32
        %cond3A_213 = arith.constant 0 : i32
        %cond3A_214 = arith.cmpi ne, %convert_element_type3A_212, %cond3A_213 : i32
        scf.if %cond3A_214 {
          %while3A_215 = arith.constant 0 : i32
          %while3A_216 = arith.subi %squeeze3A, %while3A_215 : i32
          %while3A_217 = arith.addi %while3A_215, %while3A_216 : i32
          %while3A_218 = arith.constant 1 : i32
          %while3A_219 = arith.divsi %while3A_216, %while3A_218 : i32
          %while3A_220 = arith.muli %while3A_219, %while3A_218 : i32
          %while3A_221 = arith.addi %while3A_215, %while3A_220 : i32
          %while3A_222 = arith.constant 1 : i32
          %while3A_223 = scf.for %while3A_226 = %while3A_215 to %while3A_221 step %while3A_222 iter_args(%while3A_227 = %and3A_210) -> (vector<16xi1>)  : i32 {
            %all_reduce_ffs3A = tpu.all_reduce %while3A_227 {dim = 0 : i64, kind = #tpu.reduction_kind<find_first_set>} : vector<16xi1> -> vector<16xi32>
            %slice3A_228 = vector.extract_strided_slice %all_reduce_ffs3A {offsets = [0], sizes = [1], strides = [1]} : vector<16xi32> to vector<1xi32>
            %squeeze3A_229 = vector.extract %slice3A_228[0] : i32 from vector<1xi32>
            %broadcast_in_dim3A_230 = vector.broadcast %squeeze3A_229 : i32 to vector<16xi32>
            %lt3A_231 = arith.constant 0 : i32
            %lt3A_232 = vector.broadcast %lt3A_231 : i32 to vector<16xi32>
            %lt3A_233 = arith.cmpi slt, %broadcast_in_dim3A_230, %lt3A_232 : vector<16xi32>
            %add3A_234 = arith.constant 16 : i32
            %add3A_235 = vector.broadcast %add3A_234 : i32 to vector<16xi32>
            %add3A_236 = arith.addi %broadcast_in_dim3A_230, %add3A_235 : vector<16xi32>
            %select_n3A_237 = arith.select %lt3A_233, %add3A_236, %broadcast_in_dim3A_230 : vector<16xi1>, vector<16xi32>
            %broadcast_in_dim3A_238 = vector.shape_cast %select_n3A_237 : vector<16xi32> to vector<16x1xi32>
            %gather3A = vector.shape_cast %broadcast_in_dim3A_238 : vector<16x1xi32> to vector<16xi32>
            %gather3A_239 = tpu.dynamic_gather %get3A_193[%gather3A] in [0] : vector<16xi32>, vector<16xi32> -> vector<16xi32>
            %slice3A_240 = vector.extract_strided_slice %gather3A_239 {offsets = [0], sizes = [1], strides = [1]} : vector<16xi32> to vector<1xi32>
            %squeeze3A_241 = vector.extract %slice3A_240[0] : i32 from vector<1xi32>
            %ge3A_242 = arith.constant 1073741824 : i32
            %ge3A_243 = arith.cmpi sge, %squeeze3A_241, %ge3A_242 : i32
            %and3A_244 = arith.constant 127 : i32
            %and3A_245 = arith.andi %squeeze3A_241, %and3A_244 : i32
            %add3A_246 = arith.constant 16384 : i32
            %add3A_247 = arith.addi %add3A_246, %and3A_245 : i32
            %shift_right_arithmetic3A_248 = arith.constant 15 : i32
            %shift_right_arithmetic3A_249 = arith.shrsi %squeeze3A_241, %shift_right_arithmetic3A_248 : i32
            %select_n3A_250 = arith.select %ge3A_243, %add3A_247, %shift_right_arithmetic3A_249 : i32
            %and3A_251 = arith.constant 32767 : i32
            %and3A_252 = arith.andi %squeeze3A_241, %and3A_251 : i32
            %sub3A_253 = arith.subi %and3A_252, %mul3A_178 : i32
            %jit3A_254 = arith.constant 0 : i32
            %select_n3A_255 = arith.select %ge3A_243, %jit3A_254, %sub3A_253 : i32
            %get3A_256 = arith.constant 0 : i32
            %get3A_257 = arith.index_cast %get3A_256 : i32 to index
            %get3A_258 = memref.load %arg10[%get3A_257] : memref<8xi32, #tpu.memory_space<smem>>
            %and3A_259 = arith.constant 255 : i32
            %and3A_260 = arith.andi %get3A_258, %and3A_259 : i32
            %and3A_261 = arith.constant 255 : i32
            %and3A_262 = arith.andi %get3A_258, %and3A_261 : i32
            %shift_right_arithmetic3A_263 = arith.constant 7 : i32
            %shift_right_arithmetic3A_264 = arith.shrsi %and3A_262, %shift_right_arithmetic3A_263 : i32
            %and3A_265 = arith.constant 127 : i32
            %and3A_266 = arith.andi %get3A_258, %and3A_265 : i32
            %eq3A_267 = arith.constant 0 : i32
            %eq3A_268 = arith.cmpi eq, %and3A_266, %eq3A_267 : i32
            %ge3A_269 = arith.constant 256 : i32
            %ge3A_270 = arith.cmpi sge, %get3A_258, %ge3A_269 : i32
            %and3A_271 = arith.andi %eq3A_268, %ge3A_270 : i1
            %convert_element_type3A_272 = arith.extui %and3A_271 : i1 to i32
            %cond3A_273 = arith.constant 0 : i32
            %cond3A_274 = arith.cmpi ne, %convert_element_type3A_272, %cond3A_273 : i32
            scf.if %cond3A_274 {
              %mul3A_340 = arith.constant 128 : i32
              %mul3A_341 = arith.muli %shift_right_arithmetic3A_264, %mul3A_340 : i32
              %dma_wait3A = arith.constant 0 : i32
              %dma_wait3A_342 = tpu.memref_slice %arg8[%mul3A_341, %dma_wait3A] : memref<256x128xf32, #tpu.memory_space<vmem>> -> memref<128x128xf32, #tpu.memory_space<vmem>>
              %dma_wait3A_343 = arith.constant 0 : i32
              %dma_wait3A_344 = arith.constant 0 : i32
              %dma_wait3A_345 = tpu.memref_slice %arg4[%dma_wait3A_343, %dma_wait3A_344] : memref<16512x128xf32, #tpu.memory_space<hbm>> -> memref<128x128xf32, #tpu.memory_space<hbm>>
              %dma_wait3A_346 = arith.constant 0 : i32
              %dma_wait3A_347 = tpu.memref_slice %arg8[%mul3A_341, %dma_wait3A_346] : memref<256x128xf32, #tpu.memory_space<vmem>> -> memref<128x128xf32, #tpu.memory_space<vmem>>
              %dma_wait3A_348 = arith.constant 0 : i32
              %dma_wait3A_349 = arith.constant 0 : i32
              %dma_wait3A_350 = tpu.memref_slice %arg4[%dma_wait3A_348, %dma_wait3A_349] : memref<16512x128xf32, #tpu.memory_space<hbm>> -> memref<128x128xf32, #tpu.memory_space<hbm>>
              tpu.wait_dma2 semaphore(%arg13 : memref<!tpu.dma_semaphore, #tpu.memory_space<semaphore_mem>>) src(%dma_wait3A_350 : memref<128x128xf32, #tpu.memory_space<hbm>>) dst(%dma_wait3A_347 : memref<128x128xf32, #tpu.memory_space<vmem>>)
              %get3A_351 = arith.constant 2 : i32
              %get3A_352 = arith.index_cast %get3A_351 : i32 to index
              %get3A_353 = memref.load %arg10[%get3A_352] : memref<8xi32, #tpu.memory_space<smem>>
              %add3A_354 = arith.constant 1 : i32
              %add3A_355 = arith.addi %get3A_353, %add3A_354 : i32
              %swap3A_356 = arith.constant 2 : i32
              %swap3A_357 = arith.index_cast %swap3A_356 : i32 to index
              %swap3A_358 = memref.load %arg10[%swap3A_357] : memref<8xi32, #tpu.memory_space<smem>>
              memref.store %add3A_355, %arg10[%swap3A_357] : memref<8xi32, #tpu.memory_space<smem>>
            } else {
            }
            %broadcast_in_dim3A_275 = vector.broadcast %select_n3A_255 : i32 to vector<16xi32>
            %gather3A_276 = arith.constant 0 : i32
            %gather3A_277 = arith.constant 0 : i32
            %gather3A_278 = tpu.memref_slice %arg7[%and3A_146, %gather3A_276, %gather3A_277] : memref<2x64x512xf32, #tpu.memory_space<vmem>> -> memref<1x64x512xf32, #tpu.memory_space<vmem>>
            %gather3A_279 = tpu.memref_squeeze %gather3A_278 : memref<1x64x512xf32, #tpu.memory_space<vmem>> -> memref<64x512xf32, #tpu.memory_space<vmem>>
            %gather3A_280 = tpu.vector_load_idx %gather3A_279[%add3A_30, %broadcast_in_dim3A_275] : memref<64x512xf32, #tpu.memory_space<vmem>>[vector<16xi32>, vector<16xi32>], vector<16xf32>,
            %swap3A_281 = arith.index_cast %and3A_260 : i32 to index
            %swap3A_282 = arith.constant 0 : index
            %swap3A_283 = tpu.vector_load %arg8[%swap3A_281, %swap3A_282] {strides = array<i32>} : memref<256x128xf32, #tpu.memory_space<vmem>>, vector<16xf32>,
            tpu.vector_store %arg8[%swap3A_281, %swap3A_282], %gather3A_280 {strides = array<i32>} : memref<256x128xf32, #tpu.memory_space<vmem>>, vector<16xf32>,
            %gather3A_284 = arith.constant 0 : i32
            %gather3A_285 = arith.constant 0 : i32
            %gather3A_286 = tpu.memref_slice %arg7[%and3A_146, %gather3A_284, %gather3A_285] : memref<2x64x512xf32, #tpu.memory_space<vmem>> -> memref<1x64x512xf32, #tpu.memory_space<vmem>>
            %gather3A_287 = tpu.memref_squeeze %gather3A_286 : memref<1x64x512xf32, #tpu.memory_space<vmem>> -> memref<64x512xf32, #tpu.memory_space<vmem>>
            %gather3A_288 = tpu.vector_load_idx %gather3A_287[%add3A_33, %broadcast_in_dim3A_275] : memref<64x512xf32, #tpu.memory_space<vmem>>[vector<16xi32>, vector<16xi32>], vector<16xf32>,
            %swap3A_289 = arith.index_cast %and3A_260 : i32 to index
            %swap3A_290 = arith.constant 16 : index
            %swap3A_291 = tpu.vector_load %arg8[%swap3A_289, %swap3A_290] {strides = array<i32>} : memref<256x128xf32, #tpu.memory_space<vmem>>, vector<16xf32>,
            tpu.vector_store %arg8[%swap3A_289, %swap3A_290], %gather3A_288 {strides = array<i32>} : memref<256x128xf32, #tpu.memory_space<vmem>>, vector<16xf32>,
            %gather3A_292 = arith.constant 0 : i32
            %gather3A_293 = arith.constant 0 : i32
            %gather3A_294 = tpu.memref_slice %arg7[%and3A_146, %gather3A_292, %gather3A_293] : memref<2x64x512xf32, #tpu.memory_space<vmem>> -> memref<1x64x512xf32, #tpu.memory_space<vmem>>
            %gather3A_295 = tpu.memref_squeeze %gather3A_294 : memref<1x64x512xf32, #tpu.memory_space<vmem>> -> memref<64x512xf32, #tpu.memory_space<vmem>>
            %gather3A_296 = tpu.vector_load_idx %gather3A_295[%add3A_36, %broadcast_in_dim3A_275] : memref<64x512xf32, #tpu.memory_space<vmem>>[vector<16xi32>, vector<16xi32>], vector<16xf32>,
            %swap3A_297 = arith.index_cast %and3A_260 : i32 to index
            %swap3A_298 = arith.constant 32 : index
            %swap3A_299 = tpu.vector_load %arg8[%swap3A_297, %swap3A_298] {strides = array<i32>} : memref<256x128xf32, #tpu.memory_space<vmem>>, vector<16xf32>,
            tpu.vector_store %arg8[%swap3A_297, %swap3A_298], %gather3A_296 {strides = array<i32>} : memref<256x128xf32, #tpu.memory_space<vmem>>, vector<16xf32>,
            %gather3A_300 = arith.constant 0 : i32
            %gather3A_301 = arith.constant 0 : i32
            %gather3A_302 = tpu.memref_slice %arg7[%and3A_146, %gather3A_300, %gather3A_301] : memref<2x64x512xf32, #tpu.memory_space<vmem>> -> memref<1x64x512xf32, #tpu.memory_space<vmem>>
            %gather3A_303 = tpu.memref_squeeze %gather3A_302 : memref<1x64x512xf32, #tpu.memory_space<vmem>> -> memref<64x512xf32, #tpu.memory_space<vmem>>
            %gather3A_304 = tpu.vector_load_idx %gather3A_303[%add3A_39, %broadcast_in_dim3A_275] : memref<64x512xf32, #tpu.memory_space<vmem>>[vector<16xi32>, vector<16xi32>], vector<16xf32>,
            %swap3A_305 = arith.index_cast %and3A_260 : i32 to index
            %swap3A_306 = arith.constant 48 : index
            %swap3A_307 = tpu.vector_load %arg8[%swap3A_305, %swap3A_306] {strides = array<i32>} : memref<256x128xf32, #tpu.memory_space<vmem>>, vector<16xf32>,
            tpu.vector_store %arg8[%swap3A_305, %swap3A_306], %gather3A_304 {strides = array<i32>} : memref<256x128xf32, #tpu.memory_space<vmem>>, vector<16xf32>,
            %and3A_308 = arith.constant 127 : i32
            %and3A_309 = arith.andi %get3A_258, %and3A_308 : i32
            %shift_right_arithmetic3A_310 = arith.constant 4 : i32
            %shift_right_arithmetic3A_311 = arith.shrsi %and3A_309, %shift_right_arithmetic3A_310 : i32
            %shift_left3A = arith.constant 4 : i32
            %shift_left3A_312 = arith.shli %shift_right_arithmetic3A_311, %shift_left3A : i32
            %get3A_313 = arith.index_cast %shift_right_arithmetic3A_264 : i32 to index
            %get3A_314 = arith.index_cast %shift_left3A_312 : i32 to index
            %get3A_315 = tpu.vector_load %arg9[%get3A_313, %get3A_314] {strides = array<i32>} : memref<2x128xi32, #tpu.memory_space<vmem>>, vector<16xi32>,
            %and3A_316 = arith.constant 15 : i32
            %and3A_317 = arith.andi %get3A_258, %and3A_316 : i32
            %eq3A_318 = vector.broadcast %and3A_317 : i32 to vector<16xi32>
            %eq3A_319 = arith.cmpi eq, %iota3A, %eq3A_318 : vector<16xi32>
            %broadcast_in_dim3A_320 = vector.broadcast %select_n3A_250 : i32 to vector<16xi32>
            %select_n3A_321 = arith.select %eq3A_319, %broadcast_in_dim3A_320, %get3A_315 : vector<16xi1>, vector<16xi32>
            %swap3A_322 = arith.index_cast %shift_right_arithmetic3A_264 : i32 to index
            %swap3A_323 = arith.index_cast %shift_left3A_312 : i32 to index
            %swap3A_324 = tpu.vector_load %arg9[%swap3A_322, %swap3A_323] {strides = array<i32>} : memref<2x128xi32, #tpu.memory_space<vmem>>, vector<16xi32>,
            tpu.vector_store %arg9[%swap3A_322, %swap3A_323], %select_n3A_321 {strides = array<i32>} : memref<2x128xi32, #tpu.memory_space<vmem>>, vector<16xi32>,
            %add3A_325 = arith.constant 1 : i32
            %add3A_326 = arith.addi %get3A_258, %add3A_325 : i32
            %swap3A_327 = arith.constant 0 : i32
            %swap3A_328 = arith.index_cast %swap3A_327 : i32 to index
            %swap3A_329 = memref.load %arg10[%swap3A_328] : memref<8xi32, #tpu.memory_space<smem>>
            memref.store %add3A_326, %arg10[%swap3A_328] : memref<8xi32, #tpu.memory_space<smem>>
            %and3A_330 = arith.constant 127 : i32
            %and3A_331 = arith.andi %get3A_258, %and3A_330 : i32
            %eq3A_332 = arith.constant 127 : i32
            %eq3A_333 = arith.cmpi eq, %and3A_331, %eq3A_332 : i32
            %convert_element_type3A_334 = arith.extui %eq3A_333 : i1 to i32
            %cond3A_335 = arith.constant 0 : i32
            %cond3A_336 = arith.cmpi ne, %convert_element_type3A_334, %cond3A_335 : i32
            scf.if %cond3A_336 {
              %mul3A_340 = arith.constant 128 : i32
              %mul3A_341 = arith.muli %shift_right_arithmetic3A_264, %mul3A_340 : i32
              %dma_start3A_342 = arith.constant 0 : i32
              %dma_start3A_343 = tpu.memref_slice %arg8[%mul3A_341, %dma_start3A_342] : memref<256x128xf32, #tpu.memory_space<vmem>> -> memref<128x128xf32, #tpu.memory_space<vmem>>
              %dma_start3A_344 = arith.constant 0 : i32
              %dma_start3A_345 = tpu.memref_slice %arg9[%shift_right_arithmetic3A_264, %dma_start3A_344] : memref<2x128xi32, #tpu.memory_space<vmem>> -> memref<1x128xi32, #tpu.memory_space<vmem>>
              %dma_start3A_346 = tpu.memref_squeeze %dma_start3A_345 : memref<1x128xi32, #tpu.memory_space<vmem>> -> memref<128xi32, #tpu.memory_space<vmem>>
              %dma_start3A_347 = arith.constant 0 : i32
              %dma_start3A_348 = arith.constant 0 : i32
              %dma_start3A_349 = tpu.memref_slice %arg4[%dma_start3A_347, %dma_start3A_348] : memref<16512x128xf32, #tpu.memory_space<hbm>> -> memref<16512x128xf32, #tpu.memory_space<hbm>>
              tpu.enqueue_indirect_dma source(%dma_start3A_343 : memref<128x128xf32, #tpu.memory_space<vmem>>) target(%dma_start3A_349 : memref<16512x128xf32, #tpu.memory_space<hbm>>) offsets(%dma_start3A_346 : memref<128xi32, #tpu.memory_space<vmem>>) semaphore(%arg13 : memref<!tpu.dma_semaphore, #tpu.memory_space<semaphore_mem>>)
              %get3A_350 = arith.constant 1 : i32
              %get3A_351 = arith.index_cast %get3A_350 : i32 to index
              %get3A_352 = memref.load %arg10[%get3A_351] : memref<8xi32, #tpu.memory_space<smem>>
              %add3A_353 = arith.constant 1 : i32
              %add3A_354 = arith.addi %get3A_352, %add3A_353 : i32
              %swap3A_355 = arith.constant 1 : i32
              %swap3A_356 = arith.index_cast %swap3A_355 : i32 to index
              %swap3A_357 = memref.load %arg10[%swap3A_356] : memref<8xi32, #tpu.memory_space<smem>>
              memref.store %add3A_354, %arg10[%swap3A_356] : memref<8xi32, #tpu.memory_space<smem>>
            } else {
            }
            %ne3A_337 = vector.broadcast %squeeze3A_229 : i32 to vector<16xi32>
            %ne3A_338 = arith.cmpi ne, %iota3A, %ne3A_337 : vector<16xi32>
            %and3A_339 = arith.andi %while3A_227, %ne3A_338 : vector<16xi1>
            scf.yield %and3A_339 : vector<16xi1>
          }
          %while3A_224 = arith.constant 1 : i32
          %while3A_225 = scf.for %while3A_226 = %while3A_221 to %while3A_217 step %while3A_224 iter_args(%while3A_227 = %while3A_223) -> (vector<16xi1>)  : i32 {
            %all_reduce_ffs3A = tpu.all_reduce %while3A_227 {dim = 0 : i64, kind = #tpu.reduction_kind<find_first_set>} : vector<16xi1> -> vector<16xi32>
            %slice3A_228 = vector.extract_strided_slice %all_reduce_ffs3A {offsets = [0], sizes = [1], strides = [1]} : vector<16xi32> to vector<1xi32>
            %squeeze3A_229 = vector.extract %slice3A_228[0] : i32 from vector<1xi32>
            %broadcast_in_dim3A_230 = vector.broadcast %squeeze3A_229 : i32 to vector<16xi32>
            %lt3A_231 = arith.constant 0 : i32
            %lt3A_232 = vector.broadcast %lt3A_231 : i32 to vector<16xi32>
            %lt3A_233 = arith.cmpi slt, %broadcast_in_dim3A_230, %lt3A_232 : vector<16xi32>
            %add3A_234 = arith.constant 16 : i32
            %add3A_235 = vector.broadcast %add3A_234 : i32 to vector<16xi32>
            %add3A_236 = arith.addi %broadcast_in_dim3A_230, %add3A_235 : vector<16xi32>
            %select_n3A_237 = arith.select %lt3A_233, %add3A_236, %broadcast_in_dim3A_230 : vector<16xi1>, vector<16xi32>
            %broadcast_in_dim3A_238 = vector.shape_cast %select_n3A_237 : vector<16xi32> to vector<16x1xi32>
            %gather3A = vector.shape_cast %broadcast_in_dim3A_238 : vector<16x1xi32> to vector<16xi32>
            %gather3A_239 = tpu.dynamic_gather %get3A_193[%gather3A] in [0] : vector<16xi32>, vector<16xi32> -> vector<16xi32>
            %slice3A_240 = vector.extract_strided_slice %gather3A_239 {offsets = [0], sizes = [1], strides = [1]} : vector<16xi32> to vector<1xi32>
            %squeeze3A_241 = vector.extract %slice3A_240[0] : i32 from vector<1xi32>
            %ge3A_242 = arith.constant 1073741824 : i32
            %ge3A_243 = arith.cmpi sge, %squeeze3A_241, %ge3A_242 : i32
            %and3A_244 = arith.constant 127 : i32
            %and3A_245 = arith.andi %squeeze3A_241, %and3A_244 : i32
            %add3A_246 = arith.constant 16384 : i32
            %add3A_247 = arith.addi %add3A_246, %and3A_245 : i32
            %shift_right_arithmetic3A_248 = arith.constant 15 : i32
            %shift_right_arithmetic3A_249 = arith.shrsi %squeeze3A_241, %shift_right_arithmetic3A_248 : i32
            %select_n3A_250 = arith.select %ge3A_243, %add3A_247, %shift_right_arithmetic3A_249 : i32
            %and3A_251 = arith.constant 32767 : i32
            %and3A_252 = arith.andi %squeeze3A_241, %and3A_251 : i32
            %sub3A_253 = arith.subi %and3A_252, %mul3A_178 : i32
            %jit3A_254 = arith.constant 0 : i32
            %select_n3A_255 = arith.select %ge3A_243, %jit3A_254, %sub3A_253 : i32
            %get3A_256 = arith.constant 0 : i32
            %get3A_257 = arith.index_cast %get3A_256 : i32 to index
            %get3A_258 = memref.load %arg10[%get3A_257] : memref<8xi32, #tpu.memory_space<smem>>
            %and3A_259 = arith.constant 255 : i32
            %and3A_260 = arith.andi %get3A_258, %and3A_259 : i32
            %and3A_261 = arith.constant 255 : i32
            %and3A_262 = arith.andi %get3A_258, %and3A_261 : i32
            %shift_right_arithmetic3A_263 = arith.constant 7 : i32
            %shift_right_arithmetic3A_264 = arith.shrsi %and3A_262, %shift_right_arithmetic3A_263 : i32
            %and3A_265 = arith.constant 127 : i32
            %and3A_266 = arith.andi %get3A_258, %and3A_265 : i32
            %eq3A_267 = arith.constant 0 : i32
            %eq3A_268 = arith.cmpi eq, %and3A_266, %eq3A_267 : i32
            %ge3A_269 = arith.constant 256 : i32
            %ge3A_270 = arith.cmpi sge, %get3A_258, %ge3A_269 : i32
            %and3A_271 = arith.andi %eq3A_268, %ge3A_270 : i1
            %convert_element_type3A_272 = arith.extui %and3A_271 : i1 to i32
            %cond3A_273 = arith.constant 0 : i32
            %cond3A_274 = arith.cmpi ne, %convert_element_type3A_272, %cond3A_273 : i32
            scf.if %cond3A_274 {
              %mul3A_340 = arith.constant 128 : i32
              %mul3A_341 = arith.muli %shift_right_arithmetic3A_264, %mul3A_340 : i32
              %dma_wait3A = arith.constant 0 : i32
              %dma_wait3A_342 = tpu.memref_slice %arg8[%mul3A_341, %dma_wait3A] : memref<256x128xf32, #tpu.memory_space<vmem>> -> memref<128x128xf32, #tpu.memory_space<vmem>>
              %dma_wait3A_343 = arith.constant 0 : i32
              %dma_wait3A_344 = arith.constant 0 : i32
              %dma_wait3A_345 = tpu.memref_slice %arg4[%dma_wait3A_343, %dma_wait3A_344] : memref<16512x128xf32, #tpu.memory_space<hbm>> -> memref<128x128xf32, #tpu.memory_space<hbm>>
              %dma_wait3A_346 = arith.constant 0 : i32
              %dma_wait3A_347 = tpu.memref_slice %arg8[%mul3A_341, %dma_wait3A_346] : memref<256x128xf32, #tpu.memory_space<vmem>> -> memref<128x128xf32, #tpu.memory_space<vmem>>
              %dma_wait3A_348 = arith.constant 0 : i32
              %dma_wait3A_349 = arith.constant 0 : i32
              %dma_wait3A_350 = tpu.memref_slice %arg4[%dma_wait3A_348, %dma_wait3A_349] : memref<16512x128xf32, #tpu.memory_space<hbm>> -> memref<128x128xf32, #tpu.memory_space<hbm>>
              tpu.wait_dma2 semaphore(%arg13 : memref<!tpu.dma_semaphore, #tpu.memory_space<semaphore_mem>>) src(%dma_wait3A_350 : memref<128x128xf32, #tpu.memory_space<hbm>>) dst(%dma_wait3A_347 : memref<128x128xf32, #tpu.memory_space<vmem>>)
              %get3A_351 = arith.constant 2 : i32
              %get3A_352 = arith.index_cast %get3A_351 : i32 to index
              %get3A_353 = memref.load %arg10[%get3A_352] : memref<8xi32, #tpu.memory_space<smem>>
              %add3A_354 = arith.constant 1 : i32
              %add3A_355 = arith.addi %get3A_353, %add3A_354 : i32
              %swap3A_356 = arith.constant 2 : i32
              %swap3A_357 = arith.index_cast %swap3A_356 : i32 to index
              %swap3A_358 = memref.load %arg10[%swap3A_357] : memref<8xi32, #tpu.memory_space<smem>>
              memref.store %add3A_355, %arg10[%swap3A_357] : memref<8xi32, #tpu.memory_space<smem>>
            } else {
            }
            %broadcast_in_dim3A_275 = vector.broadcast %select_n3A_255 : i32 to vector<16xi32>
            %gather3A_276 = arith.constant 0 : i32
            %gather3A_277 = arith.constant 0 : i32
            %gather3A_278 = tpu.memref_slice %arg7[%and3A_146, %gather3A_276, %gather3A_277] : memref<2x64x512xf32, #tpu.memory_space<vmem>> -> memref<1x64x512xf32, #tpu.memory_space<vmem>>
            %gather3A_279 = tpu.memref_squeeze %gather3A_278 : memref<1x64x512xf32, #tpu.memory_space<vmem>> -> memref<64x512xf32, #tpu.memory_space<vmem>>
            %gather3A_280 = tpu.vector_load_idx %gather3A_279[%add3A_30, %broadcast_in_dim3A_275] : memref<64x512xf32, #tpu.memory_space<vmem>>[vector<16xi32>, vector<16xi32>], vector<16xf32>,
            %swap3A_281 = arith.index_cast %and3A_260 : i32 to index
            %swap3A_282 = arith.constant 0 : index
            %swap3A_283 = tpu.vector_load %arg8[%swap3A_281, %swap3A_282] {strides = array<i32>} : memref<256x128xf32, #tpu.memory_space<vmem>>, vector<16xf32>,
            tpu.vector_store %arg8[%swap3A_281, %swap3A_282], %gather3A_280 {strides = array<i32>} : memref<256x128xf32, #tpu.memory_space<vmem>>, vector<16xf32>,
            %gather3A_284 = arith.constant 0 : i32
            %gather3A_285 = arith.constant 0 : i32
            %gather3A_286 = tpu.memref_slice %arg7[%and3A_146, %gather3A_284, %gather3A_285] : memref<2x64x512xf32, #tpu.memory_space<vmem>> -> memref<1x64x512xf32, #tpu.memory_space<vmem>>
            %gather3A_287 = tpu.memref_squeeze %gather3A_286 : memref<1x64x512xf32, #tpu.memory_space<vmem>> -> memref<64x512xf32, #tpu.memory_space<vmem>>
            %gather3A_288 = tpu.vector_load_idx %gather3A_287[%add3A_33, %broadcast_in_dim3A_275] : memref<64x512xf32, #tpu.memory_space<vmem>>[vector<16xi32>, vector<16xi32>], vector<16xf32>,
            %swap3A_289 = arith.index_cast %and3A_260 : i32 to index
            %swap3A_290 = arith.constant 16 : index
            %swap3A_291 = tpu.vector_load %arg8[%swap3A_289, %swap3A_290] {strides = array<i32>} : memref<256x128xf32, #tpu.memory_space<vmem>>, vector<16xf32>,
            tpu.vector_store %arg8[%swap3A_289, %swap3A_290], %gather3A_288 {strides = array<i32>} : memref<256x128xf32, #tpu.memory_space<vmem>>, vector<16xf32>,
            %gather3A_292 = arith.constant 0 : i32
            %gather3A_293 = arith.constant 0 : i32
            %gather3A_294 = tpu.memref_slice %arg7[%and3A_146, %gather3A_292, %gather3A_293] : memref<2x64x512xf32, #tpu.memory_space<vmem>> -> memref<1x64x512xf32, #tpu.memory_space<vmem>>
            %gather3A_295 = tpu.memref_squeeze %gather3A_294 : memref<1x64x512xf32, #tpu.memory_space<vmem>> -> memref<64x512xf32, #tpu.memory_space<vmem>>
            %gather3A_296 = tpu.vector_load_idx %gather3A_295[%add3A_36, %broadcast_in_dim3A_275] : memref<64x512xf32, #tpu.memory_space<vmem>>[vector<16xi32>, vector<16xi32>], vector<16xf32>,
            %swap3A_297 = arith.index_cast %and3A_260 : i32 to index
            %swap3A_298 = arith.constant 32 : index
            %swap3A_299 = tpu.vector_load %arg8[%swap3A_297, %swap3A_298] {strides = array<i32>} : memref<256x128xf32, #tpu.memory_space<vmem>>, vector<16xf32>,
            tpu.vector_store %arg8[%swap3A_297, %swap3A_298], %gather3A_296 {strides = array<i32>} : memref<256x128xf32, #tpu.memory_space<vmem>>, vector<16xf32>,
            %gather3A_300 = arith.constant 0 : i32
            %gather3A_301 = arith.constant 0 : i32
            %gather3A_302 = tpu.memref_slice %arg7[%and3A_146, %gather3A_300, %gather3A_301] : memref<2x64x512xf32, #tpu.memory_space<vmem>> -> memref<1x64x512xf32, #tpu.memory_space<vmem>>
            %gather3A_303 = tpu.memref_squeeze %gather3A_302 : memref<1x64x512xf32, #tpu.memory_space<vmem>> -> memref<64x512xf32, #tpu.memory_space<vmem>>
            %gather3A_304 = tpu.vector_load_idx %gather3A_303[%add3A_39, %broadcast_in_dim3A_275] : memref<64x512xf32, #tpu.memory_space<vmem>>[vector<16xi32>, vector<16xi32>], vector<16xf32>,
            %swap3A_305 = arith.index_cast %and3A_260 : i32 to index
            %swap3A_306 = arith.constant 48 : index
            %swap3A_307 = tpu.vector_load %arg8[%swap3A_305, %swap3A_306] {strides = array<i32>} : memref<256x128xf32, #tpu.memory_space<vmem>>, vector<16xf32>,
            tpu.vector_store %arg8[%swap3A_305, %swap3A_306], %gather3A_304 {strides = array<i32>} : memref<256x128xf32, #tpu.memory_space<vmem>>, vector<16xf32>,
            %and3A_308 = arith.constant 127 : i32
            %and3A_309 = arith.andi %get3A_258, %and3A_308 : i32
            %shift_right_arithmetic3A_310 = arith.constant 4 : i32
            %shift_right_arithmetic3A_311 = arith.shrsi %and3A_309, %shift_right_arithmetic3A_310 : i32
            %shift_left3A = arith.constant 4 : i32
            %shift_left3A_312 = arith.shli %shift_right_arithmetic3A_311, %shift_left3A : i32
            %get3A_313 = arith.index_cast %shift_right_arithmetic3A_264 : i32 to index
            %get3A_314 = arith.index_cast %shift_left3A_312 : i32 to index
            %get3A_315 = tpu.vector_load %arg9[%get3A_313, %get3A_314] {strides = array<i32>} : memref<2x128xi32, #tpu.memory_space<vmem>>, vector<16xi32>,
            %and3A_316 = arith.constant 15 : i32
            %and3A_317 = arith.andi %get3A_258, %and3A_316 : i32
            %eq3A_318 = vector.broadcast %and3A_317 : i32 to vector<16xi32>
            %eq3A_319 = arith.cmpi eq, %iota3A, %eq3A_318 : vector<16xi32>
            %broadcast_in_dim3A_320 = vector.broadcast %select_n3A_250 : i32 to vector<16xi32>
            %select_n3A_321 = arith.select %eq3A_319, %broadcast_in_dim3A_320, %get3A_315 : vector<16xi1>, vector<16xi32>
            %swap3A_322 = arith.index_cast %shift_right_arithmetic3A_264 : i32 to index
            %swap3A_323 = arith.index_cast %shift_left3A_312 : i32 to index
            %swap3A_324 = tpu.vector_load %arg9[%swap3A_322, %swap3A_323] {strides = array<i32>} : memref<2x128xi32, #tpu.memory_space<vmem>>, vector<16xi32>,
            tpu.vector_store %arg9[%swap3A_322, %swap3A_323], %select_n3A_321 {strides = array<i32>} : memref<2x128xi32, #tpu.memory_space<vmem>>, vector<16xi32>,
            %add3A_325 = arith.constant 1 : i32
            %add3A_326 = arith.addi %get3A_258, %add3A_325 : i32
            %swap3A_327 = arith.constant 0 : i32
            %swap3A_328 = arith.index_cast %swap3A_327 : i32 to index
            %swap3A_329 = memref.load %arg10[%swap3A_328] : memref<8xi32, #tpu.memory_space<smem>>
            memref.store %add3A_326, %arg10[%swap3A_328] : memref<8xi32, #tpu.memory_space<smem>>
            %and3A_330 = arith.constant 127 : i32
            %and3A_331 = arith.andi %get3A_258, %and3A_330 : i32
            %eq3A_332 = arith.constant 127 : i32
            %eq3A_333 = arith.cmpi eq, %and3A_331, %eq3A_332 : i32
            %convert_element_type3A_334 = arith.extui %eq3A_333 : i1 to i32
            %cond3A_335 = arith.constant 0 : i32
            %cond3A_336 = arith.cmpi ne, %convert_element_type3A_334, %cond3A_335 : i32
            scf.if %cond3A_336 {
              %mul3A_340 = arith.constant 128 : i32
              %mul3A_341 = arith.muli %shift_right_arithmetic3A_264, %mul3A_340 : i32
              %dma_start3A_342 = arith.constant 0 : i32
              %dma_start3A_343 = tpu.memref_slice %arg8[%mul3A_341, %dma_start3A_342] : memref<256x128xf32, #tpu.memory_space<vmem>> -> memref<128x128xf32, #tpu.memory_space<vmem>>
              %dma_start3A_344 = arith.constant 0 : i32
              %dma_start3A_345 = tpu.memref_slice %arg9[%shift_right_arithmetic3A_264, %dma_start3A_344] : memref<2x128xi32, #tpu.memory_space<vmem>> -> memref<1x128xi32, #tpu.memory_space<vmem>>
              %dma_start3A_346 = tpu.memref_squeeze %dma_start3A_345 : memref<1x128xi32, #tpu.memory_space<vmem>> -> memref<128xi32, #tpu.memory_space<vmem>>
              %dma_start3A_347 = arith.constant 0 : i32
              %dma_start3A_348 = arith.constant 0 : i32
              %dma_start3A_349 = tpu.memref_slice %arg4[%dma_start3A_347, %dma_start3A_348] : memref<16512x128xf32, #tpu.memory_space<hbm>> -> memref<16512x128xf32, #tpu.memory_space<hbm>>
              tpu.enqueue_indirect_dma source(%dma_start3A_343 : memref<128x128xf32, #tpu.memory_space<vmem>>) target(%dma_start3A_349 : memref<16512x128xf32, #tpu.memory_space<hbm>>) offsets(%dma_start3A_346 : memref<128xi32, #tpu.memory_space<vmem>>) semaphore(%arg13 : memref<!tpu.dma_semaphore, #tpu.memory_space<semaphore_mem>>)
              %get3A_350 = arith.constant 1 : i32
              %get3A_351 = arith.index_cast %get3A_350 : i32 to index
              %get3A_352 = memref.load %arg10[%get3A_351] : memref<8xi32, #tpu.memory_space<smem>>
              %add3A_353 = arith.constant 1 : i32
              %add3A_354 = arith.addi %get3A_352, %add3A_353 : i32
              %swap3A_355 = arith.constant 1 : i32
              %swap3A_356 = arith.index_cast %swap3A_355 : i32 to index
              %swap3A_357 = memref.load %arg10[%swap3A_356] : memref<8xi32, #tpu.memory_space<smem>>
              memref.store %add3A_354, %arg10[%swap3A_356] : memref<8xi32, #tpu.memory_space<smem>>
            } else {
            }
            %ne3A_337 = vector.broadcast %squeeze3A_229 : i32 to vector<16xi32>
            %ne3A_338 = arith.cmpi ne, %iota3A, %ne3A_337 : vector<16xi32>
            %and3A_339 = arith.andi %while3A_227, %ne3A_338 : vector<16xi1>
            scf.yield %and3A_339 : vector<16xi1>
          }
        } else {
        }
      }
    }
    %while3A_127 = arith.constant 1 : i32
    scf.for %while3A_144 = %while3A_125 to %while3A_121 step %while3A_127  : i32 {
      %and3A_145 = arith.constant 1 : i32
      %and3A_146 = arith.andi %while3A_144, %and3A_145 : i32
      %add3A_147 = arith.constant 1 : i32
      %add3A_148 = arith.addi %while3A_144, %add3A_147 : i32
      %lt3A = arith.cmpi slt, %add3A_148, %select_n3A : i32
      %eq3A = arith.constant 0 : i32
      %eq3A_149 = arith.cmpi eq, %and3A_146, %eq3A : i32
      %and3A_150 = arith.andi %lt3A, %eq3A_149 : i1
      %convert_element_type3A = arith.extui %and3A_150 : i1 to i32
      %cond3A = arith.constant 0 : i32
      %cond3A_151 = arith.cmpi ne, %convert_element_type3A, %cond3A : i32
      scf.if %cond3A_151 {
        %add3A_189 = arith.constant 1 : i32
        %add3A_190 = arith.addi %while3A_144, %add3A_189 : i32
        %mul3A_191 = arith.constant 4 : i32
        %mul3A_192 = arith.muli %add3A_190, %mul3A_191 : i32
        %add3A_193 = arith.addi %mul3A_2, %mul3A_192 : i32
        %min3A_194 = arith.constant 7809 : i32
        %min3A_195 = arith.minsi %add3A_193, %min3A_194 : i32
        %mul3A_196 = arith.constant 128 : i32
        %mul3A_197 = arith.muli %min3A_195, %mul3A_196 : i32
        %dma_start3A_198 = arith.constant 1 : i32
        %dma_start3A_199 = arith.constant 0 : i32
        %dma_start3A_200 = arith.constant 0 : i32
        %dma_start3A_201 = tpu.memref_slice %arg7[%dma_start3A_198, %dma_start3A_199, %dma_start3A_200] : memref<2x64x512xf32, #tpu.memory_space<vmem>> -> memref<1x64x512xf32, #tpu.memory_space<vmem>>
        %dma_start3A_202 = tpu.memref_squeeze %dma_start3A_201 : memref<1x64x512xf32, #tpu.memory_space<vmem>> -> memref<64x512xf32, #tpu.memory_space<vmem>>
        %dma_start3A_203 = arith.constant 0 : i32
        %dma_start3A_204 = tpu.memref_slice %arg3[%dma_start3A_203, %mul3A_197] : memref<64x1000000xf32, #tpu.memory_space<hbm>> -> memref<64x512xf32, #tpu.memory_space<hbm>>
        %dma_start3A_205 = arith.constant 0 : i32
        %dma_start3A_206 = arith.constant 0 : i32
        %dma_start3A_207 = tpu.memref_slice %arg7[%dma_start3A_198, %dma_start3A_205, %dma_start3A_206] : memref<2x64x512xf32, #tpu.memory_space<vmem>> -> memref<1x64x512xf32, #tpu.memory_space<vmem>>
        %dma_start3A_208 = tpu.memref_squeeze %dma_start3A_207 : memref<1x64x512xf32, #tpu.memory_space<vmem>> -> memref<64x512xf32, #tpu.memory_space<vmem>>
        %dma_start3A_209 = arith.constant 0 : i32
        %dma_start3A_210 = tpu.memref_slice %arg3[%dma_start3A_209, %mul3A_197] : memref<64x1000000xf32, #tpu.memory_space<hbm>> -> memref<64x512xf32, #tpu.memory_space<hbm>>
        tpu.enqueue_dma source(%dma_start3A_210 : memref<64x512xf32, #tpu.memory_space<hbm>>) target(%dma_start3A_208 : memref<64x512xf32, #tpu.memory_space<vmem>>) target_semaphore(%arg12 : memref<!tpu.dma_semaphore, #tpu.memory_space<semaphore_mem>>)
      } else {
      }
      %add3A_152 = arith.constant 1 : i32
      %add3A_153 = arith.addi %while3A_144, %add3A_152 : i32
      %lt3A_154 = arith.cmpi slt, %add3A_153, %select_n3A : i32
      %eq3A_155 = arith.constant 1 : i32
      %eq3A_156 = arith.cmpi eq, %and3A_146, %eq3A_155 : i32
      %and3A_157 = arith.andi %lt3A_154, %eq3A_156 : i1
      %convert_element_type3A_158 = arith.extui %and3A_157 : i1 to i32
      %cond3A_159 = arith.constant 0 : i32
      %cond3A_160 = arith.cmpi ne, %convert_element_type3A_158, %cond3A_159 : i32
      scf.if %cond3A_160 {
        %add3A_189 = arith.constant 1 : i32
        %add3A_190 = arith.addi %while3A_144, %add3A_189 : i32
        %mul3A_191 = arith.constant 4 : i32
        %mul3A_192 = arith.muli %add3A_190, %mul3A_191 : i32
        %add3A_193 = arith.addi %mul3A_2, %mul3A_192 : i32
        %min3A_194 = arith.constant 7809 : i32
        %min3A_195 = arith.minsi %add3A_193, %min3A_194 : i32
        %mul3A_196 = arith.constant 128 : i32
        %mul3A_197 = arith.muli %min3A_195, %mul3A_196 : i32
        %dma_start3A_198 = arith.constant 0 : i32
        %dma_start3A_199 = arith.constant 0 : i32
        %dma_start3A_200 = arith.constant 0 : i32
        %dma_start3A_201 = tpu.memref_slice %arg7[%dma_start3A_198, %dma_start3A_199, %dma_start3A_200] : memref<2x64x512xf32, #tpu.memory_space<vmem>> -> memref<1x64x512xf32, #tpu.memory_space<vmem>>
        %dma_start3A_202 = tpu.memref_squeeze %dma_start3A_201 : memref<1x64x512xf32, #tpu.memory_space<vmem>> -> memref<64x512xf32, #tpu.memory_space<vmem>>
        %dma_start3A_203 = arith.constant 0 : i32
        %dma_start3A_204 = tpu.memref_slice %arg3[%dma_start3A_203, %mul3A_197] : memref<64x1000000xf32, #tpu.memory_space<hbm>> -> memref<64x512xf32, #tpu.memory_space<hbm>>
        %dma_start3A_205 = arith.constant 0 : i32
        %dma_start3A_206 = arith.constant 0 : i32
        %dma_start3A_207 = tpu.memref_slice %arg7[%dma_start3A_198, %dma_start3A_205, %dma_start3A_206] : memref<2x64x512xf32, #tpu.memory_space<vmem>> -> memref<1x64x512xf32, #tpu.memory_space<vmem>>
        %dma_start3A_208 = tpu.memref_squeeze %dma_start3A_207 : memref<1x64x512xf32, #tpu.memory_space<vmem>> -> memref<64x512xf32, #tpu.memory_space<vmem>>
        %dma_start3A_209 = arith.constant 0 : i32
        %dma_start3A_210 = tpu.memref_slice %arg3[%dma_start3A_209, %mul3A_197] : memref<64x1000000xf32, #tpu.memory_space<hbm>> -> memref<64x512xf32, #tpu.memory_space<hbm>>
        tpu.enqueue_dma source(%dma_start3A_210 : memref<64x512xf32, #tpu.memory_space<hbm>>) target(%dma_start3A_208 : memref<64x512xf32, #tpu.memory_space<vmem>>) target_semaphore(%arg11 : memref<!tpu.dma_semaphore, #tpu.memory_space<semaphore_mem>>)
      } else {
      }
      %eq3A_161 = arith.constant 0 : i32
      %eq3A_162 = arith.cmpi eq, %and3A_146, %eq3A_161 : i32
      %convert_element_type3A_163 = arith.extui %eq3A_162 : i1 to i32
      %cond3A_164 = arith.constant 0 : i32
      %cond3A_165 = arith.cmpi ne, %convert_element_type3A_163, %cond3A_164 : i32
      scf.if %cond3A_165 {
        %dma_wait3A = arith.constant 0 : i32
        %dma_wait3A_189 = arith.constant 0 : i32
        %dma_wait3A_190 = arith.constant 0 : i32
        %dma_wait3A_191 = tpu.memref_slice %arg7[%dma_wait3A, %dma_wait3A_189, %dma_wait3A_190] : memref<2x64x512xf32, #tpu.memory_space<vmem>> -> memref<1x64x512xf32, #tpu.memory_space<vmem>>
        %dma_wait3A_192 = tpu.memref_squeeze %dma_wait3A_191 : memref<1x64x512xf32, #tpu.memory_space<vmem>> -> memref<64x512xf32, #tpu.memory_space<vmem>>
        %dma_wait3A_193 = arith.constant 0 : i32
        %dma_wait3A_194 = arith.constant 0 : i32
        %dma_wait3A_195 = tpu.memref_slice %arg3[%dma_wait3A_193, %dma_wait3A_194] : memref<64x1000000xf32, #tpu.memory_space<hbm>> -> memref<64x512xf32, #tpu.memory_space<hbm>>
        %dma_wait3A_196 = arith.constant 0 : i32
        %dma_wait3A_197 = arith.constant 0 : i32
        %dma_wait3A_198 = tpu.memref_slice %arg7[%dma_wait3A, %dma_wait3A_196, %dma_wait3A_197] : memref<2x64x512xf32, #tpu.memory_space<vmem>> -> memref<1x64x512xf32, #tpu.memory_space<vmem>>
        %dma_wait3A_199 = tpu.memref_squeeze %dma_wait3A_198 : memref<1x64x512xf32, #tpu.memory_space<vmem>> -> memref<64x512xf32, #tpu.memory_space<vmem>>
        %dma_wait3A_200 = arith.constant 0 : i32
        %dma_wait3A_201 = arith.constant 0 : i32
        %dma_wait3A_202 = tpu.memref_slice %arg3[%dma_wait3A_200, %dma_wait3A_201] : memref<64x1000000xf32, #tpu.memory_space<hbm>> -> memref<64x512xf32, #tpu.memory_space<hbm>>
        tpu.wait_dma2 semaphore(%arg11 : memref<!tpu.dma_semaphore, #tpu.memory_space<semaphore_mem>>) src(%dma_wait3A_202 : memref<64x512xf32, #tpu.memory_space<hbm>>) dst(%dma_wait3A_199 : memref<64x512xf32, #tpu.memory_space<vmem>>)
      } else {
      }
      %eq3A_166 = arith.constant 1 : i32
      %eq3A_167 = arith.cmpi eq, %and3A_146, %eq3A_166 : i32
      %convert_element_type3A_168 = arith.extui %eq3A_167 : i1 to i32
      %cond3A_169 = arith.constant 0 : i32
      %cond3A_170 = arith.cmpi ne, %convert_element_type3A_168, %cond3A_169 : i32
      scf.if %cond3A_170 {
        %dma_wait3A = arith.constant 1 : i32
        %dma_wait3A_189 = arith.constant 0 : i32
        %dma_wait3A_190 = arith.constant 0 : i32
        %dma_wait3A_191 = tpu.memref_slice %arg7[%dma_wait3A, %dma_wait3A_189, %dma_wait3A_190] : memref<2x64x512xf32, #tpu.memory_space<vmem>> -> memref<1x64x512xf32, #tpu.memory_space<vmem>>
        %dma_wait3A_192 = tpu.memref_squeeze %dma_wait3A_191 : memref<1x64x512xf32, #tpu.memory_space<vmem>> -> memref<64x512xf32, #tpu.memory_space<vmem>>
        %dma_wait3A_193 = arith.constant 0 : i32
        %dma_wait3A_194 = arith.constant 0 : i32
        %dma_wait3A_195 = tpu.memref_slice %arg3[%dma_wait3A_193, %dma_wait3A_194] : memref<64x1000000xf32, #tpu.memory_space<hbm>> -> memref<64x512xf32, #tpu.memory_space<hbm>>
        %dma_wait3A_196 = arith.constant 0 : i32
        %dma_wait3A_197 = arith.constant 0 : i32
        %dma_wait3A_198 = tpu.memref_slice %arg7[%dma_wait3A, %dma_wait3A_196, %dma_wait3A_197] : memref<2x64x512xf32, #tpu.memory_space<vmem>> -> memref<1x64x512xf32, #tpu.memory_space<vmem>>
        %dma_wait3A_199 = tpu.memref_squeeze %dma_wait3A_198 : memref<1x64x512xf32, #tpu.memory_space<vmem>> -> memref<64x512xf32, #tpu.memory_space<vmem>>
        %dma_wait3A_200 = arith.constant 0 : i32
        %dma_wait3A_201 = arith.constant 0 : i32
        %dma_wait3A_202 = tpu.memref_slice %arg3[%dma_wait3A_200, %dma_wait3A_201] : memref<64x1000000xf32, #tpu.memory_space<hbm>> -> memref<64x512xf32, #tpu.memory_space<hbm>>
        tpu.wait_dma2 semaphore(%arg12 : memref<!tpu.dma_semaphore, #tpu.memory_space<semaphore_mem>>) src(%dma_wait3A_202 : memref<64x512xf32, #tpu.memory_space<hbm>>) dst(%dma_wait3A_199 : memref<64x512xf32, #tpu.memory_space<vmem>>)
      } else {
      }
      %mul3A_171 = arith.constant 4 : i32
      %mul3A_172 = arith.muli %while3A_144, %mul3A_171 : i32
      %add3A_173 = arith.addi %mul3A_2, %mul3A_172 : i32
      %min3A_174 = arith.constant 7809 : i32
      %min3A_175 = arith.minsi %add3A_173, %min3A_174 : i32
      %sub3A_176 = arith.subi %min3A_175, %mul3A_2 : i32
      %mul3A_177 = arith.constant 128 : i32
      %mul3A_178 = arith.muli %sub3A_176, %mul3A_177 : i32
      %while3A_179 = arith.constant 0 : i32
      %while3A_180 = arith.constant 0 : i32
      %while3A_181 = arith.subi %select_n3A_100, %while3A_180 : i32
      %while3A_182 = arith.addi %while3A_180, %while3A_181 : i32
      %while3A_183 = arith.constant 1 : i32
      %while3A_184 = arith.divsi %while3A_181, %while3A_183 : i32
      %while3A_185 = arith.muli %while3A_184, %while3A_183 : i32
      %while3A_186 = arith.addi %while3A_180, %while3A_185 : i32
      %while3A_187 = arith.constant 1 : i32
      scf.for %while3A_189 = %while3A_180 to %while3A_186 step %while3A_187  : i32 {
        %mul3A_190 = arith.constant 16 : i32
        %mul3A_191 = arith.muli %while3A_189, %mul3A_190 : i32
        %get3A_192 = arith.index_cast %mul3A_191 : i32 to index
        %get3A_193 = tpu.vector_load %arg6[%get3A_192] {strides = array<i32>} : memref<1040xi32, #tpu.memory_space<vmem>>, vector<16xi32>,
        %and3A_194 = arith.constant 32767 : i32
        %and3A_195 = vector.broadcast %and3A_194 : i32 to vector<16xi32>
        %and3A_196 = arith.andi %get3A_193, %and3A_195 : vector<16xi32>
        %ge3A = arith.constant 1073741824 : i32
        %ge3A_197 = vector.broadcast %ge3A : i32 to vector<16xi32>
        %ge3A_198 = arith.cmpi sge, %get3A_193, %ge3A_197 : vector<16xi32>
        %shift_right_arithmetic3A = arith.constant 9 : i32
        %shift_right_arithmetic3A_199 = vector.broadcast %shift_right_arithmetic3A : i32 to vector<16xi32>
        %shift_right_arithmetic3A_200 = arith.shrsi %and3A_196, %shift_right_arithmetic3A_199 : vector<16xi32>
        %eq3A_201 = vector.broadcast %while3A_144 : i32 to vector<16xi32>
        %eq3A_202 = arith.cmpi eq, %shift_right_arithmetic3A_200, %eq3A_201 : vector<16xi32>
        %eq3A_203 = arith.constant 0 : i32
        %eq3A_204 = arith.cmpi eq, %while3A_144, %eq3A_203 : i32
        %and3A_205 = vector.broadcast %eq3A_204 : i1 to vector<16xi1>
        %and3A_206 = arith.andi %ge3A_198, %and3A_205 : vector<16xi1>
        %or3A = arith.ori %eq3A_202, %and3A_206 : vector<16xi1>
        %ge3A_207 = arith.constant 0 : i32
        %ge3A_208 = vector.broadcast %ge3A_207 : i32 to vector<16xi32>
        %ge3A_209 = arith.cmpi sge, %get3A_193, %ge3A_208 : vector<16xi32>
        %and3A_210 = arith.andi %or3A, %ge3A_209 : vector<16xi1>
        %all_reduce_population_count3A = tpu.all_reduce %and3A_210 {dim = 0 : i64, kind = #tpu.reduction_kind<sum>} : vector<16xi1> -> vector<16xi32>
        %slice3A = vector.extract_strided_slice %all_reduce_population_count3A {offsets = [0], sizes = [1], strides = [1]} : vector<16xi32> to vector<1xi32>
        %squeeze3A = vector.extract %slice3A[0] : i32 from vector<1xi32>
        %gt3A = arith.constant 0 : i32
        %gt3A_211 = arith.cmpi sgt, %squeeze3A, %gt3A : i32
        %convert_element_type3A_212 = arith.extui %gt3A_211 : i1 to i32
        %cond3A_213 = arith.constant 0 : i32
        %cond3A_214 = arith.cmpi ne, %convert_element_type3A_212, %cond3A_213 : i32
        scf.if %cond3A_214 {
          %while3A_215 = arith.constant 0 : i32
          %while3A_216 = arith.subi %squeeze3A, %while3A_215 : i32
          %while3A_217 = arith.addi %while3A_215, %while3A_216 : i32
          %while3A_218 = arith.constant 1 : i32
          %while3A_219 = arith.divsi %while3A_216, %while3A_218 : i32
          %while3A_220 = arith.muli %while3A_219, %while3A_218 : i32
          %while3A_221 = arith.addi %while3A_215, %while3A_220 : i32
          %while3A_222 = arith.constant 1 : i32
          %while3A_223 = scf.for %while3A_226 = %while3A_215 to %while3A_221 step %while3A_222 iter_args(%while3A_227 = %and3A_210) -> (vector<16xi1>)  : i32 {
            %all_reduce_ffs3A = tpu.all_reduce %while3A_227 {dim = 0 : i64, kind = #tpu.reduction_kind<find_first_set>} : vector<16xi1> -> vector<16xi32>
            %slice3A_228 = vector.extract_strided_slice %all_reduce_ffs3A {offsets = [0], sizes = [1], strides = [1]} : vector<16xi32> to vector<1xi32>
            %squeeze3A_229 = vector.extract %slice3A_228[0] : i32 from vector<1xi32>
            %broadcast_in_dim3A_230 = vector.broadcast %squeeze3A_229 : i32 to vector<16xi32>
            %lt3A_231 = arith.constant 0 : i32
            %lt3A_232 = vector.broadcast %lt3A_231 : i32 to vector<16xi32>
            %lt3A_233 = arith.cmpi slt, %broadcast_in_dim3A_230, %lt3A_232 : vector<16xi32>
            %add3A_234 = arith.constant 16 : i32
            %add3A_235 = vector.broadcast %add3A_234 : i32 to vector<16xi32>
            %add3A_236 = arith.addi %broadcast_in_dim3A_230, %add3A_235 : vector<16xi32>
            %select_n3A_237 = arith.select %lt3A_233, %add3A_236, %broadcast_in_dim3A_230 : vector<16xi1>, vector<16xi32>
            %broadcast_in_dim3A_238 = vector.shape_cast %select_n3A_237 : vector<16xi32> to vector<16x1xi32>
            %gather3A = vector.shape_cast %broadcast_in_dim3A_238 : vector<16x1xi32> to vector<16xi32>
            %gather3A_239 = tpu.dynamic_gather %get3A_193[%gather3A] in [0] : vector<16xi32>, vector<16xi32> -> vector<16xi32>
            %slice3A_240 = vector.extract_strided_slice %gather3A_239 {offsets = [0], sizes = [1], strides = [1]} : vector<16xi32> to vector<1xi32>
            %squeeze3A_241 = vector.extract %slice3A_240[0] : i32 from vector<1xi32>
            %ge3A_242 = arith.constant 1073741824 : i32
            %ge3A_243 = arith.cmpi sge, %squeeze3A_241, %ge3A_242 : i32
            %and3A_244 = arith.constant 127 : i32
            %and3A_245 = arith.andi %squeeze3A_241, %and3A_244 : i32
            %add3A_246 = arith.constant 16384 : i32
            %add3A_247 = arith.addi %add3A_246, %and3A_245 : i32
            %shift_right_arithmetic3A_248 = arith.constant 15 : i32
            %shift_right_arithmetic3A_249 = arith.shrsi %squeeze3A_241, %shift_right_arithmetic3A_248 : i32
            %select_n3A_250 = arith.select %ge3A_243, %add3A_247, %shift_right_arithmetic3A_249 : i32
            %and3A_251 = arith.constant 32767 : i32
            %and3A_252 = arith.andi %squeeze3A_241, %and3A_251 : i32
            %sub3A_253 = arith.subi %and3A_252, %mul3A_178 : i32
            %jit3A_254 = arith.constant 0 : i32
            %select_n3A_255 = arith.select %ge3A_243, %jit3A_254, %sub3A_253 : i32
            %get3A_256 = arith.constant 0 : i32
            %get3A_257 = arith.index_cast %get3A_256 : i32 to index
            %get3A_258 = memref.load %arg10[%get3A_257] : memref<8xi32, #tpu.memory_space<smem>>
            %and3A_259 = arith.constant 255 : i32
            %and3A_260 = arith.andi %get3A_258, %and3A_259 : i32
            %and3A_261 = arith.constant 255 : i32
            %and3A_262 = arith.andi %get3A_258, %and3A_261 : i32
            %shift_right_arithmetic3A_263 = arith.constant 7 : i32
            %shift_right_arithmetic3A_264 = arith.shrsi %and3A_262, %shift_right_arithmetic3A_263 : i32
            %and3A_265 = arith.constant 127 : i32
            %and3A_266 = arith.andi %get3A_258, %and3A_265 : i32
            %eq3A_267 = arith.constant 0 : i32
            %eq3A_268 = arith.cmpi eq, %and3A_266, %eq3A_267 : i32
            %ge3A_269 = arith.constant 256 : i32
            %ge3A_270 = arith.cmpi sge, %get3A_258, %ge3A_269 : i32
            %and3A_271 = arith.andi %eq3A_268, %ge3A_270 : i1
            %convert_element_type3A_272 = arith.extui %and3A_271 : i1 to i32
            %cond3A_273 = arith.constant 0 : i32
            %cond3A_274 = arith.cmpi ne, %convert_element_type3A_272, %cond3A_273 : i32
            scf.if %cond3A_274 {
              %mul3A_340 = arith.constant 128 : i32
              %mul3A_341 = arith.muli %shift_right_arithmetic3A_264, %mul3A_340 : i32
              %dma_wait3A = arith.constant 0 : i32
              %dma_wait3A_342 = tpu.memref_slice %arg8[%mul3A_341, %dma_wait3A] : memref<256x128xf32, #tpu.memory_space<vmem>> -> memref<128x128xf32, #tpu.memory_space<vmem>>
              %dma_wait3A_343 = arith.constant 0 : i32
              %dma_wait3A_344 = arith.constant 0 : i32
              %dma_wait3A_345 = tpu.memref_slice %arg4[%dma_wait3A_343, %dma_wait3A_344] : memref<16512x128xf32, #tpu.memory_space<hbm>> -> memref<128x128xf32, #tpu.memory_space<hbm>>
              %dma_wait3A_346 = arith.constant 0 : i32
              %dma_wait3A_347 = tpu.memref_slice %arg8[%mul3A_341, %dma_wait3A_346] : memref<256x128xf32, #tpu.memory_space<vmem>> -> memref<128x128xf32, #tpu.memory_space<vmem>>
              %dma_wait3A_348 = arith.constant 0 : i32
              %dma_wait3A_349 = arith.constant 0 : i32
              %dma_wait3A_350 = tpu.memref_slice %arg4[%dma_wait3A_348, %dma_wait3A_349] : memref<16512x128xf32, #tpu.memory_space<hbm>> -> memref<128x128xf32, #tpu.memory_space<hbm>>
              tpu.wait_dma2 semaphore(%arg13 : memref<!tpu.dma_semaphore, #tpu.memory_space<semaphore_mem>>) src(%dma_wait3A_350 : memref<128x128xf32, #tpu.memory_space<hbm>>) dst(%dma_wait3A_347 : memref<128x128xf32, #tpu.memory_space<vmem>>)
              %get3A_351 = arith.constant 2 : i32
              %get3A_352 = arith.index_cast %get3A_351 : i32 to index
              %get3A_353 = memref.load %arg10[%get3A_352] : memref<8xi32, #tpu.memory_space<smem>>
              %add3A_354 = arith.constant 1 : i32
              %add3A_355 = arith.addi %get3A_353, %add3A_354 : i32
              %swap3A_356 = arith.constant 2 : i32
              %swap3A_357 = arith.index_cast %swap3A_356 : i32 to index
              %swap3A_358 = memref.load %arg10[%swap3A_357] : memref<8xi32, #tpu.memory_space<smem>>
              memref.store %add3A_355, %arg10[%swap3A_357] : memref<8xi32, #tpu.memory_space<smem>>
            } else {
            }
            %broadcast_in_dim3A_275 = vector.broadcast %select_n3A_255 : i32 to vector<16xi32>
            %gather3A_276 = arith.constant 0 : i32
            %gather3A_277 = arith.constant 0 : i32
            %gather3A_278 = tpu.memref_slice %arg7[%and3A_146, %gather3A_276, %gather3A_277] : memref<2x64x512xf32, #tpu.memory_space<vmem>> -> memref<1x64x512xf32, #tpu.memory_space<vmem>>
            %gather3A_279 = tpu.memref_squeeze %gather3A_278 : memref<1x64x512xf32, #tpu.memory_space<vmem>> -> memref<64x512xf32, #tpu.memory_space<vmem>>
            %gather3A_280 = tpu.vector_load_idx %gather3A_279[%add3A_30, %broadcast_in_dim3A_275] : memref<64x512xf32, #tpu.memory_space<vmem>>[vector<16xi32>, vector<16xi32>], vector<16xf32>,
            %swap3A_281 = arith.index_cast %and3A_260 : i32 to index
            %swap3A_282 = arith.constant 0 : index
            %swap3A_283 = tpu.vector_load %arg8[%swap3A_281, %swap3A_282] {strides = array<i32>} : memref<256x128xf32, #tpu.memory_space<vmem>>, vector<16xf32>,
            tpu.vector_store %arg8[%swap3A_281, %swap3A_282], %gather3A_280 {strides = array<i32>} : memref<256x128xf32, #tpu.memory_space<vmem>>, vector<16xf32>,
            %gather3A_284 = arith.constant 0 : i32
            %gather3A_285 = arith.constant 0 : i32
            %gather3A_286 = tpu.memref_slice %arg7[%and3A_146, %gather3A_284, %gather3A_285] : memref<2x64x512xf32, #tpu.memory_space<vmem>> -> memref<1x64x512xf32, #tpu.memory_space<vmem>>
            %gather3A_287 = tpu.memref_squeeze %gather3A_286 : memref<1x64x512xf32, #tpu.memory_space<vmem>> -> memref<64x512xf32, #tpu.memory_space<vmem>>
            %gather3A_288 = tpu.vector_load_idx %gather3A_287[%add3A_33, %broadcast_in_dim3A_275] : memref<64x512xf32, #tpu.memory_space<vmem>>[vector<16xi32>, vector<16xi32>], vector<16xf32>,
            %swap3A_289 = arith.index_cast %and3A_260 : i32 to index
            %swap3A_290 = arith.constant 16 : index
            %swap3A_291 = tpu.vector_load %arg8[%swap3A_289, %swap3A_290] {strides = array<i32>} : memref<256x128xf32, #tpu.memory_space<vmem>>, vector<16xf32>,
            tpu.vector_store %arg8[%swap3A_289, %swap3A_290], %gather3A_288 {strides = array<i32>} : memref<256x128xf32, #tpu.memory_space<vmem>>, vector<16xf32>,
            %gather3A_292 = arith.constant 0 : i32
            %gather3A_293 = arith.constant 0 : i32
            %gather3A_294 = tpu.memref_slice %arg7[%and3A_146, %gather3A_292, %gather3A_293] : memref<2x64x512xf32, #tpu.memory_space<vmem>> -> memref<1x64x512xf32, #tpu.memory_space<vmem>>
            %gather3A_295 = tpu.memref_squeeze %gather3A_294 : memref<1x64x512xf32, #tpu.memory_space<vmem>> -> memref<64x512xf32, #tpu.memory_space<vmem>>
            %gather3A_296 = tpu.vector_load_idx %gather3A_295[%add3A_36, %broadcast_in_dim3A_275] : memref<64x512xf32, #tpu.memory_space<vmem>>[vector<16xi32>, vector<16xi32>], vector<16xf32>,
            %swap3A_297 = arith.index_cast %and3A_260 : i32 to index
            %swap3A_298 = arith.constant 32 : index
            %swap3A_299 = tpu.vector_load %arg8[%swap3A_297, %swap3A_298] {strides = array<i32>} : memref<256x128xf32, #tpu.memory_space<vmem>>, vector<16xf32>,
            tpu.vector_store %arg8[%swap3A_297, %swap3A_298], %gather3A_296 {strides = array<i32>} : memref<256x128xf32, #tpu.memory_space<vmem>>, vector<16xf32>,
            %gather3A_300 = arith.constant 0 : i32
            %gather3A_301 = arith.constant 0 : i32
            %gather3A_302 = tpu.memref_slice %arg7[%and3A_146, %gather3A_300, %gather3A_301] : memref<2x64x512xf32, #tpu.memory_space<vmem>> -> memref<1x64x512xf32, #tpu.memory_space<vmem>>
            %gather3A_303 = tpu.memref_squeeze %gather3A_302 : memref<1x64x512xf32, #tpu.memory_space<vmem>> -> memref<64x512xf32, #tpu.memory_space<vmem>>
            %gather3A_304 = tpu.vector_load_idx %gather3A_303[%add3A_39, %broadcast_in_dim3A_275] : memref<64x512xf32, #tpu.memory_space<vmem>>[vector<16xi32>, vector<16xi32>], vector<16xf32>,
            %swap3A_305 = arith.index_cast %and3A_260 : i32 to index
            %swap3A_306 = arith.constant 48 : index
            %swap3A_307 = tpu.vector_load %arg8[%swap3A_305, %swap3A_306] {strides = array<i32>} : memref<256x128xf32, #tpu.memory_space<vmem>>, vector<16xf32>,
            tpu.vector_store %arg8[%swap3A_305, %swap3A_306], %gather3A_304 {strides = array<i32>} : memref<256x128xf32, #tpu.memory_space<vmem>>, vector<16xf32>,
            %and3A_308 = arith.constant 127 : i32
            %and3A_309 = arith.andi %get3A_258, %and3A_308 : i32
            %shift_right_arithmetic3A_310 = arith.constant 4 : i32
            %shift_right_arithmetic3A_311 = arith.shrsi %and3A_309, %shift_right_arithmetic3A_310 : i32
            %shift_left3A = arith.constant 4 : i32
            %shift_left3A_312 = arith.shli %shift_right_arithmetic3A_311, %shift_left3A : i32
            %get3A_313 = arith.index_cast %shift_right_arithmetic3A_264 : i32 to index
            %get3A_314 = arith.index_cast %shift_left3A_312 : i32 to index
            %get3A_315 = tpu.vector_load %arg9[%get3A_313, %get3A_314] {strides = array<i32>} : memref<2x128xi32, #tpu.memory_space<vmem>>, vector<16xi32>,
            %and3A_316 = arith.constant 15 : i32
            %and3A_317 = arith.andi %get3A_258, %and3A_316 : i32
            %eq3A_318 = vector.broadcast %and3A_317 : i32 to vector<16xi32>
            %eq3A_319 = arith.cmpi eq, %iota3A, %eq3A_318 : vector<16xi32>
            %broadcast_in_dim3A_320 = vector.broadcast %select_n3A_250 : i32 to vector<16xi32>
            %select_n3A_321 = arith.select %eq3A_319, %broadcast_in_dim3A_320, %get3A_315 : vector<16xi1>, vector<16xi32>
            %swap3A_322 = arith.index_cast %shift_right_arithmetic3A_264 : i32 to index
            %swap3A_323 = arith.index_cast %shift_left3A_312 : i32 to index
            %swap3A_324 = tpu.vector_load %arg9[%swap3A_322, %swap3A_323] {strides = array<i32>} : memref<2x128xi32, #tpu.memory_space<vmem>>, vector<16xi32>,
            tpu.vector_store %arg9[%swap3A_322, %swap3A_323], %select_n3A_321 {strides = array<i32>} : memref<2x128xi32, #tpu.memory_space<vmem>>, vector<16xi32>,
            %add3A_325 = arith.constant 1 : i32
            %add3A_326 = arith.addi %get3A_258, %add3A_325 : i32
            %swap3A_327 = arith.constant 0 : i32
            %swap3A_328 = arith.index_cast %swap3A_327 : i32 to index
            %swap3A_329 = memref.load %arg10[%swap3A_328] : memref<8xi32, #tpu.memory_space<smem>>
            memref.store %add3A_326, %arg10[%swap3A_328] : memref<8xi32, #tpu.memory_space<smem>>
            %and3A_330 = arith.constant 127 : i32
            %and3A_331 = arith.andi %get3A_258, %and3A_330 : i32
            %eq3A_332 = arith.constant 127 : i32
            %eq3A_333 = arith.cmpi eq, %and3A_331, %eq3A_332 : i32
            %convert_element_type3A_334 = arith.extui %eq3A_333 : i1 to i32
            %cond3A_335 = arith.constant 0 : i32
            %cond3A_336 = arith.cmpi ne, %convert_element_type3A_334, %cond3A_335 : i32
            scf.if %cond3A_336 {
              %mul3A_340 = arith.constant 128 : i32
              %mul3A_341 = arith.muli %shift_right_arithmetic3A_264, %mul3A_340 : i32
              %dma_start3A_342 = arith.constant 0 : i32
              %dma_start3A_343 = tpu.memref_slice %arg8[%mul3A_341, %dma_start3A_342] : memref<256x128xf32, #tpu.memory_space<vmem>> -> memref<128x128xf32, #tpu.memory_space<vmem>>
              %dma_start3A_344 = arith.constant 0 : i32
              %dma_start3A_345 = tpu.memref_slice %arg9[%shift_right_arithmetic3A_264, %dma_start3A_344] : memref<2x128xi32, #tpu.memory_space<vmem>> -> memref<1x128xi32, #tpu.memory_space<vmem>>
              %dma_start3A_346 = tpu.memref_squeeze %dma_start3A_345 : memref<1x128xi32, #tpu.memory_space<vmem>> -> memref<128xi32, #tpu.memory_space<vmem>>
              %dma_start3A_347 = arith.constant 0 : i32
              %dma_start3A_348 = arith.constant 0 : i32
              %dma_start3A_349 = tpu.memref_slice %arg4[%dma_start3A_347, %dma_start3A_348] : memref<16512x128xf32, #tpu.memory_space<hbm>> -> memref<16512x128xf32, #tpu.memory_space<hbm>>
              tpu.enqueue_indirect_dma source(%dma_start3A_343 : memref<128x128xf32, #tpu.memory_space<vmem>>) target(%dma_start3A_349 : memref<16512x128xf32, #tpu.memory_space<hbm>>) offsets(%dma_start3A_346 : memref<128xi32, #tpu.memory_space<vmem>>) semaphore(%arg13 : memref<!tpu.dma_semaphore, #tpu.memory_space<semaphore_mem>>)
              %get3A_350 = arith.constant 1 : i32
              %get3A_351 = arith.index_cast %get3A_350 : i32 to index
              %get3A_352 = memref.load %arg10[%get3A_351] : memref<8xi32, #tpu.memory_space<smem>>
              %add3A_353 = arith.constant 1 : i32
              %add3A_354 = arith.addi %get3A_352, %add3A_353 : i32
              %swap3A_355 = arith.constant 1 : i32
              %swap3A_356 = arith.index_cast %swap3A_355 : i32 to index
              %swap3A_357 = memref.load %arg10[%swap3A_356] : memref<8xi32, #tpu.memory_space<smem>>
              memref.store %add3A_354, %arg10[%swap3A_356] : memref<8xi32, #tpu.memory_space<smem>>
            } else {
            }
            %ne3A_337 = vector.broadcast %squeeze3A_229 : i32 to vector<16xi32>
            %ne3A_338 = arith.cmpi ne, %iota3A, %ne3A_337 : vector<16xi32>
            %and3A_339 = arith.andi %while3A_227, %ne3A_338 : vector<16xi1>
            scf.yield %and3A_339 : vector<16xi1>
          }
          %while3A_224 = arith.constant 1 : i32
          %while3A_225 = scf.for %while3A_226 = %while3A_221 to %while3A_217 step %while3A_224 iter_args(%while3A_227 = %while3A_223) -> (vector<16xi1>)  : i32 {
            %all_reduce_ffs3A = tpu.all_reduce %while3A_227 {dim = 0 : i64, kind = #tpu.reduction_kind<find_first_set>} : vector<16xi1> -> vector<16xi32>
            %slice3A_228 = vector.extract_strided_slice %all_reduce_ffs3A {offsets = [0], sizes = [1], strides = [1]} : vector<16xi32> to vector<1xi32>
            %squeeze3A_229 = vector.extract %slice3A_228[0] : i32 from vector<1xi32>
            %broadcast_in_dim3A_230 = vector.broadcast %squeeze3A_229 : i32 to vector<16xi32>
            %lt3A_231 = arith.constant 0 : i32
            %lt3A_232 = vector.broadcast %lt3A_231 : i32 to vector<16xi32>
            %lt3A_233 = arith.cmpi slt, %broadcast_in_dim3A_230, %lt3A_232 : vector<16xi32>
            %add3A_234 = arith.constant 16 : i32
            %add3A_235 = vector.broadcast %add3A_234 : i32 to vector<16xi32>
            %add3A_236 = arith.addi %broadcast_in_dim3A_230, %add3A_235 : vector<16xi32>
            %select_n3A_237 = arith.select %lt3A_233, %add3A_236, %broadcast_in_dim3A_230 : vector<16xi1>, vector<16xi32>
            %broadcast_in_dim3A_238 = vector.shape_cast %select_n3A_237 : vector<16xi32> to vector<16x1xi32>
            %gather3A = vector.shape_cast %broadcast_in_dim3A_238 : vector<16x1xi32> to vector<16xi32>
            %gather3A_239 = tpu.dynamic_gather %get3A_193[%gather3A] in [0] : vector<16xi32>, vector<16xi32> -> vector<16xi32>
            %slice3A_240 = vector.extract_strided_slice %gather3A_239 {offsets = [0], sizes = [1], strides = [1]} : vector<16xi32> to vector<1xi32>
            %squeeze3A_241 = vector.extract %slice3A_240[0] : i32 from vector<1xi32>
            %ge3A_242 = arith.constant 1073741824 : i32
            %ge3A_243 = arith.cmpi sge, %squeeze3A_241, %ge3A_242 : i32
            %and3A_244 = arith.constant 127 : i32
            %and3A_245 = arith.andi %squeeze3A_241, %and3A_244 : i32
            %add3A_246 = arith.constant 16384 : i32
            %add3A_247 = arith.addi %add3A_246, %and3A_245 : i32
            %shift_right_arithmetic3A_248 = arith.constant 15 : i32
            %shift_right_arithmetic3A_249 = arith.shrsi %squeeze3A_241, %shift_right_arithmetic3A_248 : i32
            %select_n3A_250 = arith.select %ge3A_243, %add3A_247, %shift_right_arithmetic3A_249 : i32
            %and3A_251 = arith.constant 32767 : i32
            %and3A_252 = arith.andi %squeeze3A_241, %and3A_251 : i32
            %sub3A_253 = arith.subi %and3A_252, %mul3A_178 : i32
            %jit3A_254 = arith.constant 0 : i32
            %select_n3A_255 = arith.select %ge3A_243, %jit3A_254, %sub3A_253 : i32
            %get3A_256 = arith.constant 0 : i32
            %get3A_257 = arith.index_cast %get3A_256 : i32 to index
            %get3A_258 = memref.load %arg10[%get3A_257] : memref<8xi32, #tpu.memory_space<smem>>
            %and3A_259 = arith.constant 255 : i32
            %and3A_260 = arith.andi %get3A_258, %and3A_259 : i32
            %and3A_261 = arith.constant 255 : i32
            %and3A_262 = arith.andi %get3A_258, %and3A_261 : i32
            %shift_right_arithmetic3A_263 = arith.constant 7 : i32
            %shift_right_arithmetic3A_264 = arith.shrsi %and3A_262, %shift_right_arithmetic3A_263 : i32
            %and3A_265 = arith.constant 127 : i32
            %and3A_266 = arith.andi %get3A_258, %and3A_265 : i32
            %eq3A_267 = arith.constant 0 : i32
            %eq3A_268 = arith.cmpi eq, %and3A_266, %eq3A_267 : i32
            %ge3A_269 = arith.constant 256 : i32
            %ge3A_270 = arith.cmpi sge, %get3A_258, %ge3A_269 : i32
            %and3A_271 = arith.andi %eq3A_268, %ge3A_270 : i1
            %convert_element_type3A_272 = arith.extui %and3A_271 : i1 to i32
            %cond3A_273 = arith.constant 0 : i32
            %cond3A_274 = arith.cmpi ne, %convert_element_type3A_272, %cond3A_273 : i32
            scf.if %cond3A_274 {
              %mul3A_340 = arith.constant 128 : i32
              %mul3A_341 = arith.muli %shift_right_arithmetic3A_264, %mul3A_340 : i32
              %dma_wait3A = arith.constant 0 : i32
              %dma_wait3A_342 = tpu.memref_slice %arg8[%mul3A_341, %dma_wait3A] : memref<256x128xf32, #tpu.memory_space<vmem>> -> memref<128x128xf32, #tpu.memory_space<vmem>>
              %dma_wait3A_343 = arith.constant 0 : i32
              %dma_wait3A_344 = arith.constant 0 : i32
              %dma_wait3A_345 = tpu.memref_slice %arg4[%dma_wait3A_343, %dma_wait3A_344] : memref<16512x128xf32, #tpu.memory_space<hbm>> -> memref<128x128xf32, #tpu.memory_space<hbm>>
              %dma_wait3A_346 = arith.constant 0 : i32
              %dma_wait3A_347 = tpu.memref_slice %arg8[%mul3A_341, %dma_wait3A_346] : memref<256x128xf32, #tpu.memory_space<vmem>> -> memref<128x128xf32, #tpu.memory_space<vmem>>
              %dma_wait3A_348 = arith.constant 0 : i32
              %dma_wait3A_349 = arith.constant 0 : i32
              %dma_wait3A_350 = tpu.memref_slice %arg4[%dma_wait3A_348, %dma_wait3A_349] : memref<16512x128xf32, #tpu.memory_space<hbm>> -> memref<128x128xf32, #tpu.memory_space<hbm>>
              tpu.wait_dma2 semaphore(%arg13 : memref<!tpu.dma_semaphore, #tpu.memory_space<semaphore_mem>>) src(%dma_wait3A_350 : memref<128x128xf32, #tpu.memory_space<hbm>>) dst(%dma_wait3A_347 : memref<128x128xf32, #tpu.memory_space<vmem>>)
              %get3A_351 = arith.constant 2 : i32
              %get3A_352 = arith.index_cast %get3A_351 : i32 to index
              %get3A_353 = memref.load %arg10[%get3A_352] : memref<8xi32, #tpu.memory_space<smem>>
              %add3A_354 = arith.constant 1 : i32
              %add3A_355 = arith.addi %get3A_353, %add3A_354 : i32
              %swap3A_356 = arith.constant 2 : i32
              %swap3A_357 = arith.index_cast %swap3A_356 : i32 to index
              %swap3A_358 = memref.load %arg10[%swap3A_357] : memref<8xi32, #tpu.memory_space<smem>>
              memref.store %add3A_355, %arg10[%swap3A_357] : memref<8xi32, #tpu.memory_space<smem>>
            } else {
            }
            %broadcast_in_dim3A_275 = vector.broadcast %select_n3A_255 : i32 to vector<16xi32>
            %gather3A_276 = arith.constant 0 : i32
            %gather3A_277 = arith.constant 0 : i32
            %gather3A_278 = tpu.memref_slice %arg7[%and3A_146, %gather3A_276, %gather3A_277] : memref<2x64x512xf32, #tpu.memory_space<vmem>> -> memref<1x64x512xf32, #tpu.memory_space<vmem>>
            %gather3A_279 = tpu.memref_squeeze %gather3A_278 : memref<1x64x512xf32, #tpu.memory_space<vmem>> -> memref<64x512xf32, #tpu.memory_space<vmem>>
            %gather3A_280 = tpu.vector_load_idx %gather3A_279[%add3A_30, %broadcast_in_dim3A_275] : memref<64x512xf32, #tpu.memory_space<vmem>>[vector<16xi32>, vector<16xi32>], vector<16xf32>,
            %swap3A_281 = arith.index_cast %and3A_260 : i32 to index
            %swap3A_282 = arith.constant 0 : index
            %swap3A_283 = tpu.vector_load %arg8[%swap3A_281, %swap3A_282] {strides = array<i32>} : memref<256x128xf32, #tpu.memory_space<vmem>>, vector<16xf32>,
            tpu.vector_store %arg8[%swap3A_281, %swap3A_282], %gather3A_280 {strides = array<i32>} : memref<256x128xf32, #tpu.memory_space<vmem>>, vector<16xf32>,
            %gather3A_284 = arith.constant 0 : i32
            %gather3A_285 = arith.constant 0 : i32
            %gather3A_286 = tpu.memref_slice %arg7[%and3A_146, %gather3A_284, %gather3A_285] : memref<2x64x512xf32, #tpu.memory_space<vmem>> -> memref<1x64x512xf32, #tpu.memory_space<vmem>>
            %gather3A_287 = tpu.memref_squeeze %gather3A_286 : memref<1x64x512xf32, #tpu.memory_space<vmem>> -> memref<64x512xf32, #tpu.memory_space<vmem>>
            %gather3A_288 = tpu.vector_load_idx %gather3A_287[%add3A_33, %broadcast_in_dim3A_275] : memref<64x512xf32, #tpu.memory_space<vmem>>[vector<16xi32>, vector<16xi32>], vector<16xf32>,
            %swap3A_289 = arith.index_cast %and3A_260 : i32 to index
            %swap3A_290 = arith.constant 16 : index
            %swap3A_291 = tpu.vector_load %arg8[%swap3A_289, %swap3A_290] {strides = array<i32>} : memref<256x128xf32, #tpu.memory_space<vmem>>, vector<16xf32>,
            tpu.vector_store %arg8[%swap3A_289, %swap3A_290], %gather3A_288 {strides = array<i32>} : memref<256x128xf32, #tpu.memory_space<vmem>>, vector<16xf32>,
            %gather3A_292 = arith.constant 0 : i32
            %gather3A_293 = arith.constant 0 : i32
            %gather3A_294 = tpu.memref_slice %arg7[%and3A_146, %gather3A_292, %gather3A_293] : memref<2x64x512xf32, #tpu.memory_space<vmem>> -> memref<1x64x512xf32, #tpu.memory_space<vmem>>
            %gather3A_295 = tpu.memref_squeeze %gather3A_294 : memref<1x64x512xf32, #tpu.memory_space<vmem>> -> memref<64x512xf32, #tpu.memory_space<vmem>>
            %gather3A_296 = tpu.vector_load_idx %gather3A_295[%add3A_36, %broadcast_in_dim3A_275] : memref<64x512xf32, #tpu.memory_space<vmem>>[vector<16xi32>, vector<16xi32>], vector<16xf32>,
            %swap3A_297 = arith.index_cast %and3A_260 : i32 to index
            %swap3A_298 = arith.constant 32 : index
            %swap3A_299 = tpu.vector_load %arg8[%swap3A_297, %swap3A_298] {strides = array<i32>} : memref<256x128xf32, #tpu.memory_space<vmem>>, vector<16xf32>,
            tpu.vector_store %arg8[%swap3A_297, %swap3A_298], %gather3A_296 {strides = array<i32>} : memref<256x128xf32, #tpu.memory_space<vmem>>, vector<16xf32>,
            %gather3A_300 = arith.constant 0 : i32
            %gather3A_301 = arith.constant 0 : i32
            %gather3A_302 = tpu.memref_slice %arg7[%and3A_146, %gather3A_300, %gather3A_301] : memref<2x64x512xf32, #tpu.memory_space<vmem>> -> memref<1x64x512xf32, #tpu.memory_space<vmem>>
            %gather3A_303 = tpu.memref_squeeze %gather3A_302 : memref<1x64x512xf32, #tpu.memory_space<vmem>> -> memref<64x512xf32, #tpu.memory_space<vmem>>
            %gather3A_304 = tpu.vector_load_idx %gather3A_303[%add3A_39, %broadcast_in_dim3A_275] : memref<64x512xf32, #tpu.memory_space<vmem>>[vector<16xi32>, vector<16xi32>], vector<16xf32>,
            %swap3A_305 = arith.index_cast %and3A_260 : i32 to index
            %swap3A_306 = arith.constant 48 : index
            %swap3A_307 = tpu.vector_load %arg8[%swap3A_305, %swap3A_306] {strides = array<i32>} : memref<256x128xf32, #tpu.memory_space<vmem>>, vector<16xf32>,
            tpu.vector_store %arg8[%swap3A_305, %swap3A_306], %gather3A_304 {strides = array<i32>} : memref<256x128xf32, #tpu.memory_space<vmem>>, vector<16xf32>,
            %and3A_308 = arith.constant 127 : i32
            %and3A_309 = arith.andi %get3A_258, %and3A_308 : i32
            %shift_right_arithmetic3A_310 = arith.constant 4 : i32
            %shift_right_arithmetic3A_311 = arith.shrsi %and3A_309, %shift_right_arithmetic3A_310 : i32
            %shift_left3A = arith.constant 4 : i32
            %shift_left3A_312 = arith.shli %shift_right_arithmetic3A_311, %shift_left3A : i32
            %get3A_313 = arith.index_cast %shift_right_arithmetic3A_264 : i32 to index
            %get3A_314 = arith.index_cast %shift_left3A_312 : i32 to index
            %get3A_315 = tpu.vector_load %arg9[%get3A_313, %get3A_314] {strides = array<i32>} : memref<2x128xi32, #tpu.memory_space<vmem>>, vector<16xi32>,
            %and3A_316 = arith.constant 15 : i32
            %and3A_317 = arith.andi %get3A_258, %and3A_316 : i32
            %eq3A_318 = vector.broadcast %and3A_317 : i32 to vector<16xi32>
            %eq3A_319 = arith.cmpi eq, %iota3A, %eq3A_318 : vector<16xi32>
            %broadcast_in_dim3A_320 = vector.broadcast %select_n3A_250 : i32 to vector<16xi32>
            %select_n3A_321 = arith.select %eq3A_319, %broadcast_in_dim3A_320, %get3A_315 : vector<16xi1>, vector<16xi32>
            %swap3A_322 = arith.index_cast %shift_right_arithmetic3A_264 : i32 to index
            %swap3A_323 = arith.index_cast %shift_left3A_312 : i32 to index
            %swap3A_324 = tpu.vector_load %arg9[%swap3A_322, %swap3A_323] {strides = array<i32>} : memref<2x128xi32, #tpu.memory_space<vmem>>, vector<16xi32>,
            tpu.vector_store %arg9[%swap3A_322, %swap3A_323], %select_n3A_321 {strides = array<i32>} : memref<2x128xi32, #tpu.memory_space<vmem>>, vector<16xi32>,
            %add3A_325 = arith.constant 1 : i32
            %add3A_326 = arith.addi %get3A_258, %add3A_325 : i32
            %swap3A_327 = arith.constant 0 : i32
            %swap3A_328 = arith.index_cast %swap3A_327 : i32 to index
            %swap3A_329 = memref.load %arg10[%swap3A_328] : memref<8xi32, #tpu.memory_space<smem>>
            memref.store %add3A_326, %arg10[%swap3A_328] : memref<8xi32, #tpu.memory_space<smem>>
            %and3A_330 = arith.constant 127 : i32
            %and3A_331 = arith.andi %get3A_258, %and3A_330 : i32
            %eq3A_332 = arith.constant 127 : i32
            %eq3A_333 = arith.cmpi eq, %and3A_331, %eq3A_332 : i32
            %convert_element_type3A_334 = arith.extui %eq3A_333 : i1 to i32
            %cond3A_335 = arith.constant 0 : i32
            %cond3A_336 = arith.cmpi ne, %convert_element_type3A_334, %cond3A_335 : i32
            scf.if %cond3A_336 {
              %mul3A_340 = arith.constant 128 : i32
              %mul3A_341 = arith.muli %shift_right_arithmetic3A_264, %mul3A_340 : i32
              %dma_start3A_342 = arith.constant 0 : i32
              %dma_start3A_343 = tpu.memref_slice %arg8[%mul3A_341, %dma_start3A_342] : memref<256x128xf32, #tpu.memory_space<vmem>> -> memref<128x128xf32, #tpu.memory_space<vmem>>
              %dma_start3A_344 = arith.constant 0 : i32
              %dma_start3A_345 = tpu.memref_slice %arg9[%shift_right_arithmetic3A_264, %dma_start3A_344] : memref<2x128xi32, #tpu.memory_space<vmem>> -> memref<1x128xi32, #tpu.memory_space<vmem>>
              %dma_start3A_346 = tpu.memref_squeeze %dma_start3A_345 : memref<1x128xi32, #tpu.memory_space<vmem>> -> memref<128xi32, #tpu.memory_space<vmem>>
              %dma_start3A_347 = arith.constant 0 : i32
              %dma_start3A_348 = arith.constant 0 : i32
              %dma_start3A_349 = tpu.memref_slice %arg4[%dma_start3A_347, %dma_start3A_348] : memref<16512x128xf32, #tpu.memory_space<hbm>> -> memref<16512x128xf32, #tpu.memory_space<hbm>>
              tpu.enqueue_indirect_dma source(%dma_start3A_343 : memref<128x128xf32, #tpu.memory_space<vmem>>) target(%dma_start3A_349 : memref<16512x128xf32, #tpu.memory_space<hbm>>) offsets(%dma_start3A_346 : memref<128xi32, #tpu.memory_space<vmem>>) semaphore(%arg13 : memref<!tpu.dma_semaphore, #tpu.memory_space<semaphore_mem>>)
              %get3A_350 = arith.constant 1 : i32
              %get3A_351 = arith.index_cast %get3A_350 : i32 to index
              %get3A_352 = memref.load %arg10[%get3A_351] : memref<8xi32, #tpu.memory_space<smem>>
              %add3A_353 = arith.constant 1 : i32
              %add3A_354 = arith.addi %get3A_352, %add3A_353 : i32
              %swap3A_355 = arith.constant 1 : i32
              %swap3A_356 = arith.index_cast %swap3A_355 : i32 to index
              %swap3A_357 = memref.load %arg10[%swap3A_356] : memref<8xi32, #tpu.memory_space<smem>>
              memref.store %add3A_354, %arg10[%swap3A_356] : memref<8xi32, #tpu.memory_space<smem>>
            } else {
            }
            %ne3A_337 = vector.broadcast %squeeze3A_229 : i32 to vector<16xi32>
            %ne3A_338 = arith.cmpi ne, %iota3A, %ne3A_337 : vector<16xi32>
            %and3A_339 = arith.andi %while3A_227, %ne3A_338 : vector<16xi1>
            scf.yield %and3A_339 : vector<16xi1>
          }
        } else {
        }
      }
      %while3A_188 = arith.constant 1 : i32
      scf.for %while3A_189 = %while3A_186 to %while3A_182 step %while3A_188  : i32 {
        %mul3A_190 = arith.constant 16 : i32
        %mul3A_191 = arith.muli %while3A_189, %mul3A_190 : i32
        %get3A_192 = arith.index_cast %mul3A_191 : i32 to index
        %get3A_193 = tpu.vector_load %arg6[%get3A_192] {strides = array<i32>} : memref<1040xi32, #tpu.memory_space<vmem>>, vector<16xi32>,
        %and3A_194 = arith.constant 32767 : i32
        %and3A_195 = vector.broadcast %and3A_194 : i32 to vector<16xi32>
        %and3A_196 = arith.andi %get3A_193, %and3A_195 : vector<16xi32>
        %ge3A = arith.constant 1073741824 : i32
        %ge3A_197 = vector.broadcast %ge3A : i32 to vector<16xi32>
        %ge3A_198 = arith.cmpi sge, %get3A_193, %ge3A_197 : vector<16xi32>
        %shift_right_arithmetic3A = arith.constant 9 : i32
        %shift_right_arithmetic3A_199 = vector.broadcast %shift_right_arithmetic3A : i32 to vector<16xi32>
        %shift_right_arithmetic3A_200 = arith.shrsi %and3A_196, %shift_right_arithmetic3A_199 : vector<16xi32>
        %eq3A_201 = vector.broadcast %while3A_144 : i32 to vector<16xi32>
        %eq3A_202 = arith.cmpi eq, %shift_right_arithmetic3A_200, %eq3A_201 : vector<16xi32>
        %eq3A_203 = arith.constant 0 : i32
        %eq3A_204 = arith.cmpi eq, %while3A_144, %eq3A_203 : i32
        %and3A_205 = vector.broadcast %eq3A_204 : i1 to vector<16xi1>
        %and3A_206 = arith.andi %ge3A_198, %and3A_205 : vector<16xi1>
        %or3A = arith.ori %eq3A_202, %and3A_206 : vector<16xi1>
        %ge3A_207 = arith.constant 0 : i32
        %ge3A_208 = vector.broadcast %ge3A_207 : i32 to vector<16xi32>
        %ge3A_209 = arith.cmpi sge, %get3A_193, %ge3A_208 : vector<16xi32>
        %and3A_210 = arith.andi %or3A, %ge3A_209 : vector<16xi1>
        %all_reduce_population_count3A = tpu.all_reduce %and3A_210 {dim = 0 : i64, kind = #tpu.reduction_kind<sum>} : vector<16xi1> -> vector<16xi32>
        %slice3A = vector.extract_strided_slice %all_reduce_population_count3A {offsets = [0], sizes = [1], strides = [1]} : vector<16xi32> to vector<1xi32>
        %squeeze3A = vector.extract %slice3A[0] : i32 from vector<1xi32>
        %gt3A = arith.constant 0 : i32
        %gt3A_211 = arith.cmpi sgt, %squeeze3A, %gt3A : i32
        %convert_element_type3A_212 = arith.extui %gt3A_211 : i1 to i32
        %cond3A_213 = arith.constant 0 : i32
        %cond3A_214 = arith.cmpi ne, %convert_element_type3A_212, %cond3A_213 : i32
        scf.if %cond3A_214 {
          %while3A_215 = arith.constant 0 : i32
          %while3A_216 = arith.subi %squeeze3A, %while3A_215 : i32
          %while3A_217 = arith.addi %while3A_215, %while3A_216 : i32
          %while3A_218 = arith.constant 1 : i32
          %while3A_219 = arith.divsi %while3A_216, %while3A_218 : i32
          %while3A_220 = arith.muli %while3A_219, %while3A_218 : i32
          %while3A_221 = arith.addi %while3A_215, %while3A_220 : i32
          %while3A_222 = arith.constant 1 : i32
          %while3A_223 = scf.for %while3A_226 = %while3A_215 to %while3A_221 step %while3A_222 iter_args(%while3A_227 = %and3A_210) -> (vector<16xi1>)  : i32 {
            %all_reduce_ffs3A = tpu.all_reduce %while3A_227 {dim = 0 : i64, kind = #tpu.reduction_kind<find_first_set>} : vector<16xi1> -> vector<16xi32>
            %slice3A_228 = vector.extract_strided_slice %all_reduce_ffs3A {offsets = [0], sizes = [1], strides = [1]} : vector<16xi32> to vector<1xi32>
            %squeeze3A_229 = vector.extract %slice3A_228[0] : i32 from vector<1xi32>
            %broadcast_in_dim3A_230 = vector.broadcast %squeeze3A_229 : i32 to vector<16xi32>
            %lt3A_231 = arith.constant 0 : i32
            %lt3A_232 = vector.broadcast %lt3A_231 : i32 to vector<16xi32>
            %lt3A_233 = arith.cmpi slt, %broadcast_in_dim3A_230, %lt3A_232 : vector<16xi32>
            %add3A_234 = arith.constant 16 : i32
            %add3A_235 = vector.broadcast %add3A_234 : i32 to vector<16xi32>
            %add3A_236 = arith.addi %broadcast_in_dim3A_230, %add3A_235 : vector<16xi32>
            %select_n3A_237 = arith.select %lt3A_233, %add3A_236, %broadcast_in_dim3A_230 : vector<16xi1>, vector<16xi32>
            %broadcast_in_dim3A_238 = vector.shape_cast %select_n3A_237 : vector<16xi32> to vector<16x1xi32>
            %gather3A = vector.shape_cast %broadcast_in_dim3A_238 : vector<16x1xi32> to vector<16xi32>
            %gather3A_239 = tpu.dynamic_gather %get3A_193[%gather3A] in [0] : vector<16xi32>, vector<16xi32> -> vector<16xi32>
            %slice3A_240 = vector.extract_strided_slice %gather3A_239 {offsets = [0], sizes = [1], strides = [1]} : vector<16xi32> to vector<1xi32>
            %squeeze3A_241 = vector.extract %slice3A_240[0] : i32 from vector<1xi32>
            %ge3A_242 = arith.constant 1073741824 : i32
            %ge3A_243 = arith.cmpi sge, %squeeze3A_241, %ge3A_242 : i32
            %and3A_244 = arith.constant 127 : i32
            %and3A_245 = arith.andi %squeeze3A_241, %and3A_244 : i32
            %add3A_246 = arith.constant 16384 : i32
            %add3A_247 = arith.addi %add3A_246, %and3A_245 : i32
            %shift_right_arithmetic3A_248 = arith.constant 15 : i32
            %shift_right_arithmetic3A_249 = arith.shrsi %squeeze3A_241, %shift_right_arithmetic3A_248 : i32
            %select_n3A_250 = arith.select %ge3A_243, %add3A_247, %shift_right_arithmetic3A_249 : i32
            %and3A_251 = arith.constant 32767 : i32
            %and3A_252 = arith.andi %squeeze3A_241, %and3A_251 : i32
            %sub3A_253 = arith.subi %and3A_252, %mul3A_178 : i32
            %jit3A_254 = arith.constant 0 : i32
            %select_n3A_255 = arith.select %ge3A_243, %jit3A_254, %sub3A_253 : i32
            %get3A_256 = arith.constant 0 : i32
            %get3A_257 = arith.index_cast %get3A_256 : i32 to index
            %get3A_258 = memref.load %arg10[%get3A_257] : memref<8xi32, #tpu.memory_space<smem>>
            %and3A_259 = arith.constant 255 : i32
            %and3A_260 = arith.andi %get3A_258, %and3A_259 : i32
            %and3A_261 = arith.constant 255 : i32
            %and3A_262 = arith.andi %get3A_258, %and3A_261 : i32
            %shift_right_arithmetic3A_263 = arith.constant 7 : i32
            %shift_right_arithmetic3A_264 = arith.shrsi %and3A_262, %shift_right_arithmetic3A_263 : i32
            %and3A_265 = arith.constant 127 : i32
            %and3A_266 = arith.andi %get3A_258, %and3A_265 : i32
            %eq3A_267 = arith.constant 0 : i32
            %eq3A_268 = arith.cmpi eq, %and3A_266, %eq3A_267 : i32
            %ge3A_269 = arith.constant 256 : i32
            %ge3A_270 = arith.cmpi sge, %get3A_258, %ge3A_269 : i32
            %and3A_271 = arith.andi %eq3A_268, %ge3A_270 : i1
            %convert_element_type3A_272 = arith.extui %and3A_271 : i1 to i32
            %cond3A_273 = arith.constant 0 : i32
            %cond3A_274 = arith.cmpi ne, %convert_element_type3A_272, %cond3A_273 : i32
            scf.if %cond3A_274 {
              %mul3A_340 = arith.constant 128 : i32
              %mul3A_341 = arith.muli %shift_right_arithmetic3A_264, %mul3A_340 : i32
              %dma_wait3A = arith.constant 0 : i32
              %dma_wait3A_342 = tpu.memref_slice %arg8[%mul3A_341, %dma_wait3A] : memref<256x128xf32, #tpu.memory_space<vmem>> -> memref<128x128xf32, #tpu.memory_space<vmem>>
              %dma_wait3A_343 = arith.constant 0 : i32
              %dma_wait3A_344 = arith.constant 0 : i32
              %dma_wait3A_345 = tpu.memref_slice %arg4[%dma_wait3A_343, %dma_wait3A_344] : memref<16512x128xf32, #tpu.memory_space<hbm>> -> memref<128x128xf32, #tpu.memory_space<hbm>>
              %dma_wait3A_346 = arith.constant 0 : i32
              %dma_wait3A_347 = tpu.memref_slice %arg8[%mul3A_341, %dma_wait3A_346] : memref<256x128xf32, #tpu.memory_space<vmem>> -> memref<128x128xf32, #tpu.memory_space<vmem>>
              %dma_wait3A_348 = arith.constant 0 : i32
              %dma_wait3A_349 = arith.constant 0 : i32
              %dma_wait3A_350 = tpu.memref_slice %arg4[%dma_wait3A_348, %dma_wait3A_349] : memref<16512x128xf32, #tpu.memory_space<hbm>> -> memref<128x128xf32, #tpu.memory_space<hbm>>
              tpu.wait_dma2 semaphore(%arg13 : memref<!tpu.dma_semaphore, #tpu.memory_space<semaphore_mem>>) src(%dma_wait3A_350 : memref<128x128xf32, #tpu.memory_space<hbm>>) dst(%dma_wait3A_347 : memref<128x128xf32, #tpu.memory_space<vmem>>)
              %get3A_351 = arith.constant 2 : i32
              %get3A_352 = arith.index_cast %get3A_351 : i32 to index
              %get3A_353 = memref.load %arg10[%get3A_352] : memref<8xi32, #tpu.memory_space<smem>>
              %add3A_354 = arith.constant 1 : i32
              %add3A_355 = arith.addi %get3A_353, %add3A_354 : i32
              %swap3A_356 = arith.constant 2 : i32
              %swap3A_357 = arith.index_cast %swap3A_356 : i32 to index
              %swap3A_358 = memref.load %arg10[%swap3A_357] : memref<8xi32, #tpu.memory_space<smem>>
              memref.store %add3A_355, %arg10[%swap3A_357] : memref<8xi32, #tpu.memory_space<smem>>
            } else {
            }
            %broadcast_in_dim3A_275 = vector.broadcast %select_n3A_255 : i32 to vector<16xi32>
            %gather3A_276 = arith.constant 0 : i32
            %gather3A_277 = arith.constant 0 : i32
            %gather3A_278 = tpu.memref_slice %arg7[%and3A_146, %gather3A_276, %gather3A_277] : memref<2x64x512xf32, #tpu.memory_space<vmem>> -> memref<1x64x512xf32, #tpu.memory_space<vmem>>
            %gather3A_279 = tpu.memref_squeeze %gather3A_278 : memref<1x64x512xf32, #tpu.memory_space<vmem>> -> memref<64x512xf32, #tpu.memory_space<vmem>>
            %gather3A_280 = tpu.vector_load_idx %gather3A_279[%add3A_30, %broadcast_in_dim3A_275] : memref<64x512xf32, #tpu.memory_space<vmem>>[vector<16xi32>, vector<16xi32>], vector<16xf32>,
            %swap3A_281 = arith.index_cast %and3A_260 : i32 to index
            %swap3A_282 = arith.constant 0 : index
            %swap3A_283 = tpu.vector_load %arg8[%swap3A_281, %swap3A_282] {strides = array<i32>} : memref<256x128xf32, #tpu.memory_space<vmem>>, vector<16xf32>,
            tpu.vector_store %arg8[%swap3A_281, %swap3A_282], %gather3A_280 {strides = array<i32>} : memref<256x128xf32, #tpu.memory_space<vmem>>, vector<16xf32>,
            %gather3A_284 = arith.constant 0 : i32
            %gather3A_285 = arith.constant 0 : i32
            %gather3A_286 = tpu.memref_slice %arg7[%and3A_146, %gather3A_284, %gather3A_285] : memref<2x64x512xf32, #tpu.memory_space<vmem>> -> memref<1x64x512xf32, #tpu.memory_space<vmem>>
            %gather3A_287 = tpu.memref_squeeze %gather3A_286 : memref<1x64x512xf32, #tpu.memory_space<vmem>> -> memref<64x512xf32, #tpu.memory_space<vmem>>
            %gather3A_288 = tpu.vector_load_idx %gather3A_287[%add3A_33, %broadcast_in_dim3A_275] : memref<64x512xf32, #tpu.memory_space<vmem>>[vector<16xi32>, vector<16xi32>], vector<16xf32>,
            %swap3A_289 = arith.index_cast %and3A_260 : i32 to index
            %swap3A_290 = arith.constant 16 : index
            %swap3A_291 = tpu.vector_load %arg8[%swap3A_289, %swap3A_290] {strides = array<i32>} : memref<256x128xf32, #tpu.memory_space<vmem>>, vector<16xf32>,
            tpu.vector_store %arg8[%swap3A_289, %swap3A_290], %gather3A_288 {strides = array<i32>} : memref<256x128xf32, #tpu.memory_space<vmem>>, vector<16xf32>,
            %gather3A_292 = arith.constant 0 : i32
            %gather3A_293 = arith.constant 0 : i32
            %gather3A_294 = tpu.memref_slice %arg7[%and3A_146, %gather3A_292, %gather3A_293] : memref<2x64x512xf32, #tpu.memory_space<vmem>> -> memref<1x64x512xf32, #tpu.memory_space<vmem>>
            %gather3A_295 = tpu.memref_squeeze %gather3A_294 : memref<1x64x512xf32, #tpu.memory_space<vmem>> -> memref<64x512xf32, #tpu.memory_space<vmem>>
            %gather3A_296 = tpu.vector_load_idx %gather3A_295[%add3A_36, %broadcast_in_dim3A_275] : memref<64x512xf32, #tpu.memory_space<vmem>>[vector<16xi32>, vector<16xi32>], vector<16xf32>,
            %swap3A_297 = arith.index_cast %and3A_260 : i32 to index
            %swap3A_298 = arith.constant 32 : index
            %swap3A_299 = tpu.vector_load %arg8[%swap3A_297, %swap3A_298] {strides = array<i32>} : memref<256x128xf32, #tpu.memory_space<vmem>>, vector<16xf32>,
            tpu.vector_store %arg8[%swap3A_297, %swap3A_298], %gather3A_296 {strides = array<i32>} : memref<256x128xf32, #tpu.memory_space<vmem>>, vector<16xf32>,
            %gather3A_300 = arith.constant 0 : i32
            %gather3A_301 = arith.constant 0 : i32
            %gather3A_302 = tpu.memref_slice %arg7[%and3A_146, %gather3A_300, %gather3A_301] : memref<2x64x512xf32, #tpu.memory_space<vmem>> -> memref<1x64x512xf32, #tpu.memory_space<vmem>>
            %gather3A_303 = tpu.memref_squeeze %gather3A_302 : memref<1x64x512xf32, #tpu.memory_space<vmem>> -> memref<64x512xf32, #tpu.memory_space<vmem>>
            %gather3A_304 = tpu.vector_load_idx %gather3A_303[%add3A_39, %broadcast_in_dim3A_275] : memref<64x512xf32, #tpu.memory_space<vmem>>[vector<16xi32>, vector<16xi32>], vector<16xf32>,
            %swap3A_305 = arith.index_cast %and3A_260 : i32 to index
            %swap3A_306 = arith.constant 48 : index
            %swap3A_307 = tpu.vector_load %arg8[%swap3A_305, %swap3A_306] {strides = array<i32>} : memref<256x128xf32, #tpu.memory_space<vmem>>, vector<16xf32>,
            tpu.vector_store %arg8[%swap3A_305, %swap3A_306], %gather3A_304 {strides = array<i32>} : memref<256x128xf32, #tpu.memory_space<vmem>>, vector<16xf32>,
            %and3A_308 = arith.constant 127 : i32
            %and3A_309 = arith.andi %get3A_258, %and3A_308 : i32
            %shift_right_arithmetic3A_310 = arith.constant 4 : i32
            %shift_right_arithmetic3A_311 = arith.shrsi %and3A_309, %shift_right_arithmetic3A_310 : i32
            %shift_left3A = arith.constant 4 : i32
            %shift_left3A_312 = arith.shli %shift_right_arithmetic3A_311, %shift_left3A : i32
            %get3A_313 = arith.index_cast %shift_right_arithmetic3A_264 : i32 to index
            %get3A_314 = arith.index_cast %shift_left3A_312 : i32 to index
            %get3A_315 = tpu.vector_load %arg9[%get3A_313, %get3A_314] {strides = array<i32>} : memref<2x128xi32, #tpu.memory_space<vmem>>, vector<16xi32>,
            %and3A_316 = arith.constant 15 : i32
            %and3A_317 = arith.andi %get3A_258, %and3A_316 : i32
            %eq3A_318 = vector.broadcast %and3A_317 : i32 to vector<16xi32>
            %eq3A_319 = arith.cmpi eq, %iota3A, %eq3A_318 : vector<16xi32>
            %broadcast_in_dim3A_320 = vector.broadcast %select_n3A_250 : i32 to vector<16xi32>
            %select_n3A_321 = arith.select %eq3A_319, %broadcast_in_dim3A_320, %get3A_315 : vector<16xi1>, vector<16xi32>
            %swap3A_322 = arith.index_cast %shift_right_arithmetic3A_264 : i32 to index
            %swap3A_323 = arith.index_cast %shift_left3A_312 : i32 to index
            %swap3A_324 = tpu.vector_load %arg9[%swap3A_322, %swap3A_323] {strides = array<i32>} : memref<2x128xi32, #tpu.memory_space<vmem>>, vector<16xi32>,
            tpu.vector_store %arg9[%swap3A_322, %swap3A_323], %select_n3A_321 {strides = array<i32>} : memref<2x128xi32, #tpu.memory_space<vmem>>, vector<16xi32>,
            %add3A_325 = arith.constant 1 : i32
            %add3A_326 = arith.addi %get3A_258, %add3A_325 : i32
            %swap3A_327 = arith.constant 0 : i32
            %swap3A_328 = arith.index_cast %swap3A_327 : i32 to index
            %swap3A_329 = memref.load %arg10[%swap3A_328] : memref<8xi32, #tpu.memory_space<smem>>
            memref.store %add3A_326, %arg10[%swap3A_328] : memref<8xi32, #tpu.memory_space<smem>>
            %and3A_330 = arith.constant 127 : i32
            %and3A_331 = arith.andi %get3A_258, %and3A_330 : i32
            %eq3A_332 = arith.constant 127 : i32
            %eq3A_333 = arith.cmpi eq, %and3A_331, %eq3A_332 : i32
            %convert_element_type3A_334 = arith.extui %eq3A_333 : i1 to i32
            %cond3A_335 = arith.constant 0 : i32
            %cond3A_336 = arith.cmpi ne, %convert_element_type3A_334, %cond3A_335 : i32
            scf.if %cond3A_336 {
              %mul3A_340 = arith.constant 128 : i32
              %mul3A_341 = arith.muli %shift_right_arithmetic3A_264, %mul3A_340 : i32
              %dma_start3A_342 = arith.constant 0 : i32
              %dma_start3A_343 = tpu.memref_slice %arg8[%mul3A_341, %dma_start3A_342] : memref<256x128xf32, #tpu.memory_space<vmem>> -> memref<128x128xf32, #tpu.memory_space<vmem>>
              %dma_start3A_344 = arith.constant 0 : i32
              %dma_start3A_345 = tpu.memref_slice %arg9[%shift_right_arithmetic3A_264, %dma_start3A_344] : memref<2x128xi32, #tpu.memory_space<vmem>> -> memref<1x128xi32, #tpu.memory_space<vmem>>
              %dma_start3A_346 = tpu.memref_squeeze %dma_start3A_345 : memref<1x128xi32, #tpu.memory_space<vmem>> -> memref<128xi32, #tpu.memory_space<vmem>>
              %dma_start3A_347 = arith.constant 0 : i32
              %dma_start3A_348 = arith.constant 0 : i32
              %dma_start3A_349 = tpu.memref_slice %arg4[%dma_start3A_347, %dma_start3A_348] : memref<16512x128xf32, #tpu.memory_space<hbm>> -> memref<16512x128xf32, #tpu.memory_space<hbm>>
              tpu.enqueue_indirect_dma source(%dma_start3A_343 : memref<128x128xf32, #tpu.memory_space<vmem>>) target(%dma_start3A_349 : memref<16512x128xf32, #tpu.memory_space<hbm>>) offsets(%dma_start3A_346 : memref<128xi32, #tpu.memory_space<vmem>>) semaphore(%arg13 : memref<!tpu.dma_semaphore, #tpu.memory_space<semaphore_mem>>)
              %get3A_350 = arith.constant 1 : i32
              %get3A_351 = arith.index_cast %get3A_350 : i32 to index
              %get3A_352 = memref.load %arg10[%get3A_351] : memref<8xi32, #tpu.memory_space<smem>>
              %add3A_353 = arith.constant 1 : i32
              %add3A_354 = arith.addi %get3A_352, %add3A_353 : i32
              %swap3A_355 = arith.constant 1 : i32
              %swap3A_356 = arith.index_cast %swap3A_355 : i32 to index
              %swap3A_357 = memref.load %arg10[%swap3A_356] : memref<8xi32, #tpu.memory_space<smem>>
              memref.store %add3A_354, %arg10[%swap3A_356] : memref<8xi32, #tpu.memory_space<smem>>
            } else {
            }
            %ne3A_337 = vector.broadcast %squeeze3A_229 : i32 to vector<16xi32>
            %ne3A_338 = arith.cmpi ne, %iota3A, %ne3A_337 : vector<16xi32>
            %and3A_339 = arith.andi %while3A_227, %ne3A_338 : vector<16xi1>
            scf.yield %and3A_339 : vector<16xi1>
          }
          %while3A_224 = arith.constant 1 : i32
          %while3A_225 = scf.for %while3A_226 = %while3A_221 to %while3A_217 step %while3A_224 iter_args(%while3A_227 = %while3A_223) -> (vector<16xi1>)  : i32 {
            %all_reduce_ffs3A = tpu.all_reduce %while3A_227 {dim = 0 : i64, kind = #tpu.reduction_kind<find_first_set>} : vector<16xi1> -> vector<16xi32>
            %slice3A_228 = vector.extract_strided_slice %all_reduce_ffs3A {offsets = [0], sizes = [1], strides = [1]} : vector<16xi32> to vector<1xi32>
            %squeeze3A_229 = vector.extract %slice3A_228[0] : i32 from vector<1xi32>
            %broadcast_in_dim3A_230 = vector.broadcast %squeeze3A_229 : i32 to vector<16xi32>
            %lt3A_231 = arith.constant 0 : i32
            %lt3A_232 = vector.broadcast %lt3A_231 : i32 to vector<16xi32>
            %lt3A_233 = arith.cmpi slt, %broadcast_in_dim3A_230, %lt3A_232 : vector<16xi32>
            %add3A_234 = arith.constant 16 : i32
            %add3A_235 = vector.broadcast %add3A_234 : i32 to vector<16xi32>
            %add3A_236 = arith.addi %broadcast_in_dim3A_230, %add3A_235 : vector<16xi32>
            %select_n3A_237 = arith.select %lt3A_233, %add3A_236, %broadcast_in_dim3A_230 : vector<16xi1>, vector<16xi32>
            %broadcast_in_dim3A_238 = vector.shape_cast %select_n3A_237 : vector<16xi32> to vector<16x1xi32>
            %gather3A = vector.shape_cast %broadcast_in_dim3A_238 : vector<16x1xi32> to vector<16xi32>
            %gather3A_239 = tpu.dynamic_gather %get3A_193[%gather3A] in [0] : vector<16xi32>, vector<16xi32> -> vector<16xi32>
            %slice3A_240 = vector.extract_strided_slice %gather3A_239 {offsets = [0], sizes = [1], strides = [1]} : vector<16xi32> to vector<1xi32>
            %squeeze3A_241 = vector.extract %slice3A_240[0] : i32 from vector<1xi32>
            %ge3A_242 = arith.constant 1073741824 : i32
            %ge3A_243 = arith.cmpi sge, %squeeze3A_241, %ge3A_242 : i32
            %and3A_244 = arith.constant 127 : i32
            %and3A_245 = arith.andi %squeeze3A_241, %and3A_244 : i32
            %add3A_246 = arith.constant 16384 : i32
            %add3A_247 = arith.addi %add3A_246, %and3A_245 : i32
            %shift_right_arithmetic3A_248 = arith.constant 15 : i32
            %shift_right_arithmetic3A_249 = arith.shrsi %squeeze3A_241, %shift_right_arithmetic3A_248 : i32
            %select_n3A_250 = arith.select %ge3A_243, %add3A_247, %shift_right_arithmetic3A_249 : i32
            %and3A_251 = arith.constant 32767 : i32
            %and3A_252 = arith.andi %squeeze3A_241, %and3A_251 : i32
            %sub3A_253 = arith.subi %and3A_252, %mul3A_178 : i32
            %jit3A_254 = arith.constant 0 : i32
            %select_n3A_255 = arith.select %ge3A_243, %jit3A_254, %sub3A_253 : i32
            %get3A_256 = arith.constant 0 : i32
            %get3A_257 = arith.index_cast %get3A_256 : i32 to index
            %get3A_258 = memref.load %arg10[%get3A_257] : memref<8xi32, #tpu.memory_space<smem>>
            %and3A_259 = arith.constant 255 : i32
            %and3A_260 = arith.andi %get3A_258, %and3A_259 : i32
            %and3A_261 = arith.constant 255 : i32
            %and3A_262 = arith.andi %get3A_258, %and3A_261 : i32
            %shift_right_arithmetic3A_263 = arith.constant 7 : i32
            %shift_right_arithmetic3A_264 = arith.shrsi %and3A_262, %shift_right_arithmetic3A_263 : i32
            %and3A_265 = arith.constant 127 : i32
            %and3A_266 = arith.andi %get3A_258, %and3A_265 : i32
            %eq3A_267 = arith.constant 0 : i32
            %eq3A_268 = arith.cmpi eq, %and3A_266, %eq3A_267 : i32
            %ge3A_269 = arith.constant 256 : i32
            %ge3A_270 = arith.cmpi sge, %get3A_258, %ge3A_269 : i32
            %and3A_271 = arith.andi %eq3A_268, %ge3A_270 : i1
            %convert_element_type3A_272 = arith.extui %and3A_271 : i1 to i32
            %cond3A_273 = arith.constant 0 : i32
            %cond3A_274 = arith.cmpi ne, %convert_element_type3A_272, %cond3A_273 : i32
            scf.if %cond3A_274 {
              %mul3A_340 = arith.constant 128 : i32
              %mul3A_341 = arith.muli %shift_right_arithmetic3A_264, %mul3A_340 : i32
              %dma_wait3A = arith.constant 0 : i32
              %dma_wait3A_342 = tpu.memref_slice %arg8[%mul3A_341, %dma_wait3A] : memref<256x128xf32, #tpu.memory_space<vmem>> -> memref<128x128xf32, #tpu.memory_space<vmem>>
              %dma_wait3A_343 = arith.constant 0 : i32
              %dma_wait3A_344 = arith.constant 0 : i32
              %dma_wait3A_345 = tpu.memref_slice %arg4[%dma_wait3A_343, %dma_wait3A_344] : memref<16512x128xf32, #tpu.memory_space<hbm>> -> memref<128x128xf32, #tpu.memory_space<hbm>>
              %dma_wait3A_346 = arith.constant 0 : i32
              %dma_wait3A_347 = tpu.memref_slice %arg8[%mul3A_341, %dma_wait3A_346] : memref<256x128xf32, #tpu.memory_space<vmem>> -> memref<128x128xf32, #tpu.memory_space<vmem>>
              %dma_wait3A_348 = arith.constant 0 : i32
              %dma_wait3A_349 = arith.constant 0 : i32
              %dma_wait3A_350 = tpu.memref_slice %arg4[%dma_wait3A_348, %dma_wait3A_349] : memref<16512x128xf32, #tpu.memory_space<hbm>> -> memref<128x128xf32, #tpu.memory_space<hbm>>
              tpu.wait_dma2 semaphore(%arg13 : memref<!tpu.dma_semaphore, #tpu.memory_space<semaphore_mem>>) src(%dma_wait3A_350 : memref<128x128xf32, #tpu.memory_space<hbm>>) dst(%dma_wait3A_347 : memref<128x128xf32, #tpu.memory_space<vmem>>)
              %get3A_351 = arith.constant 2 : i32
              %get3A_352 = arith.index_cast %get3A_351 : i32 to index
              %get3A_353 = memref.load %arg10[%get3A_352] : memref<8xi32, #tpu.memory_space<smem>>
              %add3A_354 = arith.constant 1 : i32
              %add3A_355 = arith.addi %get3A_353, %add3A_354 : i32
              %swap3A_356 = arith.constant 2 : i32
              %swap3A_357 = arith.index_cast %swap3A_356 : i32 to index
              %swap3A_358 = memref.load %arg10[%swap3A_357] : memref<8xi32, #tpu.memory_space<smem>>
              memref.store %add3A_355, %arg10[%swap3A_357] : memref<8xi32, #tpu.memory_space<smem>>
            } else {
            }
            %broadcast_in_dim3A_275 = vector.broadcast %select_n3A_255 : i32 to vector<16xi32>
            %gather3A_276 = arith.constant 0 : i32
            %gather3A_277 = arith.constant 0 : i32
            %gather3A_278 = tpu.memref_slice %arg7[%and3A_146, %gather3A_276, %gather3A_277] : memref<2x64x512xf32, #tpu.memory_space<vmem>> -> memref<1x64x512xf32, #tpu.memory_space<vmem>>
            %gather3A_279 = tpu.memref_squeeze %gather3A_278 : memref<1x64x512xf32, #tpu.memory_space<vmem>> -> memref<64x512xf32, #tpu.memory_space<vmem>>
            %gather3A_280 = tpu.vector_load_idx %gather3A_279[%add3A_30, %broadcast_in_dim3A_275] : memref<64x512xf32, #tpu.memory_space<vmem>>[vector<16xi32>, vector<16xi32>], vector<16xf32>,
            %swap3A_281 = arith.index_cast %and3A_260 : i32 to index
            %swap3A_282 = arith.constant 0 : index
            %swap3A_283 = tpu.vector_load %arg8[%swap3A_281, %swap3A_282] {strides = array<i32>} : memref<256x128xf32, #tpu.memory_space<vmem>>, vector<16xf32>,
            tpu.vector_store %arg8[%swap3A_281, %swap3A_282], %gather3A_280 {strides = array<i32>} : memref<256x128xf32, #tpu.memory_space<vmem>>, vector<16xf32>,
            %gather3A_284 = arith.constant 0 : i32
            %gather3A_285 = arith.constant 0 : i32
            %gather3A_286 = tpu.memref_slice %arg7[%and3A_146, %gather3A_284, %gather3A_285] : memref<2x64x512xf32, #tpu.memory_space<vmem>> -> memref<1x64x512xf32, #tpu.memory_space<vmem>>
            %gather3A_287 = tpu.memref_squeeze %gather3A_286 : memref<1x64x512xf32, #tpu.memory_space<vmem>> -> memref<64x512xf32, #tpu.memory_space<vmem>>
            %gather3A_288 = tpu.vector_load_idx %gather3A_287[%add3A_33, %broadcast_in_dim3A_275] : memref<64x512xf32, #tpu.memory_space<vmem>>[vector<16xi32>, vector<16xi32>], vector<16xf32>,
            %swap3A_289 = arith.index_cast %and3A_260 : i32 to index
            %swap3A_290 = arith.constant 16 : index
            %swap3A_291 = tpu.vector_load %arg8[%swap3A_289, %swap3A_290] {strides = array<i32>} : memref<256x128xf32, #tpu.memory_space<vmem>>, vector<16xf32>,
            tpu.vector_store %arg8[%swap3A_289, %swap3A_290], %gather3A_288 {strides = array<i32>} : memref<256x128xf32, #tpu.memory_space<vmem>>, vector<16xf32>,
            %gather3A_292 = arith.constant 0 : i32
            %gather3A_293 = arith.constant 0 : i32
            %gather3A_294 = tpu.memref_slice %arg7[%and3A_146, %gather3A_292, %gather3A_293] : memref<2x64x512xf32, #tpu.memory_space<vmem>> -> memref<1x64x512xf32, #tpu.memory_space<vmem>>
            %gather3A_295 = tpu.memref_squeeze %gather3A_294 : memref<1x64x512xf32, #tpu.memory_space<vmem>> -> memref<64x512xf32, #tpu.memory_space<vmem>>
            %gather3A_296 = tpu.vector_load_idx %gather3A_295[%add3A_36, %broadcast_in_dim3A_275] : memref<64x512xf32, #tpu.memory_space<vmem>>[vector<16xi32>, vector<16xi32>], vector<16xf32>,
            %swap3A_297 = arith.index_cast %and3A_260 : i32 to index
            %swap3A_298 = arith.constant 32 : index
            %swap3A_299 = tpu.vector_load %arg8[%swap3A_297, %swap3A_298] {strides = array<i32>} : memref<256x128xf32, #tpu.memory_space<vmem>>, vector<16xf32>,
            tpu.vector_store %arg8[%swap3A_297, %swap3A_298], %gather3A_296 {strides = array<i32>} : memref<256x128xf32, #tpu.memory_space<vmem>>, vector<16xf32>,
            %gather3A_300 = arith.constant 0 : i32
            %gather3A_301 = arith.constant 0 : i32
            %gather3A_302 = tpu.memref_slice %arg7[%and3A_146, %gather3A_300, %gather3A_301] : memref<2x64x512xf32, #tpu.memory_space<vmem>> -> memref<1x64x512xf32, #tpu.memory_space<vmem>>
            %gather3A_303 = tpu.memref_squeeze %gather3A_302 : memref<1x64x512xf32, #tpu.memory_space<vmem>> -> memref<64x512xf32, #tpu.memory_space<vmem>>
            %gather3A_304 = tpu.vector_load_idx %gather3A_303[%add3A_39, %broadcast_in_dim3A_275] : memref<64x512xf32, #tpu.memory_space<vmem>>[vector<16xi32>, vector<16xi32>], vector<16xf32>,
            %swap3A_305 = arith.index_cast %and3A_260 : i32 to index
            %swap3A_306 = arith.constant 48 : index
            %swap3A_307 = tpu.vector_load %arg8[%swap3A_305, %swap3A_306] {strides = array<i32>} : memref<256x128xf32, #tpu.memory_space<vmem>>, vector<16xf32>,
            tpu.vector_store %arg8[%swap3A_305, %swap3A_306], %gather3A_304 {strides = array<i32>} : memref<256x128xf32, #tpu.memory_space<vmem>>, vector<16xf32>,
            %and3A_308 = arith.constant 127 : i32
            %and3A_309 = arith.andi %get3A_258, %and3A_308 : i32
            %shift_right_arithmetic3A_310 = arith.constant 4 : i32
            %shift_right_arithmetic3A_311 = arith.shrsi %and3A_309, %shift_right_arithmetic3A_310 : i32
            %shift_left3A = arith.constant 4 : i32
            %shift_left3A_312 = arith.shli %shift_right_arithmetic3A_311, %shift_left3A : i32
            %get3A_313 = arith.index_cast %shift_right_arithmetic3A_264 : i32 to index
            %get3A_314 = arith.index_cast %shift_left3A_312 : i32 to index
            %get3A_315 = tpu.vector_load %arg9[%get3A_313, %get3A_314] {strides = array<i32>} : memref<2x128xi32, #tpu.memory_space<vmem>>, vector<16xi32>,
            %and3A_316 = arith.constant 15 : i32
            %and3A_317 = arith.andi %get3A_258, %and3A_316 : i32
            %eq3A_318 = vector.broadcast %and3A_317 : i32 to vector<16xi32>
            %eq3A_319 = arith.cmpi eq, %iota3A, %eq3A_318 : vector<16xi32>
            %broadcast_in_dim3A_320 = vector.broadcast %select_n3A_250 : i32 to vector<16xi32>
            %select_n3A_321 = arith.select %eq3A_319, %broadcast_in_dim3A_320, %get3A_315 : vector<16xi1>, vector<16xi32>
            %swap3A_322 = arith.index_cast %shift_right_arithmetic3A_264 : i32 to index
            %swap3A_323 = arith.index_cast %shift_left3A_312 : i32 to index
            %swap3A_324 = tpu.vector_load %arg9[%swap3A_322, %swap3A_323] {strides = array<i32>} : memref<2x128xi32, #tpu.memory_space<vmem>>, vector<16xi32>,
            tpu.vector_store %arg9[%swap3A_322, %swap3A_323], %select_n3A_321 {strides = array<i32>} : memref<2x128xi32, #tpu.memory_space<vmem>>, vector<16xi32>,
            %add3A_325 = arith.constant 1 : i32
            %add3A_326 = arith.addi %get3A_258, %add3A_325 : i32
            %swap3A_327 = arith.constant 0 : i32
            %swap3A_328 = arith.index_cast %swap3A_327 : i32 to index
            %swap3A_329 = memref.load %arg10[%swap3A_328] : memref<8xi32, #tpu.memory_space<smem>>
            memref.store %add3A_326, %arg10[%swap3A_328] : memref<8xi32, #tpu.memory_space<smem>>
            %and3A_330 = arith.constant 127 : i32
            %and3A_331 = arith.andi %get3A_258, %and3A_330 : i32
            %eq3A_332 = arith.constant 127 : i32
            %eq3A_333 = arith.cmpi eq, %and3A_331, %eq3A_332 : i32
            %convert_element_type3A_334 = arith.extui %eq3A_333 : i1 to i32
            %cond3A_335 = arith.constant 0 : i32
            %cond3A_336 = arith.cmpi ne, %convert_element_type3A_334, %cond3A_335 : i32
            scf.if %cond3A_336 {
              %mul3A_340 = arith.constant 128 : i32
              %mul3A_341 = arith.muli %shift_right_arithmetic3A_264, %mul3A_340 : i32
              %dma_start3A_342 = arith.constant 0 : i32
              %dma_start3A_343 = tpu.memref_slice %arg8[%mul3A_341, %dma_start3A_342] : memref<256x128xf32, #tpu.memory_space<vmem>> -> memref<128x128xf32, #tpu.memory_space<vmem>>
              %dma_start3A_344 = arith.constant 0 : i32
              %dma_start3A_345 = tpu.memref_slice %arg9[%shift_right_arithmetic3A_264, %dma_start3A_344] : memref<2x128xi32, #tpu.memory_space<vmem>> -> memref<1x128xi32, #tpu.memory_space<vmem>>
              %dma_start3A_346 = tpu.memref_squeeze %dma_start3A_345 : memref<1x128xi32, #tpu.memory_space<vmem>> -> memref<128xi32, #tpu.memory_space<vmem>>
              %dma_start3A_347 = arith.constant 0 : i32
              %dma_start3A_348 = arith.constant 0 : i32
              %dma_start3A_349 = tpu.memref_slice %arg4[%dma_start3A_347, %dma_start3A_348] : memref<16512x128xf32, #tpu.memory_space<hbm>> -> memref<16512x128xf32, #tpu.memory_space<hbm>>
              tpu.enqueue_indirect_dma source(%dma_start3A_343 : memref<128x128xf32, #tpu.memory_space<vmem>>) target(%dma_start3A_349 : memref<16512x128xf32, #tpu.memory_space<hbm>>) offsets(%dma_start3A_346 : memref<128xi32, #tpu.memory_space<vmem>>) semaphore(%arg13 : memref<!tpu.dma_semaphore, #tpu.memory_space<semaphore_mem>>)
              %get3A_350 = arith.constant 1 : i32
              %get3A_351 = arith.index_cast %get3A_350 : i32 to index
              %get3A_352 = memref.load %arg10[%get3A_351] : memref<8xi32, #tpu.memory_space<smem>>
              %add3A_353 = arith.constant 1 : i32
              %add3A_354 = arith.addi %get3A_352, %add3A_353 : i32
              %swap3A_355 = arith.constant 1 : i32
              %swap3A_356 = arith.index_cast %swap3A_355 : i32 to index
              %swap3A_357 = memref.load %arg10[%swap3A_356] : memref<8xi32, #tpu.memory_space<smem>>
              memref.store %add3A_354, %arg10[%swap3A_356] : memref<8xi32, #tpu.memory_space<smem>>
            } else {
            }
            %ne3A_337 = vector.broadcast %squeeze3A_229 : i32 to vector<16xi32>
            %ne3A_338 = arith.cmpi ne, %iota3A, %ne3A_337 : vector<16xi32>
            %and3A_339 = arith.andi %while3A_227, %ne3A_338 : vector<16xi1>
            scf.yield %and3A_339 : vector<16xi1>
          }
        } else {
        }
      }
    }
    %get3A = arith.constant 1 : i32
    %get3A_128 = arith.index_cast %get3A : i32 to index
    %get3A_129 = memref.load %arg10[%get3A_128] : memref<8xi32, #tpu.memory_space<smem>>
    %get3A_130 = arith.constant 2 : i32
    %get3A_131 = arith.index_cast %get3A_130 : i32 to index
    %get3A_132 = memref.load %arg10[%get3A_131] : memref<8xi32, #tpu.memory_space<smem>>
    %sub3A_133 = arith.subi %get3A_129, %get3A_132 : i32
    %while3A_134 = arith.constant 0 : i32
    %while3A_135 = arith.constant 0 : i32
    %while3A_136 = arith.subi %sub3A_133, %while3A_135 : i32
    %while3A_137 = arith.addi %while3A_135, %while3A_136 : i32
    %while3A_138 = arith.constant 1 : i32
    %while3A_139 = arith.divsi %while3A_136, %while3A_138 : i32
    %while3A_140 = arith.muli %while3A_139, %while3A_138 : i32
    %while3A_141 = arith.addi %while3A_135, %while3A_140 : i32
    %while3A_142 = arith.constant 1 : i32
    scf.for %while3A_144 = %while3A_135 to %while3A_141 step %while3A_142  : i32 {
      %dma_wait3A = arith.constant 0 : i32
      %dma_wait3A_145 = arith.constant 0 : i32
      %dma_wait3A_146 = tpu.memref_slice %arg8[%dma_wait3A, %dma_wait3A_145] : memref<256x128xf32, #tpu.memory_space<vmem>> -> memref<128x128xf32, #tpu.memory_space<vmem>>
      %dma_wait3A_147 = arith.constant 0 : i32
      %dma_wait3A_148 = arith.constant 0 : i32
      %dma_wait3A_149 = tpu.memref_slice %arg4[%dma_wait3A_147, %dma_wait3A_148] : memref<16512x128xf32, #tpu.memory_space<hbm>> -> memref<128x128xf32, #tpu.memory_space<hbm>>
      %dma_wait3A_150 = arith.constant 0 : i32
      %dma_wait3A_151 = arith.constant 0 : i32
      %dma_wait3A_152 = tpu.memref_slice %arg8[%dma_wait3A_150, %dma_wait3A_151] : memref<256x128xf32, #tpu.memory_space<vmem>> -> memref<128x128xf32, #tpu.memory_space<vmem>>
      %dma_wait3A_153 = arith.constant 0 : i32
      %dma_wait3A_154 = arith.constant 0 : i32
      %dma_wait3A_155 = tpu.memref_slice %arg4[%dma_wait3A_153, %dma_wait3A_154] : memref<16512x128xf32, #tpu.memory_space<hbm>> -> memref<128x128xf32, #tpu.memory_space<hbm>>
      tpu.wait_dma2 semaphore(%arg13 : memref<!tpu.dma_semaphore, #tpu.memory_space<semaphore_mem>>) src(%dma_wait3A_155 : memref<128x128xf32, #tpu.memory_space<hbm>>) dst(%dma_wait3A_152 : memref<128x128xf32, #tpu.memory_space<vmem>>)
    }
    %while3A_143 = arith.constant 1 : i32
    scf.for %while3A_144 = %while3A_141 to %while3A_137 step %while3A_143  : i32 {
      %dma_wait3A = arith.constant 0 : i32
      %dma_wait3A_145 = arith.constant 0 : i32
      %dma_wait3A_146 = tpu.memref_slice %arg8[%dma_wait3A, %dma_wait3A_145] : memref<256x128xf32, #tpu.memory_space<vmem>> -> memref<128x128xf32, #tpu.memory_space<vmem>>
      %dma_wait3A_147 = arith.constant 0 : i32
      %dma_wait3A_148 = arith.constant 0 : i32
      %dma_wait3A_149 = tpu.memref_slice %arg4[%dma_wait3A_147, %dma_wait3A_148] : memref<16512x128xf32, #tpu.memory_space<hbm>> -> memref<128x128xf32, #tpu.memory_space<hbm>>
      %dma_wait3A_150 = arith.constant 0 : i32
      %dma_wait3A_151 = arith.constant 0 : i32
      %dma_wait3A_152 = tpu.memref_slice %arg8[%dma_wait3A_150, %dma_wait3A_151] : memref<256x128xf32, #tpu.memory_space<vmem>> -> memref<128x128xf32, #tpu.memory_space<vmem>>
      %dma_wait3A_153 = arith.constant 0 : i32
      %dma_wait3A_154 = arith.constant 0 : i32
      %dma_wait3A_155 = tpu.memref_slice %arg4[%dma_wait3A_153, %dma_wait3A_154] : memref<16512x128xf32, #tpu.memory_space<hbm>> -> memref<128x128xf32, #tpu.memory_space<hbm>>
      tpu.wait_dma2 semaphore(%arg13 : memref<!tpu.dma_semaphore, #tpu.memory_space<semaphore_mem>>) src(%dma_wait3A_155 : memref<128x128xf32, #tpu.memory_space<hbm>>) dst(%dma_wait3A_152 : memref<128x128xf32, #tpu.memory_space<vmem>>)
    }
    return
  }
}

</mosaic_0001>

<sc_bundles>
// kernel: kernel.11.cloned.1.call-start
scs
__scs_entry_jumppad:
0x0: {  	(pc) =	sbr.rel $0x88, $3  }
0x1: {  	(tag) =	ssettag $0x0;
	lr =	simm.s32 $0x1  }
0x2: {  	[smem:$0x3F9D] =	sst lr;
	_ =	strace $0xD0000000  }
0x3: {  	_ = 	snop  }
0x4: {  	_ = 	snop  }
0x5: {  	_ = 	snop  }
0x6: {  	_ = 	snop  }
0x7: {  	_ = 	snop  }
__scs_overlays_trampoline_lowered:
0x8: {  	[smem:$0x3FAC] =	sst s0  }
0x9: {  	[smem:$0x3FAD] =	sst s1  }
0xa: {  	[smem:$0x3FAE] =	sst s2  }
0xb: {  	[smem:$0x3FAF] =	sst s3  }
0xc: {  	[smem:$0x3FB0] =	sst s4  }
0xd: {  	[smem:$0x3FB1] =	sst s5  }
0xe: {  	[smem:$0x3FB2] =	sst s6  }
0xf: {  	[smem:$0x3FB3] =	sst s7  }
0x10: {  	[smem:$0x3FB4] =	sst s8  }
0x11: {  	[smem:$0x3FB5] =	sst s9;
	s0 =	simm.s32 @!p0 $0x0  }
0x12: {  	s1 =	sld [smem:$0x3F9B];
	s0 =	simm.s32 @p0 $0x1  }
0x13: {  	[smem:$0x3FB6] =	sst s0;
	s0 =	simm.s32 @!p1 $0x0  }
0x14: {  	s2 =	sld [smem:$0x3F9A];
	s0 =	simm.s32 @p1 $0x1  }
0x15: {  	[smem:$0x3FB7] =	sst s0;
	s0 =	simm.s32 @!p2 $0x0  }
0x16: {  	s3 =	sld [smem:$0x3FDB];
	s0 =	simm.s32 @p2 $0x1  }
0x17: {  	s4 =	simm.s32 $0x1BF5;
	[smem:$0x3FB9] =	sst s0  }
0x18: {  	s0 =	sld [smem:$0x3F9C];
	_ =	swait.ge [sflag:s4], $0x0  }
0x19: {  	s7 =	sld [smem:$0x3F9D]  }
0x1a: {  	s8 =	sadd.s32 $0xFFFFE003, lr  }
0x1b: {  	s9 =	sadd.s32 $0xFFFFFEF7, lr;
	s5 =	simm.s32 $0xFFFFFFFF;
	p2 =	slt.u32 s8, $0xFFFFF086  }
0x1c: {  	p1 =	slt.u32 s9, $0xF7A;
	s5 =	simm.s32 @!p2 $0x0  }
0x1d: {  	s5 =	simm.s32 @p1 $0x1;
	p0 =	seq.s32 s7, s2  }
0x1e: {  	s7 =	smul.u32 @!p0 $0xF7A, s2;
	p2 =	seq.s32 @!p0 s5, $0x0  }
0x1f: {  	s9 =	smul.u32 $0xF7A, s1;
	s8 =	simm.s32 @!p0 $0x1BF5;
	p2 =	por !p2, p0  }
0x20: {  	[sflag:s8] =	ssyncset.s32 @!p0 $0xFFFFF086;
	s6 =	sadd.s32 @!p0 s3, s7;
	s7 =	simm.s32 @!p0 $0x108  }
0x21: {  	s3 =	sadd.s32 s3, s9;
	s6 =	sadd.s32 @!p0 $0x88, s6;
	s7 =	simm.s32 @p2 $0x1082  }
0x22: {  	[simem:s7], [sflag:s8] =	dma.local @!p0 [hbm:s6], $0xF7A  }
0x23: {  	s9 =	sor.u32 $0xD0000000, s2;
	s6 =	simm.s32 $0x108;
	_ =	swait.ge @!p0 [sflag:s8], $0x0  }
0x24: {  	s3 =	sadd.s32 $0x88, s3;
	s6 =	simm.s32 @!p1 $0x1082;
	[sflag:s4] =	ssyncset.s32 $0xFFFFF086  }
0x25: {  	[simem:s6], [sflag:s4] =	dma.local [hbm:s3], $0xF7A  }
0x26: {  	[smem:$0x3F9D] =	sst s1;
	(tag) =	ssettag s2;
	_ =	strace s9  }
0x27: {  	s1 =	sld [smem:$0x3FAD]  }
0x28: {  	s2 =	sld [smem:$0x3FAE]  }
0x29: {  	s4 =	sld [smem:$0x3FB0]  }
0x2a: {  	p0 =	seq.s32 s5, $0x0;
	s5 =	sld [smem:$0x3FB1]  }
0x2b: {  	s6 =	sld [smem:$0x3FB2]  }
0x2c: {  	s7 =	sld [smem:$0x3FB3]  }
0x2d: {  	s3 =	simm.s32 $0x108;
	s8 =	sld [smem:$0x3FB4]  }
0x2e: {  	s3 =	simm.s32 @!p0 $0x1082;
	s9 =	sld [smem:$0x3FB5]  }
0x2f: {  	lr =	sadd.s32 s0, s3;
	s0 =	sld [smem:$0x3FAC]  }
0x30: {  	s3 =	sld [smem:$0x3FAF]  }
0x31: {  	[smem:$0x3FB8] =	sst s10  }
0x32: {  	s10 =	sld [smem:$0x3FB6];
	_ =	sdelay $0x3  }
0x33: {  	p0 =	seq.s32 s10, $0x1;
	s10 =	sld [smem:$0x3FB8];
	_ =	sdelay $0x3  }
0x34: {  	[smem:$0x3FB8] =	sst s10  }
0x35: {  	s10 =	sld [smem:$0x3FB7];
	_ =	sdelay $0x3  }
0x36: {  	p1 =	seq.s32 s10, $0x1;
	s10 =	sld [smem:$0x3FB8];
	_ =	sdelay $0x3  }
0x37: {  	[smem:$0x3FB8] =	sst s10  }
0x38: {  	s10 =	sld [smem:$0x3FB9]  }
0x39: {  	_ = 	snop;
	(pc) =	sbr.ind lr, $3  }
0x3a: {  	_ = 	snop  }
0x3b: {  	_ = 	snop  }
0x3c: {  	p2 =	seq.s32 s10, $0x1;
	s10 =	sld [smem:$0x3FB8]  }
0x3d: {  	_ =	shalt  }
0x3e: {  	_ =	shalt  }
0x3f: {  	_ =	shalt  }
0x40: {  	_ =	shalt  }
0x41: {  	_ =	shalt  }
0x42: {  	_ =	shalt  }
0x43: {  	_ =	shalt  }
0x44: {  	_ =	shalt  }
0x45: {  	_ =	shalt  }
0x46: {  	_ =	shalt  }
0x47: {  	_ =	shalt  }
0x48: {  	_ =	shalt  }
0x49: {  	_ =	shalt  }
0x4a: {  	_ =	shalt  }
0x4b: {  	_ =	shalt  }
0x4c: {  	_ =	shalt  }
0x4d: {  	_ =	shalt  }
0x4e: {  	_ =	shalt  }
0x4f: {  	_ =	shalt  }
0x50: {  	_ =	shalt  }
0x51: {  	_ =	shalt  }
0x52: {  	_ =	shalt  }
0x53: {  	_ =	shalt  }
0x54: {  	_ =	shalt  }
0x55: {  	_ =	shalt  }
0x56: {  	_ =	shalt  }
0x57: {  	_ =	shalt  }
0x58: {  	_ =	shalt  }
0x59: {  	_ =	shalt  }
0x5a: {  	_ =	shalt  }
0x5b: {  	_ =	shalt  }
0x5c: {  	_ =	shalt  }
0x5d: {  	_ =	shalt  }
0x5e: {  	_ =	shalt  }
0x5f: {  	_ =	shalt  }
0x60: {  	_ =	shalt  }
0x61: {  	_ =	shalt  }
0x62: {  	_ =	shalt  }
0x63: {  	_ =	shalt  }
0x64: {  	_ =	shalt  }
0x65: {  	_ =	shalt  }
0x66: {  	_ =	shalt  }
0x67: {  	_ =	shalt  }
0x68: {  	_ =	shalt  }
0x69: {  	_ =	shalt  }
0x6a: {  	_ =	shalt  }
0x6b: {  	_ =	shalt  }
0x6c: {  	_ =	shalt  }
0x6d: {  	_ =	shalt  }
0x6e: {  	_ =	shalt  }
0x6f: {  	_ =	shalt  }
0x70: {  	_ =	shalt  }
0x71: {  	_ =	shalt  }
0x72: {  	_ =	shalt  }
0x73: {  	_ =	shalt  }
0x74: {  	_ =	shalt  }
0x75: {  	_ =	shalt  }
0x76: {  	_ =	shalt  }
0x77: {  	_ =	shalt  }
0x78: {  	_ =	shalt  }
0x79: {  	_ =	shalt  }
0x7a: {  	_ =	shalt  }
0x7b: {  	_ =	shalt  }
0x7c: {  	_ =	shalt  }
0x7d: {  	_ =	shalt  }
0x7e: {  	_ =	shalt  }
0x7f: {  	_ =	shalt  }
0x80: {  	_ =	shalt  }
0x81: {  	_ =	shalt  }
0x82: {  	_ =	shalt  }
0x83: {  	_ =	shalt  }
0x84: {  	_ =	shalt  }
0x85: {  	_ =	shalt  }
0x86: {  	_ =	shalt  }
0x87: {  	_ =	shalt  }
.Lfunc_end0:
.L_simem_size_0:
called_computation.2_lowered:
.L_overlay_start_0:
0x88: {  	s2 =	sld [smem:$0x3FD9]  }
0x89: {  	s3 =	sld [smem:$0x3FFE];
	_ =	sdelay $0x1  }
0x8a: {  	s1 =	srdreg.scid  }
0x8b: {  	s0 =	sand.u32 $0x1, s1  }
0x8c: {  	s17 =	sshll.u32 s0, $0xA;
	s2 =	sadd.s32 s3, s2  }
0x8d: {  	s2 =	sadd.s32 s2, s17  }
0x8e: {  	[smem:$0x3FC4] =	sst s2  }
0x8f: {  	_ = 	snop  }
0x90: {  	s2 =	sld [smem:$0x3FD0];
	(tm) =	ssettm $0x1  }
0x91: {  	s18 =	sld [smem:$0x3FFB];
	_ =	sdelay $0x3  }
0x92: {  	_ =	strace s18  }
0x93: {  	s3 =	sld [smem:$0x3FFC];
	_ =	sdelay $0x3  }
0x94: {  	_ =	strace s3  }
0x95: {  	s3 =	sld [smem:$0x3FFD];
	_ =	sdelay $0x3  }
0x96: {  	_ =	strace s3  }
0x97: {  	_ =	strace $0x8FFFFFFF  }
0x98: {  	s19 =	sld [smem:$0x3FDB];
	_ =	sdelay $0x1  }
0x99: {  	s4 =	simm.s32 $_scs_section_size  }
0x9a: {  	s5 =	simm.s32 $_size__tile_overlayer_lowered;
	s6 =	simm.s32 $_tile_overlayer_lowered  }
0x9b: {  	s22 =	simm.s32 $0x1BFF;
	s21 =	sshll.u32 s6, $0x1;
	s3 =	sadd.s32 s4, s19  }
0x9c: {  	s7 =	simm.s32 $0x0;
	s20 =	sshll.u32 s5, $0x1;
	s5 =	sadd.s32 s21, s3  }
0x9d: {  	[timem:s7], [sflag:s22] =	dma.local [hbm:s5], s20  }
0x9e: {  	_ =	swait.ge [sflag:s22], s20  }
0x9f: {  	s4 =	ssub.s32 $0x0, s20;
	[sflag:s22] =	ssyncset.done $0x0  }
0xa0: {  	[sflag:s22] =	ssyncadd.s32 s4;
	_ =	sdelay $0x1  }
0xa1: {  	s23 =	simm.s32 $0x1B8B  }
0xa2: {  	_ =	swait.ge [sflag:s23], $0x1  }
0xa3: {  	[sflag:s23] =	ssyncset.done $0x0  }
0xa4: {  	s25 =	simm.s32 $0x1B8E;
	s24 =	sld [smem:$0x3FFE];
	[sflag:s23] =	ssyncadd.s32 $0xFFFFFFFF  }
0xa5: {  	s26 =	simm.s32 $execute0_lowered;
	[smem:$0x3FD2] =	sst s25  }
0xa6: {  	s5 =	sshll.u32 s26, $0x1;
	_ =	strace $0x8000004C;
	[dreg:$0x1] =	wrdreg $0xFFFFFFFF  }
0xa7: {  	s28 =	simm.s32 $_size_execute0_lowered;
	s3 =	sadd.s32 s3, s5;
	[dreg:$0x0] =	wrdreg $0x0  }
0xa8: {  	s5 =	sshll.u32 s28, $0x1;
	[dreg:$0x2] =	wrdreg s3  }
0xa9: {  	[dreg:$0x3] =	wrdreg s5  }
0xaa: {  	[dreg:$0x4] =	wrdreg $0xC0  }
0xab: {  	_ =	task [dreg:s7], $0x5FFFF  }
0xac: {  	[dreg:$0x1] =	wrdreg $0xFFFFFFFF  }
0xad: {  	[dreg:$0x0] =	wrdreg $0x60  }
0xae: {  	[dreg:$0x2] =	wrdreg s24  }
0xaf: {  	[dreg:$0x3] =	wrdreg s2  }
0xb0: {  	[dreg:$0x4] =	wrdreg $0x9  }
0xb1: {  	_ =	task.clear_ibuf [dreg:s7], $0x5FFFF;
	_ =	strace $0x9000004C  }
0xb2: {  	s29 =	simm.s32 $0x9;
	_ =	strace $0x8000004E  }
0xb3: {  	_ =	swait.ge [sflag:s29], $0x1  }
0xb4: {  	[sflag:s29] =	ssyncadd.s32 $0xFFFFFFFF  }
0xb5: {  	_ =	strace $0x9000004E  }
0xb6: {  	_ =	sfence  }
0xb7: {  	s30 =	sld [smem:$0x0];
	_ =	sdelay $0x2  }
0xb8: {  	s31 =	sshll.u32 s1, $0xD;
	s1 =	sshrl.u32 s1, $0x2  }
0xb9: {  	s3 =	sand.u32 $0x4000, s31;
	s1 =	sadd.s32 s1, s30  }
0xba: {  	s0 =	sor.u32 s3, s0;
	s1 =	sshll.u32 s1, $0x11  }
0xbb: {  	s0 =	sor.u32 s1, s0  }
0xbc: {  	s0 =	sadd.s32 $0x8F2B, s0  }
0xbd: {  	[sflag:s0] =	ssyncadd.remote.s32 $0x1  }
0xbe: {  	_ =	sfence.sel $0xFFFF  }
0xbf: {  	[dreg:$0x0] =	wrdreg $0xFFFFFFFF;
	(pc) =	sbr.abs _section_cstart, $3  }
0xc0: {  	[dreg:$0x1] =	wrdreg $0xFFFFFFFF  }
0xc1: {  	_ =	task.clear_ibuf [dreg:s7], $0x2FFFF;
	_ =	strace $0x9FFFFFFF  }
0xc2: {  	(tm) =	ssettm $0x7FFFFFFF  }
0xc3: {  	_ =	shalt  }
tec
execute0_lowered:
.L_overlay_start_1:
0x0: {  	(tag) =	ssettag $0x1  }
0x1: {  	s4 =	rddreg [dreg:$0x0]  }
0x2: {  	s5 =	rddreg [dreg:$0x1]  }
0x3: {  	s0 =	rddreg [dreg:$0x2];
	s2 =	simm.s32 $0x0;
	s3 =	srdreg.scid;
	v0 =	vlaneseq.u32  }
0x4: {  	s1 =	stileid.u32;
	s9 =	simm.s32 $0x4000;
	s10 =	simm.s32 $0x8200;
	v0 =	vmul.u32 $0x10, v0  }
0x5: {  	s11 =	simm.s32 $0x8000;
	s12 =	simm.s32 $0x0;
	s3 =	sand.u32 $0x1, s3  }
0x6: {  	[smem:$0x7FF] =	sst s2;
	s7 =	sshll.u32 s1, $0xA;
	s6 =	ssub.s32 $0x2, s3;
	v1 =	vor.u32 $0x1, v0;
	v2 =	vor.u32 $0x2, v0;
	v3 =	vor.u32 $0x3, v0  }
0x7: {  	s3 =	sshll.u32 s3, $0x9;
	_ =	strace $0x8000004D;
	s8 =	sshrl.u32 s6, $0x1;
	v4 =	vor.u32 $0x4, v0;
	v5 =	vor.u32 $0x5, v0;
	v6 =	vor.u32 $0x6, v0  }
0x8: {  	s7 =	sor.u32 s3, s7;
	s3 =	sadd.s32 $0xC00, s4;
	s4 =	sadd.s32 $0x41400, s4;
	v7 =	vor.u32 $0x7, v0;
	v8 =	vor.u32 $0x8, v0;
	v9 =	vor.u32 $0x9, v0  }
0x9: {  	v10 =	vor.u32 $0xA, v0;
	v11 =	vor.u32 $0xB, v0;
	v12 =	vor.u32 $0xC, v0;
	s6 =	ssub.s32 s6, s8;
	s31 =	sshrl.u32 s7, $0x3;
	s7 =	sshll.u32 s7, $0x4  }
0xa: {  	v13 =	vor.u32 $0xD, v0;
	v14 =	vor.u32 $0xE, v0;
	v15 =	vor.u32 $0xF, v0;
	s8 =	simm.s32 $0x1;
	s5 =	sadd.s32 s5, s31;
	s6 =	smax.u32 s6, $0x1  }
.LBB2_1:
0xb: {  	s13 =	simm.s32 $0x8000;
	s14 =	simm.s32 $0x0  }
.LBB2_2:
0xc: {  	s15 =	sshll.u32 s14, $0xB  }
0xd: {  	s15 =	sor.u32 s7, s15  }
0xe: {  	s17 =	simm.s32 $0x0;
	s16 =	sadd.s32 s3, s15  }
0xf: {  	[tilespmem:s17], [sflag:$0x1] =	stream.linear.gather [hbm4b:s16+s17], $0x4000, $0x38;
	[tilespmem:$0x8300] =	vst v63  }
0x10: {  	_ =	swait.ge [sflag:s8], $0x4000  }
0x11: {  	[sflag:s8] =	ssyncset.done $0x0  }
0x12: {  	s15 =	sadd.s32 s4, s15;
	[sflag:s8] =	ssyncadd.s32 $0xFFFFC000  }
0x13: {  	[tilespmem:s9], [sflag:$0x1] =	stream.linear.gather [hbm4b:s15+s17], $0x4000, $0x38;
	[tilespmem:$0x8300] =	vst v63  }
0x14: {  	_ =	swait.ge [sflag:s8], $0x4000  }
0x15: {  	[sflag:s8] =	ssyncset.done $0x0  }
0x16: {  	s31 =	simm.s32 $0x0;
	[sflag:s8] =	ssyncadd.s32 $0xFFFFC000  }
0x17: {  	v16 =	vld [tilespmem:s31+$0x0]  }
0x18: {  	v17 =	vld [tilespmem:s31+$0x4000]  }
0x19: {  	v18 =	vld [tilespmem:s31+$0x4010]  }
0x1a: {  	v19 =	vld [tilespmem:s31+$0x10]  }
0x1b: {  	v20 =	vld [tilespmem:s31+$0x4020]  }
0x1c: {  	v21 =	vld [tilespmem:s31+$0x20]  }
0x1d: {  	v22 =	vld [tilespmem:s31+$0x4030];
	v16 =	vmul.f32 v17, v16  }
0x1e: {  	v17 =	vld [tilespmem:s31+$0x30]  }
0x1f: {  	v18 =	vmul.f32 v18, v19;
	v16 =	vadd.f32 $0.0e+00, v16;
	_ =	sdelay $0x1  }
0x20: {  	v19 =	vmul.f32 v20, v21;
	v16 =	vadd.f32 v18, v16;
	_ =	sdelay $0x1  }
0x21: {  	v17 =	vmul.f32 v22, v17;
	v16 =	vadd.f32 v19, v16;
	_ =	sdelay $0x1  }
0x22: {  	v16 =	vadd.f32 v17, v16;
	_ =	sdelay $0x1  }
0x23: {  	[tilespmem:$0x8200] =	vst v16  }
0x24: {  	v16 =	vld [tilespmem:s31+$0x80]  }
0x25: {  	v17 =	vld [tilespmem:s31+$0x4080]  }
0x26: {  	v18 =	vld [tilespmem:s31+$0x90]  }
0x27: {  	v19 =	vld [tilespmem:s31+$0x4090]  }
0x28: {  	v20 =	vld [tilespmem:s31+$0x40A0]  }
0x29: {  	v21 =	vld [tilespmem:s31+$0xA0]  }
0x2a: {  	v22 =	vld [tilespmem:s31+$0xB0];
	v16 =	vmul.f32 v17, v16  }
0x2b: {  	v17 =	vld [tilespmem:s31+$0x40B0]  }
0x2c: {  	v18 =	vmul.f32 v19, v18;
	v16 =	vadd.f32 $0.0e+00, v16;
	_ =	sdelay $0x1  }
0x2d: {  	v16 =	vadd.f32 v18, v16;
	v18 =	vmul.f32 v20, v21;
	_ =	sdelay $0x1  }
0x2e: {  	v17 =	vmul.f32 v17, v22;
	v16 =	vadd.f32 v18, v16;
	_ =	sdelay $0x1  }
0x2f: {  	v16 =	vadd.f32 v17, v16;
	_ =	sdelay $0x1  }
0x30: {  	[tilespmem:$0x8210] =	vst v16  }
0x31: {  	v16 =	vld [tilespmem:s31+$0x4100]  }
0x32: {  	v17 =	vld [tilespmem:s31+$0x100]  }
0x33: {  	v18 =	vld [tilespmem:s31+$0x110]  }
0x34: {  	v19 =	vld [tilespmem:s31+$0x4110]  }
0x35: {  	v20 =	vld [tilespmem:s31+$0x4120]  }
0x36: {  	v21 =	vld [tilespmem:s31+$0x120]  }
0x37: {  	v22 =	vld [tilespmem:s31+$0x130];
	v16 =	vmul.f32 v16, v17  }
0x38: {  	v17 =	vld [tilespmem:s31+$0x4130]  }
0x39: {  	v18 =	vmul.f32 v19, v18;
	v16 =	vadd.f32 $0.0e+00, v16;
	_ =	sdelay $0x1  }
0x3a: {  	v16 =	vadd.f32 v18, v16;
	v18 =	vmul.f32 v20, v21;
	_ =	sdelay $0x1  }
0x3b: {  	v17 =	vmul.f32 v17, v22;
	v16 =	vadd.f32 v18, v16;
	_ =	sdelay $0x1  }
0x3c: {  	v16 =	vadd.f32 v17, v16;
	_ =	sdelay $0x1  }
0x3d: {  	[tilespmem:$0x8220] =	vst v16  }
0x3e: {  	v16 =	vld [tilespmem:s31+$0x180]  }
0x3f: {  	v17 =	vld [tilespmem:s31+$0x4180]  }
0x40: {  	v18 =	vld [tilespmem:s31+$0x4190]  }
0x41: {  	v19 =	vld [tilespmem:s31+$0x190]  }
0x42: {  	v20 =	vld [tilespmem:s31+$0x41A0]  }
0x43: {  	v21 =	vld [tilespmem:s31+$0x1A0]  }
0x44: {  	v22 =	vld [tilespmem:s31+$0x1B0];
	v16 =	vmul.f32 v17, v16  }
0x45: {  	v17 =	vld [tilespmem:s31+$0x41B0]  }
0x46: {  	v18 =	vmul.f32 v18, v19;
	v16 =	vadd.f32 $0.0e+00, v16;
	_ =	sdelay $0x1  }
0x47: {  	v16 =	vadd.f32 v18, v16;
	v18 =	vmul.f32 v20, v21;
	_ =	sdelay $0x1  }
0x48: {  	v17 =	vmul.f32 v17, v22;
	v16 =	vadd.f32 v18, v16;
	_ =	sdelay $0x1  }
0x49: {  	v16 =	vadd.f32 v17, v16;
	_ =	sdelay $0x1  }
0x4a: {  	[tilespmem:$0x8230] =	vst v16  }
0x4b: {  	v16 =	vld [tilespmem:s31+$0x200]  }
0x4c: {  	v17 =	vld [tilespmem:s31+$0x4200]  }
0x4d: {  	v18 =	vld [tilespmem:s31+$0x4210]  }
0x4e: {  	v19 =	vld [tilespmem:s31+$0x210]  }
0x4f: {  	v20 =	vld [tilespmem:s31+$0x220]  }
0x50: {  	v21 =	vld [tilespmem:s31+$0x4220]  }
0x51: {  	v22 =	vld [tilespmem:s31+$0x4230];
	v16 =	vmul.f32 v17, v16  }
0x52: {  	v17 =	vld [tilespmem:s31+$0x230]  }
0x53: {  	v18 =	vmul.f32 v18, v19;
	v16 =	vadd.f32 $0.0e+00, v16;
	_ =	sdelay $0x1  }
0x54: {  	v16 =	vadd.f32 v18, v16;
	v18 =	vmul.f32 v21, v20;
	_ =	sdelay $0x1  }
0x55: {  	v17 =	vmul.f32 v22, v17;
	v16 =	vadd.f32 v18, v16;
	_ =	sdelay $0x1  }
0x56: {  	v16 =	vadd.f32 v17, v16;
	_ =	sdelay $0x1  }
0x57: {  	[tilespmem:$0x8240] =	vst v16  }
0x58: {  	v16 =	vld [tilespmem:s31+$0x280]  }
0x59: {  	v17 =	vld [tilespmem:s31+$0x4280]  }
0x5a: {  	v18 =	vld [tilespmem:s31+$0x4290]  }
0x5b: {  	v19 =	vld [tilespmem:s31+$0x290]  }
0x5c: {  	v20 =	vld [tilespmem:s31+$0x2A0]  }
0x5d: {  	v21 =	vld [tilespmem:s31+$0x42A0]  }
0x5e: {  	v22 =	vld [tilespmem:s31+$0x42B0];
	v16 =	vmul.f32 v17, v16  }
0x5f: {  	v17 =	vld [tilespmem:s31+$0x2B0]  }
0x60: {  	v18 =	vmul.f32 v18, v19;
	v16 =	vadd.f32 $0.0e+00, v16;
	_ =	sdelay $0x1  }
0x61: {  	v16 =	vadd.f32 v18, v16;
	v18 =	vmul.f32 v21, v20;
	_ =	sdelay $0x1  }
0x62: {  	v17 =	vmul.f32 v22, v17;
	v16 =	vadd.f32 v18, v16;
	_ =	sdelay $0x1  }
0x63: {  	v16 =	vadd.f32 v17, v16;
	_ =	sdelay $0x1  }
0x64: {  	[tilespmem:$0x8250] =	vst v16  }
0x65: {  	v16 =	vld [tilespmem:s31+$0x4300]  }
0x66: {  	v17 =	vld [tilespmem:s31+$0x300]  }
0x67: {  	v18 =	vld [tilespmem:s31+$0x4310]  }
0x68: {  	v19 =	vld [tilespmem:s31+$0x310]  }
0x69: {  	v20 =	vld [tilespmem:s31+$0x320]  }
0x6a: {  	v21 =	vld [tilespmem:s31+$0x4320]  }
0x6b: {  	v22 =	vld [tilespmem:s31+$0x4330];
	v16 =	vmul.f32 v16, v17  }
0x6c: {  	v17 =	vld [tilespmem:s31+$0x330]  }
0x6d: {  	v18 =	vmul.f32 v18, v19;
	v16 =	vadd.f32 $0.0e+00, v16;
	_ =	sdelay $0x1  }
0x6e: {  	v16 =	vadd.f32 v18, v16;
	v18 =	vmul.f32 v21, v20;
	_ =	sdelay $0x1  }
0x6f: {  	v17 =	vmul.f32 v22, v17;
	v16 =	vadd.f32 v18, v16;
	_ =	sdelay $0x1  }
0x70: {  	v16 =	vadd.f32 v17, v16;
	_ =	sdelay $0x1  }
0x71: {  	[tilespmem:$0x8260] =	vst v16  }
0x72: {  	v16 =	vld [tilespmem:s31+$0x380]  }
0x73: {  	v17 =	vld [tilespmem:s31+$0x4380]  }
0x74: {  	v18 =	vld [tilespmem:s31+$0x390]  }
0x75: {  	v19 =	vld [tilespmem:s31+$0x4390]  }
0x76: {  	v20 =	vld [tilespmem:s31+$0x3A0]  }
0x77: {  	v21 =	vld [tilespmem:s31+$0x43A0]  }
0x78: {  	v22 =	vld [tilespmem:s31+$0x3B0];
	v16 =	vmul.f32 v17, v16  }
0x79: {  	v17 =	vld [tilespmem:s31+$0x43B0]  }
0x7a: {  	v18 =	vmul.f32 v19, v18;
	v16 =	vadd.f32 $0.0e+00, v16;
	_ =	sdelay $0x1  }
0x7b: {  	v19 =	vmul.f32 v21, v20;
	v16 =	vadd.f32 v18, v16;
	_ =	sdelay $0x1  }
0x7c: {  	v17 =	vmul.f32 v17, v22;
	v16 =	vadd.f32 v19, v16;
	_ =	sdelay $0x1  }
0x7d: {  	v16 =	vadd.f32 v17, v16;
	_ =	sdelay $0x1  }
0x7e: {  	[tilespmem:$0x8270] =	vst v16  }
0x7f: {  	v16 =	vld [tilespmem:s31+$0x400]  }
0x80: {  	v17 =	vld [tilespmem:s31+$0x4400]  }
0x81: {  	v18 =	vld [tilespmem:s31+$0x410]  }
0x82: {  	v19 =	vld [tilespmem:s31+$0x4410]  }
0x83: {  	v20 =	vld [tilespmem:s31+$0x4420]  }
0x84: {  	v21 =	vld [tilespmem:s31+$0x420]  }
0x85: {  	v22 =	vld [tilespmem:s31+$0x430];
	v16 =	vmul.f32 v17, v16  }
0x86: {  	v17 =	vld [tilespmem:s31+$0x4430]  }
0x87: {  	v18 =	vmul.f32 v19, v18;
	v16 =	vadd.f32 $0.0e+00, v16;
	_ =	sdelay $0x1  }
0x88: {  	v16 =	vadd.f32 v18, v16;
	v18 =	vmul.f32 v20, v21;
	_ =	sdelay $0x1  }
0x89: {  	v17 =	vmul.f32 v17, v22;
	v16 =	vadd.f32 v18, v16;
	_ =	sdelay $0x1  }
0x8a: {  	v16 =	vadd.f32 v17, v16;
	_ =	sdelay $0x1  }
0x8b: {  	[tilespmem:$0x8280] =	vst v16  }
0x8c: {  	v16 =	vld [tilespmem:s31+$0x480]  }
0x8d: {  	v17 =	vld [tilespmem:s31+$0x4480]  }
0x8e: {  	v18 =	vld [tilespmem:s31+$0x490]  }
0x8f: {  	v19 =	vld [tilespmem:s31+$0x4490]  }
0x90: {  	v20 =	vld [tilespmem:s31+$0x4A0]  }
0x91: {  	v21 =	vld [tilespmem:s31+$0x44A0]  }
0x92: {  	v22 =	vld [tilespmem:s31+$0x44B0];
	v16 =	vmul.f32 v17, v16  }
0x93: {  	v17 =	vld [tilespmem:s31+$0x4B0]  }
0x94: {  	v18 =	vmul.f32 v19, v18;
	v16 =	vadd.f32 $0.0e+00, v16;
	_ =	sdelay $0x1  }
0x95: {  	v16 =	vadd.f32 v18, v16;
	v18 =	vmul.f32 v21, v20;
	_ =	sdelay $0x1  }
0x96: {  	v17 =	vmul.f32 v22, v17;
	v16 =	vadd.f32 v18, v16;
	_ =	sdelay $0x1  }
0x97: {  	v16 =	vadd.f32 v17, v16;
	_ =	sdelay $0x1  }
0x98: {  	[tilespmem:$0x8290] =	vst v16  }
0x99: {  	v16 =	vld [tilespmem:s31+$0x500]  }
0x9a: {  	v17 =	vld [tilespmem:s31+$0x4500]  }
0x9b: {  	v18 =	vld [tilespmem:s31+$0x510]  }
0x9c: {  	v19 =	vld [tilespmem:s31+$0x4510]  }
0x9d: {  	v20 =	vld [tilespmem:s31+$0x520]  }
0x9e: {  	v21 =	vld [tilespmem:s31+$0x4520]  }
0x9f: {  	v22 =	vld [tilespmem:s31+$0x4530];
	v16 =	vmul.f32 v17, v16  }
0xa0: {  	v17 =	vld [tilespmem:s31+$0x530]  }
0xa1: {  	v18 =	vmul.f32 v19, v18;
	v16 =	vadd.f32 $0.0e+00, v16;
	_ =	sdelay $0x1  }
0xa2: {  	v16 =	vadd.f32 v18, v16;
	v18 =	vmul.f32 v21, v20;
	_ =	sdelay $0x1  }
0xa3: {  	v17 =	vmul.f32 v22, v17;
	v16 =	vadd.f32 v18, v16;
	_ =	sdelay $0x1  }
0xa4: {  	v16 =	vadd.f32 v17, v16;
	_ =	sdelay $0x1  }
0xa5: {  	[tilespmem:$0x82A0] =	vst v16  }
0xa6: {  	v16 =	vld [tilespmem:s31+$0x580]  }
0xa7: {  	v17 =	vld [tilespmem:s31+$0x4580]  }
0xa8: {  	v18 =	vld [tilespmem:s31+$0x590]  }
0xa9: {  	v19 =	vld [tilespmem:s31+$0x4590]  }
0xaa: {  	v20 =	vld [tilespmem:s31+$0x5A0]  }
0xab: {  	v21 =	vld [tilespmem:s31+$0x45A0]  }
0xac: {  	v22 =	vld [tilespmem:s31+$0x45B0];
	v16 =	vmul.f32 v17, v16  }
0xad: {  	v17 =	vld [tilespmem:s31+$0x5B0]  }
0xae: {  	v18 =	vmul.f32 v19, v18;
	v16 =	vadd.f32 $0.0e+00, v16;
	_ =	sdelay $0x1  }
0xaf: {  	v16 =	vadd.f32 v18, v16;
	v18 =	vmul.f32 v21, v20;
	_ =	sdelay $0x1  }
0xb0: {  	v17 =	vmul.f32 v22, v17;
	v16 =	vadd.f32 v18, v16;
	_ =	sdelay $0x1  }
0xb1: {  	v16 =	vadd.f32 v17, v16;
	_ =	sdelay $0x1  }
0xb2: {  	[tilespmem:$0x82B0] =	vst v16  }
0xb3: {  	v16 =	vld [tilespmem:s31+$0x600]  }
0xb4: {  	v17 =	vld [tilespmem:s31+$0x4600]  }
0xb5: {  	v18 =	vld [tilespmem:s31+$0x610]  }
0xb6: {  	v19 =	vld [tilespmem:s31+$0x4610]  }
0xb7: {  	v20 =	vld [tilespmem:s31+$0x620]  }
0xb8: {  	v21 =	vld [tilespmem:s31+$0x4620]  }
0xb9: {  	v22 =	vld [tilespmem:s31+$0x4630];
	v16 =	vmul.f32 v17, v16  }
0xba: {  	v17 =	vld [tilespmem:s31+$0x630]  }
0xbb: {  	v18 =	vmul.f32 v19, v18;
	v16 =	vadd.f32 $0.0e+00, v16;
	_ =	sdelay $0x1  }
0xbc: {  	v16 =	vadd.f32 v18, v16;
	v18 =	vmul.f32 v21, v20;
	_ =	sdelay $0x1  }
0xbd: {  	v17 =	vmul.f32 v22, v17;
	v16 =	vadd.f32 v18, v16;
	_ =	sdelay $0x1  }
0xbe: {  	v16 =	vadd.f32 v17, v16;
	_ =	sdelay $0x1  }
0xbf: {  	[tilespmem:$0x82C0] =	vst v16  }
0xc0: {  	v16 =	vld [tilespmem:s31+$0x680]  }
0xc1: {  	v17 =	vld [tilespmem:s31+$0x4680]  }
0xc2: {  	v18 =	vld [tilespmem:s31+$0x4690]  }
0xc3: {  	v19 =	vld [tilespmem:s31+$0x690]  }
0xc4: {  	v20 =	vld [tilespmem:s31+$0x6A0]  }
0xc5: {  	v21 =	vld [tilespmem:s31+$0x46A0]  }
0xc6: {  	v22 =	vld [tilespmem:s31+$0x46B0];
	v16 =	vmul.f32 v17, v16  }
0xc7: {  	v17 =	vld [tilespmem:s31+$0x6B0]  }
0xc8: {  	v18 =	vmul.f32 v18, v19;
	v16 =	vadd.f32 $0.0e+00, v16;
	_ =	sdelay $0x1  }
0xc9: {  	v16 =	vadd.f32 v18, v16;
	v18 =	vmul.f32 v21, v20;
	_ =	sdelay $0x1  }
0xca: {  	v17 =	vmul.f32 v22, v17;
	v16 =	vadd.f32 v18, v16;
	_ =	sdelay $0x1  }
0xcb: {  	v16 =	vadd.f32 v17, v16;
	_ =	sdelay $0x1  }
0xcc: {  	[tilespmem:$0x82D0] =	vst v16  }
0xcd: {  	v16 =	vld [tilespmem:s31+$0x700]  }
0xce: {  	v17 =	vld [tilespmem:s31+$0x4700]  }
0xcf: {  	v18 =	vld [tilespmem:s31+$0x710]  }
0xd0: {  	v19 =	vld [tilespmem:s31+$0x4710]  }
0xd1: {  	v20 =	vld [tilespmem:s31+$0x720]  }
0xd2: {  	v21 =	vld [tilespmem:s31+$0x4720]  }
0xd3: {  	v22 =	vld [tilespmem:s31+$0x4730];
	v16 =	vmul.f32 v17, v16  }
0xd4: {  	v17 =	vld [tilespmem:s31+$0x730]  }
0xd5: {  	v18 =	vmul.f32 v19, v18;
	v16 =	vadd.f32 $0.0e+00, v16;
	_ =	sdelay $0x1  }
0xd6: {  	v16 =	vadd.f32 v18, v16;
	v18 =	vmul.f32 v21, v20;
	_ =	sdelay $0x1  }
0xd7: {  	v17 =	vmul.f32 v22, v17;
	v16 =	vadd.f32 v18, v16;
	_ =	sdelay $0x1  }
0xd8: {  	v16 =	vadd.f32 v17, v16;
	_ =	sdelay $0x1  }
0xd9: {  	[tilespmem:$0x82E0] =	vst v16  }
0xda: {  	v16 =	vld [tilespmem:s31+$0x780]  }
0xdb: {  	v17 =	vld [tilespmem:s31+$0x4780]  }
0xdc: {  	v18 =	vld [tilespmem:s31+$0x790]  }
0xdd: {  	v19 =	vld [tilespmem:s31+$0x4790]  }
0xde: {  	v20 =	vld [tilespmem:s31+$0x7A0]  }
0xdf: {  	v21 =	vld [tilespmem:s31+$0x47A0]  }
0xe0: {  	v22 =	vld [tilespmem:s31+$0x47B0];
	v16 =	vmul.f32 v17, v16  }
0xe1: {  	v17 =	vld [tilespmem:s31+$0x7B0]  }
0xe2: {  	v18 =	vmul.f32 v19, v18;
	v16 =	vadd.f32 $0.0e+00, v16;
	_ =	sdelay $0x1  }
0xe3: {  	v16 =	vadd.f32 v18, v16;
	v18 =	vmul.f32 v21, v20;
	_ =	sdelay $0x1  }
0xe4: {  	v17 =	vmul.f32 v22, v17;
	v16 =	vadd.f32 v18, v16;
	_ =	sdelay $0x1  }
0xe5: {  	v16 =	vadd.f32 v17, v16;
	_ =	sdelay $0x1  }
0xe6: {  	[tilespmem:$0x82F0] =	vst v16  }
0xe7: {  	v16 =	vld.idx.msk [tilespmem:v0+s10+$0x0], $0xffff  }
0xe8: {  	v17 =	vld.idx.msk [tilespmem:v1+s10+$0x0], $0xffff  }
0xe9: {  	v18 =	vld.idx.msk [tilespmem:v2+s10+$0x0], $0xffff  }
0xea: {  	v19 =	vld.idx.msk [tilespmem:v3+s10+$0x0], $0xffff  }
0xeb: {  	v20 =	vld.idx.msk [tilespmem:v4+s10+$0x0], $0xffff  }
0xec: {  	v26 =	vld.idx.msk [tilespmem:v5+s10+$0x0], $0xffff;
	v22 =	vadd.f32 $0.0e+00, v16  }
0xed: {  	v21 =	vld.idx.msk [tilespmem:v6+s10+$0x0], $0xffff  }
0xee: {  	v16 =	vld.idx.msk [tilespmem:v7+s10+$0x0], $0xffff;
	v23 =	vadd.f32 v17, v22  }
0xef: {  	v22 =	vld.idx.msk [tilespmem:v8+s10+$0x0], $0xffff  }
0xf0: {  	v17 =	vld.idx.msk [tilespmem:v9+s10+$0x0], $0xffff;
	v24 =	vadd.f32 v18, v23  }
0xf1: {  	v23 =	vld.idx.msk [tilespmem:v10+s10+$0x0], $0xffff  }
0xf2: {  	v18 =	vld.idx.msk [tilespmem:v11+s10+$0x0], $0xffff;
	v25 =	vadd.f32 v19, v24  }
0xf3: {  	v24 =	vld.idx.msk [tilespmem:v12+s10+$0x0], $0xffff  }
0xf4: {  	v19 =	vld.idx.msk [tilespmem:v13+s10+$0x0], $0xffff;
	v27 =	vadd.f32 v20, v25  }
0xf5: {  	v25 =	vld.idx.msk [tilespmem:v14+s10+$0x0], $0xffff  }
0xf6: {  	s16 =	simm.s32 $0x2000;
	s17 =	smov.u32 s13;
	s15 =	smov.u32 s13;
	v20 =	vld.idx.msk [tilespmem:v15+s10+$0x0], $0xffff;
	v26 =	vadd.f32 v26, v27  }
.LBB2_3:
0xf7: {  	p0 =	sne.s32 s16, $0xE000  }
0xf8: {  	s17 =	sadd.s32 $0x10, s17;
	s18 =	smov.u32 s16;
	s16 =	sadd.s32 $0x2000, s16  }
0xf9: {  	v21 =	vadd.f32 v21, v26;
	_ =	sdelay $0x1  }
0xfa: {  	v16 =	vadd.f32 v16, v21;
	_ =	sdelay $0x1  }
0xfb: {  	v16 =	vadd.f32 v22, v16;
	_ =	sdelay $0x1  }
0xfc: {  	v16 =	vadd.f32 v17, v16;
	_ =	sdelay $0x1  }
0xfd: {  	v16 =	vadd.f32 v23, v16;
	_ =	sdelay $0x1  }
0xfe: {  	v16 =	vadd.f32 v18, v16;
	_ =	sdelay $0x1  }
0xff: {  	v16 =	vadd.f32 v24, v16;
	_ =	sdelay $0x1  }
0x100: {  	v16 =	vadd.f32 v19, v16;
	_ =	sdelay $0x1  }
0x101: {  	v16 =	vadd.f32 v25, v16;
	_ =	sdelay $0x1  }
0x102: {  	s18 =	sshra.s32 s18, $0x2;
	v16 =	vadd.f32 v20, v16;
	_ =	sdelay $0x1  }
0x103: {  	[tilespmem:s15+$0x0] =	vst v16;
	s15 =	smov.u32 s17  }
0x104: {  	v16 =	vld [tilespmem:s18+$0x0]  }
0x105: {  	v17 =	vld [tilespmem:s18+$0x4010]  }
0x106: {  	v18 =	vld [tilespmem:s18+$0x4000]  }
0x107: {  	v19 =	vld [tilespmem:s18+$0x10]  }
0x108: {  	v20 =	vld [tilespmem:s18+$0x4020]  }
0x109: {  	v21 =	vld [tilespmem:s18+$0x20]  }
0x10a: {  	v22 =	vld [tilespmem:s18+$0x4030]  }
0x10b: {  	v16 =	vmul.f32 v18, v16;
	v18 =	vld [tilespmem:s18+$0x30]  }
0x10c: {  	v17 =	vmul.f32 v17, v19  }
0x10d: {  	v16 =	vadd.f32 $0.0e+00, v16  }
0x10e: {  	v19 =	vmul.f32 v20, v21  }
0x10f: {  	v16 =	vadd.f32 v17, v16  }
0x110: {  	v17 =	vmul.f32 v22, v18  }
0x111: {  	v16 =	vadd.f32 v19, v16;
	_ =	sdelay $0x1  }
0x112: {  	v16 =	vadd.f32 v17, v16;
	_ =	sdelay $0x1  }
0x113: {  	[tilespmem:$0x8200] =	vst v16  }
0x114: {  	v16 =	vld [tilespmem:s18+$0x80]  }
0x115: {  	v17 =	vld [tilespmem:s18+$0x4080]  }
0x116: {  	v18 =	vld [tilespmem:s18+$0x90]  }
0x117: {  	v19 =	vld [tilespmem:s18+$0x4090]  }
0x118: {  	v20 =	vld [tilespmem:s18+$0x40A0]  }
0x119: {  	v21 =	vld [tilespmem:s18+$0xA0]  }
0x11a: {  	v16 =	vmul.f32 v17, v16;
	v17 =	vld [tilespmem:s18+$0x40B0]  }
0x11b: {  	v22 =	vld [tilespmem:s18+$0xB0]  }
0x11c: {  	v16 =	vadd.f32 $0.0e+00, v16;
	v18 =	vmul.f32 v19, v18;
	_ =	sdelay $0x1  }
0x11d: {  	v16 =	vadd.f32 v18, v16;
	v18 =	vmul.f32 v20, v21;
	_ =	sdelay $0x1  }
0x11e: {  	v16 =	vadd.f32 v18, v16;
	v17 =	vmul.f32 v17, v22;
	_ =	sdelay $0x1  }
0x11f: {  	v16 =	vadd.f32 v17, v16;
	_ =	sdelay $0x1  }
0x120: {  	[tilespmem:$0x8210] =	vst v16  }
0x121: {  	v16 =	vld [tilespmem:s18+$0x4100]  }
0x122: {  	v17 =	vld [tilespmem:s18+$0x100]  }
0x123: {  	v18 =	vld [tilespmem:s18+$0x110]  }
0x124: {  	v19 =	vld [tilespmem:s18+$0x4110]  }
0x125: {  	v20 =	vld [tilespmem:s18+$0x4120]  }
0x126: {  	v21 =	vld [tilespmem:s18+$0x120]  }
0x127: {  	v16 =	vmul.f32 v16, v17;
	v17 =	vld [tilespmem:s18+$0x4130]  }
0x128: {  	v22 =	vld [tilespmem:s18+$0x130]  }
0x129: {  	v16 =	vadd.f32 $0.0e+00, v16;
	v18 =	vmul.f32 v19, v18;
	_ =	sdelay $0x1  }
0x12a: {  	v16 =	vadd.f32 v18, v16;
	v18 =	vmul.f32 v20, v21;
	_ =	sdelay $0x1  }
0x12b: {  	v16 =	vadd.f32 v18, v16;
	v17 =	vmul.f32 v17, v22;
	_ =	sdelay $0x1  }
0x12c: {  	v16 =	vadd.f32 v17, v16;
	_ =	sdelay $0x1  }
0x12d: {  	[tilespmem:$0x8220] =	vst v16  }
0x12e: {  	v16 =	vld [tilespmem:s18+$0x180]  }
0x12f: {  	v17 =	vld [tilespmem:s18+$0x4180]  }
0x130: {  	v18 =	vld [tilespmem:s18+$0x4190]  }
0x131: {  	v19 =	vld [tilespmem:s18+$0x190]  }
0x132: {  	v20 =	vld [tilespmem:s18+$0x41A0]  }
0x133: {  	v21 =	vld [tilespmem:s18+$0x1A0]  }
0x134: {  	v16 =	vmul.f32 v17, v16;
	v17 =	vld [tilespmem:s18+$0x41B0]  }
0x135: {  	v22 =	vld [tilespmem:s18+$0x1B0]  }
0x136: {  	v16 =	vadd.f32 $0.0e+00, v16;
	v18 =	vmul.f32 v18, v19;
	_ =	sdelay $0x1  }
0x137: {  	v16 =	vadd.f32 v18, v16;
	v18 =	vmul.f32 v20, v21;
	_ =	sdelay $0x1  }
0x138: {  	v16 =	vadd.f32 v18, v16;
	v17 =	vmul.f32 v17, v22;
	_ =	sdelay $0x1  }
0x139: {  	v16 =	vadd.f32 v17, v16;
	_ =	sdelay $0x1  }
0x13a: {  	[tilespmem:$0x8230] =	vst v16  }
0x13b: {  	v16 =	vld [tilespmem:s18+$0x200]  }
0x13c: {  	v17 =	vld [tilespmem:s18+$0x4200]  }
0x13d: {  	v18 =	vld [tilespmem:s18+$0x4210]  }
0x13e: {  	v19 =	vld [tilespmem:s18+$0x210]  }
0x13f: {  	v20 =	vld [tilespmem:s18+$0x220]  }
0x140: {  	v21 =	vld [tilespmem:s18+$0x4220]  }
0x141: {  	v16 =	vmul.f32 v17, v16;
	v17 =	vld [tilespmem:s18+$0x230]  }
0x142: {  	v22 =	vld [tilespmem:s18+$0x4230]  }
0x143: {  	v16 =	vadd.f32 $0.0e+00, v16;
	v18 =	vmul.f32 v18, v19;
	_ =	sdelay $0x1  }
0x144: {  	v16 =	vadd.f32 v18, v16;
	v18 =	vmul.f32 v21, v20;
	_ =	sdelay $0x1  }
0x145: {  	v16 =	vadd.f32 v18, v16;
	v17 =	vmul.f32 v22, v17;
	_ =	sdelay $0x1  }
0x146: {  	v16 =	vadd.f32 v17, v16;
	_ =	sdelay $0x1  }
0x147: {  	[tilespmem:$0x8240] =	vst v16  }
0x148: {  	v16 =	vld [tilespmem:s18+$0x280]  }
0x149: {  	v17 =	vld [tilespmem:s18+$0x4280]  }
0x14a: {  	v18 =	vld [tilespmem:s18+$0x4290]  }
0x14b: {  	v19 =	vld [tilespmem:s18+$0x290]  }
0x14c: {  	v20 =	vld [tilespmem:s18+$0x2A0]  }
0x14d: {  	v21 =	vld [tilespmem:s18+$0x42A0]  }
0x14e: {  	v16 =	vmul.f32 v17, v16;
	v17 =	vld [tilespmem:s18+$0x2B0]  }
0x14f: {  	v22 =	vld [tilespmem:s18+$0x42B0]  }
0x150: {  	v16 =	vadd.f32 $0.0e+00, v16;
	v18 =	vmul.f32 v18, v19;
	_ =	sdelay $0x1  }
0x151: {  	v16 =	vadd.f32 v18, v16;
	v18 =	vmul.f32 v21, v20;
	_ =	sdelay $0x1  }
0x152: {  	v16 =	vadd.f32 v18, v16;
	v17 =	vmul.f32 v22, v17;
	_ =	sdelay $0x1  }
0x153: {  	v16 =	vadd.f32 v17, v16;
	_ =	sdelay $0x1  }
0x154: {  	[tilespmem:$0x8250] =	vst v16  }
0x155: {  	v16 =	vld [tilespmem:s18+$0x4300]  }
0x156: {  	v17 =	vld [tilespmem:s18+$0x300]  }
0x157: {  	v18 =	vld [tilespmem:s18+$0x4310]  }
0x158: {  	v19 =	vld [tilespmem:s18+$0x310]  }
0x159: {  	v20 =	vld [tilespmem:s18+$0x320]  }
0x15a: {  	v21 =	vld [tilespmem:s18+$0x4320]  }
0x15b: {  	v16 =	vmul.f32 v16, v17;
	v17 =	vld [tilespmem:s18+$0x330]  }
0x15c: {  	v22 =	vld [tilespmem:s18+$0x4330]  }
0x15d: {  	v16 =	vadd.f32 $0.0e+00, v16;
	v18 =	vmul.f32 v18, v19;
	_ =	sdelay $0x1  }
0x15e: {  	v16 =	vadd.f32 v18, v16;
	v18 =	vmul.f32 v21, v20;
	_ =	sdelay $0x1  }
0x15f: {  	v16 =	vadd.f32 v18, v16;
	v17 =	vmul.f32 v22, v17;
	_ =	sdelay $0x1  }
0x160: {  	v16 =	vadd.f32 v17, v16;
	_ =	sdelay $0x1  }
0x161: {  	[tilespmem:$0x8260] =	vst v16  }
0x162: {  	v16 =	vld [tilespmem:s18+$0x390]  }
0x163: {  	v17 =	vld [tilespmem:s18+$0x380]  }
0x164: {  	v18 =	vld [tilespmem:s18+$0x4380]  }
0x165: {  	v19 =	vld [tilespmem:s18+$0x4390]  }
0x166: {  	v20 =	vld [tilespmem:s18+$0x3A0]  }
0x167: {  	v21 =	vld [tilespmem:s18+$0x43A0];
	_ =	sdelay $0x1  }
0x168: {  	v17 =	vmul.f32 v18, v17;
	v18 =	vld [tilespmem:s18+$0x43B0]  }
0x169: {  	v16 =	vmul.f32 v19, v16;
	v19 =	vld [tilespmem:s18+$0x3B0]  }
0x16a: {  	v17 =	vadd.f32 $0.0e+00, v17  }
0x16b: {  	v20 =	vmul.f32 v21, v20  }
0x16c: {  	v16 =	vadd.f32 v16, v17;
	_ =	sdelay $0x1  }
0x16d: {  	v16 =	vadd.f32 v20, v16;
	v17 =	vmul.f32 v18, v19;
	_ =	sdelay $0x1  }
0x16e: {  	v16 =	vadd.f32 v17, v16;
	_ =	sdelay $0x1  }
0x16f: {  	[tilespmem:$0x8270] =	vst v16  }
0x170: {  	v16 =	vld [tilespmem:s18+$0x400]  }
0x171: {  	v17 =	vld [tilespmem:s18+$0x4400]  }
0x172: {  	v18 =	vld [tilespmem:s18+$0x410]  }
0x173: {  	v19 =	vld [tilespmem:s18+$0x4410]  }
0x174: {  	v20 =	vld [tilespmem:s18+$0x4420]  }
0x175: {  	v21 =	vld [tilespmem:s18+$0x420]  }
0x176: {  	v16 =	vmul.f32 v17, v16;
	v17 =	vld [tilespmem:s18+$0x4430]  }
0x177: {  	v22 =	vld [tilespmem:s18+$0x430]  }
0x178: {  	v16 =	vadd.f32 $0.0e+00, v16;
	v18 =	vmul.f32 v19, v18;
	_ =	sdelay $0x1  }
0x179: {  	v16 =	vadd.f32 v18, v16;
	v18 =	vmul.f32 v20, v21;
	_ =	sdelay $0x1  }
0x17a: {  	v16 =	vadd.f32 v18, v16;
	v17 =	vmul.f32 v17, v22;
	_ =	sdelay $0x1  }
0x17b: {  	v16 =	vadd.f32 v17, v16;
	_ =	sdelay $0x1  }
0x17c: {  	[tilespmem:$0x8280] =	vst v16  }
0x17d: {  	v16 =	vld [tilespmem:s18+$0x480]  }
0x17e: {  	v17 =	vld [tilespmem:s18+$0x4480]  }
0x17f: {  	v18 =	vld [tilespmem:s18+$0x490]  }
0x180: {  	v19 =	vld [tilespmem:s18+$0x4490]  }
0x181: {  	v20 =	vld [tilespmem:s18+$0x4A0]  }
0x182: {  	v21 =	vld [tilespmem:s18+$0x44A0]  }
0x183: {  	v16 =	vmul.f32 v17, v16;
	v17 =	vld [tilespmem:s18+$0x4B0]  }
0x184: {  	v22 =	vld [tilespmem:s18+$0x44B0]  }
0x185: {  	v16 =	vadd.f32 $0.0e+00, v16;
	v18 =	vmul.f32 v19, v18;
	_ =	sdelay $0x1  }
0x186: {  	v16 =	vadd.f32 v18, v16;
	v18 =	vmul.f32 v21, v20;
	_ =	sdelay $0x1  }
0x187: {  	v16 =	vadd.f32 v18, v16;
	v17 =	vmul.f32 v22, v17;
	_ =	sdelay $0x1  }
0x188: {  	v16 =	vadd.f32 v17, v16;
	_ =	sdelay $0x1  }
0x189: {  	[tilespmem:$0x8290] =	vst v16  }
0x18a: {  	v16 =	vld [tilespmem:s18+$0x500]  }
0x18b: {  	v17 =	vld [tilespmem:s18+$0x4500]  }
0x18c: {  	v18 =	vld [tilespmem:s18+$0x510]  }
0x18d: {  	v19 =	vld [tilespmem:s18+$0x4510]  }
0x18e: {  	v20 =	vld [tilespmem:s18+$0x520]  }
0x18f: {  	v21 =	vld [tilespmem:s18+$0x4520]  }
0x190: {  	v16 =	vmul.f32 v17, v16;
	v17 =	vld [tilespmem:s18+$0x530]  }
0x191: {  	v22 =	vld [tilespmem:s18+$0x4530]  }
0x192: {  	v16 =	vadd.f32 $0.0e+00, v16;
	v18 =	vmul.f32 v19, v18;
	_ =	sdelay $0x1  }
0x193: {  	v16 =	vadd.f32 v18, v16;
	v18 =	vmul.f32 v21, v20;
	_ =	sdelay $0x1  }
0x194: {  	v16 =	vadd.f32 v18, v16;
	v17 =	vmul.f32 v22, v17;
	_ =	sdelay $0x1  }
0x195: {  	v16 =	vadd.f32 v17, v16;
	_ =	sdelay $0x1  }
0x196: {  	[tilespmem:$0x82A0] =	vst v16  }
0x197: {  	v16 =	vld [tilespmem:s18+$0x580]  }
0x198: {  	v17 =	vld [tilespmem:s18+$0x4580]  }
0x199: {  	v18 =	vld [tilespmem:s18+$0x590]  }
0x19a: {  	v19 =	vld [tilespmem:s18+$0x4590]  }
0x19b: {  	v20 =	vld [tilespmem:s18+$0x5A0]  }
0x19c: {  	v21 =	vld [tilespmem:s18+$0x45A0]  }
0x19d: {  	v16 =	vmul.f32 v17, v16;
	v17 =	vld [tilespmem:s18+$0x5B0]  }
0x19e: {  	v22 =	vld [tilespmem:s18+$0x45B0]  }
0x19f: {  	v16 =	vadd.f32 $0.0e+00, v16;
	v18 =	vmul.f32 v19, v18;
	_ =	sdelay $0x1  }
0x1a0: {  	v16 =	vadd.f32 v18, v16;
	v18 =	vmul.f32 v21, v20;
	_ =	sdelay $0x1  }
0x1a1: {  	v16 =	vadd.f32 v18, v16;
	v17 =	vmul.f32 v22, v17;
	_ =	sdelay $0x1  }
0x1a2: {  	v16 =	vadd.f32 v17, v16;
	_ =	sdelay $0x1  }
0x1a3: {  	[tilespmem:$0x82B0] =	vst v16  }
0x1a4: {  	v16 =	vld [tilespmem:s18+$0x600]  }
0x1a5: {  	v17 =	vld [tilespmem:s18+$0x4600]  }
0x1a6: {  	v18 =	vld [tilespmem:s18+$0x610]  }
0x1a7: {  	v19 =	vld [tilespmem:s18+$0x4610]  }
0x1a8: {  	v20 =	vld [tilespmem:s18+$0x620]  }
0x1a9: {  	v21 =	vld [tilespmem:s18+$0x4620]  }
0x1aa: {  	v16 =	vmul.f32 v17, v16;
	v17 =	vld [tilespmem:s18+$0x630]  }
0x1ab: {  	v22 =	vld [tilespmem:s18+$0x4630]  }
0x1ac: {  	v16 =	vadd.f32 $0.0e+00, v16;
	v18 =	vmul.f32 v19, v18;
	_ =	sdelay $0x1  }
0x1ad: {  	v16 =	vadd.f32 v18, v16;
	v18 =	vmul.f32 v21, v20;
	_ =	sdelay $0x1  }
0x1ae: {  	v16 =	vadd.f32 v18, v16;
	v17 =	vmul.f32 v22, v17;
	_ =	sdelay $0x1  }
0x1af: {  	v16 =	vadd.f32 v17, v16;
	_ =	sdelay $0x1  }
0x1b0: {  	[tilespmem:$0x82C0] =	vst v16  }
0x1b1: {  	v16 =	vld [tilespmem:s18+$0x680]  }
0x1b2: {  	v17 =	vld [tilespmem:s18+$0x4680]  }
0x1b3: {  	v18 =	vld [tilespmem:s18+$0x4690]  }
0x1b4: {  	v19 =	vld [tilespmem:s18+$0x690]  }
0x1b5: {  	v20 =	vld [tilespmem:s18+$0x6A0]  }
0x1b6: {  	v21 =	vld [tilespmem:s18+$0x46A0]  }
0x1b7: {  	v16 =	vmul.f32 v17, v16;
	v17 =	vld [tilespmem:s18+$0x6B0]  }
0x1b8: {  	v22 =	vld [tilespmem:s18+$0x46B0]  }
0x1b9: {  	v16 =	vadd.f32 $0.0e+00, v16;
	v18 =	vmul.f32 v18, v19;
	_ =	sdelay $0x1  }
0x1ba: {  	v16 =	vadd.f32 v18, v16;
	v18 =	vmul.f32 v21, v20;
	_ =	sdelay $0x1  }
0x1bb: {  	v16 =	vadd.f32 v18, v16;
	v17 =	vmul.f32 v22, v17;
	_ =	sdelay $0x1  }
0x1bc: {  	v16 =	vadd.f32 v17, v16;
	_ =	sdelay $0x1  }
0x1bd: {  	[tilespmem:$0x82D0] =	vst v16  }
0x1be: {  	v16 =	vld [tilespmem:s18+$0x700]  }
0x1bf: {  	v17 =	vld [tilespmem:s18+$0x4700]  }
0x1c0: {  	v18 =	vld [tilespmem:s18+$0x710]  }
0x1c1: {  	v19 =	vld [tilespmem:s18+$0x4710]  }
0x1c2: {  	v20 =	vld [tilespmem:s18+$0x720]  }
0x1c3: {  	v21 =	vld [tilespmem:s18+$0x4720]  }
0x1c4: {  	v16 =	vmul.f32 v17, v16;
	v17 =	vld [tilespmem:s18+$0x730]  }
0x1c5: {  	v22 =	vld [tilespmem:s18+$0x4730]  }
0x1c6: {  	v16 =	vadd.f32 $0.0e+00, v16;
	v18 =	vmul.f32 v19, v18;
	_ =	sdelay $0x1  }
0x1c7: {  	v16 =	vadd.f32 v18, v16;
	v18 =	vmul.f32 v21, v20;
	_ =	sdelay $0x1  }
0x1c8: {  	v16 =	vadd.f32 v18, v16;
	v17 =	vmul.f32 v22, v17;
	_ =	sdelay $0x1  }
0x1c9: {  	v16 =	vadd.f32 v17, v16;
	_ =	sdelay $0x1  }
0x1ca: {  	[tilespmem:$0x82E0] =	vst v16  }
0x1cb: {  	v16 =	vld [tilespmem:s18+$0x780]  }
0x1cc: {  	v17 =	vld [tilespmem:s18+$0x4780]  }
0x1cd: {  	v18 =	vld [tilespmem:s18+$0x790]  }
0x1ce: {  	v19 =	vld [tilespmem:s18+$0x4790]  }
0x1cf: {  	v20 =	vld [tilespmem:s18+$0x7A0]  }
0x1d0: {  	v21 =	vld [tilespmem:s18+$0x47A0]  }
0x1d1: {  	v16 =	vmul.f32 v17, v16;
	v17 =	vld [tilespmem:s18+$0x7B0]  }
0x1d2: {  	v22 =	vld [tilespmem:s18+$0x47B0]  }
0x1d3: {  	v16 =	vadd.f32 $0.0e+00, v16;
	v18 =	vmul.f32 v19, v18;
	_ =	sdelay $0x1  }
0x1d4: {  	v16 =	vadd.f32 v18, v16;
	v18 =	vmul.f32 v21, v20;
	_ =	sdelay $0x1  }
0x1d5: {  	v16 =	vadd.f32 v18, v16;
	v17 =	vmul.f32 v22, v17;
	_ =	sdelay $0x1  }
0x1d6: {  	v16 =	vadd.f32 v17, v16;
	_ =	sdelay $0x1  }
0x1d7: {  	[tilespmem:$0x82F0] =	vst v16  }
0x1d8: {  	v16 =	vld.idx.msk [tilespmem:v0+s10+$0x0], $0xffff  }
0x1d9: {  	v17 =	vld.idx.msk [tilespmem:v1+s10+$0x0], $0xffff  }
0x1da: {  	v18 =	vld.idx.msk [tilespmem:v2+s10+$0x0], $0xffff  }
0x1db: {  	v19 =	vld.idx.msk [tilespmem:v3+s10+$0x0], $0xffff  }
0x1dc: {  	v20 =	vld.idx.msk [tilespmem:v4+s10+$0x0], $0xffff  }
0x1dd: {  	v26 =	vld.idx.msk [tilespmem:v5+s10+$0x0], $0xffff  }
0x1de: {  	v22 =	vadd.f32 $0.0e+00, v16;
	v21 =	vld.idx.msk [tilespmem:v6+s10+$0x0], $0xffff  }
0x1df: {  	v16 =	vld.idx.msk [tilespmem:v7+s10+$0x0], $0xffff  }
0x1e0: {  	v23 =	vadd.f32 v17, v22;
	v22 =	vld.idx.msk [tilespmem:v8+s10+$0x0], $0xffff  }
0x1e1: {  	v17 =	vld.idx.msk [tilespmem:v9+s10+$0x0], $0xffff  }
0x1e2: {  	v24 =	vadd.f32 v18, v23;
	v23 =	vld.idx.msk [tilespmem:v10+s10+$0x0], $0xffff  }
0x1e3: {  	v18 =	vld.idx.msk [tilespmem:v11+s10+$0x0], $0xffff  }
.Ltmp0:
0x1e4: {  	v25 =	vadd.f32 v19, v24;
	v24 =	vld.idx.msk [tilespmem:v12+s10+$0x0], $0xffff;
	(pc) =	sbr.rel @p0 .LBB2_3-.Ltmp0, $4  }
0x1e5: {  	v19 =	vld.idx.msk [tilespmem:v13+s10+$0x0], $0xffff  }
0x1e6: {  	v27 =	vadd.f32 v20, v25;
	v25 =	vld.idx.msk [tilespmem:v14+s10+$0x0], $0xffff  }
0x1e7: {  	v20 =	vld.idx.msk [tilespmem:v15+s10+$0x0], $0xffff  }
0x1e8: {  	v26 =	vadd.f32 v26, v27  }
0x1e9: {  	_ = 	snop  }
0x1ea: {  	v21 =	vadd.f32 v21, v26;
	_ =	sdelay $0x1  }
0x1eb: {  	v16 =	vadd.f32 v16, v21;
	_ =	sdelay $0x1  }
0x1ec: {  	v16 =	vadd.f32 v22, v16;
	_ =	sdelay $0x1  }
0x1ed: {  	v16 =	vadd.f32 v17, v16;
	_ =	sdelay $0x1  }
0x1ee: {  	v16 =	vadd.f32 v23, v16;
	_ =	sdelay $0x1  }
0x1ef: {  	v16 =	vadd.f32 v18, v16;
	_ =	sdelay $0x1  }
0x1f0: {  	v16 =	vadd.f32 v24, v16;
	_ =	sdelay $0x1  }
0x1f1: {  	s14 =	sadd.s32 $0x1, s14;
	v16 =	vadd.f32 v19, v16  }
0x1f2: {  	p0 =	sne.s32 s14, $0x4  }
.Ltmp1:
0x1f3: {  	v16 =	vadd.f32 v25, v16;
	(pc) =	sbr.rel @p0 .LBB2_2-.Ltmp1, $3  }
0x1f4: {  	_ = 	snop  }
0x1f5: {  	v16 =	vadd.f32 v20, v16;
	_ =	sdelay $0x1  }
0x1f6: {  	s13 =	sadd.s32 $0x80, s13;
	[tilespmem:s15+$0x0] =	vst v16  }
0x1f7: {  	s12 =	sadd.s32 $0x1, s12  }
0x1f8: {  	p0 =	sne.s32 s12, s6  }
.Ltmp2:
0x1f9: {  	_ = 	snop;
	(pc) =	sbr.rel @p0 .LBB2_1-.Ltmp2, $4  }
0x1fa: {  	[hbm4b:s5+s2] =	stream.linear.scatter [tilespmem:s11], [sflag:$0x1], $0x200, $0x38;
	[tilespmem:$0x8300] =	vst v63  }
0x1fb: {  	_ =	swait.ge [sflag:s8], $0x200  }
0x1fc: {  	[sflag:s8] =	ssyncset.done $0x0  }
0x1fd: {  	[sflag:s8] =	ssyncadd.s32 $0xFFFFFE00  }
0x1fe: {  	_ =	sfence.sel $0x180000  }
0x1ff: {  	[bflag:$0x0] =	sbarrier.arrive $0xFFFF  }
0x200: {  	p0 =	sne.s32 s1, $0x0;
	_ =	strace $0x9000004D  }
0x201: {  	s0 =	sadd.s32 @!p0 $0x100000, s0;
	[bflag:$0x2] =	sbarrier.arrive $0xFFFF  }
0x202: {  	[sflag:s0] =	ssyncadd.tile.s32 @!p0 $0x1;
	_ =	shalt  }
.Lfunc_end2:
_tile_overlayer_lowered:
.L_overlay_start_2:
0x203: {  	(tag) =	ssettag $0x2  }
0x204: {  	s0 =	rddreg [dreg:$0x0];
	s2 =	stileid.u32  }
0x205: {  	s1 =	rddreg [dreg:$0x1];
	p0 =	sne.s32 s2, $0x0  }
0x206: {  	s3 =	rddreg [dreg:$0x2];
	[bflag:$0x3] =	sbarrier.arrive $0xFFFF;
	s2 =	simm.s32 @!p0 $0x1C01  }
0x207: {  	[timem:s3], [sflag:s2] =	dma.local @!p0 [hbm:s0], s1  }
0x208: {  	s0 =	simm.s32 @!p0 $0x1  }
0x209: {  	_ =	swait.ge @!p0 [sflag:s0], s1  }
0x20a: {  	s1 =	ssub.s32 @!p0 $0x0, s1;
	[sflag:s0] =	ssyncset.done @!p0 $0x0  }
0x20b: {  	[sflag:s0] =	ssyncadd.s32 @!p0 s1  }
0x20c: {  	[bflag:$0x3] =	sbarrier.arrive $0xFFFF  }
0x20d: {  	_ =	shalt  }

// kernel: kernel.5.cloned.1.call-start
scs
__scs_entry_jumppad:
0x0: {  	(pc) =	sbr.rel $0x88, $3  }
0x1: {  	(tag) =	ssettag $0x0;
	lr =	simm.s32 $0x1  }
0x2: {  	[smem:$0x3F9D] =	sst lr;
	_ =	strace $0xD0000000  }
0x3: {  	_ = 	snop  }
0x4: {  	_ = 	snop  }
0x5: {  	_ = 	snop  }
0x6: {  	_ = 	snop  }
0x7: {  	_ = 	snop  }
__scs_overlays_trampoline_lowered:
0x8: {  	[smem:$0x3FAC] =	sst s0  }
0x9: {  	[smem:$0x3FAD] =	sst s1  }
0xa: {  	[smem:$0x3FAE] =	sst s2  }
0xb: {  	[smem:$0x3FAF] =	sst s3  }
0xc: {  	[smem:$0x3FB0] =	sst s4  }
0xd: {  	[smem:$0x3FB1] =	sst s5  }
0xe: {  	[smem:$0x3FB2] =	sst s6  }
0xf: {  	[smem:$0x3FB3] =	sst s7  }
0x10: {  	[smem:$0x3FB4] =	sst s8  }
0x11: {  	[smem:$0x3FB5] =	sst s9;
	s0 =	simm.s32 @!p0 $0x0  }
0x12: {  	s1 =	sld [smem:$0x3F9B];
	s0 =	simm.s32 @p0 $0x1  }
0x13: {  	[smem:$0x3FB6] =	sst s0;
	s0 =	simm.s32 @!p1 $0x0  }
0x14: {  	s2 =	sld [smem:$0x3F9A];
	s0 =	simm.s32 @p1 $0x1  }
0x15: {  	[smem:$0x3FB7] =	sst s0;
	s0 =	simm.s32 @!p2 $0x0  }
0x16: {  	s3 =	sld [smem:$0x3FDB];
	s0 =	simm.s32 @p2 $0x1  }
0x17: {  	s4 =	simm.s32 $0x1BF5;
	[smem:$0x3FB9] =	sst s0  }
0x18: {  	s0 =	sld [smem:$0x3F9C];
	_ =	swait.ge [sflag:s4], $0x0  }
0x19: {  	s7 =	sld [smem:$0x3F9D]  }
0x1a: {  	s8 =	sadd.s32 $0xFFFFE003, lr  }
0x1b: {  	s9 =	sadd.s32 $0xFFFFFEF7, lr;
	s5 =	simm.s32 $0xFFFFFFFF;
	p2 =	slt.u32 s8, $0xFFFFF086  }
0x1c: {  	p1 =	slt.u32 s9, $0xF7A;
	s5 =	simm.s32 @!p2 $0x0  }
0x1d: {  	s5 =	simm.s32 @p1 $0x1;
	p0 =	seq.s32 s7, s2  }
0x1e: {  	s7 =	smul.u32 @!p0 $0xF7A, s2;
	p2 =	seq.s32 @!p0 s5, $0x0  }
0x1f: {  	s9 =	smul.u32 $0xF7A, s1;
	s8 =	simm.s32 @!p0 $0x1BF5;
	p2 =	por !p2, p0  }
0x20: {  	[sflag:s8] =	ssyncset.s32 @!p0 $0xFFFFF086;
	s6 =	sadd.s32 @!p0 s3, s7;
	s7 =	simm.s32 @!p0 $0x108  }
0x21: {  	s3 =	sadd.s32 s3, s9;
	s6 =	sadd.s32 @!p0 $0x88, s6;
	s7 =	simm.s32 @p2 $0x1082  }
0x22: {  	[simem:s7], [sflag:s8] =	dma.local @!p0 [hbm:s6], $0xF7A  }
0x23: {  	s9 =	sor.u32 $0xD0000000, s2;
	s6 =	simm.s32 $0x108;
	_ =	swait.ge @!p0 [sflag:s8], $0x0  }
0x24: {  	s3 =	sadd.s32 $0x88, s3;
	s6 =	simm.s32 @!p1 $0x1082;
	[sflag:s4] =	ssyncset.s32 $0xFFFFF086  }
0x25: {  	[simem:s6], [sflag:s4] =	dma.local [hbm:s3], $0xF7A  }
0x26: {  	[smem:$0x3F9D] =	sst s1;
	(tag) =	ssettag s2;
	_ =	strace s9  }
0x27: {  	s1 =	sld [smem:$0x3FAD]  }
0x28: {  	s2 =	sld [smem:$0x3FAE]  }
0x29: {  	s4 =	sld [smem:$0x3FB0]  }
0x2a: {  	p0 =	seq.s32 s5, $0x0;
	s5 =	sld [smem:$0x3FB1]  }
0x2b: {  	s6 =	sld [smem:$0x3FB2]  }
0x2c: {  	s7 =	sld [smem:$0x3FB3]  }
0x2d: {  	s3 =	simm.s32 $0x108;
	s8 =	sld [smem:$0x3FB4]  }
0x2e: {  	s3 =	simm.s32 @!p0 $0x1082;
	s9 =	sld [smem:$0x3FB5]  }
0x2f: {  	lr =	sadd.s32 s0, s3;
	s0 =	sld [smem:$0x3FAC]  }
0x30: {  	s3 =	sld [smem:$0x3FAF]  }
0x31: {  	[smem:$0x3FB8] =	sst s10  }
0x32: {  	s10 =	sld [smem:$0x3FB6];
	_ =	sdelay $0x3  }
0x33: {  	p0 =	seq.s32 s10, $0x1;
	s10 =	sld [smem:$0x3FB8];
	_ =	sdelay $0x3  }
0x34: {  	[smem:$0x3FB8] =	sst s10  }
0x35: {  	s10 =	sld [smem:$0x3FB7];
	_ =	sdelay $0x3  }
0x36: {  	p1 =	seq.s32 s10, $0x1;
	s10 =	sld [smem:$0x3FB8];
	_ =	sdelay $0x3  }
0x37: {  	[smem:$0x3FB8] =	sst s10  }
0x38: {  	s10 =	sld [smem:$0x3FB9]  }
0x39: {  	_ = 	snop;
	(pc) =	sbr.ind lr, $3  }
0x3a: {  	_ = 	snop  }
0x3b: {  	_ = 	snop  }
0x3c: {  	p2 =	seq.s32 s10, $0x1;
	s10 =	sld [smem:$0x3FB8]  }
0x3d: {  	_ =	shalt  }
0x3e: {  	_ =	shalt  }
0x3f: {  	_ =	shalt  }
0x40: {  	_ =	shalt  }
0x41: {  	_ =	shalt  }
0x42: {  	_ =	shalt  }
0x43: {  	_ =	shalt  }
0x44: {  	_ =	shalt  }
0x45: {  	_ =	shalt  }
0x46: {  	_ =	shalt  }
0x47: {  	_ =	shalt  }
0x48: {  	_ =	shalt  }
0x49: {  	_ =	shalt  }
0x4a: {  	_ =	shalt  }
0x4b: {  	_ =	shalt  }
0x4c: {  	_ =	shalt  }
0x4d: {  	_ =	shalt  }
0x4e: {  	_ =	shalt  }
0x4f: {  	_ =	shalt  }
0x50: {  	_ =	shalt  }
0x51: {  	_ =	shalt  }
0x52: {  	_ =	shalt  }
0x53: {  	_ =	shalt  }
0x54: {  	_ =	shalt  }
0x55: {  	_ =	shalt  }
0x56: {  	_ =	shalt  }
0x57: {  	_ =	shalt  }
0x58: {  	_ =	shalt  }
0x59: {  	_ =	shalt  }
0x5a: {  	_ =	shalt  }
0x5b: {  	_ =	shalt  }
0x5c: {  	_ =	shalt  }
0x5d: {  	_ =	shalt  }
0x5e: {  	_ =	shalt  }
0x5f: {  	_ =	shalt  }
0x60: {  	_ =	shalt  }
0x61: {  	_ =	shalt  }
0x62: {  	_ =	shalt  }
0x63: {  	_ =	shalt  }
0x64: {  	_ =	shalt  }
0x65: {  	_ =	shalt  }
0x66: {  	_ =	shalt  }
0x67: {  	_ =	shalt  }
0x68: {  	_ =	shalt  }
0x69: {  	_ =	shalt  }
0x6a: {  	_ =	shalt  }
0x6b: {  	_ =	shalt  }
0x6c: {  	_ =	shalt  }
0x6d: {  	_ =	shalt  }
0x6e: {  	_ =	shalt  }
0x6f: {  	_ =	shalt  }
0x70: {  	_ =	shalt  }
0x71: {  	_ =	shalt  }
0x72: {  	_ =	shalt  }
0x73: {  	_ =	shalt  }
0x74: {  	_ =	shalt  }
0x75: {  	_ =	shalt  }
0x76: {  	_ =	shalt  }
0x77: {  	_ =	shalt  }
0x78: {  	_ =	shalt  }
0x79: {  	_ =	shalt  }
0x7a: {  	_ =	shalt  }
0x7b: {  	_ =	shalt  }
0x7c: {  	_ =	shalt  }
0x7d: {  	_ =	shalt  }
0x7e: {  	_ =	shalt  }
0x7f: {  	_ =	shalt  }
0x80: {  	_ =	shalt  }
0x81: {  	_ =	shalt  }
0x82: {  	_ =	shalt  }
0x83: {  	_ =	shalt  }
0x84: {  	_ =	shalt  }
0x85: {  	_ =	shalt  }
0x86: {  	_ =	shalt  }
0x87: {  	_ =	shalt  }
.Lfunc_end0:
.L_simem_size_0:
called_computation_lowered:
.L_overlay_start_0:
0x88: {  	s2 =	sld [smem:$0x3FD9]  }
0x89: {  	s3 =	sld [smem:$0x3FFE];
	_ =	sdelay $0x1  }
0x8a: {  	s1 =	srdreg.scid  }
0x8b: {  	s0 =	sand.u32 $0x1, s1  }
0x8c: {  	s17 =	sshll.u32 s0, $0xA;
	s2 =	sadd.s32 s3, s2  }
0x8d: {  	s2 =	sadd.s32 s2, s17  }
0x8e: {  	[smem:$0x3FC4] =	sst s2  }
0x8f: {  	_ = 	snop  }
0x90: {  	s2 =	sld [smem:$0x3FC9]  }
0x91: {  	s18 =	sld [smem:$0x3FC7];
	(tm) =	ssettm $0x1  }
0x92: {  	s4 =	sld [smem:$0x3FFB];
	_ =	sdelay $0x3  }
0x93: {  	_ =	strace s4  }
0x94: {  	s4 =	sld [smem:$0x3FFC];
	_ =	sdelay $0x3  }
0x95: {  	_ =	strace s4  }
0x96: {  	s4 =	sld [smem:$0x3FFD];
	_ =	sdelay $0x3  }
0x97: {  	_ =	strace s4  }
0x98: {  	_ =	strace $0x8FFFFFFF  }
0x99: {  	s19 =	sld [smem:$0x3FDB];
	_ =	sdelay $0x1  }
0x9a: {  	s5 =	simm.s32 $_scs_section_size  }
0x9b: {  	s6 =	simm.s32 $_size__tile_overlayer_lowered;
	s7 =	simm.s32 $_tile_overlayer_lowered  }
0x9c: {  	s22 =	simm.s32 $0x1BFF;
	s21 =	sshll.u32 s7, $0x1;
	s4 =	sadd.s32 s5, s19  }
0x9d: {  	s8 =	simm.s32 $0x0;
	s20 =	sshll.u32 s6, $0x1;
	s6 =	sadd.s32 s21, s4  }
0x9e: {  	[timem:s8], [sflag:s22] =	dma.local [hbm:s6], s20  }
0x9f: {  	_ =	swait.ge [sflag:s22], s20  }
0xa0: {  	s5 =	ssub.s32 $0x0, s20;
	[sflag:s22] =	ssyncset.done $0x0  }
0xa1: {  	[sflag:s22] =	ssyncadd.s32 s5;
	_ =	sdelay $0x1  }
0xa2: {  	s23 =	simm.s32 $0x1B8B  }
0xa3: {  	_ =	swait.ge [sflag:s23], $0x1  }
0xa4: {  	[sflag:s23] =	ssyncset.done $0x0  }
0xa5: {  	s25 =	simm.s32 $0x1B8E;
	s24 =	sld [smem:$0x3FFE];
	[sflag:s23] =	ssyncadd.s32 $0xFFFFFFFF  }
0xa6: {  	s26 =	simm.s32 $execute0_lowered;
	[smem:$0x3FD2] =	sst s25  }
0xa7: {  	s6 =	sshll.u32 s26, $0x1;
	_ =	strace $0x80000046;
	[dreg:$0x1] =	wrdreg $0xFFFFFFFF  }
0xa8: {  	s28 =	simm.s32 $_size_execute0_lowered;
	s4 =	sadd.s32 s4, s6;
	[dreg:$0x0] =	wrdreg $0x0  }
0xa9: {  	s6 =	sshll.u32 s28, $0x1;
	[dreg:$0x2] =	wrdreg s4  }
0xaa: {  	[dreg:$0x3] =	wrdreg s6  }
0xab: {  	[dreg:$0x4] =	wrdreg $0xC0  }
0xac: {  	_ =	task [dreg:s8], $0x5FFFF  }
0xad: {  	[dreg:$0x1] =	wrdreg $0xFFFFFFFF  }
0xae: {  	[dreg:$0x0] =	wrdreg $0x60  }
0xaf: {  	[dreg:$0x2] =	wrdreg s2  }
0xb0: {  	[dreg:$0x3] =	wrdreg s18  }
0xb1: {  	[dreg:$0x4] =	wrdreg s24  }
0xb2: {  	[dreg:$0x5] =	wrdreg $0x9  }
0xb3: {  	_ =	task.clear_ibuf [dreg:s8], $0x6FFFF;
	_ =	strace $0x90000046  }
0xb4: {  	s29 =	simm.s32 $0x9;
	_ =	strace $0x80000048  }
0xb5: {  	_ =	swait.ge [sflag:s29], $0x1  }
0xb6: {  	[sflag:s29] =	ssyncadd.s32 $0xFFFFFFFF  }
0xb7: {  	_ =	strace $0x90000048  }
0xb8: {  	_ =	sfence  }
0xb9: {  	s30 =	sld [smem:$0x0];
	_ =	sdelay $0x2  }
0xba: {  	s31 =	sshll.u32 s1, $0xD;
	s1 =	sshrl.u32 s1, $0x2  }
0xbb: {  	s3 =	sand.u32 $0x4000, s31;
	s1 =	sadd.s32 s1, s30  }
0xbc: {  	s0 =	sor.u32 s3, s0;
	s1 =	sshll.u32 s1, $0x11  }
0xbd: {  	s0 =	sor.u32 s1, s0  }
0xbe: {  	s0 =	sadd.s32 $0x8F2B, s0  }
0xbf: {  	[sflag:s0] =	ssyncadd.remote.s32 $0x1  }
0xc0: {  	_ =	sfence.sel $0xFFFF  }
0xc1: {  	[dreg:$0x0] =	wrdreg $0xFFFFFFFF;
	(pc) =	sbr.abs _section_cstart, $3  }
0xc2: {  	[dreg:$0x1] =	wrdreg $0xFFFFFFFF  }
0xc3: {  	_ =	task.clear_ibuf [dreg:s8], $0x2FFFF;
	_ =	strace $0x9FFFFFFF  }
0xc4: {  	(tm) =	ssettm $0x7FFFFFFF  }
0xc5: {  	_ =	shalt  }
tec
execute0_lowered:
.L_overlay_start_1:
0x0: {  	(tag) =	ssettag $0x1  }
0x1: {  	v0 =	vimm.s32 $0x1380;
	vm15 =	vcmask $0x300  }
0x2: {  	vm14 =	vcmask $0x704;
	vm11 =	vcmask $0xB08;
	vm12 =	vcmask $0xF0C  }
0x3: {  	vm13 =	vcmask $0x1310;
	vm10 =	vcmask $0x1714;
	vm9 =	vcmask $0x1B18  }
0x4: {  	vm8 =	vcmask $0x1F1C;
	vm7 =	vcmask $0x2320;
	vm6 =	vcmask $0x2724  }
0x5: {  	vm5 =	vcmask $0x2B28;
	vm4 =	vcmask $0x2F2C;
	vm3 =	vcmask $0x3330  }
0x6: {  	vm2 =	vcmask $0x3734;
	vm1 =	vcmask $0x3B38;
	vm0 =	vmxor vm0, vm0  }
0x7: {  	v7 =	vimm.s32 $0x3380;
	v8 =	vimm.s32 $0x5380;
	v9 =	vimm.s32 $0x7380  }
0x8: {  	v0 =	vsel vm15, $0x0, v0;
	v7 =	vsel vm15, $0x2000, v7;
	v8 =	vsel vm15, $0x4000, v8  }
0x9: {  	v9 =	vsel vm15, $0x6000, v9;
	v0 =	vsel vm14, $0x80, v0;
	v7 =	vsel vm14, $0x2080, v7  }
0xa: {  	v8 =	vsel vm14, $0x4080, v8;
	v9 =	vsel vm14, $0x6080, v9;
	v0 =	vsel vm11, $0x100, v0  }
0xb: {  	v7 =	vsel vm11, $0x2100, v7;
	v8 =	vsel vm11, $0x4100, v8;
	v9 =	vsel vm11, $0x6100, v9  }
0xc: {  	s0 =	srdreg.scid;
	s8 =	stileid.u32;
	v0 =	vsel vm12, $0x180, v0;
	v7 =	vsel vm12, $0x2180, v7;
	v8 =	vsel vm12, $0x4180, v8  }
0xd: {  	s2 =	sand.u32 $0x1, s0;
	s28 =	sshll.u32 s8, $0x1;
	v9 =	vsel vm12, $0x6180, v9;
	v0 =	vsel vm13, $0x200, v0;
	v7 =	vsel vm13, $0x2200, v7  }
0xe: {  	s0 =	sor.u32 s2, s28;
	v8 =	vsel vm13, $0x4200, v8;
	v9 =	vsel vm13, $0x6200, v9;
	v0 =	vsel vm10, $0x280, v0  }
0xf: {  	s1 =	smul.u32 $0xF5, s0;
	v7 =	vsel vm10, $0x2280, v7;
	v8 =	vsel vm10, $0x4280, v8;
	v9 =	vsel vm10, $0x6280, v9  }
0x10: {  	v0 =	vsel vm9, $0x300, v0;
	v7 =	vsel vm9, $0x2300, v7;
	v8 =	vsel vm9, $0x4300, v8  }
0x11: {  	s3 =	smul.u32 $0xFFFF8580, s0;
	s4 =	ssub.s32 $0x1E85, s1;
	v9 =	vsel vm9, $0x6300, v9;
	v0 =	vsel vm8, $0x380, v0;
	v7 =	vsel vm8, $0x2380, v7  }
0x12: {  	s4 =	smin.u32 s4, $0xF5;
	v8 =	vsel vm8, $0x4380, v8;
	v9 =	vsel vm8, $0x6380, v9;
	v1 =	vsel vm7, $0x1000, v0  }
0x13: {  	s29 =	sshll.u32 s4, $0x7;
	v0 =	vmov s3;
	v7 =	vsel vm7, $0x3000, v7;
	v8 =	vsel vm7, $0x5000, v8  }
0x14: {  	v9 =	vsel vm7, $0x7000, v9;
	v2 =	vsel vm6, $0x1080, v1;
	v1 =	vmov s29  }
0x15: {  	s6 =	rddreg [dreg:$0x2];
	s5 =	simm.s32 $0x0;
	v7 =	vsel vm6, $0x3080, v7;
	v8 =	vsel vm6, $0x5080, v8;
	v9 =	vsel vm6, $0x7080, v9  }
0x16: {  	s11 =	simm.s32 $0x4;
	s15 =	simm.s32 $0x3;
	s8 =	smul.u32 $0xFFFFFE16, s8;
	v3 =	vsel vm5, $0x1100, v2;
	v2 =	vlaneseq.u32;
	v7 =	vsel vm5, $0x3100, v7  }
0x17: {  	s16 =	simm.s32 $0x0;
	s7 =	smul.u32 $0xFFFFFF0B, s2;
	s2 =	ssub.s32 $0x2, s2;
	v8 =	vsel vm5, $0x5100, v8;
	v9 =	vsel vm5, $0x7100, v9;
	v4 =	vsel vm4, $0x1180, v3  }
0x18: {  	[smem:$0x7FF] =	sst s5;
	s6 =	sadd.s32 $0xC00, s6;
	s30 =	sshrl.u32 s2, $0x1;
	v3 =	vmul.u32 $0x8000, v2;
	v7 =	vsel vm4, $0x3180, v7;
	v8 =	vsel vm4, $0x5180, v8  }
.Ltmp0:
0x19: {  	s7 =	sadd.s32 s8, s7;
	s2 =	ssub.s32 s2, s30;
	v9 =	vsel vm4, $0x7180, v9;
	v5 =	vsel vm3, $0x1200, v4;
	v4 =	vor.u32 $0x40000000, v2;
	(pc) =	sbr.rel .LBB2_1-.Ltmp0, $4  }
0x1a: {  	s0 =	smul.u32 $0x7A80, s0;
	s7 =	sadd.s32 $0x1E85, s7;
	s10 =	smax.u32 s2, $0x1;
	v7 =	vsel vm3, $0x3200, v7;
	v8 =	vsel vm3, $0x5200, v8;
	v9 =	vsel vm3, $0x7200, v9  }
0x1b: {  	s9 =	smin.u32 s7, $0xF5;
	s4 =	sadd.s32 $0x3, s4;
	s3 =	rddreg [dreg:$0x1];
	v6 =	vsel vm2, $0x1280, v5;
	v5 =	vimm.s32 $0xFFFFFFFF;
	v7 =	vsel vm2, $0x3280, v7  }
0x1c: {  	s31 =	sadd.s32 $0x3, s9;
	s7 =	sshrl.u32 s4, $0x2;
	s0 =	sadd.s32 s3, s0;
	v8 =	vsel vm2, $0x5280, v8;
	v9 =	vsel vm2, $0x7280, v9;
	v6 =	vsel vm1, $0x1300, v6  }
0x1d: {  	s9 =	sshrl.u32 s31, $0x2;
	_ =	strace $0x80000047;
	[dreg:$0x4] =	wrdreg s0;
	v7 =	vsel vm1, $0x3300, v7;
	v8 =	vsel vm1, $0x5300, v8;
	v9 =	vsel vm1, $0x7300, v9  }
.LBB2_21:
0x1e: {  	[sflag:s15] =	ssyncadd.s32 $0xFFFFC000  }
.LBB2_22:
0x1f: {  	s16 =	sadd.s32 $0x1, s16  }
0x20: {  	p0 =	sne.s32 s16, s10  }
.Ltmp1:
0x21: {  	_ = 	snop;
	(pc) =	sbr.rel @!p0 .LBB2_23-.Ltmp1, $1  }
0x22: {  	_ =	sdelay $0x3  }
.LBB2_1:
0x23: {  	[smem:$0x0] =	sst s5  }
0x24: {  	s0 =	rddreg [dreg:$0x0]  }
0x25: {  	[smem:$0x1] =	sst s5  }
0x26: {  	[tilespmem:s5], [sflag:$0x4] =	stream.linear.gather [hbm4b:s0+s5], $0x4000, $0x38;
	[tilespmem:$0x1C580] =	vst v63  }
0x27: {  	[smem:$0x2] =	sst s5  }
0x28: {  	_ =	swait.ge [sflag:s11], $0x4000  }
0x29: {  	[sflag:s11] =	ssyncset.done $0x0  }
0x2a: {  	[sflag:s11] =	ssyncadd.s32 $0xFFFFC000  }
0x2b: {  	v10 =	vld [tilespmem:s5+$0x0];
	_ =	sdelay $0x4  }
0x2c: {  	v10 =	vadd.s32 v0, v10  }
0x2d: {  	vm1 =	vgt.s32 v10, $0xFFFFFFFF;
	vm2 =	vlt.s32 v10, v1  }
0x2e: {  	vm1 =	vmand vm1, vm2  }
0x2f: {  	v12 =	vmpcnt.ones.xlane vm1;
	_ =	sdelay $0x1  }
0x30: {  	(v2sf) =	vpush v12, $0x0  }
0x31: {  	v11 =	vmov s5  }
0x32: {  	v11 =	vshll.u32 v11, $0xF  }
0x33: {  	v11 =	vor.u32 v3, v11;
	v10 =	vand.u32 $0x7FFF, v10  }
0x34: {  	v10 =	vor.u32 v11, v10  }
0x35: {  	s0 =	simm.s32 $0x10;
	[tilespmem:s5+$0x4000] =	vst.msk vm1, v10  }
0x36: {  	s4 =	simm.s32 $0x20;
	s2 =	simm.s32 $0x0;
	s8 =	simm.s32 $0x10;
	v10 =	vld [tilespmem:s0+$0x0]  }
.LBB2_2:
0x37: {  	p0 =	sne.s32 s4, $0x3FF0;
	_ =	sdelay $0x3  }
0x38: {  	v10 =	vadd.s32 v0, v10  }
0x39: {  	vm1 =	vgt.s32 v10, $0xFFFFFFFF;
	vm2 =	vlt.s32 v10, v1;
	v10 =	vand.u32 $0x7FFF, v10  }
0x3a: {  	v11 =	vmov s0;
	s0 =	smov.u32 s4;
	vm1 =	vmand vm1, vm2  }
0x3b: {  	v11 =	vshll.u32 v11, $0xF;
	v12 =	vmpcnt.ones.xlane vm1  }
0x3c: {  	v11 =	vor.u32 v3, v11;
	s12 =	spop (v2sf)  }
0x3d: {  	v10 =	vor.u32 v11, v10;
	(v2sf) =	vpush v12, $0x0;
	s2 =	sadd.s32 s2, s12  }
0x3e: {  	[tilespmem:s2+$0x4000] =	vst.msk vm1, v10  }
.Ltmp2:
0x3f: {  	(pc) =	sbr.rel @p0 .LBB2_2-.Ltmp2, $3  }
0x40: {  	_ =	sdelay $0x1  }
0x41: {  	s8 =	sadd.s32 $0x10, s8  }
0x42: {  	s4 =	sadd.s32 $0x10, s4;
	v10 =	vld [tilespmem:s8+$0x0]  }
0x43: {  	_ =	sdelay $0x3  }
0x44: {  	v10 =	vadd.s32 v0, v10  }
0x45: {  	vm1 =	vgt.s32 v10, $0xFFFFFFFF;
	vm2 =	vlt.s32 v10, v1  }
0x46: {  	vm1 =	vmand vm1, vm2  }
0x47: {  	v11 =	vmpcnt.ones.xlane vm1;
	_ =	sdelay $0x1  }
0x48: {  	(v2sf) =	vpush v11, $0x0;
	_ =	sdelay $0xd  }
0x49: {  	s4 =	spop (v2sf)  }
0x4a: {  	s4 =	sadd.s32 s2, s4;
	s30 =	spop (v2sf)  }
0x4b: {  	s2 =	sadd.s32 s4, s30  }
0x4c: {  	v11 =	vmov s0;
	s31 =	ssub.s32 $0x0, s2  }
0x4d: {  	s8 =	simm.s32 $0x0;
	v12 =	vand.u32 $0x7FFF, v10;
	v10 =	vshll.u32 v11, $0xF;
	s0 =	sand.u32 $0x7F, s31  }
0x4e: {  	v13 =	vor.u32 s8, v2;
	v11 =	vor.u32 v3, v10;
	v10 =	vmov s0  }
0x4f: {  	v63 =	vor.u32 s8, v4;
	v11 =	vor.u32 v11, v12;
	vm2 =	vlt.u32 v13, v10  }
0x50: {  	[tilespmem:s4+$0x4000] =	vst.msk vm1, v11;
	s4 =	sadd.s32 $0x4000, s2;
	v11 =	vnsel vm2, $0xFFFFFFFF, v63  }
0x51: {  	s8 =	simm.s32 $0x10;
	[tilespmem:s4+$0x0] =	vst v11  }
.LBB2_4:
0x52: {  	p0 =	sne.s32 s8, $0x70  }
.Ltmp3:
0x53: {  	_ = 	snop;
	(pc) =	sbr.rel @p0 .LBB2_4-.Ltmp3, $4  }
0x54: {  	v11 =	vor.u32 s8, v2;
	s12 =	smov.u32 s8  }
0x55: {  	v12 =	vor.u32 s12, v4;
	vm1 =	vlt.u32 v11, v10  }
0x56: {  	s4 =	sadd.s32 $0x10, s4;
	v11 =	vnsel vm1, $0xFFFFFFFF, v12  }
0x57: {  	s8 =	sadd.s32 $0x10, s8;
	[tilespmem:s4+$0x0] =	vst v11  }
0x58: {  	s0 =	sadd.s32 s2, s0  }
0x59: {  	s28 =	rddreg [dreg:$0x4];
	s29 =	simm.s32 $0x1000;
	s2 =	sadd.s32 $0xF, s0  }
0x5a: {  	s30 =	simm.s32 $0x7A1400;
	s31 =	simm.s32 $0x4480;
	[tilespmem:s0+$0x4000] =	vst v5;
	s4 =	sand.u32 $0xF, s2  }
0x5b: {  	[tilespmem:s31], [sflag:$0x1] =	stream.strided.gather [hbm4b:s28+s29], $0x8000, s30, s29, $0x38;
	[tilespmem:$0x1C580] =	vst v63  }
0x5c: {  	s8 =	sshra.s32 s2, $0x1F;
	p0 =	slt.s32 s2, $0x1;
	p1 =	sne.s32 s4, $0x0  }
.Ltmp4:
0x5d: {  	s26 =	sshrl.u32 s8, $0x1C;
	p0 =	por !p0, !p1;
	(pc) =	sbr.rel .LBB2_7-.Ltmp4, $4  }
0x5e: {  	s4 =	simm.s32 $0x1;
	s2 =	sadd.s32 s26, s2;
	p0 =	por !p0, !p0  }
0x5f: {  	s2 =	sshra.s32 s2, $0x4;
	s4 =	simm.s32 @!p0 $0x0  }
0x60: {  	s25 =	simm.s32 $0x0;
	s23 =	simm.s32 $0x0;
	s17 =	ssub.s32 s2, s4  }
0x61: {  	s18 =	simm.s32 $0x0;
	s2 =	simm.s32 $0x0;
	p0 =	slt.s32 s17, $0x1  }
.LBB2_6:
0x62: {  	p1 =	seq.s32 s18, s9  }
.Ltmp5:
0x63: {  	_ = 	snop;
	(pc) =	sbr.rel @p1 .LBB2_18-.Ltmp5, $1  }
0x64: {  	_ =	sdelay $0x3  }
.LBB2_7:
0x65: {  	s0 =	smov.u32 s18;
	s18 =	sadd.s32 $0x1, s18  }
0x66: {  	s4 =	sand.u32 $0x1, s0;
	p2 =	sge.u32 s18, s7  }
0x67: {  	p1 =	sne.s32 @!p2 s4, $0x0  }
0x68: {  	p1 =	por p1, p2  }
0x69: {  	s8 =	sshll.u32 @!p1 s18, $0x2  }
0x6a: {  	s8 =	sadd.s32 @!p1 s1, s8  }
0x6b: {  	s8 =	smin.u32 @!p1 s8, $0x1E81  }
0x6c: {  	s12 =	simm.s32 @!p1 $0x1000;
	s8 =	sshll.u32 @!p1 s8, $0x7  }
0x6d: {  	s13 =	simm.s32 @!p1 $0x7A1400;
	s14 =	simm.s32 @!p1 $0xC480;
	s8 =	sadd.s32 @!p1 s3, s8  }
0x6e: {  	[tilespmem:s14], [sflag:$0x2] =	stream.strided.gather @!p1 [hbm4b:s8+s12], $0x8000, s13, s12, $0x38;
	[tilespmem:$0x1C580] =	vst v63  }
0x6f: {  	p1 =	seq.s32 s4, $0x1  }
0x70: {  	p2 =	por !p1, p2  }
0x71: {  	s8 =	sshll.u32 @!p2 s18, $0x2  }
0x72: {  	s8 =	sadd.s32 @!p2 s1, s8  }
0x73: {  	s8 =	smin.u32 @!p2 s8, $0x1E81  }
0x74: {  	s12 =	simm.s32 @!p2 $0x1000;
	s8 =	sshll.u32 @!p2 s8, $0x7  }
0x75: {  	s13 =	simm.s32 @!p2 $0x7A1400;
	s14 =	simm.s32 @!p2 $0x4480;
	s8 =	sadd.s32 @!p2 s3, s8  }
0x76: {  	[tilespmem:s14], [sflag:$0x1] =	stream.strided.gather @!p2 [hbm4b:s8+s12], $0x8000, s13, s12, $0x38;
	[tilespmem:$0x1C580] =	vst v63  }
0x77: {  	p2 =	sne.s32 s4, $0x0  }
0x78: {  	s8 =	simm.s32 @!p2 $0x1  }
0x79: {  	_ =	swait.ge @!p2 [sflag:s8], $0x8000  }
.Ltmp6:
0x7a: {  	[sflag:s8] =	ssyncset.done @!p2 $0x0;
	(pc) =	sbr.rel @p0 .LBB2_6-.Ltmp6, $4  }
0x7b: {  	[sflag:s8] =	ssyncadd.s32 @!p2 $0xFFFF8000;
	s8 =	simm.s32 @p1 $0x2  }
0x7c: {  	_ =	swait.ge @p1 [sflag:s8], $0x8000  }
0x7d: {  	[sflag:s8] =	ssyncset.done @p1 $0x0  }
0x7e: {  	[sflag:s8] =	ssyncadd.s32 @p1 $0xFFFF8000  }
0x7f: {  	s8 =	sshll.u32 s0, $0x2  }
.Ltmp7:
0x80: {  	s8 =	sadd.s32 s1, s8;
	(pc) =	sbr.rel .LBB2_9-.Ltmp7, $4  }
0x81: {  	p1 =	slt.s32 s8, $0x1E81  }
0x82: {  	s8 =	simm.s32 @!p1 $0x1E81  }
0x83: {  	vm1 =	vmmov vm0;
	s4 =	sshll.u32 s4, $0xF;
	p1 =	seq.s32 s0, $0x0;
	s8 =	ssub.s32 s1, s8  }
0x84: {  	v10 =	vmov s0;
	s21 =	simm.s32 $0x0;
	s20 =	sor.u32 $0x4480, s4;
	vm1 =	vmneg @p1 vm1;
	s19 =	sshll.u32 s8, $0x7  }
.LBB2_11:
0x85: {  	s22 =	smov.u32 s4;
	s31 =	smov.u32 s23  }
.LBB2_16:
0x86: {  	s24 =	simm.s32 @!p5 $0x3;
	[tilespmem:s12+$0x1C480] =	vst @p3 v15;
	p2 =	por p2, !p3  }
0x87: {  	[hbm4b:s6+s14] =	stream.indirect.scatter @!p2 [tilespmem:s8], [sflag:$0x3], $0x80, s13, s14, $0xb8;
	[tilespmem:$0x1C580] =	vst v63  }
0x88: {  	_ =	swait.ge @!p5 [sflag:s24], $0x4000  }
0x89: {  	[sflag:s24] =	ssyncset.done @!p5 $0x0  }
0x8a: {  	[sflag:s24] =	ssyncadd.s32 @!p5 $0xFFFFC000  }
0x8b: {  	v11 =	vld.idx.msk [tilespmem:v14+s20+$0x0], $0xffff  }
0x8c: {  	v61 =	vadd.s32 v7, v12  }
0x8d: {  	s8 =	sadd.s32 @p3 $0x80, s22  }
0x8e: {  	s4 =	smov.u32 @p3 s8  }
0x8f: {  	s4 =	sand.u32 $0x7F80, s4  }
0x90: {  	[tilespmem:s4+$0x14480] =	vst v11  }
0x91: {  	v11 =	vld.idx.msk [tilespmem:v61+s20+$0x0], $0xffff  }
0x92: {  	v62 =	vadd.s32 v8, v12;
	_ =	sdelay $0x3  }
0x93: {  	[tilespmem:s4+$0x14490] =	vst v11  }
0x94: {  	v11 =	vld.idx.msk [tilespmem:v62+s20+$0x0], $0xffff  }
0x95: {  	v63 =	vadd.s32 v9, v12;
	_ =	sdelay $0x3  }
0x96: {  	[tilespmem:s4+$0x144A0] =	vst v11  }
0x97: {  	v11 =	vld.idx.msk [tilespmem:v63+s20+$0x0], $0xffff;
	_ =	sdelay $0x4  }
0x98: {  	s29 =	sand.u32 $0xF0, s31;
	[tilespmem:s4+$0x144B0] =	vst v11  }
0x99: {  	v11 =	vld [tilespmem:s29+$0x1C480]  }
0x9a: {  	s23 =	sadd.s32 $0x1, s23;
	s12 =	smov.u32 s25;
	p2 =	sne.s32 s30, $0x7F  }
0x9b: {  	s14 =	sand.u32 $0x80, s31;
	s13 =	sadd.s32 @!p2 $0x1, s2;
	s4 =	sadd.s32 @!p5 $0x1, s25  }
0x9c: {  	[smem:$0x2] =	sst @!p5 s4;
	s12 =	smov.u32 @p4 s4;
	s4 =	sshll.u32 @!p2 s14, $0x7  }
0x9d: {  	vm2 =	veq.s32 v13, v2;
	[smem:$0x0] =	sst s23;
	s4 =	sadd.s32 @!p2 $0x14480, s4;
	s12 =	smov.u32 @p1 s25  }
0x9e: {  	[smem:$0x1] =	sst @!p2 s13;
	s13 =	smov.u32 @p2 s2;
	s25 =	smov.u32 s12;
	v11 =	vsel vm2, s0, v11  }
0x9f: {  	s2 =	smov.u32 s13;
	s0 =	sadd.s32 @!p2 $0x1C480, s14;
	s14 =	simm.s32 @!p2 $0x80;
	[tilespmem:s29+$0x1C480] =	vst v11  }
0xa0: {  	[hbm4b:s6+s14] =	stream.indirect.scatter @!p2 [tilespmem:s4], [sflag:$0x3], $0x80, s0, s14, $0xb8;
	[tilespmem:$0x1C580] =	vst v63  }
.LBB2_17:
0xa1: {  	s21 =	sadd.s32 $0x1, s21  }
0xa2: {  	p1 =	seq.s32 s21, s17  }
.Ltmp8:
0xa3: {  	_ = 	snop;
	(pc) =	sbr.rel @p1 .LBB2_6-.Ltmp8, $1  }
0xa4: {  	_ =	sdelay $0x3  }
.LBB2_9:
0xa5: {  	s0 =	sshll.u32 s21, $0x6  }
0xa6: {  	s0 =	sshra.s32 s0, $0x2  }
0xa7: {  	v11 =	vld [tilespmem:s0+$0x4000];
	_ =	sdelay $0x4  }
0xa8: {  	v12 =	vshrl.u32 v11, $0x9  }
0xa9: {  	vm2 =	vgt.s32 v11, $0x3FFFFFFF;
	v12 =	vand.u32 $0x3F, v12  }
0xaa: {  	vm2 =	vmand vm1, vm2;
	vm3 =	veq.s32 v12, v10  }
0xab: {  	vm2 =	vmor vm2, vm3;
	vm3 =	vgt.s32 v11, $0xFFFFFFFF  }
0xac: {  	vm2 =	vmand vm3, vm2  }
0xad: {  	v63 =	vmpcnt.ones.xlane vm2;
	_ =	sdelay $0x1  }
0xae: {  	(v2sf) =	vpush v63, $0x0;
	_ =	sdelay $0xe  }
0xaf: {  	s0 =	spop (v2sf)  }
0xb0: {  	p1 =	slt.s32 s0, $0x1  }
.Ltmp9:
0xb1: {  	_ = 	snop;
	(pc) =	sbr.rel @p1 .LBB2_17-.Ltmp9, $1  }
0xb2: {  	_ =	sdelay $0x3  }
0xb3: {  	v12 =	vmctz.xlane vm2;
	_ =	sdelay $0x1  }
0xb4: {  	v13 =	vadd.s32 $0x10, v12  }
0xb5: {  	v13 =	vperm.xlane v11, v13;
	_ =	sdelay $0x1  }
0xb6: {  	(v2sf) =	vpush v13, $0x0;
	_ =	sdelay $0xe  }
0xb7: {  	s8 =	spop (v2sf)  }
0xb8: {  	s4 =	sand.u32 $0x7FFF, s8  }
0xb9: {  	s12 =	sadd.s32 $0xFFFFFFFF, s0;
	p3 =	sgt.s32 s8, $0x3FFFFFFF;
	s13 =	sadd.s32 s19, s4  }
0xba: {  	p2 =	sne.s32 s12, $0x0;
	s13 =	simm.s32 @p3 $0x0  }
.Ltmp10:
0xbb: {  	v13 =	vmov s13;
	(pc) =	sbr.rel @!p2 .LBB2_11-.Ltmp10, $4  }
0xbc: {  	s30 =	sand.u32 $0x7F, s23;
	p1 =	slt.s32 s23, $0x100;
	v12 =	vbroadcast v12, $0x0;
	s29 =	sand.u32 $0x7F, s8;
	v14 =	vshll.u32 v13, $0x3  }
0xbd: {  	s31 =	sand.u32 $0xF, s23;
	s0 =	sshra.s32 s8, $0xF;
	s8 =	sor.u32 $0x4000, s29;
	v13 =	vand.u32 $0x7F, v13;
	v14 =	vand.u32 $0xFFFFFC00, v14  }
0xbe: {  	vm3 =	vne.s32 v12, v2;
	s4 =	sshll.u32 s23, $0x7;
	s0 =	smov.u32 @p3 s8;
	p3 =	sne.s32 @!p1 s30, $0x0;
	v12 =	vor.u32 v13, v14  }
0xbf: {  	vm2 =	vmand vm2, vm3;
	p5 =	por p3, p1;
	p4 =	por !p3, p1;
	p3 =	por $0x0, $0x0;
	v13 =	vmov s31;
	v14 =	vadd.s32 v6, v12  }
0xc0: {  	s8 =	simm.s32 @!p5 $0x3  }
0xc1: {  	_ =	swait.ge @!p5 [sflag:s8], $0x4000  }
0xc2: {  	[sflag:s8] =	ssyncset.done @!p5 $0x0  }
0xc3: {  	[sflag:s8] =	ssyncadd.s32 @!p5 $0xFFFFC000  }
0xc4: {  	v14 =	vld.idx.msk [tilespmem:v14+s20+$0x0], $0xffff  }
0xc5: {  	v15 =	vadd.s32 v7, v12;
	v16 =	vmctz.xlane vm2;
	_ =	sdelay $0x1  }
0xc6: {  	v17 =	vadd.s32 $0x10, v16  }
0xc7: {  	s8 =	sand.u32 $0x7F80, s4;
	v17 =	vperm.xlane v11, v17  }
0xc8: {  	[tilespmem:s8+$0x14480] =	vst v14  }
0xc9: {  	(v2sf) =	vpush v17, $0x0;
	v14 =	vld.idx.msk [tilespmem:v15+s20+$0x0], $0xffff  }
0xca: {  	v15 =	vadd.s32 v8, v12;
	_ =	sdelay $0x3  }
0xcb: {  	[tilespmem:s8+$0x14490] =	vst v14  }
0xcc: {  	v14 =	vld.idx.msk [tilespmem:v15+s20+$0x0], $0xffff  }
0xcd: {  	v12 =	vadd.s32 v9, v12;
	_ =	sdelay $0x3  }
0xce: {  	s29 =	sadd.s32 $0xFFFFFFFF, s12;
	s12 =	sadd.s32 @!p5 $0x1, s25;
	[tilespmem:s8+$0x144A0] =	vst v14  }
0xcf: {  	s26 =	smov.u32 s25;
	s28 =	sadd.s32 $0x1, s23;
	p2 =	sne.s32 s30, $0x7F;
	v12 =	vld.idx.msk [tilespmem:v12+s20+$0x0], $0xffff  }
0xd0: {  	p6 =	sne.s32 s29, $0x0;
	s26 =	smov.u32 @p4 s12;
	s24 =	sadd.s32 @!p2 $0x1, s2  }
0xd1: {  	s22 =	sand.u32 $0xF, s28;
	s30 =	sand.u32 $0x7F, s28;
	s31 =	smov.u32 s28  }
0xd2: {  	s26 =	smov.u32 @p1 s25;
	p1 =	slt.s32 s28, $0x100;
	s13 =	spop (v2sf)  }
0xd3: {  	[smem:$0x2] =	sst @!p5 s12;
	s12 =	sand.u32 $0xF0, s23;
	s14 =	sand.u32 $0x7FFF, s13  }
0xd4: {  	[smem:$0x0] =	sst s28;
	p3 =	sgt.s32 s13, $0x3FFFFFFF;
	s14 =	sadd.s32 s19, s14;
	[tilespmem:s8+$0x144B0] =	vst v12  }
0xd5: {  	[smem:$0x1] =	sst @!p2 s24;
	s24 =	smov.u32 @p2 s2;
	s14 =	simm.s32 @p3 $0x0;
	v15 =	vld [tilespmem:s12+$0x1C480]  }
.Ltmp11:
0xd6: {  	s25 =	sand.u32 $0x7F, s13;
	v14 =	vmov s14;
	s14 =	sand.u32 $0x80, s23;
	v12 =	vbroadcast v16, $0x0;
	(pc) =	sbr.rel @!p6 .LBB2_13-.Ltmp11, $4  }
0xd7: {  	s2 =	sshra.s32 s13, $0xF;
	s13 =	sadd.s32 @!p2 $0x1C480, s14;
	s8 =	sor.u32 $0x4000, s25;
	v16 =	vshll.u32 v14, $0x3  }
0xd8: {  	s2 =	smov.u32 @p3 s8;
	p3 =	sne.s32 @!p1 s30, $0x0;
	s8 =	sshll.u32 @!p2 s14, $0x7;
	vm3 =	vne.s32 v12, v2;
	v12 =	vand.u32 $0x7F, v14;
	v14 =	vand.u32 $0xFFFFFC00, v16  }
0xd9: {  	s14 =	simm.s32 @!p2 $0x80;
	p5 =	por p3, p1;
	p4 =	por !p3, p1;
	vm2 =	vmand vm2, vm3;
	vm3 =	veq.s32 v13, v2;
	v12 =	vor.u32 v12, v14  }
0xda: {  	s8 =	sadd.s32 @!p2 $0x14480, s8;
	p3 =	por $0x1, $0x1;
	v13 =	vmov s22;
	s22 =	smov.u32 s4;
	v14 =	vadd.s32 v6, v12;
	v15 =	vsel vm3, s0, v15  }
.LBB2_14:
0xdb: {  	s23 =	smov.u32 s24;
	s24 =	smov.u32 s26  }
0xdc: {  	s29 =	sadd.s32 $0xFFFFFFFF, s29;
	s25 =	simm.s32 @!p5 $0x3;
	s22 =	sadd.s32 $0x80, s22;
	[tilespmem:s12+$0x1C480] =	vst v15  }
0xdd: {  	[hbm4b:s6+s14] =	stream.indirect.scatter @!p2 [tilespmem:s8], [sflag:$0x3], $0x80, s13, s14, $0xb8;
	[tilespmem:$0x1C580] =	vst v63  }
0xde: {  	s0 =	smov.u32 s2;
	p6 =	sne.s32 s29, $0x0;
	_ =	swait.ge @!p5 [sflag:s25], $0x4000  }
0xdf: {  	[sflag:s25] =	ssyncset.done @!p5 $0x0  }
0xe0: {  	s2 =	sadd.s32 @!p5 $0x1, s26;
	s28 =	sadd.s32 $0x1, s28;
	[sflag:s25] =	ssyncadd.s32 @!p5 $0xFFFFC000  }
0xe1: {  	s26 =	smov.u32 @p4 s2;
	p2 =	sne.s32 s30, $0x7F;
	[smem:$0x2] =	sst @!p5 s2;
	v14 =	vld.idx.msk [tilespmem:v14+s20+$0x0], $0xffff  }
0xe2: {  	v15 =	vadd.s32 v7, v12;
	s26 =	smov.u32 @p1 s24;
	s24 =	sadd.s32 @!p2 $0x1, s23;
	[smem:$0x0] =	sst s28  }
0xe3: {  	s2 =	sand.u32 $0xF, s28;
	[smem:$0x1] =	sst @!p2 s24;
	s24 =	smov.u32 @p2 s23  }
0xe4: {  	v16 =	vmov s2  }
0xe5: {  	s8 =	sand.u32 $0x7F80, s22  }
0xe6: {  	v17 =	vmctz.xlane vm2  }
0xe7: {  	[tilespmem:s8+$0x14480] =	vst v14  }
0xe8: {  	v14 =	vbroadcast v17, $0x0;
	v17 =	vadd.s32 $0x10, v17;
	v15 =	vld.idx.msk [tilespmem:v15+s20+$0x0], $0xffff  }
0xe9: {  	v18 =	vadd.s32 v8, v12;
	v17 =	vperm.xlane v11, v17  }
0xea: {  	vm3 =	vne.s32 v14, v2  }
0xeb: {  	vm2 =	vmand vm2, vm3;
	(v2sf) =	vpush v17, $0x0;
	_ =	sdelay $0x2  }
0xec: {  	[tilespmem:s8+$0x14490] =	vst v15  }
0xed: {  	v14 =	vld.idx.msk [tilespmem:v18+s20+$0x0], $0xffff  }
0xee: {  	v12 =	vadd.s32 v9, v12;
	_ =	sdelay $0x4  }
0xef: {  	[tilespmem:s8+$0x144A0] =	vst v14  }
0xf0: {  	v12 =	vld.idx.msk [tilespmem:v12+s20+$0x0], $0xffff;
	_ =	sdelay $0x3  }
0xf1: {  	s12 =	sand.u32 $0xF0, s31;
	s13 =	spop (v2sf)  }
0xf2: {  	s14 =	sand.u32 $0x7F, s13;
	s2 =	sshra.s32 s13, $0xF;
	s23 =	sand.u32 $0x7FFF, s13  }
0xf3: {  	p1 =	sgt.s32 s13, $0x3FFFFFFF;
	s13 =	sor.u32 $0x4000, s14;
	s14 =	sadd.s32 s19, s23;
	[tilespmem:s8+$0x144B0] =	vst v12  }
0xf4: {  	s2 =	smov.u32 @p1 s13;
	s14 =	simm.s32 @p1 $0x0;
	v15 =	vld [tilespmem:s12+$0x1C480]  }
.Ltmp12:
0xf5: {  	v12 =	vmov s14;
	(pc) =	sbr.rel @p6 .LBB2_14-.Ltmp12, $4  }
0xf6: {  	s8 =	sand.u32 $0x80, s31;
	s31 =	smov.u32 s28;
	v14 =	vshll.u32 v12, $0x3  }
0xf7: {  	s30 =	sand.u32 $0x7F, s28;
	vm3 =	veq.s32 v13, v2;
	v13 =	vmovc v16;
	p1 =	slt.s32 s28, $0x100;
	s13 =	sadd.s32 @!p2 $0x1C480, s8;
	v12 =	vand.u32 $0x7F, v12;
	v14 =	vand.u32 $0xFFFFFC00, v14  }
0xf8: {  	s8 =	sshll.u32 @!p2 s8, $0x7;
	p4 =	sne.s32 @!p1 s30, $0x0;
	s14 =	simm.s32 @!p2 $0x80;
	v12 =	vor.u32 v12, v14  }
0xf9: {  	s8 =	sadd.s32 @!p2 $0x14480, s8;
	p5 =	por p4, p1;
	p4 =	por !p4, p1;
	v14 =	vadd.s32 v6, v12;
	v15 =	vsel vm3, s0, v15  }
.Ltmp13:
0xfa: {  	(pc) =	sbr.rel .LBB2_16-.Ltmp13, $3  }
0xfb: {  	_ =	sdelay $0x1  }
0xfc: {  	s0 =	smov.u32 s2  }
0xfd: {  	s25 =	smov.u32 s26;
	s23 =	smov.u32 s28;
	s2 =	smov.u32 s24  }
.LBB2_13:
.Ltmp14:
0xfe: {  	(pc) =	sbr.rel .LBB2_16-.Ltmp14, $3  }
0xff: {  	_ =	sdelay $0x1  }
0x100: {  	s22 =	smov.u32 s4;
	s0 =	smov.u32 s2;
	s25 =	smov.u32 s26  }
0x101: {  	s23 =	smov.u32 s28;
	s2 =	smov.u32 s24;
	s31 =	smov.u32 s28  }
.LBB2_18:
0x102: {  	s0 =	ssub.s32 s2, s25  }
0x103: {  	p0 =	slt.s32 s0, $0x1  }
.Ltmp15:
0x104: {  	_ = 	snop;
	(pc) =	sbr.rel @p0 .LBB2_22-.Ltmp15, $1  }
0x105: {  	_ =	sdelay $0x3  }
0x106: {  	p0 =	sne.s32 s0, $0x1  }
.Ltmp16:
0x107: {  	_ = 	snop;
	(pc) =	sbr.rel @!p0 .LBB2_21-.Ltmp16, $3  }
0x108: {  	_ =	sdelay $0x1  }
0x109: {  	_ =	swait.ge [sflag:s15], $0x4000  }
0x10a: {  	s0 =	sadd.s32 $0xFFFFFFFF, s0;
	[sflag:s15] =	ssyncset.done $0x0  }
.LBB2_20:
0x10b: {  	p0 =	sne.s32 s0, $0x1;
	s0 =	sadd.s32 $0xFFFFFFFF, s0;
	[sflag:s15] =	ssyncadd.s32 $0xFFFFC000  }
.Ltmp17:
0x10c: {  	(pc) =	sbr.rel @p0 .LBB2_20-.Ltmp17, $3  }
0x10d: {  	_ =	sdelay $0x1  }
0x10e: {  	_ =	swait.ge [sflag:s15], $0x4000  }
0x10f: {  	[sflag:s15] =	ssyncset.done $0x0  }
.Ltmp18:
0x110: {  	_ = 	snop;
	(pc) =	sbr.rel .LBB2_21-.Ltmp18, $1  }
0x111: {  	_ =	sdelay $0x3  }
.LBB2_23:
0x112: {  	_ =	sfence.sel $0x180000  }
0x113: {  	[bflag:$0x0] =	sbarrier.arrive $0xFFFF  }
0x114: {  	_ =	strace $0x90000047  }
0x115: {  	s0 =	stileid.u32;
	[bflag:$0x2] =	sbarrier.arrive $0xFFFF  }
0x116: {  	p0 =	sne.s32 s0, $0x0;
	s0 =	rddreg [dreg:$0x3]  }
0x117: {  	s0 =	sadd.s32 @!p0 $0x100000, s0  }
0x118: {  	[sflag:s0] =	ssyncadd.tile.s32 @!p0 $0x1;
	_ =	shalt  }
.Lfunc_end2:
_tile_overlayer_lowered:
.L_overlay_start_2:
0x119: {  	(tag) =	ssettag $0x2  }
0x11a: {  	s0 =	rddreg [dreg:$0x0];
	s2 =	stileid.u32  }
0x11b: {  	s1 =	rddreg [dreg:$0x1];
	p0 =	sne.s32 s2, $0x0  }
0x11c: {  	s3 =	rddreg [dreg:$0x2];
	[bflag:$0x3] =	sbarrier.arrive $0xFFFF;
	s2 =	simm.s32 @!p0 $0x1C04  }
0x11d: {  	[timem:s3], [sflag:s2] =	dma.local @!p0 [hbm:s0], s1  }
0x11e: {  	s0 =	simm.s32 @!p0 $0x4  }
0x11f: {  	_ =	swait.ge @!p0 [sflag:s0], s1  }
0x120: {  	s1 =	ssub.s32 @!p0 $0x0, s1;
	[sflag:s0] =	ssyncset.done @!p0 $0x0  }
0x121: {  	[sflag:s0] =	ssyncadd.s32 @!p0 s1  }
0x122: {  	[bflag:$0x3] =	sbarrier.arrive $0xFFFF  }
0x123: {  	_ =	shalt  }

// kernel: kernel.8.cloned.1.call-start
scs
__scs_entry_jumppad:
0x0: {  	(pc) =	sbr.rel $0x88, $3  }
0x1: {  	(tag) =	ssettag $0x0;
	lr =	simm.s32 $0x1  }
0x2: {  	[smem:$0x3F9D] =	sst lr;
	_ =	strace $0xD0000000  }
0x3: {  	_ = 	snop  }
0x4: {  	_ = 	snop  }
0x5: {  	_ = 	snop  }
0x6: {  	_ = 	snop  }
0x7: {  	_ = 	snop  }
__scs_overlays_trampoline_lowered:
0x8: {  	[smem:$0x3FAC] =	sst s0  }
0x9: {  	[smem:$0x3FAD] =	sst s1  }
0xa: {  	[smem:$0x3FAE] =	sst s2  }
0xb: {  	[smem:$0x3FAF] =	sst s3  }
0xc: {  	[smem:$0x3FB0] =	sst s4  }
0xd: {  	[smem:$0x3FB1] =	sst s5  }
0xe: {  	[smem:$0x3FB2] =	sst s6  }
0xf: {  	[smem:$0x3FB3] =	sst s7  }
0x10: {  	[smem:$0x3FB4] =	sst s8  }
0x11: {  	[smem:$0x3FB5] =	sst s9;
	s0 =	simm.s32 @!p0 $0x0  }
0x12: {  	s1 =	sld [smem:$0x3F9B];
	s0 =	simm.s32 @p0 $0x1  }
0x13: {  	[smem:$0x3FB6] =	sst s0;
	s0 =	simm.s32 @!p1 $0x0  }
0x14: {  	s2 =	sld [smem:$0x3F9A];
	s0 =	simm.s32 @p1 $0x1  }
0x15: {  	[smem:$0x3FB7] =	sst s0;
	s0 =	simm.s32 @!p2 $0x0  }
0x16: {  	s3 =	sld [smem:$0x3FDB];
	s0 =	simm.s32 @p2 $0x1  }
0x17: {  	s4 =	simm.s32 $0x1BF5;
	[smem:$0x3FB9] =	sst s0  }
0x18: {  	s0 =	sld [smem:$0x3F9C];
	_ =	swait.ge [sflag:s4], $0x0  }
0x19: {  	s7 =	sld [smem:$0x3F9D]  }
0x1a: {  	s8 =	sadd.s32 $0xFFFFE003, lr  }
0x1b: {  	s9 =	sadd.s32 $0xFFFFFEF7, lr;
	s5 =	simm.s32 $0xFFFFFFFF;
	p2 =	slt.u32 s8, $0xFFFFF086  }
0x1c: {  	p1 =	slt.u32 s9, $0xF7A;
	s5 =	simm.s32 @!p2 $0x0  }
0x1d: {  	s5 =	simm.s32 @p1 $0x1;
	p0 =	seq.s32 s7, s2  }
0x1e: {  	s7 =	smul.u32 @!p0 $0xF7A, s2;
	p2 =	seq.s32 @!p0 s5, $0x0  }
0x1f: {  	s9 =	smul.u32 $0xF7A, s1;
	s8 =	simm.s32 @!p0 $0x1BF5;
	p2 =	por !p2, p0  }
0x20: {  	[sflag:s8] =	ssyncset.s32 @!p0 $0xFFFFF086;
	s6 =	sadd.s32 @!p0 s3, s7;
	s7 =	simm.s32 @!p0 $0x108  }
0x21: {  	s3 =	sadd.s32 s3, s9;
	s6 =	sadd.s32 @!p0 $0x88, s6;
	s7 =	simm.s32 @p2 $0x1082  }
0x22: {  	[simem:s7], [sflag:s8] =	dma.local @!p0 [hbm:s6], $0xF7A  }
0x23: {  	s9 =	sor.u32 $0xD0000000, s2;
	s6 =	simm.s32 $0x108;
	_ =	swait.ge @!p0 [sflag:s8], $0x0  }
0x24: {  	s3 =	sadd.s32 $0x88, s3;
	s6 =	simm.s32 @!p1 $0x1082;
	[sflag:s4] =	ssyncset.s32 $0xFFFFF086  }
0x25: {  	[simem:s6], [sflag:s4] =	dma.local [hbm:s3], $0xF7A  }
0x26: {  	[smem:$0x3F9D] =	sst s1;
	(tag) =	ssettag s2;
	_ =	strace s9  }
0x27: {  	s1 =	sld [smem:$0x3FAD]  }
0x28: {  	s2 =	sld [smem:$0x3FAE]  }
0x29: {  	s4 =	sld [smem:$0x3FB0]  }
0x2a: {  	p0 =	seq.s32 s5, $0x0;
	s5 =	sld [smem:$0x3FB1]  }
0x2b: {  	s6 =	sld [smem:$0x3FB2]  }
0x2c: {  	s7 =	sld [smem:$0x3FB3]  }
0x2d: {  	s3 =	simm.s32 $0x108;
	s8 =	sld [smem:$0x3FB4]  }
0x2e: {  	s3 =	simm.s32 @!p0 $0x1082;
	s9 =	sld [smem:$0x3FB5]  }
0x2f: {  	lr =	sadd.s32 s0, s3;
	s0 =	sld [smem:$0x3FAC]  }
0x30: {  	s3 =	sld [smem:$0x3FAF]  }
0x31: {  	[smem:$0x3FB8] =	sst s10  }
0x32: {  	s10 =	sld [smem:$0x3FB6];
	_ =	sdelay $0x3  }
0x33: {  	p0 =	seq.s32 s10, $0x1;
	s10 =	sld [smem:$0x3FB8];
	_ =	sdelay $0x3  }
0x34: {  	[smem:$0x3FB8] =	sst s10  }
0x35: {  	s10 =	sld [smem:$0x3FB7];
	_ =	sdelay $0x3  }
0x36: {  	p1 =	seq.s32 s10, $0x1;
	s10 =	sld [smem:$0x3FB8];
	_ =	sdelay $0x3  }
0x37: {  	[smem:$0x3FB8] =	sst s10  }
0x38: {  	s10 =	sld [smem:$0x3FB9]  }
0x39: {  	_ = 	snop;
	(pc) =	sbr.ind lr, $3  }
0x3a: {  	_ = 	snop  }
0x3b: {  	_ = 	snop  }
0x3c: {  	p2 =	seq.s32 s10, $0x1;
	s10 =	sld [smem:$0x3FB8]  }
0x3d: {  	_ =	shalt  }
0x3e: {  	_ =	shalt  }
0x3f: {  	_ =	shalt  }
0x40: {  	_ =	shalt  }
0x41: {  	_ =	shalt  }
0x42: {  	_ =	shalt  }
0x43: {  	_ =	shalt  }
0x44: {  	_ =	shalt  }
0x45: {  	_ =	shalt  }
0x46: {  	_ =	shalt  }
0x47: {  	_ =	shalt  }
0x48: {  	_ =	shalt  }
0x49: {  	_ =	shalt  }
0x4a: {  	_ =	shalt  }
0x4b: {  	_ =	shalt  }
0x4c: {  	_ =	shalt  }
0x4d: {  	_ =	shalt  }
0x4e: {  	_ =	shalt  }
0x4f: {  	_ =	shalt  }
0x50: {  	_ =	shalt  }
0x51: {  	_ =	shalt  }
0x52: {  	_ =	shalt  }
0x53: {  	_ =	shalt  }
0x54: {  	_ =	shalt  }
0x55: {  	_ =	shalt  }
0x56: {  	_ =	shalt  }
0x57: {  	_ =	shalt  }
0x58: {  	_ =	shalt  }
0x59: {  	_ =	shalt  }
0x5a: {  	_ =	shalt  }
0x5b: {  	_ =	shalt  }
0x5c: {  	_ =	shalt  }
0x5d: {  	_ =	shalt  }
0x5e: {  	_ =	shalt  }
0x5f: {  	_ =	shalt  }
0x60: {  	_ =	shalt  }
0x61: {  	_ =	shalt  }
0x62: {  	_ =	shalt  }
0x63: {  	_ =	shalt  }
0x64: {  	_ =	shalt  }
0x65: {  	_ =	shalt  }
0x66: {  	_ =	shalt  }
0x67: {  	_ =	shalt  }
0x68: {  	_ =	shalt  }
0x69: {  	_ =	shalt  }
0x6a: {  	_ =	shalt  }
0x6b: {  	_ =	shalt  }
0x6c: {  	_ =	shalt  }
0x6d: {  	_ =	shalt  }
0x6e: {  	_ =	shalt  }
0x6f: {  	_ =	shalt  }
0x70: {  	_ =	shalt  }
0x71: {  	_ =	shalt  }
0x72: {  	_ =	shalt  }
0x73: {  	_ =	shalt  }
0x74: {  	_ =	shalt  }
0x75: {  	_ =	shalt  }
0x76: {  	_ =	shalt  }
0x77: {  	_ =	shalt  }
0x78: {  	_ =	shalt  }
0x79: {  	_ =	shalt  }
0x7a: {  	_ =	shalt  }
0x7b: {  	_ =	shalt  }
0x7c: {  	_ =	shalt  }
0x7d: {  	_ =	shalt  }
0x7e: {  	_ =	shalt  }
0x7f: {  	_ =	shalt  }
0x80: {  	_ =	shalt  }
0x81: {  	_ =	shalt  }
0x82: {  	_ =	shalt  }
0x83: {  	_ =	shalt  }
0x84: {  	_ =	shalt  }
0x85: {  	_ =	shalt  }
0x86: {  	_ =	shalt  }
0x87: {  	_ =	shalt  }
.Lfunc_end0:
.L_simem_size_0:
called_computation.1_lowered:
.L_overlay_start_0:
0x88: {  	s2 =	sld [smem:$0x3FD9]  }
0x89: {  	s3 =	sld [smem:$0x3FFE];
	_ =	sdelay $0x1  }
0x8a: {  	s1 =	srdreg.scid  }
0x8b: {  	s0 =	sand.u32 $0x1, s1  }
0x8c: {  	s17 =	sshll.u32 s0, $0xA;
	s2 =	sadd.s32 s3, s2  }
0x8d: {  	s2 =	sadd.s32 s2, s17  }
0x8e: {  	[smem:$0x3FC4] =	sst s2  }
0x8f: {  	_ = 	snop  }
0x90: {  	s18 =	sld [smem:$0x3FC8]  }
0x91: {  	s4 =	sld [smem:$0x3FC6];
	(tm) =	ssettm $0x1  }
0x92: {  	s19 =	sld [smem:$0x3FFB];
	_ =	sdelay $0x3  }
0x93: {  	_ =	strace s19  }
0x94: {  	s2 =	sld [smem:$0x3FFC];
	_ =	sdelay $0x3  }
0x95: {  	_ =	strace s2  }
0x96: {  	s2 =	sld [smem:$0x3FFD];
	_ =	sdelay $0x3  }
0x97: {  	_ =	strace s2  }
0x98: {  	_ =	strace $0x8FFFFFFF  }
0x99: {  	s20 =	sld [smem:$0x3FDB];
	_ =	sdelay $0x1  }
0x9a: {  	s5 =	simm.s32 $_scs_section_size  }
0x9b: {  	s6 =	simm.s32 $_size__tile_overlayer_lowered;
	s7 =	simm.s32 $_tile_overlayer_lowered  }
0x9c: {  	s8 =	simm.s32 $0x1BFF;
	s21 =	sshll.u32 s7, $0x1;
	s5 =	sadd.s32 s5, s20  }
0x9d: {  	s22 =	simm.s32 $0x0;
	s6 =	sshll.u32 s6, $0x1;
	s7 =	sadd.s32 s21, s5  }
0x9e: {  	[timem:s22], [sflag:s8] =	dma.local [hbm:s7], s6  }
0x9f: {  	_ =	swait.ge [sflag:s8], s6  }
0xa0: {  	s6 =	ssub.s32 $0x0, s6;
	[sflag:s8] =	ssyncset.done $0x0  }
0xa1: {  	[sflag:s8] =	ssyncadd.s32 s6;
	_ =	sdelay $0x1  }
0xa2: {  	s23 =	simm.s32 $0x1B8B  }
0xa3: {  	_ =	swait.ge [sflag:s23], $0x1  }
0xa4: {  	[sflag:s23] =	ssyncset.done $0x0  }
0xa5: {  	[sflag:s23] =	ssyncadd.s32 $0xFFFFFFFF  }
0xa6: {  	s6 =	sld [smem:$0x0]  }
0xa7: {  	s7 =	sand.u32 $0xFFFFFFFE, s1  }
0xa8: {  	p0 =	sne.s32 s1, s7  }
0xa9: {  	s7 =	sshll.u32 @p0 s7, $0xE  }
0xaa: {  	s7 =	sadd.s32 @p0 $0x11B8D, s7;
	s8 =	sshll.u32 @p0 s6, $0x11  }
0xab: {  	s7 =	sor.u32 @p0 s8, s7  }
0xac: {  	[sflag:s7] =	ssyncadd.remote.s32 @p0 $0x1;
	_ =	sdelay $0x1  }
0xad: {  	s7 =	simm.s32 @p0 $0x1B8D  }
0xae: {  	_ =	swait.eq @p0 [sflag:s7], $0x1  }
0xaf: {  	[sflag:s7] =	ssyncadd.s32 @p0 $0xFFFFFFFF  }
0xb0: {  	s8 =	sshll.u32 @!p0 s1, $0xE  }
0xb1: {  	s8 =	sor.u32 @!p0 $0x4000, s8;
	s7 =	simm.s32 @!p0 $0x1B8D  }
0xb2: {  	s6 =	sshll.u32 @!p0 s6, $0x11;
	s8 =	sadd.s32 @!p0 $0x11B8D, s8;
	_ =	swait.eq @!p0 [sflag:s7], $0x1  }
0xb3: {  	s6 =	sor.u32 @!p0 s6, s8;
	[sflag:s7] =	ssyncadd.s32 @!p0 $0xFFFFFFFF  }
0xb4: {  	s25 =	simm.s32 $0x1B8E;
	s24 =	sld [smem:$0x3FFE];
	[sflag:s6] =	ssyncadd.remote.s32 @!p0 $0x1  }
0xb5: {  	s26 =	simm.s32 $execute0_lowered;
	[smem:$0x3FD2] =	sst s25  }
0xb6: {  	s7 =	sshll.u32 s26, $0x1;
	_ =	strace $0x80000049;
	[dreg:$0x1] =	wrdreg $0xFFFFFFFF  }
0xb7: {  	s28 =	simm.s32 $_size_execute0_lowered;
	s5 =	sadd.s32 s5, s7;
	[dreg:$0x0] =	wrdreg $0x0  }
0xb8: {  	s7 =	sshll.u32 s28, $0x1;
	[dreg:$0x2] =	wrdreg s5  }
0xb9: {  	[dreg:$0x3] =	wrdreg s7  }
0xba: {  	[dreg:$0x4] =	wrdreg $0xC0  }
0xbb: {  	_ =	task [dreg:s22], $0x5FFFF  }
0xbc: {  	[dreg:$0x1] =	wrdreg $0xFFFFFFFF  }
0xbd: {  	[dreg:$0x0] =	wrdreg $0x60  }
0xbe: {  	[dreg:$0x2] =	wrdreg s18  }
0xbf: {  	[dreg:$0x3] =	wrdreg s4  }
0xc0: {  	[dreg:$0x4] =	wrdreg s24  }
0xc1: {  	[dreg:$0x5] =	wrdreg $0xA  }
0xc2: {  	_ =	task.clear_ibuf [dreg:s22], $0x6FFFF;
	_ =	strace $0x90000049  }
0xc3: {  	s29 =	simm.s32 $0xA;
	_ =	strace $0x8000004B  }
0xc4: {  	_ =	swait.ge [sflag:s29], $0x1  }
0xc5: {  	[sflag:s29] =	ssyncadd.s32 $0xFFFFFFFF  }
0xc6: {  	_ =	strace $0x9000004B  }
0xc7: {  	_ =	sfence  }
0xc8: {  	s30 =	sld [smem:$0x0];
	_ =	sdelay $0x2  }
0xc9: {  	s31 =	sshll.u32 s1, $0xD;
	s1 =	sshrl.u32 s1, $0x2  }
0xca: {  	s4 =	sand.u32 $0x4000, s31;
	s1 =	sadd.s32 s1, s30  }
0xcb: {  	s0 =	sor.u32 s4, s0;
	s1 =	sshll.u32 s1, $0x11  }
0xcc: {  	s0 =	sor.u32 s1, s0  }
0xcd: {  	s0 =	sadd.s32 $0x8F2B, s0  }
0xce: {  	[sflag:s0] =	ssyncadd.remote.s32 $0x1  }
0xcf: {  	_ =	sfence.sel $0xFFFF  }
0xd0: {  	[dreg:$0x0] =	wrdreg $0xFFFFFFFF;
	(pc) =	sbr.abs _section_cstart, $3  }
0xd1: {  	[dreg:$0x1] =	wrdreg $0xFFFFFFFF  }
0xd2: {  	_ =	task.clear_ibuf [dreg:s22], $0x2FFFF;
	_ =	strace $0x9FFFFFFF  }
0xd3: {  	(tm) =	ssettm $0x7FFFFFFF  }
tec
execute0_lowered:
.L_overlay_start_1:
0x0: {  	(tag) =	ssettag $0x1  }
0x1: {  	v0 =	vimm.s32 $0x1380;
	vm15 =	vcmask $0x300  }
0x2: {  	vm14 =	vcmask $0x704;
	vm11 =	vcmask $0xB08;
	vm12 =	vcmask $0xF0C  }
0x3: {  	vm13 =	vcmask $0x1310;
	vm10 =	vcmask $0x1714;
	vm9 =	vcmask $0x1B18  }
0x4: {  	vm8 =	vcmask $0x1F1C;
	vm7 =	vcmask $0x2320;
	vm6 =	vcmask $0x2724  }
0x5: {  	vm5 =	vcmask $0x2B28;
	vm4 =	vcmask $0x2F2C;
	vm3 =	vcmask $0x3330  }
0x6: {  	vm2 =	vcmask $0x3734;
	vm1 =	vcmask $0x3B38;
	vm0 =	vmxor vm0, vm0  }
0x7: {  	v7 =	vimm.s32 $0x3380;
	v8 =	vimm.s32 $0x5380;
	v9 =	vimm.s32 $0x7380  }
0x8: {  	v0 =	vsel vm15, $0x0, v0;
	v7 =	vsel vm15, $0x2000, v7;
	v8 =	vsel vm15, $0x4000, v8  }
0x9: {  	v9 =	vsel vm15, $0x6000, v9;
	v0 =	vsel vm14, $0x80, v0;
	v7 =	vsel vm14, $0x2080, v7  }
0xa: {  	v8 =	vsel vm14, $0x4080, v8;
	v9 =	vsel vm14, $0x6080, v9;
	v0 =	vsel vm11, $0x100, v0  }
0xb: {  	v7 =	vsel vm11, $0x2100, v7;
	v8 =	vsel vm11, $0x4100, v8;
	v9 =	vsel vm11, $0x6100, v9  }
0xc: {  	s0 =	srdreg.scid;
	s8 =	stileid.u32;
	v0 =	vsel vm12, $0x180, v0;
	v7 =	vsel vm12, $0x2180, v7;
	v8 =	vsel vm12, $0x4180, v8  }
0xd: {  	s2 =	sand.u32 $0x1, s0;
	s28 =	sshll.u32 s8, $0x1;
	v9 =	vsel vm12, $0x6180, v9;
	v0 =	vsel vm13, $0x200, v0;
	v7 =	vsel vm13, $0x2200, v7  }
0xe: {  	s0 =	sor.u32 s2, s28;
	v8 =	vsel vm13, $0x4200, v8;
	v9 =	vsel vm13, $0x6200, v9;
	v0 =	vsel vm10, $0x280, v0  }
0xf: {  	s1 =	smul.u32 $0xF5, s0;
	v7 =	vsel vm10, $0x2280, v7;
	v8 =	vsel vm10, $0x4280, v8;
	v9 =	vsel vm10, $0x6280, v9  }
0x10: {  	v0 =	vsel vm9, $0x300, v0;
	v7 =	vsel vm9, $0x2300, v7;
	v8 =	vsel vm9, $0x4300, v8  }
0x11: {  	s3 =	smul.u32 $0xFFFF8580, s0;
	s4 =	ssub.s32 $0x1E85, s1;
	v9 =	vsel vm9, $0x6300, v9;
	v0 =	vsel vm8, $0x380, v0;
	v7 =	vsel vm8, $0x2380, v7  }
0x12: {  	s4 =	smin.u32 s4, $0xF5;
	v8 =	vsel vm8, $0x4380, v8;
	v9 =	vsel vm8, $0x6380, v9;
	v1 =	vsel vm7, $0x1000, v0  }
0x13: {  	s29 =	sshll.u32 s4, $0x7;
	v0 =	vmov s3;
	v7 =	vsel vm7, $0x3000, v7;
	v8 =	vsel vm7, $0x5000, v8  }
0x14: {  	v9 =	vsel vm7, $0x7000, v9;
	v2 =	vsel vm6, $0x1080, v1;
	v1 =	vmov s29  }
0x15: {  	s6 =	rddreg [dreg:$0x2];
	s5 =	simm.s32 $0x0;
	v7 =	vsel vm6, $0x3080, v7;
	v8 =	vsel vm6, $0x5080, v8;
	v9 =	vsel vm6, $0x7080, v9  }
0x16: {  	s11 =	simm.s32 $0x4;
	s15 =	simm.s32 $0x3;
	s8 =	smul.u32 $0xFFFFFE16, s8;
	v3 =	vsel vm5, $0x1100, v2;
	v2 =	vlaneseq.u32;
	v7 =	vsel vm5, $0x3100, v7  }
0x17: {  	s16 =	simm.s32 $0x0;
	s7 =	smul.u32 $0xFFFFFF0B, s2;
	s2 =	ssub.s32 $0x2, s2;
	v8 =	vsel vm5, $0x5100, v8;
	v9 =	vsel vm5, $0x7100, v9;
	v4 =	vsel vm4, $0x1180, v3  }
0x18: {  	[smem:$0x7FF] =	sst s5;
	s6 =	sadd.s32 $0x41400, s6;
	s30 =	sshrl.u32 s2, $0x1;
	v3 =	vmul.u32 $0x8000, v2;
	v7 =	vsel vm4, $0x3180, v7;
	v8 =	vsel vm4, $0x5180, v8  }
.Ltmp0:
0x19: {  	s7 =	sadd.s32 s8, s7;
	s2 =	ssub.s32 s2, s30;
	v9 =	vsel vm4, $0x7180, v9;
	v5 =	vsel vm3, $0x1200, v4;
	v4 =	vor.u32 $0x40000000, v2;
	(pc) =	sbr.rel .LBB2_1-.Ltmp0, $4  }
0x1a: {  	s0 =	smul.u32 $0x7A80, s0;
	s7 =	sadd.s32 $0x1E85, s7;
	s10 =	smax.u32 s2, $0x1;
	v7 =	vsel vm3, $0x3200, v7;
	v8 =	vsel vm3, $0x5200, v8;
	v9 =	vsel vm3, $0x7200, v9  }
0x1b: {  	s9 =	smin.u32 s7, $0xF5;
	s4 =	sadd.s32 $0x3, s4;
	s3 =	rddreg [dreg:$0x1];
	v6 =	vsel vm2, $0x1280, v5;
	v5 =	vimm.s32 $0xFFFFFFFF;
	v7 =	vsel vm2, $0x3280, v7  }
0x1c: {  	s31 =	sadd.s32 $0x3, s9;
	s7 =	sshrl.u32 s4, $0x2;
	s0 =	sadd.s32 s3, s0;
	v8 =	vsel vm2, $0x5280, v8;
	v9 =	vsel vm2, $0x7280, v9;
	v6 =	vsel vm1, $0x1300, v6  }
0x1d: {  	s9 =	sshrl.u32 s31, $0x2;
	_ =	strace $0x8000004A;
	[dreg:$0x4] =	wrdreg s0;
	v7 =	vsel vm1, $0x3300, v7;
	v8 =	vsel vm1, $0x5300, v8;
	v9 =	vsel vm1, $0x7300, v9  }
.LBB2_21:
0x1e: {  	[sflag:s15] =	ssyncadd.s32 $0xFFFFC000  }
.LBB2_22:
0x1f: {  	s16 =	sadd.s32 $0x1, s16  }
0x20: {  	p0 =	sne.s32 s16, s10  }
.Ltmp1:
0x21: {  	_ = 	snop;
	(pc) =	sbr.rel @!p0 .LBB2_23-.Ltmp1, $1  }
0x22: {  	_ =	sdelay $0x3  }
.LBB2_1:
0x23: {  	[smem:$0x0] =	sst s5  }
0x24: {  	s0 =	rddreg [dreg:$0x0]  }
0x25: {  	[smem:$0x1] =	sst s5  }
0x26: {  	[tilespmem:s5], [sflag:$0x4] =	stream.linear.gather [hbm4b:s0+s5], $0x4000, $0x38;
	[tilespmem:$0x1C580] =	vst v63  }
0x27: {  	[smem:$0x2] =	sst s5  }
0x28: {  	_ =	swait.ge [sflag:s11], $0x4000  }
0x29: {  	[sflag:s11] =	ssyncset.done $0x0  }
0x2a: {  	[sflag:s11] =	ssyncadd.s32 $0xFFFFC000  }
0x2b: {  	v10 =	vld [tilespmem:s5+$0x0];
	_ =	sdelay $0x4  }
0x2c: {  	v10 =	vadd.s32 v0, v10  }
0x2d: {  	vm1 =	vgt.s32 v10, $0xFFFFFFFF;
	vm2 =	vlt.s32 v10, v1  }
0x2e: {  	vm1 =	vmand vm1, vm2  }
0x2f: {  	v12 =	vmpcnt.ones.xlane vm1;
	_ =	sdelay $0x1  }
0x30: {  	(v2sf) =	vpush v12, $0x0  }
0x31: {  	v11 =	vmov s5  }
0x32: {  	v11 =	vshll.u32 v11, $0xF  }
0x33: {  	v11 =	vor.u32 v3, v11;
	v10 =	vand.u32 $0x7FFF, v10  }
0x34: {  	v10 =	vor.u32 v11, v10  }
0x35: {  	s0 =	simm.s32 $0x10;
	[tilespmem:s5+$0x4000] =	vst.msk vm1, v10  }
0x36: {  	s4 =	simm.s32 $0x20;
	s2 =	simm.s32 $0x0;
	s8 =	simm.s32 $0x10;
	v10 =	vld [tilespmem:s0+$0x0]  }
.LBB2_2:
0x37: {  	p0 =	sne.s32 s4, $0x3FF0;
	_ =	sdelay $0x3  }
0x38: {  	v10 =	vadd.s32 v0, v10  }
0x39: {  	vm1 =	vgt.s32 v10, $0xFFFFFFFF;
	vm2 =	vlt.s32 v10, v1;
	v10 =	vand.u32 $0x7FFF, v10  }
0x3a: {  	v11 =	vmov s0;
	s0 =	smov.u32 s4;
	vm1 =	vmand vm1, vm2  }
0x3b: {  	v11 =	vshll.u32 v11, $0xF;
	v12 =	vmpcnt.ones.xlane vm1  }
0x3c: {  	v11 =	vor.u32 v3, v11;
	s12 =	spop (v2sf)  }
0x3d: {  	v10 =	vor.u32 v11, v10;
	(v2sf) =	vpush v12, $0x0;
	s2 =	sadd.s32 s2, s12  }
0x3e: {  	[tilespmem:s2+$0x4000] =	vst.msk vm1, v10  }
.Ltmp2:
0x3f: {  	(pc) =	sbr.rel @p0 .LBB2_2-.Ltmp2, $3  }
0x40: {  	_ =	sdelay $0x1  }
0x41: {  	s8 =	sadd.s32 $0x10, s8  }
0x42: {  	s4 =	sadd.s32 $0x10, s4;
	v10 =	vld [tilespmem:s8+$0x0]  }
0x43: {  	_ =	sdelay $0x3  }
0x44: {  	v10 =	vadd.s32 v0, v10  }
0x45: {  	vm1 =	vgt.s32 v10, $0xFFFFFFFF;
	vm2 =	vlt.s32 v10, v1  }
0x46: {  	vm1 =	vmand vm1, vm2  }
0x47: {  	v11 =	vmpcnt.ones.xlane vm1;
	_ =	sdelay $0x1  }
0x48: {  	(v2sf) =	vpush v11, $0x0;
	_ =	sdelay $0xd  }
0x49: {  	s4 =	spop (v2sf)  }
0x4a: {  	s4 =	sadd.s32 s2, s4;
	s30 =	spop (v2sf)  }
0x4b: {  	s2 =	sadd.s32 s4, s30  }
0x4c: {  	v11 =	vmov s0;
	s31 =	ssub.s32 $0x0, s2  }
0x4d: {  	s8 =	simm.s32 $0x0;
	v12 =	vand.u32 $0x7FFF, v10;
	v10 =	vshll.u32 v11, $0xF;
	s0 =	sand.u32 $0x7F, s31  }
0x4e: {  	v13 =	vor.u32 s8, v2;
	v11 =	vor.u32 v3, v10;
	v10 =	vmov s0  }
0x4f: {  	v63 =	vor.u32 s8, v4;
	v11 =	vor.u32 v11, v12;
	vm2 =	vlt.u32 v13, v10  }
0x50: {  	[tilespmem:s4+$0x4000] =	vst.msk vm1, v11;
	s4 =	sadd.s32 $0x4000, s2;
	v11 =	vnsel vm2, $0xFFFFFFFF, v63  }
0x51: {  	s8 =	simm.s32 $0x10;
	[tilespmem:s4+$0x0] =	vst v11  }
.LBB2_4:
0x52: {  	p0 =	sne.s32 s8, $0x70  }
.Ltmp3:
0x53: {  	_ = 	snop;
	(pc) =	sbr.rel @p0 .LBB2_4-.Ltmp3, $4  }
0x54: {  	v11 =	vor.u32 s8, v2;
	s12 =	smov.u32 s8  }
0x55: {  	v12 =	vor.u32 s12, v4;
	vm1 =	vlt.u32 v11, v10  }
0x56: {  	s4 =	sadd.s32 $0x10, s4;
	v11 =	vnsel vm1, $0xFFFFFFFF, v12  }
0x57: {  	s8 =	sadd.s32 $0x10, s8;
	[tilespmem:s4+$0x0] =	vst v11  }
0x58: {  	s0 =	sadd.s32 s2, s0  }
0x59: {  	s28 =	rddreg [dreg:$0x4];
	s29 =	simm.s32 $0x1000;
	s2 =	sadd.s32 $0xF, s0  }
0x5a: {  	s30 =	simm.s32 $0x7A1400;
	s31 =	simm.s32 $0x4480;
	[tilespmem:s0+$0x4000] =	vst v5;
	s4 =	sand.u32 $0xF, s2  }
0x5b: {  	[tilespmem:s31], [sflag:$0x1] =	stream.strided.gather [hbm4b:s28+s29], $0x8000, s30, s29, $0x38;
	[tilespmem:$0x1C580] =	vst v63  }
0x5c: {  	s8 =	sshra.s32 s2, $0x1F;
	p0 =	slt.s32 s2, $0x1;
	p1 =	sne.s32 s4, $0x0  }
.Ltmp4:
0x5d: {  	s26 =	sshrl.u32 s8, $0x1C;
	p0 =	por !p0, !p1;
	(pc) =	sbr.rel .LBB2_7-.Ltmp4, $4  }
0x5e: {  	s4 =	simm.s32 $0x1;
	s2 =	sadd.s32 s26, s2;
	p0 =	por !p0, !p0  }
0x5f: {  	s2 =	sshra.s32 s2, $0x4;
	s4 =	simm.s32 @!p0 $0x0  }
0x60: {  	s25 =	simm.s32 $0x0;
	s23 =	simm.s32 $0x0;
	s17 =	ssub.s32 s2, s4  }
0x61: {  	s18 =	simm.s32 $0x0;
	s2 =	simm.s32 $0x0;
	p0 =	slt.s32 s17, $0x1  }
.LBB2_6:
0x62: {  	p1 =	seq.s32 s18, s9  }
.Ltmp5:
0x63: {  	_ = 	snop;
	(pc) =	sbr.rel @p1 .LBB2_18-.Ltmp5, $1  }
0x64: {  	_ =	sdelay $0x3  }
.LBB2_7:
0x65: {  	s0 =	smov.u32 s18;
	s18 =	sadd.s32 $0x1, s18  }
0x66: {  	s4 =	sand.u32 $0x1, s0;
	p2 =	sge.u32 s18, s7  }
0x67: {  	p1 =	sne.s32 @!p2 s4, $0x0  }
0x68: {  	p1 =	por p1, p2  }
0x69: {  	s8 =	sshll.u32 @!p1 s18, $0x2  }
0x6a: {  	s8 =	sadd.s32 @!p1 s1, s8  }
0x6b: {  	s8 =	smin.u32 @!p1 s8, $0x1E81  }
0x6c: {  	s12 =	simm.s32 @!p1 $0x1000;
	s8 =	sshll.u32 @!p1 s8, $0x7  }
0x6d: {  	s13 =	simm.s32 @!p1 $0x7A1400;
	s14 =	simm.s32 @!p1 $0xC480;
	s8 =	sadd.s32 @!p1 s3, s8  }
0x6e: {  	[tilespmem:s14], [sflag:$0x2] =	stream.strided.gather @!p1 [hbm4b:s8+s12], $0x8000, s13, s12, $0x38;
	[tilespmem:$0x1C580] =	vst v63  }
0x6f: {  	p1 =	seq.s32 s4, $0x1  }
0x70: {  	p2 =	por !p1, p2  }
0x71: {  	s8 =	sshll.u32 @!p2 s18, $0x2  }
0x72: {  	s8 =	sadd.s32 @!p2 s1, s8  }
0x73: {  	s8 =	smin.u32 @!p2 s8, $0x1E81  }
0x74: {  	s12 =	simm.s32 @!p2 $0x1000;
	s8 =	sshll.u32 @!p2 s8, $0x7  }
0x75: {  	s13 =	simm.s32 @!p2 $0x7A1400;
	s14 =	simm.s32 @!p2 $0x4480;
	s8 =	sadd.s32 @!p2 s3, s8  }
0x76: {  	[tilespmem:s14], [sflag:$0x1] =	stream.strided.gather @!p2 [hbm4b:s8+s12], $0x8000, s13, s12, $0x38;
	[tilespmem:$0x1C580] =	vst v63  }
0x77: {  	p2 =	sne.s32 s4, $0x0  }
0x78: {  	s8 =	simm.s32 @!p2 $0x1  }
0x79: {  	_ =	swait.ge @!p2 [sflag:s8], $0x8000  }
.Ltmp6:
0x7a: {  	[sflag:s8] =	ssyncset.done @!p2 $0x0;
	(pc) =	sbr.rel @p0 .LBB2_6-.Ltmp6, $4  }
0x7b: {  	[sflag:s8] =	ssyncadd.s32 @!p2 $0xFFFF8000;
	s8 =	simm.s32 @p1 $0x2  }
0x7c: {  	_ =	swait.ge @p1 [sflag:s8], $0x8000  }
0x7d: {  	[sflag:s8] =	ssyncset.done @p1 $0x0  }
0x7e: {  	[sflag:s8] =	ssyncadd.s32 @p1 $0xFFFF8000  }
0x7f: {  	s8 =	sshll.u32 s0, $0x2  }
.Ltmp7:
0x80: {  	s8 =	sadd.s32 s1, s8;
	(pc) =	sbr.rel .LBB2_9-.Ltmp7, $4  }
0x81: {  	p1 =	slt.s32 s8, $0x1E81  }
0x82: {  	s8 =	simm.s32 @!p1 $0x1E81  }
0x83: {  	vm1 =	vmmov vm0;
	s4 =	sshll.u32 s4, $0xF;
	p1 =	seq.s32 s0, $0x0;
	s8 =	ssub.s32 s1, s8  }
0x84: {  	v10 =	vmov s0;
	s21 =	simm.s32 $0x0;
	s20 =	sor.u32 $0x4480, s4;
	vm1 =	vmneg @p1 vm1;
	s19 =	sshll.u32 s8, $0x7  }
.LBB2_11:
0x85: {  	s22 =	smov.u32 s4;
	s31 =	smov.u32 s23  }
.LBB2_16:
0x86: {  	s24 =	simm.s32 @!p5 $0x3;
	[tilespmem:s12+$0x1C480] =	vst @p3 v15;
	p2 =	por p2, !p3  }
0x87: {  	[hbm4b:s6+s14] =	stream.indirect.scatter @!p2 [tilespmem:s8], [sflag:$0x3], $0x80, s13, s14, $0xb8;
	[tilespmem:$0x1C580] =	vst v63  }
0x88: {  	_ =	swait.ge @!p5 [sflag:s24], $0x4000  }
0x89: {  	[sflag:s24] =	ssyncset.done @!p5 $0x0  }
0x8a: {  	[sflag:s24] =	ssyncadd.s32 @!p5 $0xFFFFC000  }
0x8b: {  	v11 =	vld.idx.msk [tilespmem:v14+s20+$0x0], $0xffff  }
0x8c: {  	v61 =	vadd.s32 v7, v12  }
0x8d: {  	s8 =	sadd.s32 @p3 $0x80, s22  }
0x8e: {  	s4 =	smov.u32 @p3 s8  }
0x8f: {  	s4 =	sand.u32 $0x7F80, s4  }
0x90: {  	[tilespmem:s4+$0x14480] =	vst v11  }
0x91: {  	v11 =	vld.idx.msk [tilespmem:v61+s20+$0x0], $0xffff  }
0x92: {  	v62 =	vadd.s32 v8, v12;
	_ =	sdelay $0x3  }
0x93: {  	[tilespmem:s4+$0x14490] =	vst v11  }
0x94: {  	v11 =	vld.idx.msk [tilespmem:v62+s20+$0x0], $0xffff  }
0x95: {  	v63 =	vadd.s32 v9, v12;
	_ =	sdelay $0x3  }
0x96: {  	[tilespmem:s4+$0x144A0] =	vst v11  }
0x97: {  	v11 =	vld.idx.msk [tilespmem:v63+s20+$0x0], $0xffff;
	_ =	sdelay $0x4  }
0x98: {  	s29 =	sand.u32 $0xF0, s31;
	[tilespmem:s4+$0x144B0] =	vst v11  }
0x99: {  	v11 =	vld [tilespmem:s29+$0x1C480]  }
0x9a: {  	s23 =	sadd.s32 $0x1, s23;
	s12 =	smov.u32 s25;
	p2 =	sne.s32 s30, $0x7F  }
0x9b: {  	s14 =	sand.u32 $0x80, s31;
	s13 =	sadd.s32 @!p2 $0x1, s2;
	s4 =	sadd.s32 @!p5 $0x1, s25  }
0x9c: {  	[smem:$0x2] =	sst @!p5 s4;
	s12 =	smov.u32 @p4 s4;
	s4 =	sshll.u32 @!p2 s14, $0x7  }
0x9d: {  	vm2 =	veq.s32 v13, v2;
	[smem:$0x0] =	sst s23;
	s4 =	sadd.s32 @!p2 $0x14480, s4;
	s12 =	smov.u32 @p1 s25  }
0x9e: {  	[smem:$0x1] =	sst @!p2 s13;
	s13 =	smov.u32 @p2 s2;
	s25 =	smov.u32 s12;
	v11 =	vsel vm2, s0, v11  }
0x9f: {  	s2 =	smov.u32 s13;
	s0 =	sadd.s32 @!p2 $0x1C480, s14;
	s14 =	simm.s32 @!p2 $0x80;
	[tilespmem:s29+$0x1C480] =	vst v11  }
0xa0: {  	[hbm4b:s6+s14] =	stream.indirect.scatter @!p2 [tilespmem:s4], [sflag:$0x3], $0x80, s0, s14, $0xb8;
	[tilespmem:$0x1C580] =	vst v63  }
.LBB2_17:
0xa1: {  	s21 =	sadd.s32 $0x1, s21  }
0xa2: {  	p1 =	seq.s32 s21, s17  }
.Ltmp8:
0xa3: {  	_ = 	snop;
	(pc) =	sbr.rel @p1 .LBB2_6-.Ltmp8, $1  }
0xa4: {  	_ =	sdelay $0x3  }
.LBB2_9:
0xa5: {  	s0 =	sshll.u32 s21, $0x6  }
0xa6: {  	s0 =	sshra.s32 s0, $0x2  }
0xa7: {  	v11 =	vld [tilespmem:s0+$0x4000];
	_ =	sdelay $0x4  }
0xa8: {  	v12 =	vshrl.u32 v11, $0x9  }
0xa9: {  	vm2 =	vgt.s32 v11, $0x3FFFFFFF;
	v12 =	vand.u32 $0x3F, v12  }
0xaa: {  	vm2 =	vmand vm1, vm2;
	vm3 =	veq.s32 v12, v10  }
0xab: {  	vm2 =	vmor vm2, vm3;
	vm3 =	vgt.s32 v11, $0xFFFFFFFF  }
0xac: {  	vm2 =	vmand vm3, vm2  }
0xad: {  	v63 =	vmpcnt.ones.xlane vm2;
	_ =	sdelay $0x1  }
0xae: {  	(v2sf) =	vpush v63, $0x0;
	_ =	sdelay $0xe  }
0xaf: {  	s0 =	spop (v2sf)  }
0xb0: {  	p1 =	slt.s32 s0, $0x1  }
.Ltmp9:
0xb1: {  	_ = 	snop;
	(pc) =	sbr.rel @p1 .LBB2_17-.Ltmp9, $1  }
0xb2: {  	_ =	sdelay $0x3  }
0xb3: {  	v12 =	vmctz.xlane vm2;
	_ =	sdelay $0x1  }
0xb4: {  	v13 =	vadd.s32 $0x10, v12  }
0xb5: {  	v13 =	vperm.xlane v11, v13;
	_ =	sdelay $0x1  }
0xb6: {  	(v2sf) =	vpush v13, $0x0;
	_ =	sdelay $0xe  }
0xb7: {  	s8 =	spop (v2sf)  }
0xb8: {  	s4 =	sand.u32 $0x7FFF, s8  }
0xb9: {  	s12 =	sadd.s32 $0xFFFFFFFF, s0;
	p3 =	sgt.s32 s8, $0x3FFFFFFF;
	s13 =	sadd.s32 s19, s4  }
0xba: {  	p2 =	sne.s32 s12, $0x0;
	s13 =	simm.s32 @p3 $0x0  }
.Ltmp10:
0xbb: {  	v13 =	vmov s13;
	(pc) =	sbr.rel @!p2 .LBB2_11-.Ltmp10, $4  }
0xbc: {  	s30 =	sand.u32 $0x7F, s23;
	p1 =	slt.s32 s23, $0x100;
	v12 =	vbroadcast v12, $0x0;
	s29 =	sand.u32 $0x7F, s8;
	v14 =	vshll.u32 v13, $0x3  }
0xbd: {  	s31 =	sand.u32 $0xF, s23;
	s0 =	sshra.s32 s8, $0xF;
	s8 =	sor.u32 $0x4000, s29;
	v13 =	vand.u32 $0x7F, v13;
	v14 =	vand.u32 $0xFFFFFC00, v14  }
0xbe: {  	vm3 =	vne.s32 v12, v2;
	s4 =	sshll.u32 s23, $0x7;
	s0 =	smov.u32 @p3 s8;
	p3 =	sne.s32 @!p1 s30, $0x0;
	v12 =	vor.u32 v13, v14  }
0xbf: {  	vm2 =	vmand vm2, vm3;
	p5 =	por p3, p1;
	p4 =	por !p3, p1;
	p3 =	por $0x0, $0x0;
	v13 =	vmov s31;
	v14 =	vadd.s32 v6, v12  }
0xc0: {  	s8 =	simm.s32 @!p5 $0x3  }
0xc1: {  	_ =	swait.ge @!p5 [sflag:s8], $0x4000  }
0xc2: {  	[sflag:s8] =	ssyncset.done @!p5 $0x0  }
0xc3: {  	[sflag:s8] =	ssyncadd.s32 @!p5 $0xFFFFC000  }
0xc4: {  	v14 =	vld.idx.msk [tilespmem:v14+s20+$0x0], $0xffff  }
0xc5: {  	v15 =	vadd.s32 v7, v12;
	v16 =	vmctz.xlane vm2;
	_ =	sdelay $0x1  }
0xc6: {  	v17 =	vadd.s32 $0x10, v16  }
0xc7: {  	s8 =	sand.u32 $0x7F80, s4;
	v17 =	vperm.xlane v11, v17  }
0xc8: {  	[tilespmem:s8+$0x14480] =	vst v14  }
0xc9: {  	(v2sf) =	vpush v17, $0x0;
	v14 =	vld.idx.msk [tilespmem:v15+s20+$0x0], $0xffff  }
0xca: {  	v15 =	vadd.s32 v8, v12;
	_ =	sdelay $0x3  }
0xcb: {  	[tilespmem:s8+$0x14490] =	vst v14  }
0xcc: {  	v14 =	vld.idx.msk [tilespmem:v15+s20+$0x0], $0xffff  }
0xcd: {  	v12 =	vadd.s32 v9, v12;
	_ =	sdelay $0x3  }
0xce: {  	s29 =	sadd.s32 $0xFFFFFFFF, s12;
	s12 =	sadd.s32 @!p5 $0x1, s25;
	[tilespmem:s8+$0x144A0] =	vst v14  }
0xcf: {  	s26 =	smov.u32 s25;
	s28 =	sadd.s32 $0x1, s23;
	p2 =	sne.s32 s30, $0x7F;
	v12 =	vld.idx.msk [tilespmem:v12+s20+$0x0], $0xffff  }
0xd0: {  	p6 =	sne.s32 s29, $0x0;
	s26 =	smov.u32 @p4 s12;
	s24 =	sadd.s32 @!p2 $0x1, s2  }
0xd1: {  	s22 =	sand.u32 $0xF, s28;
	s30 =	sand.u32 $0x7F, s28;
	s31 =	smov.u32 s28  }
0xd2: {  	s26 =	smov.u32 @p1 s25;
	p1 =	slt.s32 s28, $0x100;
	s13 =	spop (v2sf)  }
0xd3: {  	[smem:$0x2] =	sst @!p5 s12;
	s12 =	sand.u32 $0xF0, s23;
	s14 =	sand.u32 $0x7FFF, s13  }
0xd4: {  	[smem:$0x0] =	sst s28;
	p3 =	sgt.s32 s13, $0x3FFFFFFF;
	s14 =	sadd.s32 s19, s14;
	[tilespmem:s8+$0x144B0] =	vst v12  }
0xd5: {  	[smem:$0x1] =	sst @!p2 s24;
	s24 =	smov.u32 @p2 s2;
	s14 =	simm.s32 @p3 $0x0;
	v15 =	vld [tilespmem:s12+$0x1C480]  }
.Ltmp11:
0xd6: {  	s25 =	sand.u32 $0x7F, s13;
	v14 =	vmov s14;
	s14 =	sand.u32 $0x80, s23;
	v12 =	vbroadcast v16, $0x0;
	(pc) =	sbr.rel @!p6 .LBB2_13-.Ltmp11, $4  }
0xd7: {  	s2 =	sshra.s32 s13, $0xF;
	s13 =	sadd.s32 @!p2 $0x1C480, s14;
	s8 =	sor.u32 $0x4000, s25;
	v16 =	vshll.u32 v14, $0x3  }
0xd8: {  	s2 =	smov.u32 @p3 s8;
	p3 =	sne.s32 @!p1 s30, $0x0;
	s8 =	sshll.u32 @!p2 s14, $0x7;
	vm3 =	vne.s32 v12, v2;
	v12 =	vand.u32 $0x7F, v14;
	v14 =	vand.u32 $0xFFFFFC00, v16  }
0xd9: {  	s14 =	simm.s32 @!p2 $0x80;
	p5 =	por p3, p1;
	p4 =	por !p3, p1;
	vm2 =	vmand vm2, vm3;
	vm3 =	veq.s32 v13, v2;
	v12 =	vor.u32 v12, v14  }
0xda: {  	s8 =	sadd.s32 @!p2 $0x14480, s8;
	p3 =	por $0x1, $0x1;
	v13 =	vmov s22;
	s22 =	smov.u32 s4;
	v14 =	vadd.s32 v6, v12;
	v15 =	vsel vm3, s0, v15  }
.LBB2_14:
0xdb: {  	s23 =	smov.u32 s24;
	s24 =	smov.u32 s26  }
0xdc: {  	s29 =	sadd.s32 $0xFFFFFFFF, s29;
	s25 =	simm.s32 @!p5 $0x3;
	s22 =	sadd.s32 $0x80, s22;
	[tilespmem:s12+$0x1C480] =	vst v15  }
0xdd: {  	[hbm4b:s6+s14] =	stream.indirect.scatter @!p2 [tilespmem:s8], [sflag:$0x3], $0x80, s13, s14, $0xb8;
	[tilespmem:$0x1C580] =	vst v63  }
0xde: {  	s0 =	smov.u32 s2;
	p6 =	sne.s32 s29, $0x0;
	_ =	swait.ge @!p5 [sflag:s25], $0x4000  }
0xdf: {  	[sflag:s25] =	ssyncset.done @!p5 $0x0  }
0xe0: {  	s2 =	sadd.s32 @!p5 $0x1, s26;
	s28 =	sadd.s32 $0x1, s28;
	[sflag:s25] =	ssyncadd.s32 @!p5 $0xFFFFC000  }
0xe1: {  	s26 =	smov.u32 @p4 s2;
	p2 =	sne.s32 s30, $0x7F;
	[smem:$0x2] =	sst @!p5 s2;
	v14 =	vld.idx.msk [tilespmem:v14+s20+$0x0], $0xffff  }
0xe2: {  	v15 =	vadd.s32 v7, v12;
	s26 =	smov.u32 @p1 s24;
	s24 =	sadd.s32 @!p2 $0x1, s23;
	[smem:$0x0] =	sst s28  }
0xe3: {  	s2 =	sand.u32 $0xF, s28;
	[smem:$0x1] =	sst @!p2 s24;
	s24 =	smov.u32 @p2 s23  }
0xe4: {  	v16 =	vmov s2  }
0xe5: {  	s8 =	sand.u32 $0x7F80, s22  }
0xe6: {  	v17 =	vmctz.xlane vm2  }
0xe7: {  	[tilespmem:s8+$0x14480] =	vst v14  }
0xe8: {  	v14 =	vbroadcast v17, $0x0;
	v17 =	vadd.s32 $0x10, v17;
	v15 =	vld.idx.msk [tilespmem:v15+s20+$0x0], $0xffff  }
0xe9: {  	v18 =	vadd.s32 v8, v12;
	v17 =	vperm.xlane v11, v17  }
0xea: {  	vm3 =	vne.s32 v14, v2  }
0xeb: {  	vm2 =	vmand vm2, vm3;
	(v2sf) =	vpush v17, $0x0;
	_ =	sdelay $0x2  }
0xec: {  	[tilespmem:s8+$0x14490] =	vst v15  }
0xed: {  	v14 =	vld.idx.msk [tilespmem:v18+s20+$0x0], $0xffff  }
0xee: {  	v12 =	vadd.s32 v9, v12;
	_ =	sdelay $0x4  }
0xef: {  	[tilespmem:s8+$0x144A0] =	vst v14  }
0xf0: {  	v12 =	vld.idx.msk [tilespmem:v12+s20+$0x0], $0xffff;
	_ =	sdelay $0x3  }
0xf1: {  	s12 =	sand.u32 $0xF0, s31;
	s13 =	spop (v2sf)  }
0xf2: {  	s14 =	sand.u32 $0x7F, s13;
	s2 =	sshra.s32 s13, $0xF;
	s23 =	sand.u32 $0x7FFF, s13  }
0xf3: {  	p1 =	sgt.s32 s13, $0x3FFFFFFF;
	s13 =	sor.u32 $0x4000, s14;
	s14 =	sadd.s32 s19, s23;
	[tilespmem:s8+$0x144B0] =	vst v12  }
0xf4: {  	s2 =	smov.u32 @p1 s13;
	s14 =	simm.s32 @p1 $0x0;
	v15 =	vld [tilespmem:s12+$0x1C480]  }
.Ltmp12:
0xf5: {  	v12 =	vmov s14;
	(pc) =	sbr.rel @p6 .LBB2_14-.Ltmp12, $4  }
0xf6: {  	s8 =	sand.u32 $0x80, s31;
	s31 =	smov.u32 s28;
	v14 =	vshll.u32 v12, $0x3  }
0xf7: {  	s30 =	sand.u32 $0x7F, s28;
	vm3 =	veq.s32 v13, v2;
	v13 =	vmovc v16;
	p1 =	slt.s32 s28, $0x100;
	s13 =	sadd.s32 @!p2 $0x1C480, s8;
	v12 =	vand.u32 $0x7F, v12;
	v14 =	vand.u32 $0xFFFFFC00, v14  }
0xf8: {  	s8 =	sshll.u32 @!p2 s8, $0x7;
	p4 =	sne.s32 @!p1 s30, $0x0;
	s14 =	simm.s32 @!p2 $0x80;
	v12 =	vor.u32 v12, v14  }
0xf9: {  	s8 =	sadd.s32 @!p2 $0x14480, s8;
	p5 =	por p4, p1;
	p4 =	por !p4, p1;
	v14 =	vadd.s32 v6, v12;
	v15 =	vsel vm3, s0, v15  }
.Ltmp13:
0xfa: {  	(pc) =	sbr.rel .LBB2_16-.Ltmp13, $3  }
0xfb: {  	_ =	sdelay $0x1  }
0xfc: {  	s0 =	smov.u32 s2  }
0xfd: {  	s25 =	smov.u32 s26;
	s23 =	smov.u32 s28;
	s2 =	smov.u32 s24  }
.LBB2_13:
.Ltmp14:
0xfe: {  	(pc) =	sbr.rel .LBB2_16-.Ltmp14, $3  }
0xff: {  	_ =	sdelay $0x1  }
0x100: {  	s22 =	smov.u32 s4;
	s0 =	smov.u32 s2;
	s25 =	smov.u32 s26  }
0x101: {  	s23 =	smov.u32 s28;
	s2 =	smov.u32 s24;
	s31 =	smov.u32 s28  }
.LBB2_18:
0x102: {  	s0 =	ssub.s32 s2, s25  }
0x103: {  	p0 =	slt.s32 s0, $0x1  }
.Ltmp15:
0x104: {  	_ = 	snop;
	(pc) =	sbr.rel @p0 .LBB2_22-.Ltmp15, $1  }
0x105: {  	_ =	sdelay $0x3  }
0x106: {  	p0 =	sne.s32 s0, $0x1  }
.Ltmp16:
0x107: {  	_ = 	snop;
	(pc) =	sbr.rel @!p0 .LBB2_21-.Ltmp16, $3  }
0x108: {  	_ =	sdelay $0x1  }
0x109: {  	_ =	swait.ge [sflag:s15], $0x4000  }
0x10a: {  	s0 =	sadd.s32 $0xFFFFFFFF, s0;
	[sflag:s15] =	ssyncset.done $0x0  }
.LBB2_20:
0x10b: {  	p0 =	sne.s32 s0, $0x1;
	s0 =	sadd.s32 $0xFFFFFFFF, s0;
	[sflag:s15] =	ssyncadd.s32 $0xFFFFC000  }
.Ltmp17:
0x10c: {  	(pc) =	sbr.rel @p0 .LBB2_20-.Ltmp17, $3  }
0x10d: {  	_ =	sdelay $0x1  }
0x10e: {  	_ =	swait.ge [sflag:s15], $0x4000  }
0x10f: {  	[sflag:s15] =	ssyncset.done $0x0  }
.Ltmp18:
0x110: {  	_ = 	snop;
	(pc) =	sbr.rel .LBB2_21-.Ltmp18, $1  }
0x111: {  	_ =	sdelay $0x3  }
.LBB2_23:
0x112: {  	_ =	sfence.sel $0x180000  }
0x113: {  	[bflag:$0x0] =	sbarrier.arrive $0xFFFF  }
0x114: {  	_ =	strace $0x9000004A  }
0x115: {  	s0 =	stileid.u32;
	[bflag:$0x2] =	sbarrier.arrive $0xFFFF  }
0x116: {  	p0 =	sne.s32 s0, $0x0;
	s0 =	rddreg [dreg:$0x3]  }
0x117: {  	s0 =	sadd.s32 @!p0 $0x100000, s0  }
0x118: {  	[sflag:s0] =	ssyncadd.tile.s32 @!p0 $0x1;
	_ =	shalt  }
.Lfunc_end2:
_tile_overlayer_lowered:
.L_overlay_start_2:
0x119: {  	(tag) =	ssettag $0x2  }
0x11a: {  	s0 =	rddreg [dreg:$0x0];
	s2 =	stileid.u32  }
0x11b: {  	s1 =	rddreg [dreg:$0x1];
	p0 =	sne.s32 s2, $0x0  }
0x11c: {  	s3 =	rddreg [dreg:$0x2];
	[bflag:$0x3] =	sbarrier.arrive $0xFFFF;
	s2 =	simm.s32 @!p0 $0x1C04  }
0x11d: {  	[timem:s3], [sflag:s2] =	dma.local @!p0 [hbm:s0], s1  }
0x11e: {  	s0 =	simm.s32 @!p0 $0x4  }
0x11f: {  	_ =	swait.ge @!p0 [sflag:s0], s1  }
0x120: {  	s1 =	ssub.s32 @!p0 $0x0, s1;
	[sflag:s0] =	ssyncset.done @!p0 $0x0  }
0x121: {  	[sflag:s0] =	ssyncadd.s32 @!p0 s1  }
0x122: {  	[bflag:$0x3] =	sbarrier.arrive $0xFFFF  }
0x123: {  	_ =	shalt  }

</sc_bundles>
